<compile_context>
chip_gen: v7x
topology: tpu7x:2x2x1
jax: 0.10.2.dev20260603
libtpu: 0.0.44.dev20260713+nightly
codegen_flags: <defaults>
</compile_context>

<pallas_src>
import functools

import jax
import jax.numpy as jnp
from jax import lax
from jax.experimental import pallas as pl
from jax.experimental.pallas import tpu as pltpu
from jax.experimental.pallas import tpu_sc as plsc

_L = 8
_T = 2 ** 19
_F = 2
_N = 131072
_PRIME1 = 2654435761
_PRIME2 = 805459861

_NW = 32
_PPW = _N // _NW
_P = 256
_NCH = _PPW // _P
_NV = _P // 16
_GW = 2048
_NG = (2 * 8 * _P) // _GW
_NS = _NCH * _L

_mesh = plsc.VectorSubcoreMesh(core_axis_name="c", subcore_axis_name="s")


@functools.partial(
    pl.kernel,
    mesh=_mesh,
    out_type=jax.ShapeDtypeStruct((2 * _L, _N), jnp.float32),
    scratch_types=[
        pltpu.VMEM((3 * _PPW,), jnp.float32),
        pltpu.VMEM((3 * _PPW,), jnp.int32),
        pltpu.VMEM((3, _P), jnp.float32),
        pltpu.VMEM((3, _P), jnp.float32),
        pltpu.VMEM((3, _P), jnp.float32),
        pltpu.VMEM((16 * _P,), jnp.int32),
        pltpu.VMEM((16 * _P,), jnp.int32),
        pltpu.VMEM((16 * _P,), jnp.int32),
        pltpu.VMEM((16 * _P,), jnp.float32),
        pltpu.VMEM((16 * _P,), jnp.float32),
        pltpu.VMEM((16 * _P,), jnp.float32),
        pltpu.VMEM((2 * _L, _P), jnp.float32),
        pltpu.SemaphoreType.DMA,
        pltpu.SemaphoreType.DMA,
        pltpu.SemaphoreType.DMA,
    ],
)
def _hash_encode(xf_hbm, table_hbm, out_hbm, xw, xidx, fracA, fracB, fracC,
                 idxA, idxB, idxC, rowsA, rowsB, rowsC, outb,
                 semA, semB, semC):
    wid = lax.axis_index("s") * 2 + lax.axis_index("c")
    wbase = wid * _PPW
    iota = lax.iota(jnp.int32, 16)

    def xidx_body(j, carry):
        v = (wbase + 16 * j + iota) * 3
        xidx[pl.ds(16 * j, 16)] = v
        xidx[pl.ds(_PPW + 16 * j, 16)] = v + 1
        xidx[pl.ds(2 * _PPW + 16 * j, 16)] = v + 2
        return carry

    lax.fori_loop(0, _PPW // 16, xidx_body, 0)
    xcp = [pltpu.async_copy(
               xf_hbm.at[xidx.at[pl.ds(_GW * g, _GW)]],
               xw.at[pl.ds(_GW * g, _GW)], semA)
           for g in range(3 * _PPW // _GW)]
    for c in xcp:
        c.wait()

    def lconsts(s):
        lv = jnp.zeros((16,), jnp.int32) + (s & 7)
        res = (jnp.int32(1) << (lv + 4)).astype(jnp.float32)
        loffv = plsc.bitcast(lv << 20, jnp.uint32)
        return res, loffv

    def pass1(s, idxb, fracb):
        cbase = (s >> 3) * _P
        res, loffv = lconsts(s)

        def body(j, c):
            o = 16 * j
            sx = xw[pl.ds(cbase + o, 16)] * res
            sy = xw[pl.ds(_PPW + cbase + o, 16)] * res
            sz = xw[pl.ds(2 * _PPW + cbase + o, 16)] * res
            ix = sx.astype(jnp.int32)
            iy = sy.astype(jnp.int32)
            iz = sz.astype(jnp.int32)
            fracb[0, pl.ds(o, 16)] = sx - ix.astype(jnp.float32)
            fracb[1, pl.ds(o, 16)] = sy - iy.astype(jnp.float32)
            fracb[2, pl.ds(o, 16)] = sz - iz.astype(jnp.float32)
            a0 = plsc.bitcast(ix, jnp.uint32)
            a1 = a0 + jnp.uint32(1)
            b0 = plsc.bitcast(iy, jnp.uint32) * jnp.uint32(_PRIME1)
            b1 = b0 + jnp.uint32(_PRIME1)
            c0 = plsc.bitcast(iz, jnp.uint32) * jnp.uint32(_PRIME2)
            c1 = c0 + jnp.uint32(_PRIME2)
            ab = (a0 ^ b0, a0 ^ b1, a1 ^ b0, a1 ^ b1)
            for corner in range(8):
                abv = ab[((corner >> 2) << 1) | ((corner >> 1) & 1)]
                h = abv ^ (c1 if (corner & 1) else c0)
                hm = h & jnp.uint32(_T - 1)
                e0 = plsc.bitcast(
                    ((hm & jnp.uint32(0x7FF80)) << 1)
                    | (hm & jnp.uint32(127)) | loffv, jnp.int32)
                idxb[pl.ds(corner * _P + o, 16)] = e0
                idxb[pl.ds(8 * _P + corner * _P + o, 16)] = e0 + 128
            return c

        lax.fori_loop(0, _NV, body, 0)

    def fire(idxb, rowsb, sem):
        for g in range(_NG):
            pltpu.async_copy(
                table_hbm.at[idxb.at[pl.ds(_GW * g, _GW)]],
                rowsb.at[pl.ds(_GW * g, _GW)], sem)

    def drain(rowsb, sem):
        for g in range(_NG):
            pltpu.make_async_copy(
                table_hbm.at[pl.ds(0, _GW)],
                rowsb.at[pl.ds(_GW * g, _GW)], sem).wait()

    def pass2(s, rowsb, fracb):
        l2 = (s & 7) * 2

        def body(j, c):
            o = 16 * j
            fx = fracb[0, pl.ds(o, 16)]
            fy = fracb[1, pl.ds(o, 16)]
            fz = fracb[2, pl.ds(o, 16)]
            gx = 1.0 - fx
            gy = 1.0 - fy
            gz = 1.0 - fz
            wxy = (gx * gy, gx * fy, fx * gy, fx * fy)
            acc0 = jnp.zeros((16,), jnp.float32)
            acc1 = jnp.zeros((16,), jnp.float32)
            for corner in range(8):
                w = wxy[corner >> 1] * (fz if (corner & 1) else gz)
                f0 = rowsb[pl.ds(corner * _P + o, 16)]
                f1 = rowsb[pl.ds(8 * _P + corner * _P + o, 16)]
                acc0 = acc0 + f0 * w
                acc1 = acc1 + f1 * w
            outb[l2, pl.ds(o, 16)] = acc0
            outb[l2 + 1, pl.ds(o, 16)] = acc1
            return c

        lax.fori_loop(0, _NV, body, 0)

        @pl.when((s & 7) == 7)
        def _():
            pltpu.sync_copy(
                outb, out_hbm.at[:, pl.ds(wbase + (s >> 3) * _P, _P)])

    assert _NS % 3 == 2
    pass1(0, idxA, fracA)
    fire(idxA, rowsA, semA)
    pass1(1, idxB, fracB)
    fire(idxB, rowsB, semB)

    def stage_tri(it, carry):
        s = 3 * it
        pass1(s + 2, idxC, fracC)
        fire(idxC, rowsC, semC)
        drain(rowsA, semA)
        pass2(s, rowsA, fracA)

        @pl.when(s + 3 < _NS)
        def _():
            pass1(s + 3, idxA, fracA)
            fire(idxA, rowsA, semA)

        drain(rowsB, semB)
        pass2(s + 1, rowsB, fracB)

        @pl.when(s + 4 < _NS)
        def _():
            pass1(s + 4, idxB, fracB)
            fire(idxB, rowsB, semB)

        drain(rowsC, semC)
        pass2(s + 2, rowsC, fracC)
        return carry

    lax.fori_loop(0, _NS // 3, stage_tri, 0)
    drain(rowsA, semA)
    pass2(_NS - 2, rowsA, fracA)
    drain(rowsB, semB)
    pass2(_NS - 1, rowsB, fracB)


def kernel(x, table):
    xf = x.reshape(-1)
    tf = table.reshape(_L, _T // 128, 128, _F).swapaxes(2, 3).reshape(-1)
    return _hash_encode(xf, tf).T

# --- scband reference (transcript-rebuilt; emitter-appended) ---
"""Pipeline reference for scband-hash-encoder-61237643706936 (READ-ONLY COPY).

The authoritative reference and input builder live on the scoring server;
editing this copy changes nothing except your own understanding.
"""

import jax, jax.numpy as jnp
import numpy as np

L = 8
T = 2 ** 19
F = 2
N_MIN = 16
N_MAX = 2048
N_PTS = 131072

_OFFSETS = jnp.array([[0, 0, 0], [0, 0, 1], [0, 1, 0], [0, 1, 1],
                      [1, 0, 0], [1, 0, 1], [1, 1, 0], [1, 1, 1]], dtype=jnp.float32)
_PRIMES = jnp.array([1, 2654435761, 805459861], dtype=jnp.uint32)


def setup_inputs(seed: int = 0) -> dict:
    key = jax.random.key(seed)
    k1, k2 = jax.random.split(key)
    x = jax.random.uniform(k1, (N_PTS, 3), dtype=jnp.float32)
    # instant-ngp init: U(-1e-4, 1e-4)
    table = (jax.random.uniform(k2, (L, T, F), dtype=jnp.float32) * 2e-4) - 1e-4
    return {"x": x, "table": table}


def _hash_coords(ci):
    # ci: uint32 [..., 3] integer lattice coords -> spatial hash into [0, T)
    h = (ci[..., 0] * _PRIMES[0]) ^ (ci[..., 1] * _PRIMES[1]) ^ (ci[..., 2] * _PRIMES[2])
    return (h % jnp.uint32(T)).astype(jnp.int32)


def reference(x, table):
    # x: [N, 3] in [0, 1); table: [L, T, F]
    b = np.exp((np.log(N_MAX) - np.log(N_MIN)) / (L - 1))
    outs = []
    for l in range(L):
        res = float(np.floor(N_MIN * (b ** l)))
        scaled = x * res
        floor = jnp.floor(scaled)
        frac = scaled - floor                      # [N, 3]
        corners = floor[:, None, :] + _OFFSETS     # [N, 8, 3]
        ci = corners.astype(jnp.uint32)
        idx = _hash_coords(ci)                     # [N, 8]
        feats = jnp.take(table[l], idx, axis=0)    # [N, 8, F] gather
        w = jnp.prod(jnp.where(_OFFSETS[None, :, :] > 0.5,
                               frac[:, None, :],
                               1.0 - frac[:, None, :]), axis=-1)  # [N, 8]
        outs.append(jnp.sum(feats * w[..., None], axis=1))        # [N, F]
    return jnp.concatenate(outs, axis=-1)          # [N, L*F]

if __name__ == "__main__":
    import jax
    _d = setup_inputs()
    print(jax.jit(kernel)(*tuple(_d.values())))

</pallas_src>

<mosaic_0001>
#map = affine_map<(d0, d1) -> (0)>
#map1 = affine_map<(d0, d1) -> (0, 0)>
module attributes {stable_mosaic.version = 14 : i64} {
  func.func @_hash_encode(%arg0: i32, %arg1: i32, %arg2: memref<393216xf32, #tpu.memory_space<hbm>>, %arg3: memref<8388608xf32, #tpu.memory_space<hbm>>, %arg4: memref<16x131072xf32, #tpu.memory_space<hbm>>, %arg5: memref<12288xf32, #tpu.memory_space<vmem>>, %arg6: memref<12288xi32, #tpu.memory_space<vmem>>, %arg7: memref<3x256xf32, #tpu.memory_space<vmem>>, %arg8: memref<3x256xf32, #tpu.memory_space<vmem>>, %arg9: memref<3x256xf32, #tpu.memory_space<vmem>>, %arg10: memref<4096xi32, #tpu.memory_space<vmem>>, %arg11: memref<4096xi32, #tpu.memory_space<vmem>>, %arg12: memref<4096xi32, #tpu.memory_space<vmem>>, %arg13: memref<4096xf32, #tpu.memory_space<vmem>>, %arg14: memref<4096xf32, #tpu.memory_space<vmem>>, %arg15: memref<4096xf32, #tpu.memory_space<vmem>>, %arg16: memref<16x256xf32, #tpu.memory_space<vmem>>, %arg17: memref<!tpu.dma_semaphore, #tpu.memory_space<semaphore_mem>>, %arg18: memref<!tpu.dma_semaphore, #tpu.memory_space<semaphore_mem>>, %arg19: memref<!tpu.dma_semaphore, #tpu.memory_space<semaphore_mem>>) attributes {dimension_semantics = [#tpu.dimension_semantics<core_parallel>, #tpu.dimension_semantics<subcore_parallel>], iteration_bounds = array<i64: 2, 16>, scalar_prefetch = 0 : i64, scratch_operands = 15 : i64, tpu.core_type = #tpu.core_type<sc_vector_subcore>, window_params = [{transform_indices = #map}, {transform_indices = #map}, {transform_indices = #map1}]} {
    %mul3A = arith.constant 2 : i32
    %mul3A_0 = arith.muli %arg1, %mul3A : i32
    %add3A = arith.addi %mul3A_0, %arg0 : i32
    %mul3A_1 = arith.constant 4096 : i32
    %mul3A_2 = arith.muli %add3A, %mul3A_1 : i32
    %iota3A = tpu.iota {dimensions = array<i32: 0>} : vector<16xi32>
    %scan3A = arith.constant 0 : i32
    %scan3A_3 = arith.constant 0 : i32
    %scan3A_4 = arith.constant 256 : i32
    %scan3A_5 = arith.addi %scan3A_3, %scan3A_4 : i32
    %scan3A_6 = arith.constant 1 : i32
    scf.for %scan3A_194 = %scan3A_3 to %scan3A_5 step %scan3A_6  : i32 {
      %mul3A_195 = arith.constant 16 : i32
      %mul3A_196 = arith.muli %mul3A_195, %scan3A_194 : i32
      %add3A_197 = arith.addi %mul3A_2, %mul3A_196 : i32
      %add3A_198 = vector.broadcast %add3A_197 : i32 to vector<16xi32>
      %add3A_199 = arith.addi %add3A_198, %iota3A : vector<16xi32>
      %mul3A_200 = arith.constant 3 : i32
      %mul3A_201 = vector.broadcast %mul3A_200 : i32 to vector<16xi32>
      %mul3A_202 = arith.muli %add3A_199, %mul3A_201 : vector<16xi32>
      %mul3A_203 = arith.constant 16 : i32
      %mul3A_204 = arith.muli %mul3A_203, %scan3A_194 : i32
      %swap3A = arith.index_cast %mul3A_204 : i32 to index
      %swap3A_205 = tpu.vector_load %arg6[%swap3A] {strides = array<i32>} : memref<12288xi32, #tpu.memory_space<vmem>>, vector<16xi32>,
      %swap3A_206 = vector.shape_cast %swap3A_205 : vector<16xi32> to vector<16xi32>
      %swap3A_207 = vector.shape_cast %mul3A_202 : vector<16xi32> to vector<16xi32>
      tpu.vector_store %arg6[%swap3A], %swap3A_207 {strides = array<i32>} : memref<12288xi32, #tpu.memory_space<vmem>>, vector<16xi32>,
      %add3A_208 = arith.constant 1 : i32
      %add3A_209 = vector.broadcast %add3A_208 : i32 to vector<16xi32>
      %add3A_210 = arith.addi %mul3A_202, %add3A_209 : vector<16xi32>
      %mul3A_211 = arith.constant 16 : i32
      %mul3A_212 = arith.muli %mul3A_211, %scan3A_194 : i32
      %add3A_213 = arith.constant 4096 : i32
      %add3A_214 = arith.addi %add3A_213, %mul3A_212 : i32
      %swap3A_215 = arith.index_cast %add3A_214 : i32 to index
      %swap3A_216 = tpu.vector_load %arg6[%swap3A_215] {strides = array<i32>} : memref<12288xi32, #tpu.memory_space<vmem>>, vector<16xi32>,
      %swap3A_217 = vector.shape_cast %swap3A_216 : vector<16xi32> to vector<16xi32>
      %swap3A_218 = vector.shape_cast %add3A_210 : vector<16xi32> to vector<16xi32>
      tpu.vector_store %arg6[%swap3A_215], %swap3A_218 {strides = array<i32>} : memref<12288xi32, #tpu.memory_space<vmem>>, vector<16xi32>,
      %add3A_219 = arith.constant 2 : i32
      %add3A_220 = vector.broadcast %add3A_219 : i32 to vector<16xi32>
      %add3A_221 = arith.addi %mul3A_202, %add3A_220 : vector<16xi32>
      %mul3A_222 = arith.constant 16 : i32
      %mul3A_223 = arith.muli %mul3A_222, %scan3A_194 : i32
      %add3A_224 = arith.constant 8192 : i32
      %add3A_225 = arith.addi %add3A_224, %mul3A_223 : i32
      %swap3A_226 = arith.index_cast %add3A_225 : i32 to index
      %swap3A_227 = tpu.vector_load %arg6[%swap3A_226] {strides = array<i32>} : memref<12288xi32, #tpu.memory_space<vmem>>, vector<16xi32>,
      %swap3A_228 = vector.shape_cast %swap3A_227 : vector<16xi32> to vector<16xi32>
      %swap3A_229 = vector.shape_cast %add3A_221 : vector<16xi32> to vector<16xi32>
      tpu.vector_store %arg6[%swap3A_226], %swap3A_229 {strides = array<i32>} : memref<12288xi32, #tpu.memory_space<vmem>>, vector<16xi32>,
    }
    %scan3A_7 = arith.constant 256 : i32
    %dma_start3A = arith.constant 0 : i32
    %dma_start3A_8 = tpu.memref_slice %arg5[%dma_start3A] : memref<12288xf32, #tpu.memory_space<vmem>> -> memref<2048xf32, #tpu.memory_space<vmem>>
    %dma_start3A_9 = arith.constant 0 : i32
    %dma_start3A_10 = tpu.memref_slice %arg6[%dma_start3A_9] : memref<12288xi32, #tpu.memory_space<vmem>> -> memref<2048xi32, #tpu.memory_space<vmem>>
    %dma_start3A_11 = arith.constant 0 : i32
    %dma_start3A_12 = tpu.memref_slice %arg2[%dma_start3A_11] : memref<393216xf32, #tpu.memory_space<hbm>> -> memref<393216xf32, #tpu.memory_space<hbm>>
    tpu.enqueue_indirect_dma source(%dma_start3A_12 : memref<393216xf32, #tpu.memory_space<hbm>>) target(%dma_start3A_8 : memref<2048xf32, #tpu.memory_space<vmem>>) offsets(%dma_start3A_10 : memref<2048xi32, #tpu.memory_space<vmem>>) semaphore(%arg17 : memref<!tpu.dma_semaphore, #tpu.memory_space<semaphore_mem>>)
    %dma_start3A_13 = arith.constant 2048 : i32
    %dma_start3A_14 = tpu.memref_slice %arg5[%dma_start3A_13] : memref<12288xf32, #tpu.memory_space<vmem>> -> memref<2048xf32, #tpu.memory_space<vmem>>
    %dma_start3A_15 = arith.constant 2048 : i32
    %dma_start3A_16 = tpu.memref_slice %arg6[%dma_start3A_15] : memref<12288xi32, #tpu.memory_space<vmem>> -> memref<2048xi32, #tpu.memory_space<vmem>>
    %dma_start3A_17 = arith.constant 0 : i32
    %dma_start3A_18 = tpu.memref_slice %arg2[%dma_start3A_17] : memref<393216xf32, #tpu.memory_space<hbm>> -> memref<393216xf32, #tpu.memory_space<hbm>>
    tpu.enqueue_indirect_dma source(%dma_start3A_18 : memref<393216xf32, #tpu.memory_space<hbm>>) target(%dma_start3A_14 : memref<2048xf32, #tpu.memory_space<vmem>>) offsets(%dma_start3A_16 : memref<2048xi32, #tpu.memory_space<vmem>>) semaphore(%arg17 : memref<!tpu.dma_semaphore, #tpu.memory_space<semaphore_mem>>)
    %dma_start3A_19 = arith.constant 4096 : i32
    %dma_start3A_20 = tpu.memref_slice %arg5[%dma_start3A_19] : memref<12288xf32, #tpu.memory_space<vmem>> -> memref<2048xf32, #tpu.memory_space<vmem>>
    %dma_start3A_21 = arith.constant 4096 : i32
    %dma_start3A_22 = tpu.memref_slice %arg6[%dma_start3A_21] : memref<12288xi32, #tpu.memory_space<vmem>> -> memref<2048xi32, #tpu.memory_space<vmem>>
    %dma_start3A_23 = arith.constant 0 : i32
    %dma_start3A_24 = tpu.memref_slice %arg2[%dma_start3A_23] : memref<393216xf32, #tpu.memory_space<hbm>> -> memref<393216xf32, #tpu.memory_space<hbm>>
    tpu.enqueue_indirect_dma source(%dma_start3A_24 : memref<393216xf32, #tpu.memory_space<hbm>>) target(%dma_start3A_20 : memref<2048xf32, #tpu.memory_space<vmem>>) offsets(%dma_start3A_22 : memref<2048xi32, #tpu.memory_space<vmem>>) semaphore(%arg17 : memref<!tpu.dma_semaphore, #tpu.memory_space<semaphore_mem>>)
    %dma_start3A_25 = arith.constant 6144 : i32
    %dma_start3A_26 = tpu.memref_slice %arg5[%dma_start3A_25] : memref<12288xf32, #tpu.memory_space<vmem>> -> memref<2048xf32, #tpu.memory_space<vmem>>
    %dma_start3A_27 = arith.constant 6144 : i32
    %dma_start3A_28 = tpu.memref_slice %arg6[%dma_start3A_27] : memref<12288xi32, #tpu.memory_space<vmem>> -> memref<2048xi32, #tpu.memory_space<vmem>>
    %dma_start3A_29 = arith.constant 0 : i32
    %dma_start3A_30 = tpu.memref_slice %arg2[%dma_start3A_29] : memref<393216xf32, #tpu.memory_space<hbm>> -> memref<393216xf32, #tpu.memory_space<hbm>>
    tpu.enqueue_indirect_dma source(%dma_start3A_30 : memref<393216xf32, #tpu.memory_space<hbm>>) target(%dma_start3A_26 : memref<2048xf32, #tpu.memory_space<vmem>>) offsets(%dma_start3A_28 : memref<2048xi32, #tpu.memory_space<vmem>>) semaphore(%arg17 : memref<!tpu.dma_semaphore, #tpu.memory_space<semaphore_mem>>)
    %dma_start3A_31 = arith.constant 8192 : i32
    %dma_start3A_32 = tpu.memref_slice %arg5[%dma_start3A_31] : memref<12288xf32, #tpu.memory_space<vmem>> -> memref<2048xf32, #tpu.memory_space<vmem>>
    %dma_start3A_33 = arith.constant 8192 : i32
    %dma_start3A_34 = tpu.memref_slice %arg6[%dma_start3A_33] : memref<12288xi32, #tpu.memory_space<vmem>> -> memref<2048xi32, #tpu.memory_space<vmem>>
    %dma_start3A_35 = arith.constant 0 : i32
    %dma_start3A_36 = tpu.memref_slice %arg2[%dma_start3A_35] : memref<393216xf32, #tpu.memory_space<hbm>> -> memref<393216xf32, #tpu.memory_space<hbm>>
    tpu.enqueue_indirect_dma source(%dma_start3A_36 : memref<393216xf32, #tpu.memory_space<hbm>>) target(%dma_start3A_32 : memref<2048xf32, #tpu.memory_space<vmem>>) offsets(%dma_start3A_34 : memref<2048xi32, #tpu.memory_space<vmem>>) semaphore(%arg17 : memref<!tpu.dma_semaphore, #tpu.memory_space<semaphore_mem>>)
    %dma_start3A_37 = arith.constant 10240 : i32
    %dma_start3A_38 = tpu.memref_slice %arg5[%dma_start3A_37] : memref<12288xf32, #tpu.memory_space<vmem>> -> memref<2048xf32, #tpu.memory_space<vmem>>
    %dma_start3A_39 = arith.constant 10240 : i32
    %dma_start3A_40 = tpu.memref_slice %arg6[%dma_start3A_39] : memref<12288xi32, #tpu.memory_space<vmem>> -> memref<2048xi32, #tpu.memory_space<vmem>>
    %dma_start3A_41 = arith.constant 0 : i32
    %dma_start3A_42 = tpu.memref_slice %arg2[%dma_start3A_41] : memref<393216xf32, #tpu.memory_space<hbm>> -> memref<393216xf32, #tpu.memory_space<hbm>>
    tpu.enqueue_indirect_dma source(%dma_start3A_42 : memref<393216xf32, #tpu.memory_space<hbm>>) target(%dma_start3A_38 : memref<2048xf32, #tpu.memory_space<vmem>>) offsets(%dma_start3A_40 : memref<2048xi32, #tpu.memory_space<vmem>>) semaphore(%arg17 : memref<!tpu.dma_semaphore, #tpu.memory_space<semaphore_mem>>)
    %dma_wait3A = arith.constant 0 : i32
    %dma_wait3A_43 = tpu.memref_slice %arg5[%dma_wait3A] : memref<12288xf32, #tpu.memory_space<vmem>> -> memref<2048xf32, #tpu.memory_space<vmem>>
    %dma_wait3A_44 = arith.constant 0 : i32
    %dma_wait3A_45 = tpu.memref_slice %arg6[%dma_wait3A_44] : memref<12288xi32, #tpu.memory_space<vmem>> -> memref<2048xi32, #tpu.memory_space<vmem>>
    %dma_wait3A_46 = arith.constant 0 : i32
    %dma_wait3A_47 = tpu.memref_slice %arg2[%dma_wait3A_46] : memref<393216xf32, #tpu.memory_space<hbm>> -> memref<393216xf32, #tpu.memory_space<hbm>>
    tpu.wait_indirect_dma semaphore(%arg17 : memref<!tpu.dma_semaphore, #tpu.memory_space<semaphore_mem>>) src(%dma_wait3A_47 : memref<393216xf32, #tpu.memory_space<hbm>>) dst(%dma_wait3A_43 : memref<2048xf32, #tpu.memory_space<vmem>>)
    %dma_wait3A_48 = arith.constant 2048 : i32
    %dma_wait3A_49 = tpu.memref_slice %arg5[%dma_wait3A_48] : memref<12288xf32, #tpu.memory_space<vmem>> -> memref<2048xf32, #tpu.memory_space<vmem>>
    %dma_wait3A_50 = arith.constant 2048 : i32
    %dma_wait3A_51 = tpu.memref_slice %arg6[%dma_wait3A_50] : memref<12288xi32, #tpu.memory_space<vmem>> -> memref<2048xi32, #tpu.memory_space<vmem>>
    %dma_wait3A_52 = arith.constant 0 : i32
    %dma_wait3A_53 = tpu.memref_slice %arg2[%dma_wait3A_52] : memref<393216xf32, #tpu.memory_space<hbm>> -> memref<393216xf32, #tpu.memory_space<hbm>>
    tpu.wait_indirect_dma semaphore(%arg17 : memref<!tpu.dma_semaphore, #tpu.memory_space<semaphore_mem>>) src(%dma_wait3A_53 : memref<393216xf32, #tpu.memory_space<hbm>>) dst(%dma_wait3A_49 : memref<2048xf32, #tpu.memory_space<vmem>>)
    %dma_wait3A_54 = arith.constant 4096 : i32
    %dma_wait3A_55 = tpu.memref_slice %arg5[%dma_wait3A_54] : memref<12288xf32, #tpu.memory_space<vmem>> -> memref<2048xf32, #tpu.memory_space<vmem>>
    %dma_wait3A_56 = arith.constant 4096 : i32
    %dma_wait3A_57 = tpu.memref_slice %arg6[%dma_wait3A_56] : memref<12288xi32, #tpu.memory_space<vmem>> -> memref<2048xi32, #tpu.memory_space<vmem>>
    %dma_wait3A_58 = arith.constant 0 : i32
    %dma_wait3A_59 = tpu.memref_slice %arg2[%dma_wait3A_58] : memref<393216xf32, #tpu.memory_space<hbm>> -> memref<393216xf32, #tpu.memory_space<hbm>>
    tpu.wait_indirect_dma semaphore(%arg17 : memref<!tpu.dma_semaphore, #tpu.memory_space<semaphore_mem>>) src(%dma_wait3A_59 : memref<393216xf32, #tpu.memory_space<hbm>>) dst(%dma_wait3A_55 : memref<2048xf32, #tpu.memory_space<vmem>>)
    %dma_wait3A_60 = arith.constant 6144 : i32
    %dma_wait3A_61 = tpu.memref_slice %arg5[%dma_wait3A_60] : memref<12288xf32, #tpu.memory_space<vmem>> -> memref<2048xf32, #tpu.memory_space<vmem>>
    %dma_wait3A_62 = arith.constant 6144 : i32
    %dma_wait3A_63 = tpu.memref_slice %arg6[%dma_wait3A_62] : memref<12288xi32, #tpu.memory_space<vmem>> -> memref<2048xi32, #tpu.memory_space<vmem>>
    %dma_wait3A_64 = arith.constant 0 : i32
    %dma_wait3A_65 = tpu.memref_slice %arg2[%dma_wait3A_64] : memref<393216xf32, #tpu.memory_space<hbm>> -> memref<393216xf32, #tpu.memory_space<hbm>>
    tpu.wait_indirect_dma semaphore(%arg17 : memref<!tpu.dma_semaphore, #tpu.memory_space<semaphore_mem>>) src(%dma_wait3A_65 : memref<393216xf32, #tpu.memory_space<hbm>>) dst(%dma_wait3A_61 : memref<2048xf32, #tpu.memory_space<vmem>>)
    %dma_wait3A_66 = arith.constant 8192 : i32
    %dma_wait3A_67 = tpu.memref_slice %arg5[%dma_wait3A_66] : memref<12288xf32, #tpu.memory_space<vmem>> -> memref<2048xf32, #tpu.memory_space<vmem>>
    %dma_wait3A_68 = arith.constant 8192 : i32
    %dma_wait3A_69 = tpu.memref_slice %arg6[%dma_wait3A_68] : memref<12288xi32, #tpu.memory_space<vmem>> -> memref<2048xi32, #tpu.memory_space<vmem>>
    %dma_wait3A_70 = arith.constant 0 : i32
    %dma_wait3A_71 = tpu.memref_slice %arg2[%dma_wait3A_70] : memref<393216xf32, #tpu.memory_space<hbm>> -> memref<393216xf32, #tpu.memory_space<hbm>>
    tpu.wait_indirect_dma semaphore(%arg17 : memref<!tpu.dma_semaphore, #tpu.memory_space<semaphore_mem>>) src(%dma_wait3A_71 : memref<393216xf32, #tpu.memory_space<hbm>>) dst(%dma_wait3A_67 : memref<2048xf32, #tpu.memory_space<vmem>>)
    %dma_wait3A_72 = arith.constant 10240 : i32
    %dma_wait3A_73 = tpu.memref_slice %arg5[%dma_wait3A_72] : memref<12288xf32, #tpu.memory_space<vmem>> -> memref<2048xf32, #tpu.memory_space<vmem>>
    %dma_wait3A_74 = arith.constant 10240 : i32
    %dma_wait3A_75 = tpu.memref_slice %arg6[%dma_wait3A_74] : memref<12288xi32, #tpu.memory_space<vmem>> -> memref<2048xi32, #tpu.memory_space<vmem>>
    %dma_wait3A_76 = arith.constant 0 : i32
    %dma_wait3A_77 = tpu.memref_slice %arg2[%dma_wait3A_76] : memref<393216xf32, #tpu.memory_space<hbm>> -> memref<393216xf32, #tpu.memory_space<hbm>>
    tpu.wait_indirect_dma semaphore(%arg17 : memref<!tpu.dma_semaphore, #tpu.memory_space<semaphore_mem>>) src(%dma_wait3A_77 : memref<393216xf32, #tpu.memory_space<hbm>>) dst(%dma_wait3A_73 : memref<2048xf32, #tpu.memory_space<vmem>>)
    %broadcast_in_dim3A = arith.constant 0 : i32
    %broadcast_in_dim3A_78 = vector.broadcast %broadcast_in_dim3A : i32 to vector<16xi32>
    %add3A_79 = arith.constant 0 : i32
    %add3A_80 = vector.broadcast %add3A_79 : i32 to vector<16xi32>
    %add3A_81 = arith.addi %broadcast_in_dim3A_78, %add3A_80 : vector<16xi32>
    %add3A_82 = arith.constant 4 : i32
    %add3A_83 = vector.broadcast %add3A_82 : i32 to vector<16xi32>
    %add3A_84 = arith.addi %add3A_81, %add3A_83 : vector<16xi32>
    %shift_left3A = arith.constant 1 : i32
    %shift_left3A_85 = vector.broadcast %shift_left3A : i32 to vector<16xi32>
    %shift_left3A_86 = arith.shli %shift_left3A_85, %add3A_84 : vector<16xi32>
    %convert_element_type3A = arith.sitofp %shift_left3A_86 : vector<16xi32> to vector<16xf32>
    %shift_left3A_87 = arith.constant 20 : i32
    %shift_left3A_88 = vector.broadcast %shift_left3A_87 : i32 to vector<16xi32>
    %shift_left3A_89 = arith.shli %add3A_81, %shift_left3A_88 : vector<16xi32>
    %bitcast3A = vector.bitcast %shift_left3A_89 : vector<16xi32> to vector<16xi32>
    %scan3A_90 = arith.constant 0 : i32
    %scan3A_91 = arith.constant 0 : i32
    %scan3A_92 = arith.constant 16 : i32
    %scan3A_93 = arith.addi %scan3A_91, %scan3A_92 : i32
    %scan3A_94 = arith.constant 1 : i32
    scf.for %scan3A_194 = %scan3A_91 to %scan3A_93 step %scan3A_94  : i32 {
      %mul3A_195 = arith.constant 16 : i32
      %mul3A_196 = arith.muli %mul3A_195, %scan3A_194 : i32
      %add3A_197 = arith.constant 0 : i32
      %add3A_198 = arith.addi %add3A_197, %mul3A_196 : i32
      %get3A = arith.index_cast %add3A_198 : i32 to index
      %get3A_199 = tpu.vector_load %arg5[%get3A] {strides = array<i32>} : memref<12288xf32, #tpu.memory_space<vmem>>, vector<16xf32>,
      %get3A_200 = vector.shape_cast %get3A_199 : vector<16xf32> to vector<16xf32>
      %mul3A_201 = arith.mulf %get3A_200, %convert_element_type3A : vector<16xf32>
      %add3A_202 = arith.constant 4096 : i32
      %add3A_203 = arith.addi %add3A_202, %mul3A_196 : i32
      %get3A_204 = arith.index_cast %add3A_203 : i32 to index
      %get3A_205 = tpu.vector_load %arg5[%get3A_204] {strides = array<i32>} : memref<12288xf32, #tpu.memory_space<vmem>>, vector<16xf32>,
      %get3A_206 = vector.shape_cast %get3A_205 : vector<16xf32> to vector<16xf32>
      %mul3A_207 = arith.mulf %get3A_206, %convert_element_type3A : vector<16xf32>
      %add3A_208 = arith.constant 8192 : i32
      %add3A_209 = arith.addi %add3A_208, %mul3A_196 : i32
      %get3A_210 = arith.index_cast %add3A_209 : i32 to index
      %get3A_211 = tpu.vector_load %arg5[%get3A_210] {strides = array<i32>} : memref<12288xf32, #tpu.memory_space<vmem>>, vector<16xf32>,
      %get3A_212 = vector.shape_cast %get3A_211 : vector<16xf32> to vector<16xf32>
      %mul3A_213 = arith.mulf %get3A_212, %convert_element_type3A : vector<16xf32>
      %convert_element_type3A_214 = arith.fptosi %mul3A_201 : vector<16xf32> to vector<16xi32>
      %convert_element_type3A_215 = arith.fptosi %mul3A_207 : vector<16xf32> to vector<16xi32>
      %convert_element_type3A_216 = arith.fptosi %mul3A_213 : vector<16xf32> to vector<16xi32>
      %convert_element_type3A_217 = arith.sitofp %convert_element_type3A_214 : vector<16xi32> to vector<16xf32>
      %sub3A = arith.subf %mul3A_201, %convert_element_type3A_217 : vector<16xf32>
      %swap3A = arith.constant 0 : i32
      %swap3A_218 = arith.index_cast %swap3A : i32 to index
      %swap3A_219 = arith.index_cast %mul3A_196 : i32 to index
      %swap3A_220 = tpu.vector_load %arg7[%swap3A_218, %swap3A_219] {strides = array<i32>} : memref<3x256xf32, #tpu.memory_space<vmem>>, vector<1x16xf32>,
      %swap3A_221 = vector.shape_cast %swap3A_220 : vector<1x16xf32> to vector<16xf32>
      %swap3A_222 = vector.shape_cast %sub3A : vector<16xf32> to vector<1x16xf32>
      tpu.vector_store %arg7[%swap3A_218, %swap3A_219], %swap3A_222 {strides = array<i32>} : memref<3x256xf32, #tpu.memory_space<vmem>>, vector<1x16xf32>,
      %convert_element_type3A_223 = arith.sitofp %convert_element_type3A_215 : vector<16xi32> to vector<16xf32>
      %sub3A_224 = arith.subf %mul3A_207, %convert_element_type3A_223 : vector<16xf32>
      %swap3A_225 = arith.constant 1 : i32
      %swap3A_226 = arith.index_cast %swap3A_225 : i32 to index
      %swap3A_227 = arith.index_cast %mul3A_196 : i32 to index
      %swap3A_228 = tpu.vector_load %arg7[%swap3A_226, %swap3A_227] {strides = array<i32>} : memref<3x256xf32, #tpu.memory_space<vmem>>, vector<1x16xf32>,
      %swap3A_229 = vector.shape_cast %swap3A_228 : vector<1x16xf32> to vector<16xf32>
      %swap3A_230 = vector.shape_cast %sub3A_224 : vector<16xf32> to vector<1x16xf32>
      tpu.vector_store %arg7[%swap3A_226, %swap3A_227], %swap3A_230 {strides = array<i32>} : memref<3x256xf32, #tpu.memory_space<vmem>>, vector<1x16xf32>,
      %convert_element_type3A_231 = arith.sitofp %convert_element_type3A_216 : vector<16xi32> to vector<16xf32>
      %sub3A_232 = arith.subf %mul3A_213, %convert_element_type3A_231 : vector<16xf32>
      %swap3A_233 = arith.constant 2 : i32
      %swap3A_234 = arith.index_cast %swap3A_233 : i32 to index
      %swap3A_235 = arith.index_cast %mul3A_196 : i32 to index
      %swap3A_236 = tpu.vector_load %arg7[%swap3A_234, %swap3A_235] {strides = array<i32>} : memref<3x256xf32, #tpu.memory_space<vmem>>, vector<1x16xf32>,
      %swap3A_237 = vector.shape_cast %swap3A_236 : vector<1x16xf32> to vector<16xf32>
      %swap3A_238 = vector.shape_cast %sub3A_232 : vector<16xf32> to vector<1x16xf32>
      tpu.vector_store %arg7[%swap3A_234, %swap3A_235], %swap3A_238 {strides = array<i32>} : memref<3x256xf32, #tpu.memory_space<vmem>>, vector<1x16xf32>,
      %bitcast3A_239 = vector.bitcast %convert_element_type3A_214 : vector<16xi32> to vector<16xi32>
      %add3A_240 = arith.constant 1 : i32
      %add3A_241 = vector.broadcast %add3A_240 : i32 to vector<16xi32>
      %add3A_242 = arith.addi %bitcast3A_239, %add3A_241 : vector<16xi32>
      %bitcast3A_243 = vector.bitcast %convert_element_type3A_215 : vector<16xi32> to vector<16xi32>
      %mul3A_244 = arith.constant -1640531535 : i32
      %mul3A_245 = vector.broadcast %mul3A_244 : i32 to vector<16xi32>
      %mul3A_246 = arith.muli %bitcast3A_243, %mul3A_245 : vector<16xi32>
      %add3A_247 = arith.constant -1640531535 : i32
      %add3A_248 = vector.broadcast %add3A_247 : i32 to vector<16xi32>
      %add3A_249 = arith.addi %mul3A_246, %add3A_248 : vector<16xi32>
      %bitcast3A_250 = vector.bitcast %convert_element_type3A_216 : vector<16xi32> to vector<16xi32>
      %mul3A_251 = arith.constant 805459861 : i32
      %mul3A_252 = vector.broadcast %mul3A_251 : i32 to vector<16xi32>
      %mul3A_253 = arith.muli %bitcast3A_250, %mul3A_252 : vector<16xi32>
      %add3A_254 = arith.constant 805459861 : i32
      %add3A_255 = vector.broadcast %add3A_254 : i32 to vector<16xi32>
      %add3A_256 = arith.addi %mul3A_253, %add3A_255 : vector<16xi32>
      %xor3A = arith.xori %bitcast3A_239, %mul3A_246 : vector<16xi32>
      %xor3A_257 = arith.xori %bitcast3A_239, %add3A_249 : vector<16xi32>
      %xor3A_258 = arith.xori %add3A_242, %mul3A_246 : vector<16xi32>
      %xor3A_259 = arith.xori %add3A_242, %add3A_249 : vector<16xi32>
      %xor3A_260 = arith.xori %xor3A, %mul3A_253 : vector<16xi32>
      %and3A = arith.constant 524287 : i32
      %and3A_261 = vector.broadcast %and3A : i32 to vector<16xi32>
      %and3A_262 = arith.andi %xor3A_260, %and3A_261 : vector<16xi32>
      %and3A_263 = arith.constant 524160 : i32
      %and3A_264 = vector.broadcast %and3A_263 : i32 to vector<16xi32>
      %and3A_265 = arith.andi %and3A_262, %and3A_264 : vector<16xi32>
      %shift_left3A_266 = arith.constant 1 : i32
      %shift_left3A_267 = vector.broadcast %shift_left3A_266 : i32 to vector<16xi32>
      %shift_left3A_268 = arith.shli %and3A_265, %shift_left3A_267 : vector<16xi32>
      %and3A_269 = arith.constant 127 : i32
      %and3A_270 = vector.broadcast %and3A_269 : i32 to vector<16xi32>
      %and3A_271 = arith.andi %and3A_262, %and3A_270 : vector<16xi32>
      %or3A = arith.ori %shift_left3A_268, %and3A_271 : vector<16xi32>
      %or3A_272 = arith.ori %or3A, %bitcast3A : vector<16xi32>
      %bitcast3A_273 = vector.bitcast %or3A_272 : vector<16xi32> to vector<16xi32>
      %add3A_274 = arith.constant 0 : i32
      %add3A_275 = arith.addi %add3A_274, %mul3A_196 : i32
      %swap3A_276 = arith.index_cast %add3A_275 : i32 to index
      %swap3A_277 = tpu.vector_load %arg10[%swap3A_276] {strides = array<i32>} : memref<4096xi32, #tpu.memory_space<vmem>>, vector<16xi32>,
      %swap3A_278 = vector.shape_cast %swap3A_277 : vector<16xi32> to vector<16xi32>
      %swap3A_279 = vector.shape_cast %bitcast3A_273 : vector<16xi32> to vector<16xi32>
      tpu.vector_store %arg10[%swap3A_276], %swap3A_279 {strides = array<i32>} : memref<4096xi32, #tpu.memory_space<vmem>>, vector<16xi32>,
      %add3A_280 = arith.constant 128 : i32
      %add3A_281 = vector.broadcast %add3A_280 : i32 to vector<16xi32>
      %add3A_282 = arith.addi %bitcast3A_273, %add3A_281 : vector<16xi32>
      %add3A_283 = arith.constant 2048 : i32
      %add3A_284 = arith.addi %add3A_283, %mul3A_196 : i32
      %swap3A_285 = arith.index_cast %add3A_284 : i32 to index
      %swap3A_286 = tpu.vector_load %arg10[%swap3A_285] {strides = array<i32>} : memref<4096xi32, #tpu.memory_space<vmem>>, vector<16xi32>,
      %swap3A_287 = vector.shape_cast %swap3A_286 : vector<16xi32> to vector<16xi32>
      %swap3A_288 = vector.shape_cast %add3A_282 : vector<16xi32> to vector<16xi32>
      tpu.vector_store %arg10[%swap3A_285], %swap3A_288 {strides = array<i32>} : memref<4096xi32, #tpu.memory_space<vmem>>, vector<16xi32>,
      %xor3A_289 = arith.xori %xor3A, %add3A_256 : vector<16xi32>
      %and3A_290 = arith.constant 524287 : i32
      %and3A_291 = vector.broadcast %and3A_290 : i32 to vector<16xi32>
      %and3A_292 = arith.andi %xor3A_289, %and3A_291 : vector<16xi32>
      %and3A_293 = arith.constant 524160 : i32
      %and3A_294 = vector.broadcast %and3A_293 : i32 to vector<16xi32>
      %and3A_295 = arith.andi %and3A_292, %and3A_294 : vector<16xi32>
      %shift_left3A_296 = arith.constant 1 : i32
      %shift_left3A_297 = vector.broadcast %shift_left3A_296 : i32 to vector<16xi32>
      %shift_left3A_298 = arith.shli %and3A_295, %shift_left3A_297 : vector<16xi32>
      %and3A_299 = arith.constant 127 : i32
      %and3A_300 = vector.broadcast %and3A_299 : i32 to vector<16xi32>
      %and3A_301 = arith.andi %and3A_292, %and3A_300 : vector<16xi32>
      %or3A_302 = arith.ori %shift_left3A_298, %and3A_301 : vector<16xi32>
      %or3A_303 = arith.ori %or3A_302, %bitcast3A : vector<16xi32>
      %bitcast3A_304 = vector.bitcast %or3A_303 : vector<16xi32> to vector<16xi32>
      %add3A_305 = arith.constant 256 : i32
      %add3A_306 = arith.addi %add3A_305, %mul3A_196 : i32
      %swap3A_307 = arith.index_cast %add3A_306 : i32 to index
      %swap3A_308 = tpu.vector_load %arg10[%swap3A_307] {strides = array<i32>} : memref<4096xi32, #tpu.memory_space<vmem>>, vector<16xi32>,
      %swap3A_309 = vector.shape_cast %swap3A_308 : vector<16xi32> to vector<16xi32>
      %swap3A_310 = vector.shape_cast %bitcast3A_304 : vector<16xi32> to vector<16xi32>
      tpu.vector_store %arg10[%swap3A_307], %swap3A_310 {strides = array<i32>} : memref<4096xi32, #tpu.memory_space<vmem>>, vector<16xi32>,
      %add3A_311 = arith.constant 128 : i32
      %add3A_312 = vector.broadcast %add3A_311 : i32 to vector<16xi32>
      %add3A_313 = arith.addi %bitcast3A_304, %add3A_312 : vector<16xi32>
      %add3A_314 = arith.constant 2304 : i32
      %add3A_315 = arith.addi %add3A_314, %mul3A_196 : i32
      %swap3A_316 = arith.index_cast %add3A_315 : i32 to index
      %swap3A_317 = tpu.vector_load %arg10[%swap3A_316] {strides = array<i32>} : memref<4096xi32, #tpu.memory_space<vmem>>, vector<16xi32>,
      %swap3A_318 = vector.shape_cast %swap3A_317 : vector<16xi32> to vector<16xi32>
      %swap3A_319 = vector.shape_cast %add3A_313 : vector<16xi32> to vector<16xi32>
      tpu.vector_store %arg10[%swap3A_316], %swap3A_319 {strides = array<i32>} : memref<4096xi32, #tpu.memory_space<vmem>>, vector<16xi32>,
      %xor3A_320 = arith.xori %xor3A_257, %mul3A_253 : vector<16xi32>
      %and3A_321 = arith.constant 524287 : i32
      %and3A_322 = vector.broadcast %and3A_321 : i32 to vector<16xi32>
      %and3A_323 = arith.andi %xor3A_320, %and3A_322 : vector<16xi32>
      %and3A_324 = arith.constant 524160 : i32
      %and3A_325 = vector.broadcast %and3A_324 : i32 to vector<16xi32>
      %and3A_326 = arith.andi %and3A_323, %and3A_325 : vector<16xi32>
      %shift_left3A_327 = arith.constant 1 : i32
      %shift_left3A_328 = vector.broadcast %shift_left3A_327 : i32 to vector<16xi32>
      %shift_left3A_329 = arith.shli %and3A_326, %shift_left3A_328 : vector<16xi32>
      %and3A_330 = arith.constant 127 : i32
      %and3A_331 = vector.broadcast %and3A_330 : i32 to vector<16xi32>
      %and3A_332 = arith.andi %and3A_323, %and3A_331 : vector<16xi32>
      %or3A_333 = arith.ori %shift_left3A_329, %and3A_332 : vector<16xi32>
      %or3A_334 = arith.ori %or3A_333, %bitcast3A : vector<16xi32>
      %bitcast3A_335 = vector.bitcast %or3A_334 : vector<16xi32> to vector<16xi32>
      %add3A_336 = arith.constant 512 : i32
      %add3A_337 = arith.addi %add3A_336, %mul3A_196 : i32
      %swap3A_338 = arith.index_cast %add3A_337 : i32 to index
      %swap3A_339 = tpu.vector_load %arg10[%swap3A_338] {strides = array<i32>} : memref<4096xi32, #tpu.memory_space<vmem>>, vector<16xi32>,
      %swap3A_340 = vector.shape_cast %swap3A_339 : vector<16xi32> to vector<16xi32>
      %swap3A_341 = vector.shape_cast %bitcast3A_335 : vector<16xi32> to vector<16xi32>
      tpu.vector_store %arg10[%swap3A_338], %swap3A_341 {strides = array<i32>} : memref<4096xi32, #tpu.memory_space<vmem>>, vector<16xi32>,
      %add3A_342 = arith.constant 128 : i32
      %add3A_343 = vector.broadcast %add3A_342 : i32 to vector<16xi32>
      %add3A_344 = arith.addi %bitcast3A_335, %add3A_343 : vector<16xi32>
      %add3A_345 = arith.constant 2560 : i32
      %add3A_346 = arith.addi %add3A_345, %mul3A_196 : i32
      %swap3A_347 = arith.index_cast %add3A_346 : i32 to index
      %swap3A_348 = tpu.vector_load %arg10[%swap3A_347] {strides = array<i32>} : memref<4096xi32, #tpu.memory_space<vmem>>, vector<16xi32>,
      %swap3A_349 = vector.shape_cast %swap3A_348 : vector<16xi32> to vector<16xi32>
      %swap3A_350 = vector.shape_cast %add3A_344 : vector<16xi32> to vector<16xi32>
      tpu.vector_store %arg10[%swap3A_347], %swap3A_350 {strides = array<i32>} : memref<4096xi32, #tpu.memory_space<vmem>>, vector<16xi32>,
      %xor3A_351 = arith.xori %xor3A_257, %add3A_256 : vector<16xi32>
      %and3A_352 = arith.constant 524287 : i32
      %and3A_353 = vector.broadcast %and3A_352 : i32 to vector<16xi32>
      %and3A_354 = arith.andi %xor3A_351, %and3A_353 : vector<16xi32>
      %and3A_355 = arith.constant 524160 : i32
      %and3A_356 = vector.broadcast %and3A_355 : i32 to vector<16xi32>
      %and3A_357 = arith.andi %and3A_354, %and3A_356 : vector<16xi32>
      %shift_left3A_358 = arith.constant 1 : i32
      %shift_left3A_359 = vector.broadcast %shift_left3A_358 : i32 to vector<16xi32>
      %shift_left3A_360 = arith.shli %and3A_357, %shift_left3A_359 : vector<16xi32>
      %and3A_361 = arith.constant 127 : i32
      %and3A_362 = vector.broadcast %and3A_361 : i32 to vector<16xi32>
      %and3A_363 = arith.andi %and3A_354, %and3A_362 : vector<16xi32>
      %or3A_364 = arith.ori %shift_left3A_360, %and3A_363 : vector<16xi32>
      %or3A_365 = arith.ori %or3A_364, %bitcast3A : vector<16xi32>
      %bitcast3A_366 = vector.bitcast %or3A_365 : vector<16xi32> to vector<16xi32>
      %add3A_367 = arith.constant 768 : i32
      %add3A_368 = arith.addi %add3A_367, %mul3A_196 : i32
      %swap3A_369 = arith.index_cast %add3A_368 : i32 to index
      %swap3A_370 = tpu.vector_load %arg10[%swap3A_369] {strides = array<i32>} : memref<4096xi32, #tpu.memory_space<vmem>>, vector<16xi32>,
      %swap3A_371 = vector.shape_cast %swap3A_370 : vector<16xi32> to vector<16xi32>
      %swap3A_372 = vector.shape_cast %bitcast3A_366 : vector<16xi32> to vector<16xi32>
      tpu.vector_store %arg10[%swap3A_369], %swap3A_372 {strides = array<i32>} : memref<4096xi32, #tpu.memory_space<vmem>>, vector<16xi32>,
      %add3A_373 = arith.constant 128 : i32
      %add3A_374 = vector.broadcast %add3A_373 : i32 to vector<16xi32>
      %add3A_375 = arith.addi %bitcast3A_366, %add3A_374 : vector<16xi32>
      %add3A_376 = arith.constant 2816 : i32
      %add3A_377 = arith.addi %add3A_376, %mul3A_196 : i32
      %swap3A_378 = arith.index_cast %add3A_377 : i32 to index
      %swap3A_379 = tpu.vector_load %arg10[%swap3A_378] {strides = array<i32>} : memref<4096xi32, #tpu.memory_space<vmem>>, vector<16xi32>,
      %swap3A_380 = vector.shape_cast %swap3A_379 : vector<16xi32> to vector<16xi32>
      %swap3A_381 = vector.shape_cast %add3A_375 : vector<16xi32> to vector<16xi32>
      tpu.vector_store %arg10[%swap3A_378], %swap3A_381 {strides = array<i32>} : memref<4096xi32, #tpu.memory_space<vmem>>, vector<16xi32>,
      %xor3A_382 = arith.xori %xor3A_258, %mul3A_253 : vector<16xi32>
      %and3A_383 = arith.constant 524287 : i32
      %and3A_384 = vector.broadcast %and3A_383 : i32 to vector<16xi32>
      %and3A_385 = arith.andi %xor3A_382, %and3A_384 : vector<16xi32>
      %and3A_386 = arith.constant 524160 : i32
      %and3A_387 = vector.broadcast %and3A_386 : i32 to vector<16xi32>
      %and3A_388 = arith.andi %and3A_385, %and3A_387 : vector<16xi32>
      %shift_left3A_389 = arith.constant 1 : i32
      %shift_left3A_390 = vector.broadcast %shift_left3A_389 : i32 to vector<16xi32>
      %shift_left3A_391 = arith.shli %and3A_388, %shift_left3A_390 : vector<16xi32>
      %and3A_392 = arith.constant 127 : i32
      %and3A_393 = vector.broadcast %and3A_392 : i32 to vector<16xi32>
      %and3A_394 = arith.andi %and3A_385, %and3A_393 : vector<16xi32>
      %or3A_395 = arith.ori %shift_left3A_391, %and3A_394 : vector<16xi32>
      %or3A_396 = arith.ori %or3A_395, %bitcast3A : vector<16xi32>
      %bitcast3A_397 = vector.bitcast %or3A_396 : vector<16xi32> to vector<16xi32>
      %add3A_398 = arith.constant 1024 : i32
      %add3A_399 = arith.addi %add3A_398, %mul3A_196 : i32
      %swap3A_400 = arith.index_cast %add3A_399 : i32 to index
      %swap3A_401 = tpu.vector_load %arg10[%swap3A_400] {strides = array<i32>} : memref<4096xi32, #tpu.memory_space<vmem>>, vector<16xi32>,
      %swap3A_402 = vector.shape_cast %swap3A_401 : vector<16xi32> to vector<16xi32>
      %swap3A_403 = vector.shape_cast %bitcast3A_397 : vector<16xi32> to vector<16xi32>
      tpu.vector_store %arg10[%swap3A_400], %swap3A_403 {strides = array<i32>} : memref<4096xi32, #tpu.memory_space<vmem>>, vector<16xi32>,
      %add3A_404 = arith.constant 128 : i32
      %add3A_405 = vector.broadcast %add3A_404 : i32 to vector<16xi32>
      %add3A_406 = arith.addi %bitcast3A_397, %add3A_405 : vector<16xi32>
      %add3A_407 = arith.constant 3072 : i32
      %add3A_408 = arith.addi %add3A_407, %mul3A_196 : i32
      %swap3A_409 = arith.index_cast %add3A_408 : i32 to index
      %swap3A_410 = tpu.vector_load %arg10[%swap3A_409] {strides = array<i32>} : memref<4096xi32, #tpu.memory_space<vmem>>, vector<16xi32>,
      %swap3A_411 = vector.shape_cast %swap3A_410 : vector<16xi32> to vector<16xi32>
      %swap3A_412 = vector.shape_cast %add3A_406 : vector<16xi32> to vector<16xi32>
      tpu.vector_store %arg10[%swap3A_409], %swap3A_412 {strides = array<i32>} : memref<4096xi32, #tpu.memory_space<vmem>>, vector<16xi32>,
      %xor3A_413 = arith.xori %xor3A_258, %add3A_256 : vector<16xi32>
      %and3A_414 = arith.constant 524287 : i32
      %and3A_415 = vector.broadcast %and3A_414 : i32 to vector<16xi32>
      %and3A_416 = arith.andi %xor3A_413, %and3A_415 : vector<16xi32>
      %and3A_417 = arith.constant 524160 : i32
      %and3A_418 = vector.broadcast %and3A_417 : i32 to vector<16xi32>
      %and3A_419 = arith.andi %and3A_416, %and3A_418 : vector<16xi32>
      %shift_left3A_420 = arith.constant 1 : i32
      %shift_left3A_421 = vector.broadcast %shift_left3A_420 : i32 to vector<16xi32>
      %shift_left3A_422 = arith.shli %and3A_419, %shift_left3A_421 : vector<16xi32>
      %and3A_423 = arith.constant 127 : i32
      %and3A_424 = vector.broadcast %and3A_423 : i32 to vector<16xi32>
      %and3A_425 = arith.andi %and3A_416, %and3A_424 : vector<16xi32>
      %or3A_426 = arith.ori %shift_left3A_422, %and3A_425 : vector<16xi32>
      %or3A_427 = arith.ori %or3A_426, %bitcast3A : vector<16xi32>
      %bitcast3A_428 = vector.bitcast %or3A_427 : vector<16xi32> to vector<16xi32>
      %add3A_429 = arith.constant 1280 : i32
      %add3A_430 = arith.addi %add3A_429, %mul3A_196 : i32
      %swap3A_431 = arith.index_cast %add3A_430 : i32 to index
      %swap3A_432 = tpu.vector_load %arg10[%swap3A_431] {strides = array<i32>} : memref<4096xi32, #tpu.memory_space<vmem>>, vector<16xi32>,
      %swap3A_433 = vector.shape_cast %swap3A_432 : vector<16xi32> to vector<16xi32>
      %swap3A_434 = vector.shape_cast %bitcast3A_428 : vector<16xi32> to vector<16xi32>
      tpu.vector_store %arg10[%swap3A_431], %swap3A_434 {strides = array<i32>} : memref<4096xi32, #tpu.memory_space<vmem>>, vector<16xi32>,
      %add3A_435 = arith.constant 128 : i32
      %add3A_436 = vector.broadcast %add3A_435 : i32 to vector<16xi32>
      %add3A_437 = arith.addi %bitcast3A_428, %add3A_436 : vector<16xi32>
      %add3A_438 = arith.constant 3328 : i32
      %add3A_439 = arith.addi %add3A_438, %mul3A_196 : i32
      %swap3A_440 = arith.index_cast %add3A_439 : i32 to index
      %swap3A_441 = tpu.vector_load %arg10[%swap3A_440] {strides = array<i32>} : memref<4096xi32, #tpu.memory_space<vmem>>, vector<16xi32>,
      %swap3A_442 = vector.shape_cast %swap3A_441 : vector<16xi32> to vector<16xi32>
      %swap3A_443 = vector.shape_cast %add3A_437 : vector<16xi32> to vector<16xi32>
      tpu.vector_store %arg10[%swap3A_440], %swap3A_443 {strides = array<i32>} : memref<4096xi32, #tpu.memory_space<vmem>>, vector<16xi32>,
      %xor3A_444 = arith.xori %xor3A_259, %mul3A_253 : vector<16xi32>
      %and3A_445 = arith.constant 524287 : i32
      %and3A_446 = vector.broadcast %and3A_445 : i32 to vector<16xi32>
      %and3A_447 = arith.andi %xor3A_444, %and3A_446 : vector<16xi32>
      %and3A_448 = arith.constant 524160 : i32
      %and3A_449 = vector.broadcast %and3A_448 : i32 to vector<16xi32>
      %and3A_450 = arith.andi %and3A_447, %and3A_449 : vector<16xi32>
      %shift_left3A_451 = arith.constant 1 : i32
      %shift_left3A_452 = vector.broadcast %shift_left3A_451 : i32 to vector<16xi32>
      %shift_left3A_453 = arith.shli %and3A_450, %shift_left3A_452 : vector<16xi32>
      %and3A_454 = arith.constant 127 : i32
      %and3A_455 = vector.broadcast %and3A_454 : i32 to vector<16xi32>
      %and3A_456 = arith.andi %and3A_447, %and3A_455 : vector<16xi32>
      %or3A_457 = arith.ori %shift_left3A_453, %and3A_456 : vector<16xi32>
      %or3A_458 = arith.ori %or3A_457, %bitcast3A : vector<16xi32>
      %bitcast3A_459 = vector.bitcast %or3A_458 : vector<16xi32> to vector<16xi32>
      %add3A_460 = arith.constant 1536 : i32
      %add3A_461 = arith.addi %add3A_460, %mul3A_196 : i32
      %swap3A_462 = arith.index_cast %add3A_461 : i32 to index
      %swap3A_463 = tpu.vector_load %arg10[%swap3A_462] {strides = array<i32>} : memref<4096xi32, #tpu.memory_space<vmem>>, vector<16xi32>,
      %swap3A_464 = vector.shape_cast %swap3A_463 : vector<16xi32> to vector<16xi32>
      %swap3A_465 = vector.shape_cast %bitcast3A_459 : vector<16xi32> to vector<16xi32>
      tpu.vector_store %arg10[%swap3A_462], %swap3A_465 {strides = array<i32>} : memref<4096xi32, #tpu.memory_space<vmem>>, vector<16xi32>,
      %add3A_466 = arith.constant 128 : i32
      %add3A_467 = vector.broadcast %add3A_466 : i32 to vector<16xi32>
      %add3A_468 = arith.addi %bitcast3A_459, %add3A_467 : vector<16xi32>
      %add3A_469 = arith.constant 3584 : i32
      %add3A_470 = arith.addi %add3A_469, %mul3A_196 : i32
      %swap3A_471 = arith.index_cast %add3A_470 : i32 to index
      %swap3A_472 = tpu.vector_load %arg10[%swap3A_471] {strides = array<i32>} : memref<4096xi32, #tpu.memory_space<vmem>>, vector<16xi32>,
      %swap3A_473 = vector.shape_cast %swap3A_472 : vector<16xi32> to vector<16xi32>
      %swap3A_474 = vector.shape_cast %add3A_468 : vector<16xi32> to vector<16xi32>
      tpu.vector_store %arg10[%swap3A_471], %swap3A_474 {strides = array<i32>} : memref<4096xi32, #tpu.memory_space<vmem>>, vector<16xi32>,
      %xor3A_475 = arith.xori %xor3A_259, %add3A_256 : vector<16xi32>
      %and3A_476 = arith.constant 524287 : i32
      %and3A_477 = vector.broadcast %and3A_476 : i32 to vector<16xi32>
      %and3A_478 = arith.andi %xor3A_475, %and3A_477 : vector<16xi32>
      %and3A_479 = arith.constant 524160 : i32
      %and3A_480 = vector.broadcast %and3A_479 : i32 to vector<16xi32>
      %and3A_481 = arith.andi %and3A_478, %and3A_480 : vector<16xi32>
      %shift_left3A_482 = arith.constant 1 : i32
      %shift_left3A_483 = vector.broadcast %shift_left3A_482 : i32 to vector<16xi32>
      %shift_left3A_484 = arith.shli %and3A_481, %shift_left3A_483 : vector<16xi32>
      %and3A_485 = arith.constant 127 : i32
      %and3A_486 = vector.broadcast %and3A_485 : i32 to vector<16xi32>
      %and3A_487 = arith.andi %and3A_478, %and3A_486 : vector<16xi32>
      %or3A_488 = arith.ori %shift_left3A_484, %and3A_487 : vector<16xi32>
      %or3A_489 = arith.ori %or3A_488, %bitcast3A : vector<16xi32>
      %bitcast3A_490 = vector.bitcast %or3A_489 : vector<16xi32> to vector<16xi32>
      %add3A_491 = arith.constant 1792 : i32
      %add3A_492 = arith.addi %add3A_491, %mul3A_196 : i32
      %swap3A_493 = arith.index_cast %add3A_492 : i32 to index
      %swap3A_494 = tpu.vector_load %arg10[%swap3A_493] {strides = array<i32>} : memref<4096xi32, #tpu.memory_space<vmem>>, vector<16xi32>,
      %swap3A_495 = vector.shape_cast %swap3A_494 : vector<16xi32> to vector<16xi32>
      %swap3A_496 = vector.shape_cast %bitcast3A_490 : vector<16xi32> to vector<16xi32>
      tpu.vector_store %arg10[%swap3A_493], %swap3A_496 {strides = array<i32>} : memref<4096xi32, #tpu.memory_space<vmem>>, vector<16xi32>,
      %add3A_497 = arith.constant 128 : i32
      %add3A_498 = vector.broadcast %add3A_497 : i32 to vector<16xi32>
      %add3A_499 = arith.addi %bitcast3A_490, %add3A_498 : vector<16xi32>
      %add3A_500 = arith.constant 3840 : i32
      %add3A_501 = arith.addi %add3A_500, %mul3A_196 : i32
      %swap3A_502 = arith.index_cast %add3A_501 : i32 to index
      %swap3A_503 = tpu.vector_load %arg10[%swap3A_502] {strides = array<i32>} : memref<4096xi32, #tpu.memory_space<vmem>>, vector<16xi32>,
      %swap3A_504 = vector.shape_cast %swap3A_503 : vector<16xi32> to vector<16xi32>
      %swap3A_505 = vector.shape_cast %add3A_499 : vector<16xi32> to vector<16xi32>
      tpu.vector_store %arg10[%swap3A_502], %swap3A_505 {strides = array<i32>} : memref<4096xi32, #tpu.memory_space<vmem>>, vector<16xi32>,
    }
    %scan3A_95 = arith.constant 16 : i32
    %dma_start3A_96 = arith.constant 0 : i32
    %dma_start3A_97 = tpu.memref_slice %arg13[%dma_start3A_96] : memref<4096xf32, #tpu.memory_space<vmem>> -> memref<2048xf32, #tpu.memory_space<vmem>>
    %dma_start3A_98 = arith.constant 0 : i32
    %dma_start3A_99 = tpu.memref_slice %arg10[%dma_start3A_98] : memref<4096xi32, #tpu.memory_space<vmem>> -> memref<2048xi32, #tpu.memory_space<vmem>>
    %dma_start3A_100 = arith.constant 0 : i32
    %dma_start3A_101 = tpu.memref_slice %arg3[%dma_start3A_100] : memref<8388608xf32, #tpu.memory_space<hbm>> -> memref<8388608xf32, #tpu.memory_space<hbm>>
    tpu.enqueue_indirect_dma source(%dma_start3A_101 : memref<8388608xf32, #tpu.memory_space<hbm>>) target(%dma_start3A_97 : memref<2048xf32, #tpu.memory_space<vmem>>) offsets(%dma_start3A_99 : memref<2048xi32, #tpu.memory_space<vmem>>) semaphore(%arg17 : memref<!tpu.dma_semaphore, #tpu.memory_space<semaphore_mem>>)
    %dma_start3A_102 = arith.constant 2048 : i32
    %dma_start3A_103 = tpu.memref_slice %arg13[%dma_start3A_102] : memref<4096xf32, #tpu.memory_space<vmem>> -> memref<2048xf32, #tpu.memory_space<vmem>>
    %dma_start3A_104 = arith.constant 2048 : i32
    %dma_start3A_105 = tpu.memref_slice %arg10[%dma_start3A_104] : memref<4096xi32, #tpu.memory_space<vmem>> -> memref<2048xi32, #tpu.memory_space<vmem>>
    %dma_start3A_106 = arith.constant 0 : i32
    %dma_start3A_107 = tpu.memref_slice %arg3[%dma_start3A_106] : memref<8388608xf32, #tpu.memory_space<hbm>> -> memref<8388608xf32, #tpu.memory_space<hbm>>
    tpu.enqueue_indirect_dma source(%dma_start3A_107 : memref<8388608xf32, #tpu.memory_space<hbm>>) target(%dma_start3A_103 : memref<2048xf32, #tpu.memory_space<vmem>>) offsets(%dma_start3A_105 : memref<2048xi32, #tpu.memory_space<vmem>>) semaphore(%arg17 : memref<!tpu.dma_semaphore, #tpu.memory_space<semaphore_mem>>)
    %broadcast_in_dim3A_108 = arith.constant 0 : i32
    %broadcast_in_dim3A_109 = vector.broadcast %broadcast_in_dim3A_108 : i32 to vector<16xi32>
    %add3A_110 = arith.constant 1 : i32
    %add3A_111 = vector.broadcast %add3A_110 : i32 to vector<16xi32>
    %add3A_112 = arith.addi %broadcast_in_dim3A_109, %add3A_111 : vector<16xi32>
    %add3A_113 = arith.constant 4 : i32
    %add3A_114 = vector.broadcast %add3A_113 : i32 to vector<16xi32>
    %add3A_115 = arith.addi %add3A_112, %add3A_114 : vector<16xi32>
    %shift_left3A_116 = arith.constant 1 : i32
    %shift_left3A_117 = vector.broadcast %shift_left3A_116 : i32 to vector<16xi32>
    %shift_left3A_118 = arith.shli %shift_left3A_117, %add3A_115 : vector<16xi32>
    %convert_element_type3A_119 = arith.sitofp %shift_left3A_118 : vector<16xi32> to vector<16xf32>
    %shift_left3A_120 = arith.constant 20 : i32
    %shift_left3A_121 = vector.broadcast %shift_left3A_120 : i32 to vector<16xi32>
    %shift_left3A_122 = arith.shli %add3A_112, %shift_left3A_121 : vector<16xi32>
    %bitcast3A_123 = vector.bitcast %shift_left3A_122 : vector<16xi32> to vector<16xi32>
    %scan3A_124 = arith.constant 0 : i32
    %scan3A_125 = arith.constant 0 : i32
    %scan3A_126 = arith.constant 16 : i32
    %scan3A_127 = arith.addi %scan3A_125, %scan3A_126 : i32
    %scan3A_128 = arith.constant 1 : i32
    scf.for %scan3A_194 = %scan3A_125 to %scan3A_127 step %scan3A_128  : i32 {
      %mul3A_195 = arith.constant 16 : i32
      %mul3A_196 = arith.muli %mul3A_195, %scan3A_194 : i32
      %add3A_197 = arith.constant 0 : i32
      %add3A_198 = arith.addi %add3A_197, %mul3A_196 : i32
      %get3A = arith.index_cast %add3A_198 : i32 to index
      %get3A_199 = tpu.vector_load %arg5[%get3A] {strides = array<i32>} : memref<12288xf32, #tpu.memory_space<vmem>>, vector<16xf32>,
      %get3A_200 = vector.shape_cast %get3A_199 : vector<16xf32> to vector<16xf32>
      %mul3A_201 = arith.mulf %get3A_200, %convert_element_type3A_119 : vector<16xf32>
      %add3A_202 = arith.constant 4096 : i32
      %add3A_203 = arith.addi %add3A_202, %mul3A_196 : i32
      %get3A_204 = arith.index_cast %add3A_203 : i32 to index
      %get3A_205 = tpu.vector_load %arg5[%get3A_204] {strides = array<i32>} : memref<12288xf32, #tpu.memory_space<vmem>>, vector<16xf32>,
      %get3A_206 = vector.shape_cast %get3A_205 : vector<16xf32> to vector<16xf32>
      %mul3A_207 = arith.mulf %get3A_206, %convert_element_type3A_119 : vector<16xf32>
      %add3A_208 = arith.constant 8192 : i32
      %add3A_209 = arith.addi %add3A_208, %mul3A_196 : i32
      %get3A_210 = arith.index_cast %add3A_209 : i32 to index
      %get3A_211 = tpu.vector_load %arg5[%get3A_210] {strides = array<i32>} : memref<12288xf32, #tpu.memory_space<vmem>>, vector<16xf32>,
      %get3A_212 = vector.shape_cast %get3A_211 : vector<16xf32> to vector<16xf32>
      %mul3A_213 = arith.mulf %get3A_212, %convert_element_type3A_119 : vector<16xf32>
      %convert_element_type3A_214 = arith.fptosi %mul3A_201 : vector<16xf32> to vector<16xi32>
      %convert_element_type3A_215 = arith.fptosi %mul3A_207 : vector<16xf32> to vector<16xi32>
      %convert_element_type3A_216 = arith.fptosi %mul3A_213 : vector<16xf32> to vector<16xi32>
      %convert_element_type3A_217 = arith.sitofp %convert_element_type3A_214 : vector<16xi32> to vector<16xf32>
      %sub3A = arith.subf %mul3A_201, %convert_element_type3A_217 : vector<16xf32>
      %swap3A = arith.constant 0 : i32
      %swap3A_218 = arith.index_cast %swap3A : i32 to index
      %swap3A_219 = arith.index_cast %mul3A_196 : i32 to index
      %swap3A_220 = tpu.vector_load %arg8[%swap3A_218, %swap3A_219] {strides = array<i32>} : memref<3x256xf32, #tpu.memory_space<vmem>>, vector<1x16xf32>,
      %swap3A_221 = vector.shape_cast %swap3A_220 : vector<1x16xf32> to vector<16xf32>
      %swap3A_222 = vector.shape_cast %sub3A : vector<16xf32> to vector<1x16xf32>
      tpu.vector_store %arg8[%swap3A_218, %swap3A_219], %swap3A_222 {strides = array<i32>} : memref<3x256xf32, #tpu.memory_space<vmem>>, vector<1x16xf32>,
      %convert_element_type3A_223 = arith.sitofp %convert_element_type3A_215 : vector<16xi32> to vector<16xf32>
      %sub3A_224 = arith.subf %mul3A_207, %convert_element_type3A_223 : vector<16xf32>
      %swap3A_225 = arith.constant 1 : i32
      %swap3A_226 = arith.index_cast %swap3A_225 : i32 to index
      %swap3A_227 = arith.index_cast %mul3A_196 : i32 to index
      %swap3A_228 = tpu.vector_load %arg8[%swap3A_226, %swap3A_227] {strides = array<i32>} : memref<3x256xf32, #tpu.memory_space<vmem>>, vector<1x16xf32>,
      %swap3A_229 = vector.shape_cast %swap3A_228 : vector<1x16xf32> to vector<16xf32>
      %swap3A_230 = vector.shape_cast %sub3A_224 : vector<16xf32> to vector<1x16xf32>
      tpu.vector_store %arg8[%swap3A_226, %swap3A_227], %swap3A_230 {strides = array<i32>} : memref<3x256xf32, #tpu.memory_space<vmem>>, vector<1x16xf32>,
      %convert_element_type3A_231 = arith.sitofp %convert_element_type3A_216 : vector<16xi32> to vector<16xf32>
      %sub3A_232 = arith.subf %mul3A_213, %convert_element_type3A_231 : vector<16xf32>
      %swap3A_233 = arith.constant 2 : i32
      %swap3A_234 = arith.index_cast %swap3A_233 : i32 to index
      %swap3A_235 = arith.index_cast %mul3A_196 : i32 to index
      %swap3A_236 = tpu.vector_load %arg8[%swap3A_234, %swap3A_235] {strides = array<i32>} : memref<3x256xf32, #tpu.memory_space<vmem>>, vector<1x16xf32>,
      %swap3A_237 = vector.shape_cast %swap3A_236 : vector<1x16xf32> to vector<16xf32>
      %swap3A_238 = vector.shape_cast %sub3A_232 : vector<16xf32> to vector<1x16xf32>
      tpu.vector_store %arg8[%swap3A_234, %swap3A_235], %swap3A_238 {strides = array<i32>} : memref<3x256xf32, #tpu.memory_space<vmem>>, vector<1x16xf32>,
      %bitcast3A_239 = vector.bitcast %convert_element_type3A_214 : vector<16xi32> to vector<16xi32>
      %add3A_240 = arith.constant 1 : i32
      %add3A_241 = vector.broadcast %add3A_240 : i32 to vector<16xi32>
      %add3A_242 = arith.addi %bitcast3A_239, %add3A_241 : vector<16xi32>
      %bitcast3A_243 = vector.bitcast %convert_element_type3A_215 : vector<16xi32> to vector<16xi32>
      %mul3A_244 = arith.constant -1640531535 : i32
      %mul3A_245 = vector.broadcast %mul3A_244 : i32 to vector<16xi32>
      %mul3A_246 = arith.muli %bitcast3A_243, %mul3A_245 : vector<16xi32>
      %add3A_247 = arith.constant -1640531535 : i32
      %add3A_248 = vector.broadcast %add3A_247 : i32 to vector<16xi32>
      %add3A_249 = arith.addi %mul3A_246, %add3A_248 : vector<16xi32>
      %bitcast3A_250 = vector.bitcast %convert_element_type3A_216 : vector<16xi32> to vector<16xi32>
      %mul3A_251 = arith.constant 805459861 : i32
      %mul3A_252 = vector.broadcast %mul3A_251 : i32 to vector<16xi32>
      %mul3A_253 = arith.muli %bitcast3A_250, %mul3A_252 : vector<16xi32>
      %add3A_254 = arith.constant 805459861 : i32
      %add3A_255 = vector.broadcast %add3A_254 : i32 to vector<16xi32>
      %add3A_256 = arith.addi %mul3A_253, %add3A_255 : vector<16xi32>
      %xor3A = arith.xori %bitcast3A_239, %mul3A_246 : vector<16xi32>
      %xor3A_257 = arith.xori %bitcast3A_239, %add3A_249 : vector<16xi32>
      %xor3A_258 = arith.xori %add3A_242, %mul3A_246 : vector<16xi32>
      %xor3A_259 = arith.xori %add3A_242, %add3A_249 : vector<16xi32>
      %xor3A_260 = arith.xori %xor3A, %mul3A_253 : vector<16xi32>
      %and3A = arith.constant 524287 : i32
      %and3A_261 = vector.broadcast %and3A : i32 to vector<16xi32>
      %and3A_262 = arith.andi %xor3A_260, %and3A_261 : vector<16xi32>
      %and3A_263 = arith.constant 524160 : i32
      %and3A_264 = vector.broadcast %and3A_263 : i32 to vector<16xi32>
      %and3A_265 = arith.andi %and3A_262, %and3A_264 : vector<16xi32>
      %shift_left3A_266 = arith.constant 1 : i32
      %shift_left3A_267 = vector.broadcast %shift_left3A_266 : i32 to vector<16xi32>
      %shift_left3A_268 = arith.shli %and3A_265, %shift_left3A_267 : vector<16xi32>
      %and3A_269 = arith.constant 127 : i32
      %and3A_270 = vector.broadcast %and3A_269 : i32 to vector<16xi32>
      %and3A_271 = arith.andi %and3A_262, %and3A_270 : vector<16xi32>
      %or3A = arith.ori %shift_left3A_268, %and3A_271 : vector<16xi32>
      %or3A_272 = arith.ori %or3A, %bitcast3A_123 : vector<16xi32>
      %bitcast3A_273 = vector.bitcast %or3A_272 : vector<16xi32> to vector<16xi32>
      %add3A_274 = arith.constant 0 : i32
      %add3A_275 = arith.addi %add3A_274, %mul3A_196 : i32
      %swap3A_276 = arith.index_cast %add3A_275 : i32 to index
      %swap3A_277 = tpu.vector_load %arg11[%swap3A_276] {strides = array<i32>} : memref<4096xi32, #tpu.memory_space<vmem>>, vector<16xi32>,
      %swap3A_278 = vector.shape_cast %swap3A_277 : vector<16xi32> to vector<16xi32>
      %swap3A_279 = vector.shape_cast %bitcast3A_273 : vector<16xi32> to vector<16xi32>
      tpu.vector_store %arg11[%swap3A_276], %swap3A_279 {strides = array<i32>} : memref<4096xi32, #tpu.memory_space<vmem>>, vector<16xi32>,
      %add3A_280 = arith.constant 128 : i32
      %add3A_281 = vector.broadcast %add3A_280 : i32 to vector<16xi32>
      %add3A_282 = arith.addi %bitcast3A_273, %add3A_281 : vector<16xi32>
      %add3A_283 = arith.constant 2048 : i32
      %add3A_284 = arith.addi %add3A_283, %mul3A_196 : i32
      %swap3A_285 = arith.index_cast %add3A_284 : i32 to index
      %swap3A_286 = tpu.vector_load %arg11[%swap3A_285] {strides = array<i32>} : memref<4096xi32, #tpu.memory_space<vmem>>, vector<16xi32>,
      %swap3A_287 = vector.shape_cast %swap3A_286 : vector<16xi32> to vector<16xi32>
      %swap3A_288 = vector.shape_cast %add3A_282 : vector<16xi32> to vector<16xi32>
      tpu.vector_store %arg11[%swap3A_285], %swap3A_288 {strides = array<i32>} : memref<4096xi32, #tpu.memory_space<vmem>>, vector<16xi32>,
      %xor3A_289 = arith.xori %xor3A, %add3A_256 : vector<16xi32>
      %and3A_290 = arith.constant 524287 : i32
      %and3A_291 = vector.broadcast %and3A_290 : i32 to vector<16xi32>
      %and3A_292 = arith.andi %xor3A_289, %and3A_291 : vector<16xi32>
      %and3A_293 = arith.constant 524160 : i32
      %and3A_294 = vector.broadcast %and3A_293 : i32 to vector<16xi32>
      %and3A_295 = arith.andi %and3A_292, %and3A_294 : vector<16xi32>
      %shift_left3A_296 = arith.constant 1 : i32
      %shift_left3A_297 = vector.broadcast %shift_left3A_296 : i32 to vector<16xi32>
      %shift_left3A_298 = arith.shli %and3A_295, %shift_left3A_297 : vector<16xi32>
      %and3A_299 = arith.constant 127 : i32
      %and3A_300 = vector.broadcast %and3A_299 : i32 to vector<16xi32>
      %and3A_301 = arith.andi %and3A_292, %and3A_300 : vector<16xi32>
      %or3A_302 = arith.ori %shift_left3A_298, %and3A_301 : vector<16xi32>
      %or3A_303 = arith.ori %or3A_302, %bitcast3A_123 : vector<16xi32>
      %bitcast3A_304 = vector.bitcast %or3A_303 : vector<16xi32> to vector<16xi32>
      %add3A_305 = arith.constant 256 : i32
      %add3A_306 = arith.addi %add3A_305, %mul3A_196 : i32
      %swap3A_307 = arith.index_cast %add3A_306 : i32 to index
      %swap3A_308 = tpu.vector_load %arg11[%swap3A_307] {strides = array<i32>} : memref<4096xi32, #tpu.memory_space<vmem>>, vector<16xi32>,
      %swap3A_309 = vector.shape_cast %swap3A_308 : vector<16xi32> to vector<16xi32>
      %swap3A_310 = vector.shape_cast %bitcast3A_304 : vector<16xi32> to vector<16xi32>
      tpu.vector_store %arg11[%swap3A_307], %swap3A_310 {strides = array<i32>} : memref<4096xi32, #tpu.memory_space<vmem>>, vector<16xi32>,
      %add3A_311 = arith.constant 128 : i32
      %add3A_312 = vector.broadcast %add3A_311 : i32 to vector<16xi32>
      %add3A_313 = arith.addi %bitcast3A_304, %add3A_312 : vector<16xi32>
      %add3A_314 = arith.constant 2304 : i32
      %add3A_315 = arith.addi %add3A_314, %mul3A_196 : i32
      %swap3A_316 = arith.index_cast %add3A_315 : i32 to index
      %swap3A_317 = tpu.vector_load %arg11[%swap3A_316] {strides = array<i32>} : memref<4096xi32, #tpu.memory_space<vmem>>, vector<16xi32>,
      %swap3A_318 = vector.shape_cast %swap3A_317 : vector<16xi32> to vector<16xi32>
      %swap3A_319 = vector.shape_cast %add3A_313 : vector<16xi32> to vector<16xi32>
      tpu.vector_store %arg11[%swap3A_316], %swap3A_319 {strides = array<i32>} : memref<4096xi32, #tpu.memory_space<vmem>>, vector<16xi32>,
      %xor3A_320 = arith.xori %xor3A_257, %mul3A_253 : vector<16xi32>
      %and3A_321 = arith.constant 524287 : i32
      %and3A_322 = vector.broadcast %and3A_321 : i32 to vector<16xi32>
      %and3A_323 = arith.andi %xor3A_320, %and3A_322 : vector<16xi32>
      %and3A_324 = arith.constant 524160 : i32
      %and3A_325 = vector.broadcast %and3A_324 : i32 to vector<16xi32>
      %and3A_326 = arith.andi %and3A_323, %and3A_325 : vector<16xi32>
      %shift_left3A_327 = arith.constant 1 : i32
      %shift_left3A_328 = vector.broadcast %shift_left3A_327 : i32 to vector<16xi32>
      %shift_left3A_329 = arith.shli %and3A_326, %shift_left3A_328 : vector<16xi32>
      %and3A_330 = arith.constant 127 : i32
      %and3A_331 = vector.broadcast %and3A_330 : i32 to vector<16xi32>
      %and3A_332 = arith.andi %and3A_323, %and3A_331 : vector<16xi32>
      %or3A_333 = arith.ori %shift_left3A_329, %and3A_332 : vector<16xi32>
      %or3A_334 = arith.ori %or3A_333, %bitcast3A_123 : vector<16xi32>
      %bitcast3A_335 = vector.bitcast %or3A_334 : vector<16xi32> to vector<16xi32>
      %add3A_336 = arith.constant 512 : i32
      %add3A_337 = arith.addi %add3A_336, %mul3A_196 : i32
      %swap3A_338 = arith.index_cast %add3A_337 : i32 to index
      %swap3A_339 = tpu.vector_load %arg11[%swap3A_338] {strides = array<i32>} : memref<4096xi32, #tpu.memory_space<vmem>>, vector<16xi32>,
      %swap3A_340 = vector.shape_cast %swap3A_339 : vector<16xi32> to vector<16xi32>
      %swap3A_341 = vector.shape_cast %bitcast3A_335 : vector<16xi32> to vector<16xi32>
      tpu.vector_store %arg11[%swap3A_338], %swap3A_341 {strides = array<i32>} : memref<4096xi32, #tpu.memory_space<vmem>>, vector<16xi32>,
      %add3A_342 = arith.constant 128 : i32
      %add3A_343 = vector.broadcast %add3A_342 : i32 to vector<16xi32>
      %add3A_344 = arith.addi %bitcast3A_335, %add3A_343 : vector<16xi32>
      %add3A_345 = arith.constant 2560 : i32
      %add3A_346 = arith.addi %add3A_345, %mul3A_196 : i32
      %swap3A_347 = arith.index_cast %add3A_346 : i32 to index
      %swap3A_348 = tpu.vector_load %arg11[%swap3A_347] {strides = array<i32>} : memref<4096xi32, #tpu.memory_space<vmem>>, vector<16xi32>,
      %swap3A_349 = vector.shape_cast %swap3A_348 : vector<16xi32> to vector<16xi32>
      %swap3A_350 = vector.shape_cast %add3A_344 : vector<16xi32> to vector<16xi32>
      tpu.vector_store %arg11[%swap3A_347], %swap3A_350 {strides = array<i32>} : memref<4096xi32, #tpu.memory_space<vmem>>, vector<16xi32>,
      %xor3A_351 = arith.xori %xor3A_257, %add3A_256 : vector<16xi32>
      %and3A_352 = arith.constant 524287 : i32
      %and3A_353 = vector.broadcast %and3A_352 : i32 to vector<16xi32>
      %and3A_354 = arith.andi %xor3A_351, %and3A_353 : vector<16xi32>
      %and3A_355 = arith.constant 524160 : i32
      %and3A_356 = vector.broadcast %and3A_355 : i32 to vector<16xi32>
      %and3A_357 = arith.andi %and3A_354, %and3A_356 : vector<16xi32>
      %shift_left3A_358 = arith.constant 1 : i32
      %shift_left3A_359 = vector.broadcast %shift_left3A_358 : i32 to vector<16xi32>
      %shift_left3A_360 = arith.shli %and3A_357, %shift_left3A_359 : vector<16xi32>
      %and3A_361 = arith.constant 127 : i32
      %and3A_362 = vector.broadcast %and3A_361 : i32 to vector<16xi32>
      %and3A_363 = arith.andi %and3A_354, %and3A_362 : vector<16xi32>
      %or3A_364 = arith.ori %shift_left3A_360, %and3A_363 : vector<16xi32>
      %or3A_365 = arith.ori %or3A_364, %bitcast3A_123 : vector<16xi32>
      %bitcast3A_366 = vector.bitcast %or3A_365 : vector<16xi32> to vector<16xi32>
      %add3A_367 = arith.constant 768 : i32
      %add3A_368 = arith.addi %add3A_367, %mul3A_196 : i32
      %swap3A_369 = arith.index_cast %add3A_368 : i32 to index
      %swap3A_370 = tpu.vector_load %arg11[%swap3A_369] {strides = array<i32>} : memref<4096xi32, #tpu.memory_space<vmem>>, vector<16xi32>,
      %swap3A_371 = vector.shape_cast %swap3A_370 : vector<16xi32> to vector<16xi32>
      %swap3A_372 = vector.shape_cast %bitcast3A_366 : vector<16xi32> to vector<16xi32>
      tpu.vector_store %arg11[%swap3A_369], %swap3A_372 {strides = array<i32>} : memref<4096xi32, #tpu.memory_space<vmem>>, vector<16xi32>,
      %add3A_373 = arith.constant 128 : i32
      %add3A_374 = vector.broadcast %add3A_373 : i32 to vector<16xi32>
      %add3A_375 = arith.addi %bitcast3A_366, %add3A_374 : vector<16xi32>
      %add3A_376 = arith.constant 2816 : i32
      %add3A_377 = arith.addi %add3A_376, %mul3A_196 : i32
      %swap3A_378 = arith.index_cast %add3A_377 : i32 to index
      %swap3A_379 = tpu.vector_load %arg11[%swap3A_378] {strides = array<i32>} : memref<4096xi32, #tpu.memory_space<vmem>>, vector<16xi32>,
      %swap3A_380 = vector.shape_cast %swap3A_379 : vector<16xi32> to vector<16xi32>
      %swap3A_381 = vector.shape_cast %add3A_375 : vector<16xi32> to vector<16xi32>
      tpu.vector_store %arg11[%swap3A_378], %swap3A_381 {strides = array<i32>} : memref<4096xi32, #tpu.memory_space<vmem>>, vector<16xi32>,
      %xor3A_382 = arith.xori %xor3A_258, %mul3A_253 : vector<16xi32>
      %and3A_383 = arith.constant 524287 : i32
      %and3A_384 = vector.broadcast %and3A_383 : i32 to vector<16xi32>
      %and3A_385 = arith.andi %xor3A_382, %and3A_384 : vector<16xi32>
      %and3A_386 = arith.constant 524160 : i32
      %and3A_387 = vector.broadcast %and3A_386 : i32 to vector<16xi32>
      %and3A_388 = arith.andi %and3A_385, %and3A_387 : vector<16xi32>
      %shift_left3A_389 = arith.constant 1 : i32
      %shift_left3A_390 = vector.broadcast %shift_left3A_389 : i32 to vector<16xi32>
      %shift_left3A_391 = arith.shli %and3A_388, %shift_left3A_390 : vector<16xi32>
      %and3A_392 = arith.constant 127 : i32
      %and3A_393 = vector.broadcast %and3A_392 : i32 to vector<16xi32>
      %and3A_394 = arith.andi %and3A_385, %and3A_393 : vector<16xi32>
      %or3A_395 = arith.ori %shift_left3A_391, %and3A_394 : vector<16xi32>
      %or3A_396 = arith.ori %or3A_395, %bitcast3A_123 : vector<16xi32>
      %bitcast3A_397 = vector.bitcast %or3A_396 : vector<16xi32> to vector<16xi32>
      %add3A_398 = arith.constant 1024 : i32
      %add3A_399 = arith.addi %add3A_398, %mul3A_196 : i32
      %swap3A_400 = arith.index_cast %add3A_399 : i32 to index
      %swap3A_401 = tpu.vector_load %arg11[%swap3A_400] {strides = array<i32>} : memref<4096xi32, #tpu.memory_space<vmem>>, vector<16xi32>,
      %swap3A_402 = vector.shape_cast %swap3A_401 : vector<16xi32> to vector<16xi32>
      %swap3A_403 = vector.shape_cast %bitcast3A_397 : vector<16xi32> to vector<16xi32>
      tpu.vector_store %arg11[%swap3A_400], %swap3A_403 {strides = array<i32>} : memref<4096xi32, #tpu.memory_space<vmem>>, vector<16xi32>,
      %add3A_404 = arith.constant 128 : i32
      %add3A_405 = vector.broadcast %add3A_404 : i32 to vector<16xi32>
      %add3A_406 = arith.addi %bitcast3A_397, %add3A_405 : vector<16xi32>
      %add3A_407 = arith.constant 3072 : i32
      %add3A_408 = arith.addi %add3A_407, %mul3A_196 : i32
      %swap3A_409 = arith.index_cast %add3A_408 : i32 to index
      %swap3A_410 = tpu.vector_load %arg11[%swap3A_409] {strides = array<i32>} : memref<4096xi32, #tpu.memory_space<vmem>>, vector<16xi32>,
      %swap3A_411 = vector.shape_cast %swap3A_410 : vector<16xi32> to vector<16xi32>
      %swap3A_412 = vector.shape_cast %add3A_406 : vector<16xi32> to vector<16xi32>
      tpu.vector_store %arg11[%swap3A_409], %swap3A_412 {strides = array<i32>} : memref<4096xi32, #tpu.memory_space<vmem>>, vector<16xi32>,
      %xor3A_413 = arith.xori %xor3A_258, %add3A_256 : vector<16xi32>
      %and3A_414 = arith.constant 524287 : i32
      %and3A_415 = vector.broadcast %and3A_414 : i32 to vector<16xi32>
      %and3A_416 = arith.andi %xor3A_413, %and3A_415 : vector<16xi32>
      %and3A_417 = arith.constant 524160 : i32
      %and3A_418 = vector.broadcast %and3A_417 : i32 to vector<16xi32>
      %and3A_419 = arith.andi %and3A_416, %and3A_418 : vector<16xi32>
      %shift_left3A_420 = arith.constant 1 : i32
      %shift_left3A_421 = vector.broadcast %shift_left3A_420 : i32 to vector<16xi32>
      %shift_left3A_422 = arith.shli %and3A_419, %shift_left3A_421 : vector<16xi32>
      %and3A_423 = arith.constant 127 : i32
      %and3A_424 = vector.broadcast %and3A_423 : i32 to vector<16xi32>
      %and3A_425 = arith.andi %and3A_416, %and3A_424 : vector<16xi32>
      %or3A_426 = arith.ori %shift_left3A_422, %and3A_425 : vector<16xi32>
      %or3A_427 = arith.ori %or3A_426, %bitcast3A_123 : vector<16xi32>
      %bitcast3A_428 = vector.bitcast %or3A_427 : vector<16xi32> to vector<16xi32>
      %add3A_429 = arith.constant 1280 : i32
      %add3A_430 = arith.addi %add3A_429, %mul3A_196 : i32
      %swap3A_431 = arith.index_cast %add3A_430 : i32 to index
      %swap3A_432 = tpu.vector_load %arg11[%swap3A_431] {strides = array<i32>} : memref<4096xi32, #tpu.memory_space<vmem>>, vector<16xi32>,
      %swap3A_433 = vector.shape_cast %swap3A_432 : vector<16xi32> to vector<16xi32>
      %swap3A_434 = vector.shape_cast %bitcast3A_428 : vector<16xi32> to vector<16xi32>
      tpu.vector_store %arg11[%swap3A_431], %swap3A_434 {strides = array<i32>} : memref<4096xi32, #tpu.memory_space<vmem>>, vector<16xi32>,
      %add3A_435 = arith.constant 128 : i32
      %add3A_436 = vector.broadcast %add3A_435 : i32 to vector<16xi32>
      %add3A_437 = arith.addi %bitcast3A_428, %add3A_436 : vector<16xi32>
      %add3A_438 = arith.constant 3328 : i32
      %add3A_439 = arith.addi %add3A_438, %mul3A_196 : i32
      %swap3A_440 = arith.index_cast %add3A_439 : i32 to index
      %swap3A_441 = tpu.vector_load %arg11[%swap3A_440] {strides = array<i32>} : memref<4096xi32, #tpu.memory_space<vmem>>, vector<16xi32>,
      %swap3A_442 = vector.shape_cast %swap3A_441 : vector<16xi32> to vector<16xi32>
      %swap3A_443 = vector.shape_cast %add3A_437 : vector<16xi32> to vector<16xi32>
      tpu.vector_store %arg11[%swap3A_440], %swap3A_443 {strides = array<i32>} : memref<4096xi32, #tpu.memory_space<vmem>>, vector<16xi32>,
      %xor3A_444 = arith.xori %xor3A_259, %mul3A_253 : vector<16xi32>
      %and3A_445 = arith.constant 524287 : i32
      %and3A_446 = vector.broadcast %and3A_445 : i32 to vector<16xi32>
      %and3A_447 = arith.andi %xor3A_444, %and3A_446 : vector<16xi32>
      %and3A_448 = arith.constant 524160 : i32
      %and3A_449 = vector.broadcast %and3A_448 : i32 to vector<16xi32>
      %and3A_450 = arith.andi %and3A_447, %and3A_449 : vector<16xi32>
      %shift_left3A_451 = arith.constant 1 : i32
      %shift_left3A_452 = vector.broadcast %shift_left3A_451 : i32 to vector<16xi32>
      %shift_left3A_453 = arith.shli %and3A_450, %shift_left3A_452 : vector<16xi32>
      %and3A_454 = arith.constant 127 : i32
      %and3A_455 = vector.broadcast %and3A_454 : i32 to vector<16xi32>
      %and3A_456 = arith.andi %and3A_447, %and3A_455 : vector<16xi32>
      %or3A_457 = arith.ori %shift_left3A_453, %and3A_456 : vector<16xi32>
      %or3A_458 = arith.ori %or3A_457, %bitcast3A_123 : vector<16xi32>
      %bitcast3A_459 = vector.bitcast %or3A_458 : vector<16xi32> to vector<16xi32>
      %add3A_460 = arith.constant 1536 : i32
      %add3A_461 = arith.addi %add3A_460, %mul3A_196 : i32
      %swap3A_462 = arith.index_cast %add3A_461 : i32 to index
      %swap3A_463 = tpu.vector_load %arg11[%swap3A_462] {strides = array<i32>} : memref<4096xi32, #tpu.memory_space<vmem>>, vector<16xi32>,
      %swap3A_464 = vector.shape_cast %swap3A_463 : vector<16xi32> to vector<16xi32>
      %swap3A_465 = vector.shape_cast %bitcast3A_459 : vector<16xi32> to vector<16xi32>
      tpu.vector_store %arg11[%swap3A_462], %swap3A_465 {strides = array<i32>} : memref<4096xi32, #tpu.memory_space<vmem>>, vector<16xi32>,
      %add3A_466 = arith.constant 128 : i32
      %add3A_467 = vector.broadcast %add3A_466 : i32 to vector<16xi32>
      %add3A_468 = arith.addi %bitcast3A_459, %add3A_467 : vector<16xi32>
      %add3A_469 = arith.constant 3584 : i32
      %add3A_470 = arith.addi %add3A_469, %mul3A_196 : i32
      %swap3A_471 = arith.index_cast %add3A_470 : i32 to index
      %swap3A_472 = tpu.vector_load %arg11[%swap3A_471] {strides = array<i32>} : memref<4096xi32, #tpu.memory_space<vmem>>, vector<16xi32>,
      %swap3A_473 = vector.shape_cast %swap3A_472 : vector<16xi32> to vector<16xi32>
      %swap3A_474 = vector.shape_cast %add3A_468 : vector<16xi32> to vector<16xi32>
      tpu.vector_store %arg11[%swap3A_471], %swap3A_474 {strides = array<i32>} : memref<4096xi32, #tpu.memory_space<vmem>>, vector<16xi32>,
      %xor3A_475 = arith.xori %xor3A_259, %add3A_256 : vector<16xi32>
      %and3A_476 = arith.constant 524287 : i32
      %and3A_477 = vector.broadcast %and3A_476 : i32 to vector<16xi32>
      %and3A_478 = arith.andi %xor3A_475, %and3A_477 : vector<16xi32>
      %and3A_479 = arith.constant 524160 : i32
      %and3A_480 = vector.broadcast %and3A_479 : i32 to vector<16xi32>
      %and3A_481 = arith.andi %and3A_478, %and3A_480 : vector<16xi32>
      %shift_left3A_482 = arith.constant 1 : i32
      %shift_left3A_483 = vector.broadcast %shift_left3A_482 : i32 to vector<16xi32>
      %shift_left3A_484 = arith.shli %and3A_481, %shift_left3A_483 : vector<16xi32>
      %and3A_485 = arith.constant 127 : i32
      %and3A_486 = vector.broadcast %and3A_485 : i32 to vector<16xi32>
      %and3A_487 = arith.andi %and3A_478, %and3A_486 : vector<16xi32>
      %or3A_488 = arith.ori %shift_left3A_484, %and3A_487 : vector<16xi32>
      %or3A_489 = arith.ori %or3A_488, %bitcast3A_123 : vector<16xi32>
      %bitcast3A_490 = vector.bitcast %or3A_489 : vector<16xi32> to vector<16xi32>
      %add3A_491 = arith.constant 1792 : i32
      %add3A_492 = arith.addi %add3A_491, %mul3A_196 : i32
      %swap3A_493 = arith.index_cast %add3A_492 : i32 to index
      %swap3A_494 = tpu.vector_load %arg11[%swap3A_493] {strides = array<i32>} : memref<4096xi32, #tpu.memory_space<vmem>>, vector<16xi32>,
      %swap3A_495 = vector.shape_cast %swap3A_494 : vector<16xi32> to vector<16xi32>
      %swap3A_496 = vector.shape_cast %bitcast3A_490 : vector<16xi32> to vector<16xi32>
      tpu.vector_store %arg11[%swap3A_493], %swap3A_496 {strides = array<i32>} : memref<4096xi32, #tpu.memory_space<vmem>>, vector<16xi32>,
      %add3A_497 = arith.constant 128 : i32
      %add3A_498 = vector.broadcast %add3A_497 : i32 to vector<16xi32>
      %add3A_499 = arith.addi %bitcast3A_490, %add3A_498 : vector<16xi32>
      %add3A_500 = arith.constant 3840 : i32
      %add3A_501 = arith.addi %add3A_500, %mul3A_196 : i32
      %swap3A_502 = arith.index_cast %add3A_501 : i32 to index
      %swap3A_503 = tpu.vector_load %arg11[%swap3A_502] {strides = array<i32>} : memref<4096xi32, #tpu.memory_space<vmem>>, vector<16xi32>,
      %swap3A_504 = vector.shape_cast %swap3A_503 : vector<16xi32> to vector<16xi32>
      %swap3A_505 = vector.shape_cast %add3A_499 : vector<16xi32> to vector<16xi32>
      tpu.vector_store %arg11[%swap3A_502], %swap3A_505 {strides = array<i32>} : memref<4096xi32, #tpu.memory_space<vmem>>, vector<16xi32>,
    }
    %scan3A_129 = arith.constant 16 : i32
    %dma_start3A_130 = arith.constant 0 : i32
    %dma_start3A_131 = tpu.memref_slice %arg14[%dma_start3A_130] : memref<4096xf32, #tpu.memory_space<vmem>> -> memref<2048xf32, #tpu.memory_space<vmem>>
    %dma_start3A_132 = arith.constant 0 : i32
    %dma_start3A_133 = tpu.memref_slice %arg11[%dma_start3A_132] : memref<4096xi32, #tpu.memory_space<vmem>> -> memref<2048xi32, #tpu.memory_space<vmem>>
    %dma_start3A_134 = arith.constant 0 : i32
    %dma_start3A_135 = tpu.memref_slice %arg3[%dma_start3A_134] : memref<8388608xf32, #tpu.memory_space<hbm>> -> memref<8388608xf32, #tpu.memory_space<hbm>>
    tpu.enqueue_indirect_dma source(%dma_start3A_135 : memref<8388608xf32, #tpu.memory_space<hbm>>) target(%dma_start3A_131 : memref<2048xf32, #tpu.memory_space<vmem>>) offsets(%dma_start3A_133 : memref<2048xi32, #tpu.memory_space<vmem>>) semaphore(%arg18 : memref<!tpu.dma_semaphore, #tpu.memory_space<semaphore_mem>>)
    %dma_start3A_136 = arith.constant 2048 : i32
    %dma_start3A_137 = tpu.memref_slice %arg14[%dma_start3A_136] : memref<4096xf32, #tpu.memory_space<vmem>> -> memref<2048xf32, #tpu.memory_space<vmem>>
    %dma_start3A_138 = arith.constant 2048 : i32
    %dma_start3A_139 = tpu.memref_slice %arg11[%dma_start3A_138] : memref<4096xi32, #tpu.memory_space<vmem>> -> memref<2048xi32, #tpu.memory_space<vmem>>
    %dma_start3A_140 = arith.constant 0 : i32
    %dma_start3A_141 = tpu.memref_slice %arg3[%dma_start3A_140] : memref<8388608xf32, #tpu.memory_space<hbm>> -> memref<8388608xf32, #tpu.memory_space<hbm>>
    tpu.enqueue_indirect_dma source(%dma_start3A_141 : memref<8388608xf32, #tpu.memory_space<hbm>>) target(%dma_start3A_137 : memref<2048xf32, #tpu.memory_space<vmem>>) offsets(%dma_start3A_139 : memref<2048xi32, #tpu.memory_space<vmem>>) semaphore(%arg18 : memref<!tpu.dma_semaphore, #tpu.memory_space<semaphore_mem>>)
    %scan3A_142 = arith.constant 0 : i32
    %scan3A_143 = arith.constant 0 : i32
    %scan3A_144 = arith.constant 42 : i32
    %scan3A_145 = arith.addi %scan3A_143, %scan3A_144 : i32
    %scan3A_146 = arith.constant 1 : i32
    scf.for %scan3A_194 = %scan3A_143 to %scan3A_145 step %scan3A_146  : i32 {
      %mul3A_195 = arith.constant 3 : i32
      %mul3A_196 = arith.muli %mul3A_195, %scan3A_194 : i32
      %add3A_197 = arith.constant 2 : i32
      %add3A_198 = arith.addi %mul3A_196, %add3A_197 : i32
      %shift_right_arithmetic3A = arith.constant 3 : i32
      %shift_right_arithmetic3A_199 = arith.shrsi %add3A_198, %shift_right_arithmetic3A : i32
      %mul3A_200 = arith.constant 256 : i32
      %mul3A_201 = arith.muli %shift_right_arithmetic3A_199, %mul3A_200 : i32
      %broadcast_in_dim3A_202 = arith.constant 0 : i32
      %broadcast_in_dim3A_203 = vector.broadcast %broadcast_in_dim3A_202 : i32 to vector<16xi32>
      %and3A = arith.constant 7 : i32
      %and3A_204 = arith.andi %add3A_198, %and3A : i32
      %add3A_205 = vector.broadcast %and3A_204 : i32 to vector<16xi32>
      %add3A_206 = arith.addi %broadcast_in_dim3A_203, %add3A_205 : vector<16xi32>
      %add3A_207 = arith.constant 4 : i32
      %add3A_208 = vector.broadcast %add3A_207 : i32 to vector<16xi32>
      %add3A_209 = arith.addi %add3A_206, %add3A_208 : vector<16xi32>
      %shift_left3A_210 = arith.constant 1 : i32
      %shift_left3A_211 = vector.broadcast %shift_left3A_210 : i32 to vector<16xi32>
      %shift_left3A_212 = arith.shli %shift_left3A_211, %add3A_209 : vector<16xi32>
      %convert_element_type3A_213 = arith.sitofp %shift_left3A_212 : vector<16xi32> to vector<16xf32>
      %shift_left3A_214 = arith.constant 20 : i32
      %shift_left3A_215 = vector.broadcast %shift_left3A_214 : i32 to vector<16xi32>
      %shift_left3A_216 = arith.shli %add3A_206, %shift_left3A_215 : vector<16xi32>
      %bitcast3A_217 = vector.bitcast %shift_left3A_216 : vector<16xi32> to vector<16xi32>
      %scan3A_218 = arith.constant 0 : i32
      %scan3A_219 = arith.constant 0 : i32
      %scan3A_220 = arith.constant 16 : i32
      %scan3A_221 = arith.addi %scan3A_219, %scan3A_220 : i32
      %scan3A_222 = arith.constant 1 : i32
      scf.for %scan3A_350 = %scan3A_219 to %scan3A_221 step %scan3A_222  : i32 {
        %mul3A_351 = arith.constant 16 : i32
        %mul3A_352 = arith.muli %mul3A_351, %scan3A_350 : i32
        %add3A_353 = arith.addi %mul3A_201, %mul3A_352 : i32
        %get3A = arith.index_cast %add3A_353 : i32 to index
        %get3A_354 = tpu.vector_load %arg5[%get3A] {strides = array<i32>} : memref<12288xf32, #tpu.memory_space<vmem>>, vector<16xf32>,
        %get3A_355 = vector.shape_cast %get3A_354 : vector<16xf32> to vector<16xf32>
        %mul3A_356 = arith.mulf %get3A_355, %convert_element_type3A_213 : vector<16xf32>
        %add3A_357 = arith.constant 4096 : i32
        %add3A_358 = arith.addi %add3A_357, %mul3A_201 : i32
        %add3A_359 = arith.addi %add3A_358, %mul3A_352 : i32
        %get3A_360 = arith.index_cast %add3A_359 : i32 to index
        %get3A_361 = tpu.vector_load %arg5[%get3A_360] {strides = array<i32>} : memref<12288xf32, #tpu.memory_space<vmem>>, vector<16xf32>,
        %get3A_362 = vector.shape_cast %get3A_361 : vector<16xf32> to vector<16xf32>
        %mul3A_363 = arith.mulf %get3A_362, %convert_element_type3A_213 : vector<16xf32>
        %add3A_364 = arith.constant 8192 : i32
        %add3A_365 = arith.addi %add3A_364, %mul3A_201 : i32
        %add3A_366 = arith.addi %add3A_365, %mul3A_352 : i32
        %get3A_367 = arith.index_cast %add3A_366 : i32 to index
        %get3A_368 = tpu.vector_load %arg5[%get3A_367] {strides = array<i32>} : memref<12288xf32, #tpu.memory_space<vmem>>, vector<16xf32>,
        %get3A_369 = vector.shape_cast %get3A_368 : vector<16xf32> to vector<16xf32>
        %mul3A_370 = arith.mulf %get3A_369, %convert_element_type3A_213 : vector<16xf32>
        %convert_element_type3A_371 = arith.fptosi %mul3A_356 : vector<16xf32> to vector<16xi32>
        %convert_element_type3A_372 = arith.fptosi %mul3A_363 : vector<16xf32> to vector<16xi32>
        %convert_element_type3A_373 = arith.fptosi %mul3A_370 : vector<16xf32> to vector<16xi32>
        %convert_element_type3A_374 = arith.sitofp %convert_element_type3A_371 : vector<16xi32> to vector<16xf32>
        %sub3A = arith.subf %mul3A_356, %convert_element_type3A_374 : vector<16xf32>
        %swap3A = arith.constant 0 : i32
        %swap3A_375 = arith.index_cast %swap3A : i32 to index
        %swap3A_376 = arith.index_cast %mul3A_352 : i32 to index
        %swap3A_377 = tpu.vector_load %arg9[%swap3A_375, %swap3A_376] {strides = array<i32>} : memref<3x256xf32, #tpu.memory_space<vmem>>, vector<1x16xf32>,
        %swap3A_378 = vector.shape_cast %swap3A_377 : vector<1x16xf32> to vector<16xf32>
        %swap3A_379 = vector.shape_cast %sub3A : vector<16xf32> to vector<1x16xf32>
        tpu.vector_store %arg9[%swap3A_375, %swap3A_376], %swap3A_379 {strides = array<i32>} : memref<3x256xf32, #tpu.memory_space<vmem>>, vector<1x16xf32>,
        %convert_element_type3A_380 = arith.sitofp %convert_element_type3A_372 : vector<16xi32> to vector<16xf32>
        %sub3A_381 = arith.subf %mul3A_363, %convert_element_type3A_380 : vector<16xf32>
        %swap3A_382 = arith.constant 1 : i32
        %swap3A_383 = arith.index_cast %swap3A_382 : i32 to index
        %swap3A_384 = arith.index_cast %mul3A_352 : i32 to index
        %swap3A_385 = tpu.vector_load %arg9[%swap3A_383, %swap3A_384] {strides = array<i32>} : memref<3x256xf32, #tpu.memory_space<vmem>>, vector<1x16xf32>,
        %swap3A_386 = vector.shape_cast %swap3A_385 : vector<1x16xf32> to vector<16xf32>
        %swap3A_387 = vector.shape_cast %sub3A_381 : vector<16xf32> to vector<1x16xf32>
        tpu.vector_store %arg9[%swap3A_383, %swap3A_384], %swap3A_387 {strides = array<i32>} : memref<3x256xf32, #tpu.memory_space<vmem>>, vector<1x16xf32>,
        %convert_element_type3A_388 = arith.sitofp %convert_element_type3A_373 : vector<16xi32> to vector<16xf32>
        %sub3A_389 = arith.subf %mul3A_370, %convert_element_type3A_388 : vector<16xf32>
        %swap3A_390 = arith.constant 2 : i32
        %swap3A_391 = arith.index_cast %swap3A_390 : i32 to index
        %swap3A_392 = arith.index_cast %mul3A_352 : i32 to index
        %swap3A_393 = tpu.vector_load %arg9[%swap3A_391, %swap3A_392] {strides = array<i32>} : memref<3x256xf32, #tpu.memory_space<vmem>>, vector<1x16xf32>,
        %swap3A_394 = vector.shape_cast %swap3A_393 : vector<1x16xf32> to vector<16xf32>
        %swap3A_395 = vector.shape_cast %sub3A_389 : vector<16xf32> to vector<1x16xf32>
        tpu.vector_store %arg9[%swap3A_391, %swap3A_392], %swap3A_395 {strides = array<i32>} : memref<3x256xf32, #tpu.memory_space<vmem>>, vector<1x16xf32>,
        %bitcast3A_396 = vector.bitcast %convert_element_type3A_371 : vector<16xi32> to vector<16xi32>
        %add3A_397 = arith.constant 1 : i32
        %add3A_398 = vector.broadcast %add3A_397 : i32 to vector<16xi32>
        %add3A_399 = arith.addi %bitcast3A_396, %add3A_398 : vector<16xi32>
        %bitcast3A_400 = vector.bitcast %convert_element_type3A_372 : vector<16xi32> to vector<16xi32>
        %mul3A_401 = arith.constant -1640531535 : i32
        %mul3A_402 = vector.broadcast %mul3A_401 : i32 to vector<16xi32>
        %mul3A_403 = arith.muli %bitcast3A_400, %mul3A_402 : vector<16xi32>
        %add3A_404 = arith.constant -1640531535 : i32
        %add3A_405 = vector.broadcast %add3A_404 : i32 to vector<16xi32>
        %add3A_406 = arith.addi %mul3A_403, %add3A_405 : vector<16xi32>
        %bitcast3A_407 = vector.bitcast %convert_element_type3A_373 : vector<16xi32> to vector<16xi32>
        %mul3A_408 = arith.constant 805459861 : i32
        %mul3A_409 = vector.broadcast %mul3A_408 : i32 to vector<16xi32>
        %mul3A_410 = arith.muli %bitcast3A_407, %mul3A_409 : vector<16xi32>
        %add3A_411 = arith.constant 805459861 : i32
        %add3A_412 = vector.broadcast %add3A_411 : i32 to vector<16xi32>
        %add3A_413 = arith.addi %mul3A_410, %add3A_412 : vector<16xi32>
        %xor3A = arith.xori %bitcast3A_396, %mul3A_403 : vector<16xi32>
        %xor3A_414 = arith.xori %bitcast3A_396, %add3A_406 : vector<16xi32>
        %xor3A_415 = arith.xori %add3A_399, %mul3A_403 : vector<16xi32>
        %xor3A_416 = arith.xori %add3A_399, %add3A_406 : vector<16xi32>
        %xor3A_417 = arith.xori %xor3A, %mul3A_410 : vector<16xi32>
        %and3A_418 = arith.constant 524287 : i32
        %and3A_419 = vector.broadcast %and3A_418 : i32 to vector<16xi32>
        %and3A_420 = arith.andi %xor3A_417, %and3A_419 : vector<16xi32>
        %and3A_421 = arith.constant 524160 : i32
        %and3A_422 = vector.broadcast %and3A_421 : i32 to vector<16xi32>
        %and3A_423 = arith.andi %and3A_420, %and3A_422 : vector<16xi32>
        %shift_left3A_424 = arith.constant 1 : i32
        %shift_left3A_425 = vector.broadcast %shift_left3A_424 : i32 to vector<16xi32>
        %shift_left3A_426 = arith.shli %and3A_423, %shift_left3A_425 : vector<16xi32>
        %and3A_427 = arith.constant 127 : i32
        %and3A_428 = vector.broadcast %and3A_427 : i32 to vector<16xi32>
        %and3A_429 = arith.andi %and3A_420, %and3A_428 : vector<16xi32>
        %or3A = arith.ori %shift_left3A_426, %and3A_429 : vector<16xi32>
        %or3A_430 = arith.ori %or3A, %bitcast3A_217 : vector<16xi32>
        %bitcast3A_431 = vector.bitcast %or3A_430 : vector<16xi32> to vector<16xi32>
        %add3A_432 = arith.constant 0 : i32
        %add3A_433 = arith.addi %add3A_432, %mul3A_352 : i32
        %swap3A_434 = arith.index_cast %add3A_433 : i32 to index
        %swap3A_435 = tpu.vector_load %arg12[%swap3A_434] {strides = array<i32>} : memref<4096xi32, #tpu.memory_space<vmem>>, vector<16xi32>,
        %swap3A_436 = vector.shape_cast %swap3A_435 : vector<16xi32> to vector<16xi32>
        %swap3A_437 = vector.shape_cast %bitcast3A_431 : vector<16xi32> to vector<16xi32>
        tpu.vector_store %arg12[%swap3A_434], %swap3A_437 {strides = array<i32>} : memref<4096xi32, #tpu.memory_space<vmem>>, vector<16xi32>,
        %add3A_438 = arith.constant 128 : i32
        %add3A_439 = vector.broadcast %add3A_438 : i32 to vector<16xi32>
        %add3A_440 = arith.addi %bitcast3A_431, %add3A_439 : vector<16xi32>
        %add3A_441 = arith.constant 2048 : i32
        %add3A_442 = arith.addi %add3A_441, %mul3A_352 : i32
        %swap3A_443 = arith.index_cast %add3A_442 : i32 to index
        %swap3A_444 = tpu.vector_load %arg12[%swap3A_443] {strides = array<i32>} : memref<4096xi32, #tpu.memory_space<vmem>>, vector<16xi32>,
        %swap3A_445 = vector.shape_cast %swap3A_444 : vector<16xi32> to vector<16xi32>
        %swap3A_446 = vector.shape_cast %add3A_440 : vector<16xi32> to vector<16xi32>
        tpu.vector_store %arg12[%swap3A_443], %swap3A_446 {strides = array<i32>} : memref<4096xi32, #tpu.memory_space<vmem>>, vector<16xi32>,
        %xor3A_447 = arith.xori %xor3A, %add3A_413 : vector<16xi32>
        %and3A_448 = arith.constant 524287 : i32
        %and3A_449 = vector.broadcast %and3A_448 : i32 to vector<16xi32>
        %and3A_450 = arith.andi %xor3A_447, %and3A_449 : vector<16xi32>
        %and3A_451 = arith.constant 524160 : i32
        %and3A_452 = vector.broadcast %and3A_451 : i32 to vector<16xi32>
        %and3A_453 = arith.andi %and3A_450, %and3A_452 : vector<16xi32>
        %shift_left3A_454 = arith.constant 1 : i32
        %shift_left3A_455 = vector.broadcast %shift_left3A_454 : i32 to vector<16xi32>
        %shift_left3A_456 = arith.shli %and3A_453, %shift_left3A_455 : vector<16xi32>
        %and3A_457 = arith.constant 127 : i32
        %and3A_458 = vector.broadcast %and3A_457 : i32 to vector<16xi32>
        %and3A_459 = arith.andi %and3A_450, %and3A_458 : vector<16xi32>
        %or3A_460 = arith.ori %shift_left3A_456, %and3A_459 : vector<16xi32>
        %or3A_461 = arith.ori %or3A_460, %bitcast3A_217 : vector<16xi32>
        %bitcast3A_462 = vector.bitcast %or3A_461 : vector<16xi32> to vector<16xi32>
        %add3A_463 = arith.constant 256 : i32
        %add3A_464 = arith.addi %add3A_463, %mul3A_352 : i32
        %swap3A_465 = arith.index_cast %add3A_464 : i32 to index
        %swap3A_466 = tpu.vector_load %arg12[%swap3A_465] {strides = array<i32>} : memref<4096xi32, #tpu.memory_space<vmem>>, vector<16xi32>,
        %swap3A_467 = vector.shape_cast %swap3A_466 : vector<16xi32> to vector<16xi32>
        %swap3A_468 = vector.shape_cast %bitcast3A_462 : vector<16xi32> to vector<16xi32>
        tpu.vector_store %arg12[%swap3A_465], %swap3A_468 {strides = array<i32>} : memref<4096xi32, #tpu.memory_space<vmem>>, vector<16xi32>,
        %add3A_469 = arith.constant 128 : i32
        %add3A_470 = vector.broadcast %add3A_469 : i32 to vector<16xi32>
        %add3A_471 = arith.addi %bitcast3A_462, %add3A_470 : vector<16xi32>
        %add3A_472 = arith.constant 2304 : i32
        %add3A_473 = arith.addi %add3A_472, %mul3A_352 : i32
        %swap3A_474 = arith.index_cast %add3A_473 : i32 to index
        %swap3A_475 = tpu.vector_load %arg12[%swap3A_474] {strides = array<i32>} : memref<4096xi32, #tpu.memory_space<vmem>>, vector<16xi32>,
        %swap3A_476 = vector.shape_cast %swap3A_475 : vector<16xi32> to vector<16xi32>
        %swap3A_477 = vector.shape_cast %add3A_471 : vector<16xi32> to vector<16xi32>
        tpu.vector_store %arg12[%swap3A_474], %swap3A_477 {strides = array<i32>} : memref<4096xi32, #tpu.memory_space<vmem>>, vector<16xi32>,
        %xor3A_478 = arith.xori %xor3A_414, %mul3A_410 : vector<16xi32>
        %and3A_479 = arith.constant 524287 : i32
        %and3A_480 = vector.broadcast %and3A_479 : i32 to vector<16xi32>
        %and3A_481 = arith.andi %xor3A_478, %and3A_480 : vector<16xi32>
        %and3A_482 = arith.constant 524160 : i32
        %and3A_483 = vector.broadcast %and3A_482 : i32 to vector<16xi32>
        %and3A_484 = arith.andi %and3A_481, %and3A_483 : vector<16xi32>
        %shift_left3A_485 = arith.constant 1 : i32
        %shift_left3A_486 = vector.broadcast %shift_left3A_485 : i32 to vector<16xi32>
        %shift_left3A_487 = arith.shli %and3A_484, %shift_left3A_486 : vector<16xi32>
        %and3A_488 = arith.constant 127 : i32
        %and3A_489 = vector.broadcast %and3A_488 : i32 to vector<16xi32>
        %and3A_490 = arith.andi %and3A_481, %and3A_489 : vector<16xi32>
        %or3A_491 = arith.ori %shift_left3A_487, %and3A_490 : vector<16xi32>
        %or3A_492 = arith.ori %or3A_491, %bitcast3A_217 : vector<16xi32>
        %bitcast3A_493 = vector.bitcast %or3A_492 : vector<16xi32> to vector<16xi32>
        %add3A_494 = arith.constant 512 : i32
        %add3A_495 = arith.addi %add3A_494, %mul3A_352 : i32
        %swap3A_496 = arith.index_cast %add3A_495 : i32 to index
        %swap3A_497 = tpu.vector_load %arg12[%swap3A_496] {strides = array<i32>} : memref<4096xi32, #tpu.memory_space<vmem>>, vector<16xi32>,
        %swap3A_498 = vector.shape_cast %swap3A_497 : vector<16xi32> to vector<16xi32>
        %swap3A_499 = vector.shape_cast %bitcast3A_493 : vector<16xi32> to vector<16xi32>
        tpu.vector_store %arg12[%swap3A_496], %swap3A_499 {strides = array<i32>} : memref<4096xi32, #tpu.memory_space<vmem>>, vector<16xi32>,
        %add3A_500 = arith.constant 128 : i32
        %add3A_501 = vector.broadcast %add3A_500 : i32 to vector<16xi32>
        %add3A_502 = arith.addi %bitcast3A_493, %add3A_501 : vector<16xi32>
        %add3A_503 = arith.constant 2560 : i32
        %add3A_504 = arith.addi %add3A_503, %mul3A_352 : i32
        %swap3A_505 = arith.index_cast %add3A_504 : i32 to index
        %swap3A_506 = tpu.vector_load %arg12[%swap3A_505] {strides = array<i32>} : memref<4096xi32, #tpu.memory_space<vmem>>, vector<16xi32>,
        %swap3A_507 = vector.shape_cast %swap3A_506 : vector<16xi32> to vector<16xi32>
        %swap3A_508 = vector.shape_cast %add3A_502 : vector<16xi32> to vector<16xi32>
        tpu.vector_store %arg12[%swap3A_505], %swap3A_508 {strides = array<i32>} : memref<4096xi32, #tpu.memory_space<vmem>>, vector<16xi32>,
        %xor3A_509 = arith.xori %xor3A_414, %add3A_413 : vector<16xi32>
        %and3A_510 = arith.constant 524287 : i32
        %and3A_511 = vector.broadcast %and3A_510 : i32 to vector<16xi32>
        %and3A_512 = arith.andi %xor3A_509, %and3A_511 : vector<16xi32>
        %and3A_513 = arith.constant 524160 : i32
        %and3A_514 = vector.broadcast %and3A_513 : i32 to vector<16xi32>
        %and3A_515 = arith.andi %and3A_512, %and3A_514 : vector<16xi32>
        %shift_left3A_516 = arith.constant 1 : i32
        %shift_left3A_517 = vector.broadcast %shift_left3A_516 : i32 to vector<16xi32>
        %shift_left3A_518 = arith.shli %and3A_515, %shift_left3A_517 : vector<16xi32>
        %and3A_519 = arith.constant 127 : i32
        %and3A_520 = vector.broadcast %and3A_519 : i32 to vector<16xi32>
        %and3A_521 = arith.andi %and3A_512, %and3A_520 : vector<16xi32>
        %or3A_522 = arith.ori %shift_left3A_518, %and3A_521 : vector<16xi32>
        %or3A_523 = arith.ori %or3A_522, %bitcast3A_217 : vector<16xi32>
        %bitcast3A_524 = vector.bitcast %or3A_523 : vector<16xi32> to vector<16xi32>
        %add3A_525 = arith.constant 768 : i32
        %add3A_526 = arith.addi %add3A_525, %mul3A_352 : i32
        %swap3A_527 = arith.index_cast %add3A_526 : i32 to index
        %swap3A_528 = tpu.vector_load %arg12[%swap3A_527] {strides = array<i32>} : memref<4096xi32, #tpu.memory_space<vmem>>, vector<16xi32>,
        %swap3A_529 = vector.shape_cast %swap3A_528 : vector<16xi32> to vector<16xi32>
        %swap3A_530 = vector.shape_cast %bitcast3A_524 : vector<16xi32> to vector<16xi32>
        tpu.vector_store %arg12[%swap3A_527], %swap3A_530 {strides = array<i32>} : memref<4096xi32, #tpu.memory_space<vmem>>, vector<16xi32>,
        %add3A_531 = arith.constant 128 : i32
        %add3A_532 = vector.broadcast %add3A_531 : i32 to vector<16xi32>
        %add3A_533 = arith.addi %bitcast3A_524, %add3A_532 : vector<16xi32>
        %add3A_534 = arith.constant 2816 : i32
        %add3A_535 = arith.addi %add3A_534, %mul3A_352 : i32
        %swap3A_536 = arith.index_cast %add3A_535 : i32 to index
        %swap3A_537 = tpu.vector_load %arg12[%swap3A_536] {strides = array<i32>} : memref<4096xi32, #tpu.memory_space<vmem>>, vector<16xi32>,
        %swap3A_538 = vector.shape_cast %swap3A_537 : vector<16xi32> to vector<16xi32>
        %swap3A_539 = vector.shape_cast %add3A_533 : vector<16xi32> to vector<16xi32>
        tpu.vector_store %arg12[%swap3A_536], %swap3A_539 {strides = array<i32>} : memref<4096xi32, #tpu.memory_space<vmem>>, vector<16xi32>,
        %xor3A_540 = arith.xori %xor3A_415, %mul3A_410 : vector<16xi32>
        %and3A_541 = arith.constant 524287 : i32
        %and3A_542 = vector.broadcast %and3A_541 : i32 to vector<16xi32>
        %and3A_543 = arith.andi %xor3A_540, %and3A_542 : vector<16xi32>
        %and3A_544 = arith.constant 524160 : i32
        %and3A_545 = vector.broadcast %and3A_544 : i32 to vector<16xi32>
        %and3A_546 = arith.andi %and3A_543, %and3A_545 : vector<16xi32>
        %shift_left3A_547 = arith.constant 1 : i32
        %shift_left3A_548 = vector.broadcast %shift_left3A_547 : i32 to vector<16xi32>
        %shift_left3A_549 = arith.shli %and3A_546, %shift_left3A_548 : vector<16xi32>
        %and3A_550 = arith.constant 127 : i32
        %and3A_551 = vector.broadcast %and3A_550 : i32 to vector<16xi32>
        %and3A_552 = arith.andi %and3A_543, %and3A_551 : vector<16xi32>
        %or3A_553 = arith.ori %shift_left3A_549, %and3A_552 : vector<16xi32>
        %or3A_554 = arith.ori %or3A_553, %bitcast3A_217 : vector<16xi32>
        %bitcast3A_555 = vector.bitcast %or3A_554 : vector<16xi32> to vector<16xi32>
        %add3A_556 = arith.constant 1024 : i32
        %add3A_557 = arith.addi %add3A_556, %mul3A_352 : i32
        %swap3A_558 = arith.index_cast %add3A_557 : i32 to index
        %swap3A_559 = tpu.vector_load %arg12[%swap3A_558] {strides = array<i32>} : memref<4096xi32, #tpu.memory_space<vmem>>, vector<16xi32>,
        %swap3A_560 = vector.shape_cast %swap3A_559 : vector<16xi32> to vector<16xi32>
        %swap3A_561 = vector.shape_cast %bitcast3A_555 : vector<16xi32> to vector<16xi32>
        tpu.vector_store %arg12[%swap3A_558], %swap3A_561 {strides = array<i32>} : memref<4096xi32, #tpu.memory_space<vmem>>, vector<16xi32>,
        %add3A_562 = arith.constant 128 : i32
        %add3A_563 = vector.broadcast %add3A_562 : i32 to vector<16xi32>
        %add3A_564 = arith.addi %bitcast3A_555, %add3A_563 : vector<16xi32>
        %add3A_565 = arith.constant 3072 : i32
        %add3A_566 = arith.addi %add3A_565, %mul3A_352 : i32
        %swap3A_567 = arith.index_cast %add3A_566 : i32 to index
        %swap3A_568 = tpu.vector_load %arg12[%swap3A_567] {strides = array<i32>} : memref<4096xi32, #tpu.memory_space<vmem>>, vector<16xi32>,
        %swap3A_569 = vector.shape_cast %swap3A_568 : vector<16xi32> to vector<16xi32>
        %swap3A_570 = vector.shape_cast %add3A_564 : vector<16xi32> to vector<16xi32>
        tpu.vector_store %arg12[%swap3A_567], %swap3A_570 {strides = array<i32>} : memref<4096xi32, #tpu.memory_space<vmem>>, vector<16xi32>,
        %xor3A_571 = arith.xori %xor3A_415, %add3A_413 : vector<16xi32>
        %and3A_572 = arith.constant 524287 : i32
        %and3A_573 = vector.broadcast %and3A_572 : i32 to vector<16xi32>
        %and3A_574 = arith.andi %xor3A_571, %and3A_573 : vector<16xi32>
        %and3A_575 = arith.constant 524160 : i32
        %and3A_576 = vector.broadcast %and3A_575 : i32 to vector<16xi32>
        %and3A_577 = arith.andi %and3A_574, %and3A_576 : vector<16xi32>
        %shift_left3A_578 = arith.constant 1 : i32
        %shift_left3A_579 = vector.broadcast %shift_left3A_578 : i32 to vector<16xi32>
        %shift_left3A_580 = arith.shli %and3A_577, %shift_left3A_579 : vector<16xi32>
        %and3A_581 = arith.constant 127 : i32
        %and3A_582 = vector.broadcast %and3A_581 : i32 to vector<16xi32>
        %and3A_583 = arith.andi %and3A_574, %and3A_582 : vector<16xi32>
        %or3A_584 = arith.ori %shift_left3A_580, %and3A_583 : vector<16xi32>
        %or3A_585 = arith.ori %or3A_584, %bitcast3A_217 : vector<16xi32>
        %bitcast3A_586 = vector.bitcast %or3A_585 : vector<16xi32> to vector<16xi32>
        %add3A_587 = arith.constant 1280 : i32
        %add3A_588 = arith.addi %add3A_587, %mul3A_352 : i32
        %swap3A_589 = arith.index_cast %add3A_588 : i32 to index
        %swap3A_590 = tpu.vector_load %arg12[%swap3A_589] {strides = array<i32>} : memref<4096xi32, #tpu.memory_space<vmem>>, vector<16xi32>,
        %swap3A_591 = vector.shape_cast %swap3A_590 : vector<16xi32> to vector<16xi32>
        %swap3A_592 = vector.shape_cast %bitcast3A_586 : vector<16xi32> to vector<16xi32>
        tpu.vector_store %arg12[%swap3A_589], %swap3A_592 {strides = array<i32>} : memref<4096xi32, #tpu.memory_space<vmem>>, vector<16xi32>,
        %add3A_593 = arith.constant 128 : i32
        %add3A_594 = vector.broadcast %add3A_593 : i32 to vector<16xi32>
        %add3A_595 = arith.addi %bitcast3A_586, %add3A_594 : vector<16xi32>
        %add3A_596 = arith.constant 3328 : i32
        %add3A_597 = arith.addi %add3A_596, %mul3A_352 : i32
        %swap3A_598 = arith.index_cast %add3A_597 : i32 to index
        %swap3A_599 = tpu.vector_load %arg12[%swap3A_598] {strides = array<i32>} : memref<4096xi32, #tpu.memory_space<vmem>>, vector<16xi32>,
        %swap3A_600 = vector.shape_cast %swap3A_599 : vector<16xi32> to vector<16xi32>
        %swap3A_601 = vector.shape_cast %add3A_595 : vector<16xi32> to vector<16xi32>
        tpu.vector_store %arg12[%swap3A_598], %swap3A_601 {strides = array<i32>} : memref<4096xi32, #tpu.memory_space<vmem>>, vector<16xi32>,
        %xor3A_602 = arith.xori %xor3A_416, %mul3A_410 : vector<16xi32>
        %and3A_603 = arith.constant 524287 : i32
        %and3A_604 = vector.broadcast %and3A_603 : i32 to vector<16xi32>
        %and3A_605 = arith.andi %xor3A_602, %and3A_604 : vector<16xi32>
        %and3A_606 = arith.constant 524160 : i32
        %and3A_607 = vector.broadcast %and3A_606 : i32 to vector<16xi32>
        %and3A_608 = arith.andi %and3A_605, %and3A_607 : vector<16xi32>
        %shift_left3A_609 = arith.constant 1 : i32
        %shift_left3A_610 = vector.broadcast %shift_left3A_609 : i32 to vector<16xi32>
        %shift_left3A_611 = arith.shli %and3A_608, %shift_left3A_610 : vector<16xi32>
        %and3A_612 = arith.constant 127 : i32
        %and3A_613 = vector.broadcast %and3A_612 : i32 to vector<16xi32>
        %and3A_614 = arith.andi %and3A_605, %and3A_613 : vector<16xi32>
        %or3A_615 = arith.ori %shift_left3A_611, %and3A_614 : vector<16xi32>
        %or3A_616 = arith.ori %or3A_615, %bitcast3A_217 : vector<16xi32>
        %bitcast3A_617 = vector.bitcast %or3A_616 : vector<16xi32> to vector<16xi32>
        %add3A_618 = arith.constant 1536 : i32
        %add3A_619 = arith.addi %add3A_618, %mul3A_352 : i32
        %swap3A_620 = arith.index_cast %add3A_619 : i32 to index
        %swap3A_621 = tpu.vector_load %arg12[%swap3A_620] {strides = array<i32>} : memref<4096xi32, #tpu.memory_space<vmem>>, vector<16xi32>,
        %swap3A_622 = vector.shape_cast %swap3A_621 : vector<16xi32> to vector<16xi32>
        %swap3A_623 = vector.shape_cast %bitcast3A_617 : vector<16xi32> to vector<16xi32>
        tpu.vector_store %arg12[%swap3A_620], %swap3A_623 {strides = array<i32>} : memref<4096xi32, #tpu.memory_space<vmem>>, vector<16xi32>,
        %add3A_624 = arith.constant 128 : i32
        %add3A_625 = vector.broadcast %add3A_624 : i32 to vector<16xi32>
        %add3A_626 = arith.addi %bitcast3A_617, %add3A_625 : vector<16xi32>
        %add3A_627 = arith.constant 3584 : i32
        %add3A_628 = arith.addi %add3A_627, %mul3A_352 : i32
        %swap3A_629 = arith.index_cast %add3A_628 : i32 to index
        %swap3A_630 = tpu.vector_load %arg12[%swap3A_629] {strides = array<i32>} : memref<4096xi32, #tpu.memory_space<vmem>>, vector<16xi32>,
        %swap3A_631 = vector.shape_cast %swap3A_630 : vector<16xi32> to vector<16xi32>
        %swap3A_632 = vector.shape_cast %add3A_626 : vector<16xi32> to vector<16xi32>
        tpu.vector_store %arg12[%swap3A_629], %swap3A_632 {strides = array<i32>} : memref<4096xi32, #tpu.memory_space<vmem>>, vector<16xi32>,
        %xor3A_633 = arith.xori %xor3A_416, %add3A_413 : vector<16xi32>
        %and3A_634 = arith.constant 524287 : i32
        %and3A_635 = vector.broadcast %and3A_634 : i32 to vector<16xi32>
        %and3A_636 = arith.andi %xor3A_633, %and3A_635 : vector<16xi32>
        %and3A_637 = arith.constant 524160 : i32
        %and3A_638 = vector.broadcast %and3A_637 : i32 to vector<16xi32>
        %and3A_639 = arith.andi %and3A_636, %and3A_638 : vector<16xi32>
        %shift_left3A_640 = arith.constant 1 : i32
        %shift_left3A_641 = vector.broadcast %shift_left3A_640 : i32 to vector<16xi32>
        %shift_left3A_642 = arith.shli %and3A_639, %shift_left3A_641 : vector<16xi32>
        %and3A_643 = arith.constant 127 : i32
        %and3A_644 = vector.broadcast %and3A_643 : i32 to vector<16xi32>
        %and3A_645 = arith.andi %and3A_636, %and3A_644 : vector<16xi32>
        %or3A_646 = arith.ori %shift_left3A_642, %and3A_645 : vector<16xi32>
        %or3A_647 = arith.ori %or3A_646, %bitcast3A_217 : vector<16xi32>
        %bitcast3A_648 = vector.bitcast %or3A_647 : vector<16xi32> to vector<16xi32>
        %add3A_649 = arith.constant 1792 : i32
        %add3A_650 = arith.addi %add3A_649, %mul3A_352 : i32
        %swap3A_651 = arith.index_cast %add3A_650 : i32 to index
        %swap3A_652 = tpu.vector_load %arg12[%swap3A_651] {strides = array<i32>} : memref<4096xi32, #tpu.memory_space<vmem>>, vector<16xi32>,
        %swap3A_653 = vector.shape_cast %swap3A_652 : vector<16xi32> to vector<16xi32>
        %swap3A_654 = vector.shape_cast %bitcast3A_648 : vector<16xi32> to vector<16xi32>
        tpu.vector_store %arg12[%swap3A_651], %swap3A_654 {strides = array<i32>} : memref<4096xi32, #tpu.memory_space<vmem>>, vector<16xi32>,
        %add3A_655 = arith.constant 128 : i32
        %add3A_656 = vector.broadcast %add3A_655 : i32 to vector<16xi32>
        %add3A_657 = arith.addi %bitcast3A_648, %add3A_656 : vector<16xi32>
        %add3A_658 = arith.constant 3840 : i32
        %add3A_659 = arith.addi %add3A_658, %mul3A_352 : i32
        %swap3A_660 = arith.index_cast %add3A_659 : i32 to index
        %swap3A_661 = tpu.vector_load %arg12[%swap3A_660] {strides = array<i32>} : memref<4096xi32, #tpu.memory_space<vmem>>, vector<16xi32>,
        %swap3A_662 = vector.shape_cast %swap3A_661 : vector<16xi32> to vector<16xi32>
        %swap3A_663 = vector.shape_cast %add3A_657 : vector<16xi32> to vector<16xi32>
        tpu.vector_store %arg12[%swap3A_660], %swap3A_663 {strides = array<i32>} : memref<4096xi32, #tpu.memory_space<vmem>>, vector<16xi32>,
      }
      %scan3A_223 = arith.constant 16 : i32
      %dma_start3A_224 = arith.constant 0 : i32
      %dma_start3A_225 = tpu.memref_slice %arg15[%dma_start3A_224] : memref<4096xf32, #tpu.memory_space<vmem>> -> memref<2048xf32, #tpu.memory_space<vmem>>
      %dma_start3A_226 = arith.constant 0 : i32
      %dma_start3A_227 = tpu.memref_slice %arg12[%dma_start3A_226] : memref<4096xi32, #tpu.memory_space<vmem>> -> memref<2048xi32, #tpu.memory_space<vmem>>
      %dma_start3A_228 = arith.constant 0 : i32
      %dma_start3A_229 = tpu.memref_slice %arg3[%dma_start3A_228] : memref<8388608xf32, #tpu.memory_space<hbm>> -> memref<8388608xf32, #tpu.memory_space<hbm>>
      tpu.enqueue_indirect_dma source(%dma_start3A_229 : memref<8388608xf32, #tpu.memory_space<hbm>>) target(%dma_start3A_225 : memref<2048xf32, #tpu.memory_space<vmem>>) offsets(%dma_start3A_227 : memref<2048xi32, #tpu.memory_space<vmem>>) semaphore(%arg19 : memref<!tpu.dma_semaphore, #tpu.memory_space<semaphore_mem>>)
      %dma_start3A_230 = arith.constant 2048 : i32
      %dma_start3A_231 = tpu.memref_slice %arg15[%dma_start3A_230] : memref<4096xf32, #tpu.memory_space<vmem>> -> memref<2048xf32, #tpu.memory_space<vmem>>
      %dma_start3A_232 = arith.constant 2048 : i32
      %dma_start3A_233 = tpu.memref_slice %arg12[%dma_start3A_232] : memref<4096xi32, #tpu.memory_space<vmem>> -> memref<2048xi32, #tpu.memory_space<vmem>>
      %dma_start3A_234 = arith.constant 0 : i32
      %dma_start3A_235 = tpu.memref_slice %arg3[%dma_start3A_234] : memref<8388608xf32, #tpu.memory_space<hbm>> -> memref<8388608xf32, #tpu.memory_space<hbm>>
      tpu.enqueue_indirect_dma source(%dma_start3A_235 : memref<8388608xf32, #tpu.memory_space<hbm>>) target(%dma_start3A_231 : memref<2048xf32, #tpu.memory_space<vmem>>) offsets(%dma_start3A_233 : memref<2048xi32, #tpu.memory_space<vmem>>) semaphore(%arg19 : memref<!tpu.dma_semaphore, #tpu.memory_space<semaphore_mem>>)
      %dma_wait3A_236 = arith.constant 0 : i32
      %dma_wait3A_237 = tpu.memref_slice %arg13[%dma_wait3A_236] : memref<4096xf32, #tpu.memory_space<vmem>> -> memref<2048xf32, #tpu.memory_space<vmem>>
      %dma_wait3A_238 = arith.constant 0 : i32
      %dma_wait3A_239 = tpu.memref_slice %arg3[%dma_wait3A_238] : memref<8388608xf32, #tpu.memory_space<hbm>> -> memref<2048xf32, #tpu.memory_space<hbm>>
      %dma_wait3A_240 = arith.constant 0 : i32
      %dma_wait3A_241 = tpu.memref_slice %arg13[%dma_wait3A_240] : memref<4096xf32, #tpu.memory_space<vmem>> -> memref<2048xf32, #tpu.memory_space<vmem>>
      %dma_wait3A_242 = arith.constant 0 : i32
      %dma_wait3A_243 = tpu.memref_slice %arg3[%dma_wait3A_242] : memref<8388608xf32, #tpu.memory_space<hbm>> -> memref<2048xf32, #tpu.memory_space<hbm>>
      tpu.wait_dma2 semaphore(%arg17 : memref<!tpu.dma_semaphore, #tpu.memory_space<semaphore_mem>>) src(%dma_wait3A_243 : memref<2048xf32, #tpu.memory_space<hbm>>) dst(%dma_wait3A_241 : memref<2048xf32, #tpu.memory_space<vmem>>)
      %dma_wait3A_244 = arith.constant 2048 : i32
      %dma_wait3A_245 = tpu.memref_slice %arg13[%dma_wait3A_244] : memref<4096xf32, #tpu.memory_space<vmem>> -> memref<2048xf32, #tpu.memory_space<vmem>>
      %dma_wait3A_246 = arith.constant 0 : i32
      %dma_wait3A_247 = tpu.memref_slice %arg3[%dma_wait3A_246] : memref<8388608xf32, #tpu.memory_space<hbm>> -> memref<2048xf32, #tpu.memory_space<hbm>>
      %dma_wait3A_248 = arith.constant 2048 : i32
      %dma_wait3A_249 = tpu.memref_slice %arg13[%dma_wait3A_248] : memref<4096xf32, #tpu.memory_space<vmem>> -> memref<2048xf32, #tpu.memory_space<vmem>>
      %dma_wait3A_250 = arith.constant 0 : i32
      %dma_wait3A_251 = tpu.memref_slice %arg3[%dma_wait3A_250] : memref<8388608xf32, #tpu.memory_space<hbm>> -> memref<2048xf32, #tpu.memory_space<hbm>>
      tpu.wait_dma2 semaphore(%arg17 : memref<!tpu.dma_semaphore, #tpu.memory_space<semaphore_mem>>) src(%dma_wait3A_251 : memref<2048xf32, #tpu.memory_space<hbm>>) dst(%dma_wait3A_249 : memref<2048xf32, #tpu.memory_space<vmem>>)
      %and3A_252 = arith.constant 7 : i32
      %and3A_253 = arith.andi %mul3A_196, %and3A_252 : i32
      %mul3A_254 = arith.constant 2 : i32
      %mul3A_255 = arith.muli %and3A_253, %mul3A_254 : i32
      %scan3A_256 = arith.constant 0 : i32
      %scan3A_257 = arith.constant 0 : i32
      %scan3A_258 = arith.constant 16 : i32
      %scan3A_259 = arith.addi %scan3A_257, %scan3A_258 : i32
      %scan3A_260 = arith.constant 1 : i32
      scf.for %scan3A_350 = %scan3A_257 to %scan3A_259 step %scan3A_260  : i32 {
        %mul3A_351 = arith.constant 16 : i32
        %mul3A_352 = arith.muli %mul3A_351, %scan3A_350 : i32
        %get3A = arith.constant 0 : i32
        %get3A_353 = arith.index_cast %get3A : i32 to index
        %get3A_354 = arith.index_cast %mul3A_352 : i32 to index
        %get3A_355 = tpu.vector_load %arg7[%get3A_353, %get3A_354] {strides = array<i32>} : memref<3x256xf32, #tpu.memory_space<vmem>>, vector<1x16xf32>,
        %get3A_356 = vector.shape_cast %get3A_355 : vector<1x16xf32> to vector<16xf32>
        %get3A_357 = arith.constant 1 : i32
        %get3A_358 = arith.index_cast %get3A_357 : i32 to index
        %get3A_359 = arith.index_cast %mul3A_352 : i32 to index
        %get3A_360 = tpu.vector_load %arg7[%get3A_358, %get3A_359] {strides = array<i32>} : memref<3x256xf32, #tpu.memory_space<vmem>>, vector<1x16xf32>,
        %get3A_361 = vector.shape_cast %get3A_360 : vector<1x16xf32> to vector<16xf32>
        %get3A_362 = arith.constant 2 : i32
        %get3A_363 = arith.index_cast %get3A_362 : i32 to index
        %get3A_364 = arith.index_cast %mul3A_352 : i32 to index
        %get3A_365 = tpu.vector_load %arg7[%get3A_363, %get3A_364] {strides = array<i32>} : memref<3x256xf32, #tpu.memory_space<vmem>>, vector<1x16xf32>,
        %get3A_366 = vector.shape_cast %get3A_365 : vector<1x16xf32> to vector<16xf32>
        %sub3A = arith.constant 1.000000e+00 : f32
        %sub3A_367 = vector.broadcast %sub3A : f32 to vector<16xf32>
        %sub3A_368 = arith.subf %sub3A_367, %get3A_356 : vector<16xf32>
        %sub3A_369 = arith.constant 1.000000e+00 : f32
        %sub3A_370 = vector.broadcast %sub3A_369 : f32 to vector<16xf32>
        %sub3A_371 = arith.subf %sub3A_370, %get3A_361 : vector<16xf32>
        %sub3A_372 = arith.constant 1.000000e+00 : f32
        %sub3A_373 = vector.broadcast %sub3A_372 : f32 to vector<16xf32>
        %sub3A_374 = arith.subf %sub3A_373, %get3A_366 : vector<16xf32>
        %mul3A_375 = arith.mulf %sub3A_368, %sub3A_371 : vector<16xf32>
        %mul3A_376 = arith.mulf %sub3A_368, %get3A_361 : vector<16xf32>
        %mul3A_377 = arith.mulf %get3A_356, %sub3A_371 : vector<16xf32>
        %mul3A_378 = arith.mulf %get3A_356, %get3A_361 : vector<16xf32>
        %broadcast_in_dim3A_379 = arith.constant 0.000000e+00 : f32
        %broadcast_in_dim3A_380 = vector.broadcast %broadcast_in_dim3A_379 : f32 to vector<16xf32>
        %broadcast_in_dim3A_381 = arith.constant 0.000000e+00 : f32
        %broadcast_in_dim3A_382 = vector.broadcast %broadcast_in_dim3A_381 : f32 to vector<16xf32>
        %mul3A_383 = arith.mulf %mul3A_375, %sub3A_374 : vector<16xf32>
        %add3A_384 = arith.constant 0 : i32
        %add3A_385 = arith.addi %add3A_384, %mul3A_352 : i32
        %get3A_386 = arith.index_cast %add3A_385 : i32 to index
        %get3A_387 = tpu.vector_load %arg13[%get3A_386] {strides = array<i32>} : memref<4096xf32, #tpu.memory_space<vmem>>, vector<16xf32>,
        %get3A_388 = vector.shape_cast %get3A_387 : vector<16xf32> to vector<16xf32>
        %add3A_389 = arith.constant 2048 : i32
        %add3A_390 = arith.addi %add3A_389, %mul3A_352 : i32
        %get3A_391 = arith.index_cast %add3A_390 : i32 to index
        %get3A_392 = tpu.vector_load %arg13[%get3A_391] {strides = array<i32>} : memref<4096xf32, #tpu.memory_space<vmem>>, vector<16xf32>,
        %get3A_393 = vector.shape_cast %get3A_392 : vector<16xf32> to vector<16xf32>
        %mul3A_394 = arith.mulf %get3A_388, %mul3A_383 : vector<16xf32>
        %add3A_395 = arith.addf %broadcast_in_dim3A_380, %mul3A_394 : vector<16xf32>
        %mul3A_396 = arith.mulf %get3A_393, %mul3A_383 : vector<16xf32>
        %add3A_397 = arith.addf %broadcast_in_dim3A_382, %mul3A_396 : vector<16xf32>
        %mul3A_398 = arith.mulf %mul3A_375, %get3A_366 : vector<16xf32>
        %add3A_399 = arith.constant 256 : i32
        %add3A_400 = arith.addi %add3A_399, %mul3A_352 : i32
        %get3A_401 = arith.index_cast %add3A_400 : i32 to index
        %get3A_402 = tpu.vector_load %arg13[%get3A_401] {strides = array<i32>} : memref<4096xf32, #tpu.memory_space<vmem>>, vector<16xf32>,
        %get3A_403 = vector.shape_cast %get3A_402 : vector<16xf32> to vector<16xf32>
        %add3A_404 = arith.constant 2304 : i32
        %add3A_405 = arith.addi %add3A_404, %mul3A_352 : i32
        %get3A_406 = arith.index_cast %add3A_405 : i32 to index
        %get3A_407 = tpu.vector_load %arg13[%get3A_406] {strides = array<i32>} : memref<4096xf32, #tpu.memory_space<vmem>>, vector<16xf32>,
        %get3A_408 = vector.shape_cast %get3A_407 : vector<16xf32> to vector<16xf32>
        %mul3A_409 = arith.mulf %get3A_403, %mul3A_398 : vector<16xf32>
        %add3A_410 = arith.addf %add3A_395, %mul3A_409 : vector<16xf32>
        %mul3A_411 = arith.mulf %get3A_408, %mul3A_398 : vector<16xf32>
        %add3A_412 = arith.addf %add3A_397, %mul3A_411 : vector<16xf32>
        %mul3A_413 = arith.mulf %mul3A_376, %sub3A_374 : vector<16xf32>
        %add3A_414 = arith.constant 512 : i32
        %add3A_415 = arith.addi %add3A_414, %mul3A_352 : i32
        %get3A_416 = arith.index_cast %add3A_415 : i32 to index
        %get3A_417 = tpu.vector_load %arg13[%get3A_416] {strides = array<i32>} : memref<4096xf32, #tpu.memory_space<vmem>>, vector<16xf32>,
        %get3A_418 = vector.shape_cast %get3A_417 : vector<16xf32> to vector<16xf32>
        %add3A_419 = arith.constant 2560 : i32
        %add3A_420 = arith.addi %add3A_419, %mul3A_352 : i32
        %get3A_421 = arith.index_cast %add3A_420 : i32 to index
        %get3A_422 = tpu.vector_load %arg13[%get3A_421] {strides = array<i32>} : memref<4096xf32, #tpu.memory_space<vmem>>, vector<16xf32>,
        %get3A_423 = vector.shape_cast %get3A_422 : vector<16xf32> to vector<16xf32>
        %mul3A_424 = arith.mulf %get3A_418, %mul3A_413 : vector<16xf32>
        %add3A_425 = arith.addf %add3A_410, %mul3A_424 : vector<16xf32>
        %mul3A_426 = arith.mulf %get3A_423, %mul3A_413 : vector<16xf32>
        %add3A_427 = arith.addf %add3A_412, %mul3A_426 : vector<16xf32>
        %mul3A_428 = arith.mulf %mul3A_376, %get3A_366 : vector<16xf32>
        %add3A_429 = arith.constant 768 : i32
        %add3A_430 = arith.addi %add3A_429, %mul3A_352 : i32
        %get3A_431 = arith.index_cast %add3A_430 : i32 to index
        %get3A_432 = tpu.vector_load %arg13[%get3A_431] {strides = array<i32>} : memref<4096xf32, #tpu.memory_space<vmem>>, vector<16xf32>,
        %get3A_433 = vector.shape_cast %get3A_432 : vector<16xf32> to vector<16xf32>
        %add3A_434 = arith.constant 2816 : i32
        %add3A_435 = arith.addi %add3A_434, %mul3A_352 : i32
        %get3A_436 = arith.index_cast %add3A_435 : i32 to index
        %get3A_437 = tpu.vector_load %arg13[%get3A_436] {strides = array<i32>} : memref<4096xf32, #tpu.memory_space<vmem>>, vector<16xf32>,
        %get3A_438 = vector.shape_cast %get3A_437 : vector<16xf32> to vector<16xf32>
        %mul3A_439 = arith.mulf %get3A_433, %mul3A_428 : vector<16xf32>
        %add3A_440 = arith.addf %add3A_425, %mul3A_439 : vector<16xf32>
        %mul3A_441 = arith.mulf %get3A_438, %mul3A_428 : vector<16xf32>
        %add3A_442 = arith.addf %add3A_427, %mul3A_441 : vector<16xf32>
        %mul3A_443 = arith.mulf %mul3A_377, %sub3A_374 : vector<16xf32>
        %add3A_444 = arith.constant 1024 : i32
        %add3A_445 = arith.addi %add3A_444, %mul3A_352 : i32
        %get3A_446 = arith.index_cast %add3A_445 : i32 to index
        %get3A_447 = tpu.vector_load %arg13[%get3A_446] {strides = array<i32>} : memref<4096xf32, #tpu.memory_space<vmem>>, vector<16xf32>,
        %get3A_448 = vector.shape_cast %get3A_447 : vector<16xf32> to vector<16xf32>
        %add3A_449 = arith.constant 3072 : i32
        %add3A_450 = arith.addi %add3A_449, %mul3A_352 : i32
        %get3A_451 = arith.index_cast %add3A_450 : i32 to index
        %get3A_452 = tpu.vector_load %arg13[%get3A_451] {strides = array<i32>} : memref<4096xf32, #tpu.memory_space<vmem>>, vector<16xf32>,
        %get3A_453 = vector.shape_cast %get3A_452 : vector<16xf32> to vector<16xf32>
        %mul3A_454 = arith.mulf %get3A_448, %mul3A_443 : vector<16xf32>
        %add3A_455 = arith.addf %add3A_440, %mul3A_454 : vector<16xf32>
        %mul3A_456 = arith.mulf %get3A_453, %mul3A_443 : vector<16xf32>
        %add3A_457 = arith.addf %add3A_442, %mul3A_456 : vector<16xf32>
        %mul3A_458 = arith.mulf %mul3A_377, %get3A_366 : vector<16xf32>
        %add3A_459 = arith.constant 1280 : i32
        %add3A_460 = arith.addi %add3A_459, %mul3A_352 : i32
        %get3A_461 = arith.index_cast %add3A_460 : i32 to index
        %get3A_462 = tpu.vector_load %arg13[%get3A_461] {strides = array<i32>} : memref<4096xf32, #tpu.memory_space<vmem>>, vector<16xf32>,
        %get3A_463 = vector.shape_cast %get3A_462 : vector<16xf32> to vector<16xf32>
        %add3A_464 = arith.constant 3328 : i32
        %add3A_465 = arith.addi %add3A_464, %mul3A_352 : i32
        %get3A_466 = arith.index_cast %add3A_465 : i32 to index
        %get3A_467 = tpu.vector_load %arg13[%get3A_466] {strides = array<i32>} : memref<4096xf32, #tpu.memory_space<vmem>>, vector<16xf32>,
        %get3A_468 = vector.shape_cast %get3A_467 : vector<16xf32> to vector<16xf32>
        %mul3A_469 = arith.mulf %get3A_463, %mul3A_458 : vector<16xf32>
        %add3A_470 = arith.addf %add3A_455, %mul3A_469 : vector<16xf32>
        %mul3A_471 = arith.mulf %get3A_468, %mul3A_458 : vector<16xf32>
        %add3A_472 = arith.addf %add3A_457, %mul3A_471 : vector<16xf32>
        %mul3A_473 = arith.mulf %mul3A_378, %sub3A_374 : vector<16xf32>
        %add3A_474 = arith.constant 1536 : i32
        %add3A_475 = arith.addi %add3A_474, %mul3A_352 : i32
        %get3A_476 = arith.index_cast %add3A_475 : i32 to index
        %get3A_477 = tpu.vector_load %arg13[%get3A_476] {strides = array<i32>} : memref<4096xf32, #tpu.memory_space<vmem>>, vector<16xf32>,
        %get3A_478 = vector.shape_cast %get3A_477 : vector<16xf32> to vector<16xf32>
        %add3A_479 = arith.constant 3584 : i32
        %add3A_480 = arith.addi %add3A_479, %mul3A_352 : i32
        %get3A_481 = arith.index_cast %add3A_480 : i32 to index
        %get3A_482 = tpu.vector_load %arg13[%get3A_481] {strides = array<i32>} : memref<4096xf32, #tpu.memory_space<vmem>>, vector<16xf32>,
        %get3A_483 = vector.shape_cast %get3A_482 : vector<16xf32> to vector<16xf32>
        %mul3A_484 = arith.mulf %get3A_478, %mul3A_473 : vector<16xf32>
        %add3A_485 = arith.addf %add3A_470, %mul3A_484 : vector<16xf32>
        %mul3A_486 = arith.mulf %get3A_483, %mul3A_473 : vector<16xf32>
        %add3A_487 = arith.addf %add3A_472, %mul3A_486 : vector<16xf32>
        %mul3A_488 = arith.mulf %mul3A_378, %get3A_366 : vector<16xf32>
        %add3A_489 = arith.constant 1792 : i32
        %add3A_490 = arith.addi %add3A_489, %mul3A_352 : i32
        %get3A_491 = arith.index_cast %add3A_490 : i32 to index
        %get3A_492 = tpu.vector_load %arg13[%get3A_491] {strides = array<i32>} : memref<4096xf32, #tpu.memory_space<vmem>>, vector<16xf32>,
        %get3A_493 = vector.shape_cast %get3A_492 : vector<16xf32> to vector<16xf32>
        %add3A_494 = arith.constant 3840 : i32
        %add3A_495 = arith.addi %add3A_494, %mul3A_352 : i32
        %get3A_496 = arith.index_cast %add3A_495 : i32 to index
        %get3A_497 = tpu.vector_load %arg13[%get3A_496] {strides = array<i32>} : memref<4096xf32, #tpu.memory_space<vmem>>, vector<16xf32>,
        %get3A_498 = vector.shape_cast %get3A_497 : vector<16xf32> to vector<16xf32>
        %mul3A_499 = arith.mulf %get3A_493, %mul3A_488 : vector<16xf32>
        %add3A_500 = arith.addf %add3A_485, %mul3A_499 : vector<16xf32>
        %mul3A_501 = arith.mulf %get3A_498, %mul3A_488 : vector<16xf32>
        %add3A_502 = arith.addf %add3A_487, %mul3A_501 : vector<16xf32>
        %swap3A = arith.index_cast %mul3A_255 : i32 to index
        %swap3A_503 = arith.index_cast %mul3A_352 : i32 to index
        %swap3A_504 = tpu.vector_load %arg16[%swap3A, %swap3A_503] {strides = array<i32>} : memref<16x256xf32, #tpu.memory_space<vmem>>, vector<1x16xf32>,
        %swap3A_505 = vector.shape_cast %swap3A_504 : vector<1x16xf32> to vector<16xf32>
        %swap3A_506 = vector.shape_cast %add3A_500 : vector<16xf32> to vector<1x16xf32>
        tpu.vector_store %arg16[%swap3A, %swap3A_503], %swap3A_506 {strides = array<i32>} : memref<16x256xf32, #tpu.memory_space<vmem>>, vector<1x16xf32>,
        %add3A_507 = arith.constant 1 : i32
        %add3A_508 = arith.addi %mul3A_255, %add3A_507 : i32
        %swap3A_509 = arith.index_cast %add3A_508 : i32 to index
        %swap3A_510 = arith.index_cast %mul3A_352 : i32 to index
        %swap3A_511 = tpu.vector_load %arg16[%swap3A_509, %swap3A_510] {strides = array<i32>} : memref<16x256xf32, #tpu.memory_space<vmem>>, vector<1x16xf32>,
        %swap3A_512 = vector.shape_cast %swap3A_511 : vector<1x16xf32> to vector<16xf32>
        %swap3A_513 = vector.shape_cast %add3A_502 : vector<16xf32> to vector<1x16xf32>
        tpu.vector_store %arg16[%swap3A_509, %swap3A_510], %swap3A_513 {strides = array<i32>} : memref<16x256xf32, #tpu.memory_space<vmem>>, vector<1x16xf32>,
      }
      %scan3A_261 = arith.constant 16 : i32
      %and3A_262 = arith.constant 7 : i32
      %and3A_263 = arith.andi %mul3A_196, %and3A_262 : i32
      %eq3A = arith.constant 7 : i32
      %eq3A_264 = arith.cmpi eq, %and3A_263, %eq3A : i32
      %convert_element_type3A_265 = arith.extui %eq3A_264 : i1 to i32
      %cond3A = arith.constant 0 : i32
      %cond3A_266 = arith.cmpi ne, %convert_element_type3A_265, %cond3A : i32
      scf.if %cond3A_266 {
        %shift_right_arithmetic3A_350 = arith.constant 3 : i32
        %shift_right_arithmetic3A_351 = arith.shrsi %mul3A_196, %shift_right_arithmetic3A_350 : i32
        %mul3A_352 = arith.constant 256 : i32
        %mul3A_353 = arith.muli %shift_right_arithmetic3A_351, %mul3A_352 : i32
        %add3A_354 = arith.addi %mul3A_2, %mul3A_353 : i32
        "tpu.region"() ({
          %run_scoped3A = tpu.sem_alloc : memref<!tpu.dma_semaphore, #tpu.memory_space<semaphore_mem>>
          %dma_start3A_355 = arith.constant 0 : i32
          %dma_start3A_356 = tpu.memref_slice %arg4[%dma_start3A_355, %add3A_354] : memref<16x131072xf32, #tpu.memory_space<hbm>> -> memref<16x256xf32, #tpu.memory_space<hbm>>
          %dma_start3A_357 = arith.constant 0 : i32
          %dma_start3A_358 = tpu.memref_slice %arg4[%dma_start3A_357, %add3A_354] : memref<16x131072xf32, #tpu.memory_space<hbm>> -> memref<16x256xf32, #tpu.memory_space<hbm>>
          tpu.enqueue_dma source(%arg16 : memref<16x256xf32, #tpu.memory_space<vmem>>) target(%dma_start3A_358 : memref<16x256xf32, #tpu.memory_space<hbm>>) target_semaphore(%run_scoped3A : memref<!tpu.dma_semaphore, #tpu.memory_space<semaphore_mem>>)
          %dma_wait3A_359 = arith.constant 0 : i32
          %dma_wait3A_360 = tpu.memref_slice %arg4[%dma_wait3A_359, %add3A_354] : memref<16x131072xf32, #tpu.memory_space<hbm>> -> memref<16x256xf32, #tpu.memory_space<hbm>>
          %dma_wait3A_361 = arith.constant 0 : i32
          %dma_wait3A_362 = tpu.memref_slice %arg4[%dma_wait3A_361, %add3A_354] : memref<16x131072xf32, #tpu.memory_space<hbm>> -> memref<16x256xf32, #tpu.memory_space<hbm>>
          tpu.wait_dma2 semaphore(%run_scoped3A : memref<!tpu.dma_semaphore, #tpu.memory_space<semaphore_mem>>) src(%arg16 : memref<16x256xf32, #tpu.memory_space<vmem>>) dst(%dma_wait3A_362 : memref<16x256xf32, #tpu.memory_space<hbm>>)
          tpu.yield
        }) : () -> ()
      } else {
      }
      %add3A_267 = arith.constant 3 : i32
      %add3A_268 = arith.addi %mul3A_196, %add3A_267 : i32
      %lt3A = arith.constant 128 : i32
      %lt3A_269 = arith.cmpi slt, %add3A_268, %lt3A : i32
      %convert_element_type3A_270 = arith.extui %lt3A_269 : i1 to i32
      %cond3A_271 = arith.constant 0 : i32
      %cond3A_272 = arith.cmpi ne, %convert_element_type3A_270, %cond3A_271 : i32
      scf.if %cond3A_272 {
        %add3A_350 = arith.constant 3 : i32
        %add3A_351 = arith.addi %mul3A_196, %add3A_350 : i32
        %shift_right_arithmetic3A_352 = arith.constant 3 : i32
        %shift_right_arithmetic3A_353 = arith.shrsi %add3A_351, %shift_right_arithmetic3A_352 : i32
        %mul3A_354 = arith.constant 256 : i32
        %mul3A_355 = arith.muli %shift_right_arithmetic3A_353, %mul3A_354 : i32
        %broadcast_in_dim3A_356 = arith.constant 0 : i32
        %broadcast_in_dim3A_357 = vector.broadcast %broadcast_in_dim3A_356 : i32 to vector<16xi32>
        %and3A_358 = arith.constant 7 : i32
        %and3A_359 = arith.andi %add3A_351, %and3A_358 : i32
        %add3A_360 = vector.broadcast %and3A_359 : i32 to vector<16xi32>
        %add3A_361 = arith.addi %broadcast_in_dim3A_357, %add3A_360 : vector<16xi32>
        %add3A_362 = arith.constant 4 : i32
        %add3A_363 = vector.broadcast %add3A_362 : i32 to vector<16xi32>
        %add3A_364 = arith.addi %add3A_361, %add3A_363 : vector<16xi32>
        %shift_left3A_365 = arith.constant 1 : i32
        %shift_left3A_366 = vector.broadcast %shift_left3A_365 : i32 to vector<16xi32>
        %shift_left3A_367 = arith.shli %shift_left3A_366, %add3A_364 : vector<16xi32>
        %convert_element_type3A_368 = arith.sitofp %shift_left3A_367 : vector<16xi32> to vector<16xf32>
        %shift_left3A_369 = arith.constant 20 : i32
        %shift_left3A_370 = vector.broadcast %shift_left3A_369 : i32 to vector<16xi32>
        %shift_left3A_371 = arith.shli %add3A_361, %shift_left3A_370 : vector<16xi32>
        %bitcast3A_372 = vector.bitcast %shift_left3A_371 : vector<16xi32> to vector<16xi32>
        %scan3A_373 = arith.constant 0 : i32
        %scan3A_374 = arith.constant 0 : i32
        %scan3A_375 = arith.constant 16 : i32
        %scan3A_376 = arith.addi %scan3A_374, %scan3A_375 : i32
        %scan3A_377 = arith.constant 1 : i32
        scf.for %scan3A_391 = %scan3A_374 to %scan3A_376 step %scan3A_377  : i32 {
          %mul3A_392 = arith.constant 16 : i32
          %mul3A_393 = arith.muli %mul3A_392, %scan3A_391 : i32
          %add3A_394 = arith.addi %mul3A_355, %mul3A_393 : i32
          %get3A = arith.index_cast %add3A_394 : i32 to index
          %get3A_395 = tpu.vector_load %arg5[%get3A] {strides = array<i32>} : memref<12288xf32, #tpu.memory_space<vmem>>, vector<16xf32>,
          %get3A_396 = vector.shape_cast %get3A_395 : vector<16xf32> to vector<16xf32>
          %mul3A_397 = arith.mulf %get3A_396, %convert_element_type3A_368 : vector<16xf32>
          %add3A_398 = arith.constant 4096 : i32
          %add3A_399 = arith.addi %add3A_398, %mul3A_355 : i32
          %add3A_400 = arith.addi %add3A_399, %mul3A_393 : i32
          %get3A_401 = arith.index_cast %add3A_400 : i32 to index
          %get3A_402 = tpu.vector_load %arg5[%get3A_401] {strides = array<i32>} : memref<12288xf32, #tpu.memory_space<vmem>>, vector<16xf32>,
          %get3A_403 = vector.shape_cast %get3A_402 : vector<16xf32> to vector<16xf32>
          %mul3A_404 = arith.mulf %get3A_403, %convert_element_type3A_368 : vector<16xf32>
          %add3A_405 = arith.constant 8192 : i32
          %add3A_406 = arith.addi %add3A_405, %mul3A_355 : i32
          %add3A_407 = arith.addi %add3A_406, %mul3A_393 : i32
          %get3A_408 = arith.index_cast %add3A_407 : i32 to index
          %get3A_409 = tpu.vector_load %arg5[%get3A_408] {strides = array<i32>} : memref<12288xf32, #tpu.memory_space<vmem>>, vector<16xf32>,
          %get3A_410 = vector.shape_cast %get3A_409 : vector<16xf32> to vector<16xf32>
          %mul3A_411 = arith.mulf %get3A_410, %convert_element_type3A_368 : vector<16xf32>
          %convert_element_type3A_412 = arith.fptosi %mul3A_397 : vector<16xf32> to vector<16xi32>
          %convert_element_type3A_413 = arith.fptosi %mul3A_404 : vector<16xf32> to vector<16xi32>
          %convert_element_type3A_414 = arith.fptosi %mul3A_411 : vector<16xf32> to vector<16xi32>
          %convert_element_type3A_415 = arith.sitofp %convert_element_type3A_412 : vector<16xi32> to vector<16xf32>
          %sub3A = arith.subf %mul3A_397, %convert_element_type3A_415 : vector<16xf32>
          %swap3A = arith.constant 0 : i32
          %swap3A_416 = arith.index_cast %swap3A : i32 to index
          %swap3A_417 = arith.index_cast %mul3A_393 : i32 to index
          %swap3A_418 = tpu.vector_load %arg7[%swap3A_416, %swap3A_417] {strides = array<i32>} : memref<3x256xf32, #tpu.memory_space<vmem>>, vector<1x16xf32>,
          %swap3A_419 = vector.shape_cast %swap3A_418 : vector<1x16xf32> to vector<16xf32>
          %swap3A_420 = vector.shape_cast %sub3A : vector<16xf32> to vector<1x16xf32>
          tpu.vector_store %arg7[%swap3A_416, %swap3A_417], %swap3A_420 {strides = array<i32>} : memref<3x256xf32, #tpu.memory_space<vmem>>, vector<1x16xf32>,
          %convert_element_type3A_421 = arith.sitofp %convert_element_type3A_413 : vector<16xi32> to vector<16xf32>
          %sub3A_422 = arith.subf %mul3A_404, %convert_element_type3A_421 : vector<16xf32>
          %swap3A_423 = arith.constant 1 : i32
          %swap3A_424 = arith.index_cast %swap3A_423 : i32 to index
          %swap3A_425 = arith.index_cast %mul3A_393 : i32 to index
          %swap3A_426 = tpu.vector_load %arg7[%swap3A_424, %swap3A_425] {strides = array<i32>} : memref<3x256xf32, #tpu.memory_space<vmem>>, vector<1x16xf32>,
          %swap3A_427 = vector.shape_cast %swap3A_426 : vector<1x16xf32> to vector<16xf32>
          %swap3A_428 = vector.shape_cast %sub3A_422 : vector<16xf32> to vector<1x16xf32>
          tpu.vector_store %arg7[%swap3A_424, %swap3A_425], %swap3A_428 {strides = array<i32>} : memref<3x256xf32, #tpu.memory_space<vmem>>, vector<1x16xf32>,
          %convert_element_type3A_429 = arith.sitofp %convert_element_type3A_414 : vector<16xi32> to vector<16xf32>
          %sub3A_430 = arith.subf %mul3A_411, %convert_element_type3A_429 : vector<16xf32>
          %swap3A_431 = arith.constant 2 : i32
          %swap3A_432 = arith.index_cast %swap3A_431 : i32 to index
          %swap3A_433 = arith.index_cast %mul3A_393 : i32 to index
          %swap3A_434 = tpu.vector_load %arg7[%swap3A_432, %swap3A_433] {strides = array<i32>} : memref<3x256xf32, #tpu.memory_space<vmem>>, vector<1x16xf32>,
          %swap3A_435 = vector.shape_cast %swap3A_434 : vector<1x16xf32> to vector<16xf32>
          %swap3A_436 = vector.shape_cast %sub3A_430 : vector<16xf32> to vector<1x16xf32>
          tpu.vector_store %arg7[%swap3A_432, %swap3A_433], %swap3A_436 {strides = array<i32>} : memref<3x256xf32, #tpu.memory_space<vmem>>, vector<1x16xf32>,
          %bitcast3A_437 = vector.bitcast %convert_element_type3A_412 : vector<16xi32> to vector<16xi32>
          %add3A_438 = arith.constant 1 : i32
          %add3A_439 = vector.broadcast %add3A_438 : i32 to vector<16xi32>
          %add3A_440 = arith.addi %bitcast3A_437, %add3A_439 : vector<16xi32>
          %bitcast3A_441 = vector.bitcast %convert_element_type3A_413 : vector<16xi32> to vector<16xi32>
          %mul3A_442 = arith.constant -1640531535 : i32
          %mul3A_443 = vector.broadcast %mul3A_442 : i32 to vector<16xi32>
          %mul3A_444 = arith.muli %bitcast3A_441, %mul3A_443 : vector<16xi32>
          %add3A_445 = arith.constant -1640531535 : i32
          %add3A_446 = vector.broadcast %add3A_445 : i32 to vector<16xi32>
          %add3A_447 = arith.addi %mul3A_444, %add3A_446 : vector<16xi32>
          %bitcast3A_448 = vector.bitcast %convert_element_type3A_414 : vector<16xi32> to vector<16xi32>
          %mul3A_449 = arith.constant 805459861 : i32
          %mul3A_450 = vector.broadcast %mul3A_449 : i32 to vector<16xi32>
          %mul3A_451 = arith.muli %bitcast3A_448, %mul3A_450 : vector<16xi32>
          %add3A_452 = arith.constant 805459861 : i32
          %add3A_453 = vector.broadcast %add3A_452 : i32 to vector<16xi32>
          %add3A_454 = arith.addi %mul3A_451, %add3A_453 : vector<16xi32>
          %xor3A = arith.xori %bitcast3A_437, %mul3A_444 : vector<16xi32>
          %xor3A_455 = arith.xori %bitcast3A_437, %add3A_447 : vector<16xi32>
          %xor3A_456 = arith.xori %add3A_440, %mul3A_444 : vector<16xi32>
          %xor3A_457 = arith.xori %add3A_440, %add3A_447 : vector<16xi32>
          %xor3A_458 = arith.xori %xor3A, %mul3A_451 : vector<16xi32>
          %and3A_459 = arith.constant 524287 : i32
          %and3A_460 = vector.broadcast %and3A_459 : i32 to vector<16xi32>
          %and3A_461 = arith.andi %xor3A_458, %and3A_460 : vector<16xi32>
          %and3A_462 = arith.constant 524160 : i32
          %and3A_463 = vector.broadcast %and3A_462 : i32 to vector<16xi32>
          %and3A_464 = arith.andi %and3A_461, %and3A_463 : vector<16xi32>
          %shift_left3A_465 = arith.constant 1 : i32
          %shift_left3A_466 = vector.broadcast %shift_left3A_465 : i32 to vector<16xi32>
          %shift_left3A_467 = arith.shli %and3A_464, %shift_left3A_466 : vector<16xi32>
          %and3A_468 = arith.constant 127 : i32
          %and3A_469 = vector.broadcast %and3A_468 : i32 to vector<16xi32>
          %and3A_470 = arith.andi %and3A_461, %and3A_469 : vector<16xi32>
          %or3A = arith.ori %shift_left3A_467, %and3A_470 : vector<16xi32>
          %or3A_471 = arith.ori %or3A, %bitcast3A_372 : vector<16xi32>
          %bitcast3A_472 = vector.bitcast %or3A_471 : vector<16xi32> to vector<16xi32>
          %add3A_473 = arith.constant 0 : i32
          %add3A_474 = arith.addi %add3A_473, %mul3A_393 : i32
          %swap3A_475 = arith.index_cast %add3A_474 : i32 to index
          %swap3A_476 = tpu.vector_load %arg10[%swap3A_475] {strides = array<i32>} : memref<4096xi32, #tpu.memory_space<vmem>>, vector<16xi32>,
          %swap3A_477 = vector.shape_cast %swap3A_476 : vector<16xi32> to vector<16xi32>
          %swap3A_478 = vector.shape_cast %bitcast3A_472 : vector<16xi32> to vector<16xi32>
          tpu.vector_store %arg10[%swap3A_475], %swap3A_478 {strides = array<i32>} : memref<4096xi32, #tpu.memory_space<vmem>>, vector<16xi32>,
          %add3A_479 = arith.constant 128 : i32
          %add3A_480 = vector.broadcast %add3A_479 : i32 to vector<16xi32>
          %add3A_481 = arith.addi %bitcast3A_472, %add3A_480 : vector<16xi32>
          %add3A_482 = arith.constant 2048 : i32
          %add3A_483 = arith.addi %add3A_482, %mul3A_393 : i32
          %swap3A_484 = arith.index_cast %add3A_483 : i32 to index
          %swap3A_485 = tpu.vector_load %arg10[%swap3A_484] {strides = array<i32>} : memref<4096xi32, #tpu.memory_space<vmem>>, vector<16xi32>,
          %swap3A_486 = vector.shape_cast %swap3A_485 : vector<16xi32> to vector<16xi32>
          %swap3A_487 = vector.shape_cast %add3A_481 : vector<16xi32> to vector<16xi32>
          tpu.vector_store %arg10[%swap3A_484], %swap3A_487 {strides = array<i32>} : memref<4096xi32, #tpu.memory_space<vmem>>, vector<16xi32>,
          %xor3A_488 = arith.xori %xor3A, %add3A_454 : vector<16xi32>
          %and3A_489 = arith.constant 524287 : i32
          %and3A_490 = vector.broadcast %and3A_489 : i32 to vector<16xi32>
          %and3A_491 = arith.andi %xor3A_488, %and3A_490 : vector<16xi32>
          %and3A_492 = arith.constant 524160 : i32
          %and3A_493 = vector.broadcast %and3A_492 : i32 to vector<16xi32>
          %and3A_494 = arith.andi %and3A_491, %and3A_493 : vector<16xi32>
          %shift_left3A_495 = arith.constant 1 : i32
          %shift_left3A_496 = vector.broadcast %shift_left3A_495 : i32 to vector<16xi32>
          %shift_left3A_497 = arith.shli %and3A_494, %shift_left3A_496 : vector<16xi32>
          %and3A_498 = arith.constant 127 : i32
          %and3A_499 = vector.broadcast %and3A_498 : i32 to vector<16xi32>
          %and3A_500 = arith.andi %and3A_491, %and3A_499 : vector<16xi32>
          %or3A_501 = arith.ori %shift_left3A_497, %and3A_500 : vector<16xi32>
          %or3A_502 = arith.ori %or3A_501, %bitcast3A_372 : vector<16xi32>
          %bitcast3A_503 = vector.bitcast %or3A_502 : vector<16xi32> to vector<16xi32>
          %add3A_504 = arith.constant 256 : i32
          %add3A_505 = arith.addi %add3A_504, %mul3A_393 : i32
          %swap3A_506 = arith.index_cast %add3A_505 : i32 to index
          %swap3A_507 = tpu.vector_load %arg10[%swap3A_506] {strides = array<i32>} : memref<4096xi32, #tpu.memory_space<vmem>>, vector<16xi32>,
          %swap3A_508 = vector.shape_cast %swap3A_507 : vector<16xi32> to vector<16xi32>
          %swap3A_509 = vector.shape_cast %bitcast3A_503 : vector<16xi32> to vector<16xi32>
          tpu.vector_store %arg10[%swap3A_506], %swap3A_509 {strides = array<i32>} : memref<4096xi32, #tpu.memory_space<vmem>>, vector<16xi32>,
          %add3A_510 = arith.constant 128 : i32
          %add3A_511 = vector.broadcast %add3A_510 : i32 to vector<16xi32>
          %add3A_512 = arith.addi %bitcast3A_503, %add3A_511 : vector<16xi32>
          %add3A_513 = arith.constant 2304 : i32
          %add3A_514 = arith.addi %add3A_513, %mul3A_393 : i32
          %swap3A_515 = arith.index_cast %add3A_514 : i32 to index
          %swap3A_516 = tpu.vector_load %arg10[%swap3A_515] {strides = array<i32>} : memref<4096xi32, #tpu.memory_space<vmem>>, vector<16xi32>,
          %swap3A_517 = vector.shape_cast %swap3A_516 : vector<16xi32> to vector<16xi32>
          %swap3A_518 = vector.shape_cast %add3A_512 : vector<16xi32> to vector<16xi32>
          tpu.vector_store %arg10[%swap3A_515], %swap3A_518 {strides = array<i32>} : memref<4096xi32, #tpu.memory_space<vmem>>, vector<16xi32>,
          %xor3A_519 = arith.xori %xor3A_455, %mul3A_451 : vector<16xi32>
          %and3A_520 = arith.constant 524287 : i32
          %and3A_521 = vector.broadcast %and3A_520 : i32 to vector<16xi32>
          %and3A_522 = arith.andi %xor3A_519, %and3A_521 : vector<16xi32>
          %and3A_523 = arith.constant 524160 : i32
          %and3A_524 = vector.broadcast %and3A_523 : i32 to vector<16xi32>
          %and3A_525 = arith.andi %and3A_522, %and3A_524 : vector<16xi32>
          %shift_left3A_526 = arith.constant 1 : i32
          %shift_left3A_527 = vector.broadcast %shift_left3A_526 : i32 to vector<16xi32>
          %shift_left3A_528 = arith.shli %and3A_525, %shift_left3A_527 : vector<16xi32>
          %and3A_529 = arith.constant 127 : i32
          %and3A_530 = vector.broadcast %and3A_529 : i32 to vector<16xi32>
          %and3A_531 = arith.andi %and3A_522, %and3A_530 : vector<16xi32>
          %or3A_532 = arith.ori %shift_left3A_528, %and3A_531 : vector<16xi32>
          %or3A_533 = arith.ori %or3A_532, %bitcast3A_372 : vector<16xi32>
          %bitcast3A_534 = vector.bitcast %or3A_533 : vector<16xi32> to vector<16xi32>
          %add3A_535 = arith.constant 512 : i32
          %add3A_536 = arith.addi %add3A_535, %mul3A_393 : i32
          %swap3A_537 = arith.index_cast %add3A_536 : i32 to index
          %swap3A_538 = tpu.vector_load %arg10[%swap3A_537] {strides = array<i32>} : memref<4096xi32, #tpu.memory_space<vmem>>, vector<16xi32>,
          %swap3A_539 = vector.shape_cast %swap3A_538 : vector<16xi32> to vector<16xi32>
          %swap3A_540 = vector.shape_cast %bitcast3A_534 : vector<16xi32> to vector<16xi32>
          tpu.vector_store %arg10[%swap3A_537], %swap3A_540 {strides = array<i32>} : memref<4096xi32, #tpu.memory_space<vmem>>, vector<16xi32>,
          %add3A_541 = arith.constant 128 : i32
          %add3A_542 = vector.broadcast %add3A_541 : i32 to vector<16xi32>
          %add3A_543 = arith.addi %bitcast3A_534, %add3A_542 : vector<16xi32>
          %add3A_544 = arith.constant 2560 : i32
          %add3A_545 = arith.addi %add3A_544, %mul3A_393 : i32
          %swap3A_546 = arith.index_cast %add3A_545 : i32 to index
          %swap3A_547 = tpu.vector_load %arg10[%swap3A_546] {strides = array<i32>} : memref<4096xi32, #tpu.memory_space<vmem>>, vector<16xi32>,
          %swap3A_548 = vector.shape_cast %swap3A_547 : vector<16xi32> to vector<16xi32>
          %swap3A_549 = vector.shape_cast %add3A_543 : vector<16xi32> to vector<16xi32>
          tpu.vector_store %arg10[%swap3A_546], %swap3A_549 {strides = array<i32>} : memref<4096xi32, #tpu.memory_space<vmem>>, vector<16xi32>,
          %xor3A_550 = arith.xori %xor3A_455, %add3A_454 : vector<16xi32>
          %and3A_551 = arith.constant 524287 : i32
          %and3A_552 = vector.broadcast %and3A_551 : i32 to vector<16xi32>
          %and3A_553 = arith.andi %xor3A_550, %and3A_552 : vector<16xi32>
          %and3A_554 = arith.constant 524160 : i32
          %and3A_555 = vector.broadcast %and3A_554 : i32 to vector<16xi32>
          %and3A_556 = arith.andi %and3A_553, %and3A_555 : vector<16xi32>
          %shift_left3A_557 = arith.constant 1 : i32
          %shift_left3A_558 = vector.broadcast %shift_left3A_557 : i32 to vector<16xi32>
          %shift_left3A_559 = arith.shli %and3A_556, %shift_left3A_558 : vector<16xi32>
          %and3A_560 = arith.constant 127 : i32
          %and3A_561 = vector.broadcast %and3A_560 : i32 to vector<16xi32>
          %and3A_562 = arith.andi %and3A_553, %and3A_561 : vector<16xi32>
          %or3A_563 = arith.ori %shift_left3A_559, %and3A_562 : vector<16xi32>
          %or3A_564 = arith.ori %or3A_563, %bitcast3A_372 : vector<16xi32>
          %bitcast3A_565 = vector.bitcast %or3A_564 : vector<16xi32> to vector<16xi32>
          %add3A_566 = arith.constant 768 : i32
          %add3A_567 = arith.addi %add3A_566, %mul3A_393 : i32
          %swap3A_568 = arith.index_cast %add3A_567 : i32 to index
          %swap3A_569 = tpu.vector_load %arg10[%swap3A_568] {strides = array<i32>} : memref<4096xi32, #tpu.memory_space<vmem>>, vector<16xi32>,
          %swap3A_570 = vector.shape_cast %swap3A_569 : vector<16xi32> to vector<16xi32>
          %swap3A_571 = vector.shape_cast %bitcast3A_565 : vector<16xi32> to vector<16xi32>
          tpu.vector_store %arg10[%swap3A_568], %swap3A_571 {strides = array<i32>} : memref<4096xi32, #tpu.memory_space<vmem>>, vector<16xi32>,
          %add3A_572 = arith.constant 128 : i32
          %add3A_573 = vector.broadcast %add3A_572 : i32 to vector<16xi32>
          %add3A_574 = arith.addi %bitcast3A_565, %add3A_573 : vector<16xi32>
          %add3A_575 = arith.constant 2816 : i32
          %add3A_576 = arith.addi %add3A_575, %mul3A_393 : i32
          %swap3A_577 = arith.index_cast %add3A_576 : i32 to index
          %swap3A_578 = tpu.vector_load %arg10[%swap3A_577] {strides = array<i32>} : memref<4096xi32, #tpu.memory_space<vmem>>, vector<16xi32>,
          %swap3A_579 = vector.shape_cast %swap3A_578 : vector<16xi32> to vector<16xi32>
          %swap3A_580 = vector.shape_cast %add3A_574 : vector<16xi32> to vector<16xi32>
          tpu.vector_store %arg10[%swap3A_577], %swap3A_580 {strides = array<i32>} : memref<4096xi32, #tpu.memory_space<vmem>>, vector<16xi32>,
          %xor3A_581 = arith.xori %xor3A_456, %mul3A_451 : vector<16xi32>
          %and3A_582 = arith.constant 524287 : i32
          %and3A_583 = vector.broadcast %and3A_582 : i32 to vector<16xi32>
          %and3A_584 = arith.andi %xor3A_581, %and3A_583 : vector<16xi32>
          %and3A_585 = arith.constant 524160 : i32
          %and3A_586 = vector.broadcast %and3A_585 : i32 to vector<16xi32>
          %and3A_587 = arith.andi %and3A_584, %and3A_586 : vector<16xi32>
          %shift_left3A_588 = arith.constant 1 : i32
          %shift_left3A_589 = vector.broadcast %shift_left3A_588 : i32 to vector<16xi32>
          %shift_left3A_590 = arith.shli %and3A_587, %shift_left3A_589 : vector<16xi32>
          %and3A_591 = arith.constant 127 : i32
          %and3A_592 = vector.broadcast %and3A_591 : i32 to vector<16xi32>
          %and3A_593 = arith.andi %and3A_584, %and3A_592 : vector<16xi32>
          %or3A_594 = arith.ori %shift_left3A_590, %and3A_593 : vector<16xi32>
          %or3A_595 = arith.ori %or3A_594, %bitcast3A_372 : vector<16xi32>
          %bitcast3A_596 = vector.bitcast %or3A_595 : vector<16xi32> to vector<16xi32>
          %add3A_597 = arith.constant 1024 : i32
          %add3A_598 = arith.addi %add3A_597, %mul3A_393 : i32
          %swap3A_599 = arith.index_cast %add3A_598 : i32 to index
          %swap3A_600 = tpu.vector_load %arg10[%swap3A_599] {strides = array<i32>} : memref<4096xi32, #tpu.memory_space<vmem>>, vector<16xi32>,
          %swap3A_601 = vector.shape_cast %swap3A_600 : vector<16xi32> to vector<16xi32>
          %swap3A_602 = vector.shape_cast %bitcast3A_596 : vector<16xi32> to vector<16xi32>
          tpu.vector_store %arg10[%swap3A_599], %swap3A_602 {strides = array<i32>} : memref<4096xi32, #tpu.memory_space<vmem>>, vector<16xi32>,
          %add3A_603 = arith.constant 128 : i32
          %add3A_604 = vector.broadcast %add3A_603 : i32 to vector<16xi32>
          %add3A_605 = arith.addi %bitcast3A_596, %add3A_604 : vector<16xi32>
          %add3A_606 = arith.constant 3072 : i32
          %add3A_607 = arith.addi %add3A_606, %mul3A_393 : i32
          %swap3A_608 = arith.index_cast %add3A_607 : i32 to index
          %swap3A_609 = tpu.vector_load %arg10[%swap3A_608] {strides = array<i32>} : memref<4096xi32, #tpu.memory_space<vmem>>, vector<16xi32>,
          %swap3A_610 = vector.shape_cast %swap3A_609 : vector<16xi32> to vector<16xi32>
          %swap3A_611 = vector.shape_cast %add3A_605 : vector<16xi32> to vector<16xi32>
          tpu.vector_store %arg10[%swap3A_608], %swap3A_611 {strides = array<i32>} : memref<4096xi32, #tpu.memory_space<vmem>>, vector<16xi32>,
          %xor3A_612 = arith.xori %xor3A_456, %add3A_454 : vector<16xi32>
          %and3A_613 = arith.constant 524287 : i32
          %and3A_614 = vector.broadcast %and3A_613 : i32 to vector<16xi32>
          %and3A_615 = arith.andi %xor3A_612, %and3A_614 : vector<16xi32>
          %and3A_616 = arith.constant 524160 : i32
          %and3A_617 = vector.broadcast %and3A_616 : i32 to vector<16xi32>
          %and3A_618 = arith.andi %and3A_615, %and3A_617 : vector<16xi32>
          %shift_left3A_619 = arith.constant 1 : i32
          %shift_left3A_620 = vector.broadcast %shift_left3A_619 : i32 to vector<16xi32>
          %shift_left3A_621 = arith.shli %and3A_618, %shift_left3A_620 : vector<16xi32>
          %and3A_622 = arith.constant 127 : i32
          %and3A_623 = vector.broadcast %and3A_622 : i32 to vector<16xi32>
          %and3A_624 = arith.andi %and3A_615, %and3A_623 : vector<16xi32>
          %or3A_625 = arith.ori %shift_left3A_621, %and3A_624 : vector<16xi32>
          %or3A_626 = arith.ori %or3A_625, %bitcast3A_372 : vector<16xi32>
          %bitcast3A_627 = vector.bitcast %or3A_626 : vector<16xi32> to vector<16xi32>
          %add3A_628 = arith.constant 1280 : i32
          %add3A_629 = arith.addi %add3A_628, %mul3A_393 : i32
          %swap3A_630 = arith.index_cast %add3A_629 : i32 to index
          %swap3A_631 = tpu.vector_load %arg10[%swap3A_630] {strides = array<i32>} : memref<4096xi32, #tpu.memory_space<vmem>>, vector<16xi32>,
          %swap3A_632 = vector.shape_cast %swap3A_631 : vector<16xi32> to vector<16xi32>
          %swap3A_633 = vector.shape_cast %bitcast3A_627 : vector<16xi32> to vector<16xi32>
          tpu.vector_store %arg10[%swap3A_630], %swap3A_633 {strides = array<i32>} : memref<4096xi32, #tpu.memory_space<vmem>>, vector<16xi32>,
          %add3A_634 = arith.constant 128 : i32
          %add3A_635 = vector.broadcast %add3A_634 : i32 to vector<16xi32>
          %add3A_636 = arith.addi %bitcast3A_627, %add3A_635 : vector<16xi32>
          %add3A_637 = arith.constant 3328 : i32
          %add3A_638 = arith.addi %add3A_637, %mul3A_393 : i32
          %swap3A_639 = arith.index_cast %add3A_638 : i32 to index
          %swap3A_640 = tpu.vector_load %arg10[%swap3A_639] {strides = array<i32>} : memref<4096xi32, #tpu.memory_space<vmem>>, vector<16xi32>,
          %swap3A_641 = vector.shape_cast %swap3A_640 : vector<16xi32> to vector<16xi32>
          %swap3A_642 = vector.shape_cast %add3A_636 : vector<16xi32> to vector<16xi32>
          tpu.vector_store %arg10[%swap3A_639], %swap3A_642 {strides = array<i32>} : memref<4096xi32, #tpu.memory_space<vmem>>, vector<16xi32>,
          %xor3A_643 = arith.xori %xor3A_457, %mul3A_451 : vector<16xi32>
          %and3A_644 = arith.constant 524287 : i32
          %and3A_645 = vector.broadcast %and3A_644 : i32 to vector<16xi32>
          %and3A_646 = arith.andi %xor3A_643, %and3A_645 : vector<16xi32>
          %and3A_647 = arith.constant 524160 : i32
          %and3A_648 = vector.broadcast %and3A_647 : i32 to vector<16xi32>
          %and3A_649 = arith.andi %and3A_646, %and3A_648 : vector<16xi32>
          %shift_left3A_650 = arith.constant 1 : i32
          %shift_left3A_651 = vector.broadcast %shift_left3A_650 : i32 to vector<16xi32>
          %shift_left3A_652 = arith.shli %and3A_649, %shift_left3A_651 : vector<16xi32>
          %and3A_653 = arith.constant 127 : i32
          %and3A_654 = vector.broadcast %and3A_653 : i32 to vector<16xi32>
          %and3A_655 = arith.andi %and3A_646, %and3A_654 : vector<16xi32>
          %or3A_656 = arith.ori %shift_left3A_652, %and3A_655 : vector<16xi32>
          %or3A_657 = arith.ori %or3A_656, %bitcast3A_372 : vector<16xi32>
          %bitcast3A_658 = vector.bitcast %or3A_657 : vector<16xi32> to vector<16xi32>
          %add3A_659 = arith.constant 1536 : i32
          %add3A_660 = arith.addi %add3A_659, %mul3A_393 : i32
          %swap3A_661 = arith.index_cast %add3A_660 : i32 to index
          %swap3A_662 = tpu.vector_load %arg10[%swap3A_661] {strides = array<i32>} : memref<4096xi32, #tpu.memory_space<vmem>>, vector<16xi32>,
          %swap3A_663 = vector.shape_cast %swap3A_662 : vector<16xi32> to vector<16xi32>
          %swap3A_664 = vector.shape_cast %bitcast3A_658 : vector<16xi32> to vector<16xi32>
          tpu.vector_store %arg10[%swap3A_661], %swap3A_664 {strides = array<i32>} : memref<4096xi32, #tpu.memory_space<vmem>>, vector<16xi32>,
          %add3A_665 = arith.constant 128 : i32
          %add3A_666 = vector.broadcast %add3A_665 : i32 to vector<16xi32>
          %add3A_667 = arith.addi %bitcast3A_658, %add3A_666 : vector<16xi32>
          %add3A_668 = arith.constant 3584 : i32
          %add3A_669 = arith.addi %add3A_668, %mul3A_393 : i32
          %swap3A_670 = arith.index_cast %add3A_669 : i32 to index
          %swap3A_671 = tpu.vector_load %arg10[%swap3A_670] {strides = array<i32>} : memref<4096xi32, #tpu.memory_space<vmem>>, vector<16xi32>,
          %swap3A_672 = vector.shape_cast %swap3A_671 : vector<16xi32> to vector<16xi32>
          %swap3A_673 = vector.shape_cast %add3A_667 : vector<16xi32> to vector<16xi32>
          tpu.vector_store %arg10[%swap3A_670], %swap3A_673 {strides = array<i32>} : memref<4096xi32, #tpu.memory_space<vmem>>, vector<16xi32>,
          %xor3A_674 = arith.xori %xor3A_457, %add3A_454 : vector<16xi32>
          %and3A_675 = arith.constant 524287 : i32
          %and3A_676 = vector.broadcast %and3A_675 : i32 to vector<16xi32>
          %and3A_677 = arith.andi %xor3A_674, %and3A_676 : vector<16xi32>
          %and3A_678 = arith.constant 524160 : i32
          %and3A_679 = vector.broadcast %and3A_678 : i32 to vector<16xi32>
          %and3A_680 = arith.andi %and3A_677, %and3A_679 : vector<16xi32>
          %shift_left3A_681 = arith.constant 1 : i32
          %shift_left3A_682 = vector.broadcast %shift_left3A_681 : i32 to vector<16xi32>
          %shift_left3A_683 = arith.shli %and3A_680, %shift_left3A_682 : vector<16xi32>
          %and3A_684 = arith.constant 127 : i32
          %and3A_685 = vector.broadcast %and3A_684 : i32 to vector<16xi32>
          %and3A_686 = arith.andi %and3A_677, %and3A_685 : vector<16xi32>
          %or3A_687 = arith.ori %shift_left3A_683, %and3A_686 : vector<16xi32>
          %or3A_688 = arith.ori %or3A_687, %bitcast3A_372 : vector<16xi32>
          %bitcast3A_689 = vector.bitcast %or3A_688 : vector<16xi32> to vector<16xi32>
          %add3A_690 = arith.constant 1792 : i32
          %add3A_691 = arith.addi %add3A_690, %mul3A_393 : i32
          %swap3A_692 = arith.index_cast %add3A_691 : i32 to index
          %swap3A_693 = tpu.vector_load %arg10[%swap3A_692] {strides = array<i32>} : memref<4096xi32, #tpu.memory_space<vmem>>, vector<16xi32>,
          %swap3A_694 = vector.shape_cast %swap3A_693 : vector<16xi32> to vector<16xi32>
          %swap3A_695 = vector.shape_cast %bitcast3A_689 : vector<16xi32> to vector<16xi32>
          tpu.vector_store %arg10[%swap3A_692], %swap3A_695 {strides = array<i32>} : memref<4096xi32, #tpu.memory_space<vmem>>, vector<16xi32>,
          %add3A_696 = arith.constant 128 : i32
          %add3A_697 = vector.broadcast %add3A_696 : i32 to vector<16xi32>
          %add3A_698 = arith.addi %bitcast3A_689, %add3A_697 : vector<16xi32>
          %add3A_699 = arith.constant 3840 : i32
          %add3A_700 = arith.addi %add3A_699, %mul3A_393 : i32
          %swap3A_701 = arith.index_cast %add3A_700 : i32 to index
          %swap3A_702 = tpu.vector_load %arg10[%swap3A_701] {strides = array<i32>} : memref<4096xi32, #tpu.memory_space<vmem>>, vector<16xi32>,
          %swap3A_703 = vector.shape_cast %swap3A_702 : vector<16xi32> to vector<16xi32>
          %swap3A_704 = vector.shape_cast %add3A_698 : vector<16xi32> to vector<16xi32>
          tpu.vector_store %arg10[%swap3A_701], %swap3A_704 {strides = array<i32>} : memref<4096xi32, #tpu.memory_space<vmem>>, vector<16xi32>,
        }
        %scan3A_378 = arith.constant 16 : i32
        %dma_start3A_379 = arith.constant 0 : i32
        %dma_start3A_380 = tpu.memref_slice %arg13[%dma_start3A_379] : memref<4096xf32, #tpu.memory_space<vmem>> -> memref<2048xf32, #tpu.memory_space<vmem>>
        %dma_start3A_381 = arith.constant 0 : i32
        %dma_start3A_382 = tpu.memref_slice %arg10[%dma_start3A_381] : memref<4096xi32, #tpu.memory_space<vmem>> -> memref<2048xi32, #tpu.memory_space<vmem>>
        %dma_start3A_383 = arith.constant 0 : i32
        %dma_start3A_384 = tpu.memref_slice %arg3[%dma_start3A_383] : memref<8388608xf32, #tpu.memory_space<hbm>> -> memref<8388608xf32, #tpu.memory_space<hbm>>
        tpu.enqueue_indirect_dma source(%dma_start3A_384 : memref<8388608xf32, #tpu.memory_space<hbm>>) target(%dma_start3A_380 : memref<2048xf32, #tpu.memory_space<vmem>>) offsets(%dma_start3A_382 : memref<2048xi32, #tpu.memory_space<vmem>>) semaphore(%arg17 : memref<!tpu.dma_semaphore, #tpu.memory_space<semaphore_mem>>)
        %dma_start3A_385 = arith.constant 2048 : i32
        %dma_start3A_386 = tpu.memref_slice %arg13[%dma_start3A_385] : memref<4096xf32, #tpu.memory_space<vmem>> -> memref<2048xf32, #tpu.memory_space<vmem>>
        %dma_start3A_387 = arith.constant 2048 : i32
        %dma_start3A_388 = tpu.memref_slice %arg10[%dma_start3A_387] : memref<4096xi32, #tpu.memory_space<vmem>> -> memref<2048xi32, #tpu.memory_space<vmem>>
        %dma_start3A_389 = arith.constant 0 : i32
        %dma_start3A_390 = tpu.memref_slice %arg3[%dma_start3A_389] : memref<8388608xf32, #tpu.memory_space<hbm>> -> memref<8388608xf32, #tpu.memory_space<hbm>>
        tpu.enqueue_indirect_dma source(%dma_start3A_390 : memref<8388608xf32, #tpu.memory_space<hbm>>) target(%dma_start3A_386 : memref<2048xf32, #tpu.memory_space<vmem>>) offsets(%dma_start3A_388 : memref<2048xi32, #tpu.memory_space<vmem>>) semaphore(%arg17 : memref<!tpu.dma_semaphore, #tpu.memory_space<semaphore_mem>>)
      } else {
      }
      %dma_wait3A_273 = arith.constant 0 : i32
      %dma_wait3A_274 = tpu.memref_slice %arg14[%dma_wait3A_273] : memref<4096xf32, #tpu.memory_space<vmem>> -> memref<2048xf32, #tpu.memory_space<vmem>>
      %dma_wait3A_275 = arith.constant 0 : i32
      %dma_wait3A_276 = tpu.memref_slice %arg3[%dma_wait3A_275] : memref<8388608xf32, #tpu.memory_space<hbm>> -> memref<2048xf32, #tpu.memory_space<hbm>>
      %dma_wait3A_277 = arith.constant 0 : i32
      %dma_wait3A_278 = tpu.memref_slice %arg14[%dma_wait3A_277] : memref<4096xf32, #tpu.memory_space<vmem>> -> memref<2048xf32, #tpu.memory_space<vmem>>
      %dma_wait3A_279 = arith.constant 0 : i32
      %dma_wait3A_280 = tpu.memref_slice %arg3[%dma_wait3A_279] : memref<8388608xf32, #tpu.memory_space<hbm>> -> memref<2048xf32, #tpu.memory_space<hbm>>
      tpu.wait_dma2 semaphore(%arg18 : memref<!tpu.dma_semaphore, #tpu.memory_space<semaphore_mem>>) src(%dma_wait3A_280 : memref<2048xf32, #tpu.memory_space<hbm>>) dst(%dma_wait3A_278 : memref<2048xf32, #tpu.memory_space<vmem>>)
      %dma_wait3A_281 = arith.constant 2048 : i32
      %dma_wait3A_282 = tpu.memref_slice %arg14[%dma_wait3A_281] : memref<4096xf32, #tpu.memory_space<vmem>> -> memref<2048xf32, #tpu.memory_space<vmem>>
      %dma_wait3A_283 = arith.constant 0 : i32
      %dma_wait3A_284 = tpu.memref_slice %arg3[%dma_wait3A_283] : memref<8388608xf32, #tpu.memory_space<hbm>> -> memref<2048xf32, #tpu.memory_space<hbm>>
      %dma_wait3A_285 = arith.constant 2048 : i32
      %dma_wait3A_286 = tpu.memref_slice %arg14[%dma_wait3A_285] : memref<4096xf32, #tpu.memory_space<vmem>> -> memref<2048xf32, #tpu.memory_space<vmem>>
      %dma_wait3A_287 = arith.constant 0 : i32
      %dma_wait3A_288 = tpu.memref_slice %arg3[%dma_wait3A_287] : memref<8388608xf32, #tpu.memory_space<hbm>> -> memref<2048xf32, #tpu.memory_space<hbm>>
      tpu.wait_dma2 semaphore(%arg18 : memref<!tpu.dma_semaphore, #tpu.memory_space<semaphore_mem>>) src(%dma_wait3A_288 : memref<2048xf32, #tpu.memory_space<hbm>>) dst(%dma_wait3A_286 : memref<2048xf32, #tpu.memory_space<vmem>>)
      %add3A_289 = arith.constant 1 : i32
      %add3A_290 = arith.addi %mul3A_196, %add3A_289 : i32
      %and3A_291 = arith.constant 7 : i32
      %and3A_292 = arith.andi %add3A_290, %and3A_291 : i32
      %mul3A_293 = arith.constant 2 : i32
      %mul3A_294 = arith.muli %and3A_292, %mul3A_293 : i32
      %scan3A_295 = arith.constant 0 : i32
      %scan3A_296 = arith.constant 0 : i32
      %scan3A_297 = arith.constant 16 : i32
      %scan3A_298 = arith.addi %scan3A_296, %scan3A_297 : i32
      %scan3A_299 = arith.constant 1 : i32
      scf.for %scan3A_350 = %scan3A_296 to %scan3A_298 step %scan3A_299  : i32 {
        %mul3A_351 = arith.constant 16 : i32
        %mul3A_352 = arith.muli %mul3A_351, %scan3A_350 : i32
        %get3A = arith.constant 0 : i32
        %get3A_353 = arith.index_cast %get3A : i32 to index
        %get3A_354 = arith.index_cast %mul3A_352 : i32 to index
        %get3A_355 = tpu.vector_load %arg8[%get3A_353, %get3A_354] {strides = array<i32>} : memref<3x256xf32, #tpu.memory_space<vmem>>, vector<1x16xf32>,
        %get3A_356 = vector.shape_cast %get3A_355 : vector<1x16xf32> to vector<16xf32>
        %get3A_357 = arith.constant 1 : i32
        %get3A_358 = arith.index_cast %get3A_357 : i32 to index
        %get3A_359 = arith.index_cast %mul3A_352 : i32 to index
        %get3A_360 = tpu.vector_load %arg8[%get3A_358, %get3A_359] {strides = array<i32>} : memref<3x256xf32, #tpu.memory_space<vmem>>, vector<1x16xf32>,
        %get3A_361 = vector.shape_cast %get3A_360 : vector<1x16xf32> to vector<16xf32>
        %get3A_362 = arith.constant 2 : i32
        %get3A_363 = arith.index_cast %get3A_362 : i32 to index
        %get3A_364 = arith.index_cast %mul3A_352 : i32 to index
        %get3A_365 = tpu.vector_load %arg8[%get3A_363, %get3A_364] {strides = array<i32>} : memref<3x256xf32, #tpu.memory_space<vmem>>, vector<1x16xf32>,
        %get3A_366 = vector.shape_cast %get3A_365 : vector<1x16xf32> to vector<16xf32>
        %sub3A = arith.constant 1.000000e+00 : f32
        %sub3A_367 = vector.broadcast %sub3A : f32 to vector<16xf32>
        %sub3A_368 = arith.subf %sub3A_367, %get3A_356 : vector<16xf32>
        %sub3A_369 = arith.constant 1.000000e+00 : f32
        %sub3A_370 = vector.broadcast %sub3A_369 : f32 to vector<16xf32>
        %sub3A_371 = arith.subf %sub3A_370, %get3A_361 : vector<16xf32>
        %sub3A_372 = arith.constant 1.000000e+00 : f32
        %sub3A_373 = vector.broadcast %sub3A_372 : f32 to vector<16xf32>
        %sub3A_374 = arith.subf %sub3A_373, %get3A_366 : vector<16xf32>
        %mul3A_375 = arith.mulf %sub3A_368, %sub3A_371 : vector<16xf32>
        %mul3A_376 = arith.mulf %sub3A_368, %get3A_361 : vector<16xf32>
        %mul3A_377 = arith.mulf %get3A_356, %sub3A_371 : vector<16xf32>
        %mul3A_378 = arith.mulf %get3A_356, %get3A_361 : vector<16xf32>
        %broadcast_in_dim3A_379 = arith.constant 0.000000e+00 : f32
        %broadcast_in_dim3A_380 = vector.broadcast %broadcast_in_dim3A_379 : f32 to vector<16xf32>
        %broadcast_in_dim3A_381 = arith.constant 0.000000e+00 : f32
        %broadcast_in_dim3A_382 = vector.broadcast %broadcast_in_dim3A_381 : f32 to vector<16xf32>
        %mul3A_383 = arith.mulf %mul3A_375, %sub3A_374 : vector<16xf32>
        %add3A_384 = arith.constant 0 : i32
        %add3A_385 = arith.addi %add3A_384, %mul3A_352 : i32
        %get3A_386 = arith.index_cast %add3A_385 : i32 to index
        %get3A_387 = tpu.vector_load %arg14[%get3A_386] {strides = array<i32>} : memref<4096xf32, #tpu.memory_space<vmem>>, vector<16xf32>,
        %get3A_388 = vector.shape_cast %get3A_387 : vector<16xf32> to vector<16xf32>
        %add3A_389 = arith.constant 2048 : i32
        %add3A_390 = arith.addi %add3A_389, %mul3A_352 : i32
        %get3A_391 = arith.index_cast %add3A_390 : i32 to index
        %get3A_392 = tpu.vector_load %arg14[%get3A_391] {strides = array<i32>} : memref<4096xf32, #tpu.memory_space<vmem>>, vector<16xf32>,
        %get3A_393 = vector.shape_cast %get3A_392 : vector<16xf32> to vector<16xf32>
        %mul3A_394 = arith.mulf %get3A_388, %mul3A_383 : vector<16xf32>
        %add3A_395 = arith.addf %broadcast_in_dim3A_380, %mul3A_394 : vector<16xf32>
        %mul3A_396 = arith.mulf %get3A_393, %mul3A_383 : vector<16xf32>
        %add3A_397 = arith.addf %broadcast_in_dim3A_382, %mul3A_396 : vector<16xf32>
        %mul3A_398 = arith.mulf %mul3A_375, %get3A_366 : vector<16xf32>
        %add3A_399 = arith.constant 256 : i32
        %add3A_400 = arith.addi %add3A_399, %mul3A_352 : i32
        %get3A_401 = arith.index_cast %add3A_400 : i32 to index
        %get3A_402 = tpu.vector_load %arg14[%get3A_401] {strides = array<i32>} : memref<4096xf32, #tpu.memory_space<vmem>>, vector<16xf32>,
        %get3A_403 = vector.shape_cast %get3A_402 : vector<16xf32> to vector<16xf32>
        %add3A_404 = arith.constant 2304 : i32
        %add3A_405 = arith.addi %add3A_404, %mul3A_352 : i32
        %get3A_406 = arith.index_cast %add3A_405 : i32 to index
        %get3A_407 = tpu.vector_load %arg14[%get3A_406] {strides = array<i32>} : memref<4096xf32, #tpu.memory_space<vmem>>, vector<16xf32>,
        %get3A_408 = vector.shape_cast %get3A_407 : vector<16xf32> to vector<16xf32>
        %mul3A_409 = arith.mulf %get3A_403, %mul3A_398 : vector<16xf32>
        %add3A_410 = arith.addf %add3A_395, %mul3A_409 : vector<16xf32>
        %mul3A_411 = arith.mulf %get3A_408, %mul3A_398 : vector<16xf32>
        %add3A_412 = arith.addf %add3A_397, %mul3A_411 : vector<16xf32>
        %mul3A_413 = arith.mulf %mul3A_376, %sub3A_374 : vector<16xf32>
        %add3A_414 = arith.constant 512 : i32
        %add3A_415 = arith.addi %add3A_414, %mul3A_352 : i32
        %get3A_416 = arith.index_cast %add3A_415 : i32 to index
        %get3A_417 = tpu.vector_load %arg14[%get3A_416] {strides = array<i32>} : memref<4096xf32, #tpu.memory_space<vmem>>, vector<16xf32>,
        %get3A_418 = vector.shape_cast %get3A_417 : vector<16xf32> to vector<16xf32>
        %add3A_419 = arith.constant 2560 : i32
        %add3A_420 = arith.addi %add3A_419, %mul3A_352 : i32
        %get3A_421 = arith.index_cast %add3A_420 : i32 to index
        %get3A_422 = tpu.vector_load %arg14[%get3A_421] {strides = array<i32>} : memref<4096xf32, #tpu.memory_space<vmem>>, vector<16xf32>,
        %get3A_423 = vector.shape_cast %get3A_422 : vector<16xf32> to vector<16xf32>
        %mul3A_424 = arith.mulf %get3A_418, %mul3A_413 : vector<16xf32>
        %add3A_425 = arith.addf %add3A_410, %mul3A_424 : vector<16xf32>
        %mul3A_426 = arith.mulf %get3A_423, %mul3A_413 : vector<16xf32>
        %add3A_427 = arith.addf %add3A_412, %mul3A_426 : vector<16xf32>
        %mul3A_428 = arith.mulf %mul3A_376, %get3A_366 : vector<16xf32>
        %add3A_429 = arith.constant 768 : i32
        %add3A_430 = arith.addi %add3A_429, %mul3A_352 : i32
        %get3A_431 = arith.index_cast %add3A_430 : i32 to index
        %get3A_432 = tpu.vector_load %arg14[%get3A_431] {strides = array<i32>} : memref<4096xf32, #tpu.memory_space<vmem>>, vector<16xf32>,
        %get3A_433 = vector.shape_cast %get3A_432 : vector<16xf32> to vector<16xf32>
        %add3A_434 = arith.constant 2816 : i32
        %add3A_435 = arith.addi %add3A_434, %mul3A_352 : i32
        %get3A_436 = arith.index_cast %add3A_435 : i32 to index
        %get3A_437 = tpu.vector_load %arg14[%get3A_436] {strides = array<i32>} : memref<4096xf32, #tpu.memory_space<vmem>>, vector<16xf32>,
        %get3A_438 = vector.shape_cast %get3A_437 : vector<16xf32> to vector<16xf32>
        %mul3A_439 = arith.mulf %get3A_433, %mul3A_428 : vector<16xf32>
        %add3A_440 = arith.addf %add3A_425, %mul3A_439 : vector<16xf32>
        %mul3A_441 = arith.mulf %get3A_438, %mul3A_428 : vector<16xf32>
        %add3A_442 = arith.addf %add3A_427, %mul3A_441 : vector<16xf32>
        %mul3A_443 = arith.mulf %mul3A_377, %sub3A_374 : vector<16xf32>
        %add3A_444 = arith.constant 1024 : i32
        %add3A_445 = arith.addi %add3A_444, %mul3A_352 : i32
        %get3A_446 = arith.index_cast %add3A_445 : i32 to index
        %get3A_447 = tpu.vector_load %arg14[%get3A_446] {strides = array<i32>} : memref<4096xf32, #tpu.memory_space<vmem>>, vector<16xf32>,
        %get3A_448 = vector.shape_cast %get3A_447 : vector<16xf32> to vector<16xf32>
        %add3A_449 = arith.constant 3072 : i32
        %add3A_450 = arith.addi %add3A_449, %mul3A_352 : i32
        %get3A_451 = arith.index_cast %add3A_450 : i32 to index
        %get3A_452 = tpu.vector_load %arg14[%get3A_451] {strides = array<i32>} : memref<4096xf32, #tpu.memory_space<vmem>>, vector<16xf32>,
        %get3A_453 = vector.shape_cast %get3A_452 : vector<16xf32> to vector<16xf32>
        %mul3A_454 = arith.mulf %get3A_448, %mul3A_443 : vector<16xf32>
        %add3A_455 = arith.addf %add3A_440, %mul3A_454 : vector<16xf32>
        %mul3A_456 = arith.mulf %get3A_453, %mul3A_443 : vector<16xf32>
        %add3A_457 = arith.addf %add3A_442, %mul3A_456 : vector<16xf32>
        %mul3A_458 = arith.mulf %mul3A_377, %get3A_366 : vector<16xf32>
        %add3A_459 = arith.constant 1280 : i32
        %add3A_460 = arith.addi %add3A_459, %mul3A_352 : i32
        %get3A_461 = arith.index_cast %add3A_460 : i32 to index
        %get3A_462 = tpu.vector_load %arg14[%get3A_461] {strides = array<i32>} : memref<4096xf32, #tpu.memory_space<vmem>>, vector<16xf32>,
        %get3A_463 = vector.shape_cast %get3A_462 : vector<16xf32> to vector<16xf32>
        %add3A_464 = arith.constant 3328 : i32
        %add3A_465 = arith.addi %add3A_464, %mul3A_352 : i32
        %get3A_466 = arith.index_cast %add3A_465 : i32 to index
        %get3A_467 = tpu.vector_load %arg14[%get3A_466] {strides = array<i32>} : memref<4096xf32, #tpu.memory_space<vmem>>, vector<16xf32>,
        %get3A_468 = vector.shape_cast %get3A_467 : vector<16xf32> to vector<16xf32>
        %mul3A_469 = arith.mulf %get3A_463, %mul3A_458 : vector<16xf32>
        %add3A_470 = arith.addf %add3A_455, %mul3A_469 : vector<16xf32>
        %mul3A_471 = arith.mulf %get3A_468, %mul3A_458 : vector<16xf32>
        %add3A_472 = arith.addf %add3A_457, %mul3A_471 : vector<16xf32>
        %mul3A_473 = arith.mulf %mul3A_378, %sub3A_374 : vector<16xf32>
        %add3A_474 = arith.constant 1536 : i32
        %add3A_475 = arith.addi %add3A_474, %mul3A_352 : i32
        %get3A_476 = arith.index_cast %add3A_475 : i32 to index
        %get3A_477 = tpu.vector_load %arg14[%get3A_476] {strides = array<i32>} : memref<4096xf32, #tpu.memory_space<vmem>>, vector<16xf32>,
        %get3A_478 = vector.shape_cast %get3A_477 : vector<16xf32> to vector<16xf32>
        %add3A_479 = arith.constant 3584 : i32
        %add3A_480 = arith.addi %add3A_479, %mul3A_352 : i32
        %get3A_481 = arith.index_cast %add3A_480 : i32 to index
        %get3A_482 = tpu.vector_load %arg14[%get3A_481] {strides = array<i32>} : memref<4096xf32, #tpu.memory_space<vmem>>, vector<16xf32>,
        %get3A_483 = vector.shape_cast %get3A_482 : vector<16xf32> to vector<16xf32>
        %mul3A_484 = arith.mulf %get3A_478, %mul3A_473 : vector<16xf32>
        %add3A_485 = arith.addf %add3A_470, %mul3A_484 : vector<16xf32>
        %mul3A_486 = arith.mulf %get3A_483, %mul3A_473 : vector<16xf32>
        %add3A_487 = arith.addf %add3A_472, %mul3A_486 : vector<16xf32>
        %mul3A_488 = arith.mulf %mul3A_378, %get3A_366 : vector<16xf32>
        %add3A_489 = arith.constant 1792 : i32
        %add3A_490 = arith.addi %add3A_489, %mul3A_352 : i32
        %get3A_491 = arith.index_cast %add3A_490 : i32 to index
        %get3A_492 = tpu.vector_load %arg14[%get3A_491] {strides = array<i32>} : memref<4096xf32, #tpu.memory_space<vmem>>, vector<16xf32>,
        %get3A_493 = vector.shape_cast %get3A_492 : vector<16xf32> to vector<16xf32>
        %add3A_494 = arith.constant 3840 : i32
        %add3A_495 = arith.addi %add3A_494, %mul3A_352 : i32
        %get3A_496 = arith.index_cast %add3A_495 : i32 to index
        %get3A_497 = tpu.vector_load %arg14[%get3A_496] {strides = array<i32>} : memref<4096xf32, #tpu.memory_space<vmem>>, vector<16xf32>,
        %get3A_498 = vector.shape_cast %get3A_497 : vector<16xf32> to vector<16xf32>
        %mul3A_499 = arith.mulf %get3A_493, %mul3A_488 : vector<16xf32>
        %add3A_500 = arith.addf %add3A_485, %mul3A_499 : vector<16xf32>
        %mul3A_501 = arith.mulf %get3A_498, %mul3A_488 : vector<16xf32>
        %add3A_502 = arith.addf %add3A_487, %mul3A_501 : vector<16xf32>
        %swap3A = arith.index_cast %mul3A_294 : i32 to index
        %swap3A_503 = arith.index_cast %mul3A_352 : i32 to index
        %swap3A_504 = tpu.vector_load %arg16[%swap3A, %swap3A_503] {strides = array<i32>} : memref<16x256xf32, #tpu.memory_space<vmem>>, vector<1x16xf32>,
        %swap3A_505 = vector.shape_cast %swap3A_504 : vector<1x16xf32> to vector<16xf32>
        %swap3A_506 = vector.shape_cast %add3A_500 : vector<16xf32> to vector<1x16xf32>
        tpu.vector_store %arg16[%swap3A, %swap3A_503], %swap3A_506 {strides = array<i32>} : memref<16x256xf32, #tpu.memory_space<vmem>>, vector<1x16xf32>,
        %add3A_507 = arith.constant 1 : i32
        %add3A_508 = arith.addi %mul3A_294, %add3A_507 : i32
        %swap3A_509 = arith.index_cast %add3A_508 : i32 to index
        %swap3A_510 = arith.index_cast %mul3A_352 : i32 to index
        %swap3A_511 = tpu.vector_load %arg16[%swap3A_509, %swap3A_510] {strides = array<i32>} : memref<16x256xf32, #tpu.memory_space<vmem>>, vector<1x16xf32>,
        %swap3A_512 = vector.shape_cast %swap3A_511 : vector<1x16xf32> to vector<16xf32>
        %swap3A_513 = vector.shape_cast %add3A_502 : vector<16xf32> to vector<1x16xf32>
        tpu.vector_store %arg16[%swap3A_509, %swap3A_510], %swap3A_513 {strides = array<i32>} : memref<16x256xf32, #tpu.memory_space<vmem>>, vector<1x16xf32>,
      }
      %scan3A_300 = arith.constant 16 : i32
      %and3A_301 = arith.constant 7 : i32
      %and3A_302 = arith.andi %add3A_290, %and3A_301 : i32
      %eq3A_303 = arith.constant 7 : i32
      %eq3A_304 = arith.cmpi eq, %and3A_302, %eq3A_303 : i32
      %convert_element_type3A_305 = arith.extui %eq3A_304 : i1 to i32
      %cond3A_306 = arith.constant 0 : i32
      %cond3A_307 = arith.cmpi ne, %convert_element_type3A_305, %cond3A_306 : i32
      scf.if %cond3A_307 {
        %shift_right_arithmetic3A_350 = arith.constant 3 : i32
        %shift_right_arithmetic3A_351 = arith.shrsi %add3A_290, %shift_right_arithmetic3A_350 : i32
        %mul3A_352 = arith.constant 256 : i32
        %mul3A_353 = arith.muli %shift_right_arithmetic3A_351, %mul3A_352 : i32
        %add3A_354 = arith.addi %mul3A_2, %mul3A_353 : i32
        "tpu.region"() ({
          %run_scoped3A = tpu.sem_alloc : memref<!tpu.dma_semaphore, #tpu.memory_space<semaphore_mem>>
          %dma_start3A_355 = arith.constant 0 : i32
          %dma_start3A_356 = tpu.memref_slice %arg4[%dma_start3A_355, %add3A_354] : memref<16x131072xf32, #tpu.memory_space<hbm>> -> memref<16x256xf32, #tpu.memory_space<hbm>>
          %dma_start3A_357 = arith.constant 0 : i32
          %dma_start3A_358 = tpu.memref_slice %arg4[%dma_start3A_357, %add3A_354] : memref<16x131072xf32, #tpu.memory_space<hbm>> -> memref<16x256xf32, #tpu.memory_space<hbm>>
          tpu.enqueue_dma source(%arg16 : memref<16x256xf32, #tpu.memory_space<vmem>>) target(%dma_start3A_358 : memref<16x256xf32, #tpu.memory_space<hbm>>) target_semaphore(%run_scoped3A : memref<!tpu.dma_semaphore, #tpu.memory_space<semaphore_mem>>)
          %dma_wait3A_359 = arith.constant 0 : i32
          %dma_wait3A_360 = tpu.memref_slice %arg4[%dma_wait3A_359, %add3A_354] : memref<16x131072xf32, #tpu.memory_space<hbm>> -> memref<16x256xf32, #tpu.memory_space<hbm>>
          %dma_wait3A_361 = arith.constant 0 : i32
          %dma_wait3A_362 = tpu.memref_slice %arg4[%dma_wait3A_361, %add3A_354] : memref<16x131072xf32, #tpu.memory_space<hbm>> -> memref<16x256xf32, #tpu.memory_space<hbm>>
          tpu.wait_dma2 semaphore(%run_scoped3A : memref<!tpu.dma_semaphore, #tpu.memory_space<semaphore_mem>>) src(%arg16 : memref<16x256xf32, #tpu.memory_space<vmem>>) dst(%dma_wait3A_362 : memref<16x256xf32, #tpu.memory_space<hbm>>)
          tpu.yield
        }) : () -> ()
      } else {
      }
      %add3A_308 = arith.constant 4 : i32
      %add3A_309 = arith.addi %mul3A_196, %add3A_308 : i32
      %lt3A_310 = arith.constant 128 : i32
      %lt3A_311 = arith.cmpi slt, %add3A_309, %lt3A_310 : i32
      %convert_element_type3A_312 = arith.extui %lt3A_311 : i1 to i32
      %cond3A_313 = arith.constant 0 : i32
      %cond3A_314 = arith.cmpi ne, %convert_element_type3A_312, %cond3A_313 : i32
      scf.if %cond3A_314 {
        %add3A_350 = arith.constant 4 : i32
        %add3A_351 = arith.addi %mul3A_196, %add3A_350 : i32
        %shift_right_arithmetic3A_352 = arith.constant 3 : i32
        %shift_right_arithmetic3A_353 = arith.shrsi %add3A_351, %shift_right_arithmetic3A_352 : i32
        %mul3A_354 = arith.constant 256 : i32
        %mul3A_355 = arith.muli %shift_right_arithmetic3A_353, %mul3A_354 : i32
        %broadcast_in_dim3A_356 = arith.constant 0 : i32
        %broadcast_in_dim3A_357 = vector.broadcast %broadcast_in_dim3A_356 : i32 to vector<16xi32>
        %and3A_358 = arith.constant 7 : i32
        %and3A_359 = arith.andi %add3A_351, %and3A_358 : i32
        %add3A_360 = vector.broadcast %and3A_359 : i32 to vector<16xi32>
        %add3A_361 = arith.addi %broadcast_in_dim3A_357, %add3A_360 : vector<16xi32>
        %add3A_362 = arith.constant 4 : i32
        %add3A_363 = vector.broadcast %add3A_362 : i32 to vector<16xi32>
        %add3A_364 = arith.addi %add3A_361, %add3A_363 : vector<16xi32>
        %shift_left3A_365 = arith.constant 1 : i32
        %shift_left3A_366 = vector.broadcast %shift_left3A_365 : i32 to vector<16xi32>
        %shift_left3A_367 = arith.shli %shift_left3A_366, %add3A_364 : vector<16xi32>
        %convert_element_type3A_368 = arith.sitofp %shift_left3A_367 : vector<16xi32> to vector<16xf32>
        %shift_left3A_369 = arith.constant 20 : i32
        %shift_left3A_370 = vector.broadcast %shift_left3A_369 : i32 to vector<16xi32>
        %shift_left3A_371 = arith.shli %add3A_361, %shift_left3A_370 : vector<16xi32>
        %bitcast3A_372 = vector.bitcast %shift_left3A_371 : vector<16xi32> to vector<16xi32>
        %scan3A_373 = arith.constant 0 : i32
        %scan3A_374 = arith.constant 0 : i32
        %scan3A_375 = arith.constant 16 : i32
        %scan3A_376 = arith.addi %scan3A_374, %scan3A_375 : i32
        %scan3A_377 = arith.constant 1 : i32
        scf.for %scan3A_391 = %scan3A_374 to %scan3A_376 step %scan3A_377  : i32 {
          %mul3A_392 = arith.constant 16 : i32
          %mul3A_393 = arith.muli %mul3A_392, %scan3A_391 : i32
          %add3A_394 = arith.addi %mul3A_355, %mul3A_393 : i32
          %get3A = arith.index_cast %add3A_394 : i32 to index
          %get3A_395 = tpu.vector_load %arg5[%get3A] {strides = array<i32>} : memref<12288xf32, #tpu.memory_space<vmem>>, vector<16xf32>,
          %get3A_396 = vector.shape_cast %get3A_395 : vector<16xf32> to vector<16xf32>
          %mul3A_397 = arith.mulf %get3A_396, %convert_element_type3A_368 : vector<16xf32>
          %add3A_398 = arith.constant 4096 : i32
          %add3A_399 = arith.addi %add3A_398, %mul3A_355 : i32
          %add3A_400 = arith.addi %add3A_399, %mul3A_393 : i32
          %get3A_401 = arith.index_cast %add3A_400 : i32 to index
          %get3A_402 = tpu.vector_load %arg5[%get3A_401] {strides = array<i32>} : memref<12288xf32, #tpu.memory_space<vmem>>, vector<16xf32>,
          %get3A_403 = vector.shape_cast %get3A_402 : vector<16xf32> to vector<16xf32>
          %mul3A_404 = arith.mulf %get3A_403, %convert_element_type3A_368 : vector<16xf32>
          %add3A_405 = arith.constant 8192 : i32
          %add3A_406 = arith.addi %add3A_405, %mul3A_355 : i32
          %add3A_407 = arith.addi %add3A_406, %mul3A_393 : i32
          %get3A_408 = arith.index_cast %add3A_407 : i32 to index
          %get3A_409 = tpu.vector_load %arg5[%get3A_408] {strides = array<i32>} : memref<12288xf32, #tpu.memory_space<vmem>>, vector<16xf32>,
          %get3A_410 = vector.shape_cast %get3A_409 : vector<16xf32> to vector<16xf32>
          %mul3A_411 = arith.mulf %get3A_410, %convert_element_type3A_368 : vector<16xf32>
          %convert_element_type3A_412 = arith.fptosi %mul3A_397 : vector<16xf32> to vector<16xi32>
          %convert_element_type3A_413 = arith.fptosi %mul3A_404 : vector<16xf32> to vector<16xi32>
          %convert_element_type3A_414 = arith.fptosi %mul3A_411 : vector<16xf32> to vector<16xi32>
          %convert_element_type3A_415 = arith.sitofp %convert_element_type3A_412 : vector<16xi32> to vector<16xf32>
          %sub3A = arith.subf %mul3A_397, %convert_element_type3A_415 : vector<16xf32>
          %swap3A = arith.constant 0 : i32
          %swap3A_416 = arith.index_cast %swap3A : i32 to index
          %swap3A_417 = arith.index_cast %mul3A_393 : i32 to index
          %swap3A_418 = tpu.vector_load %arg8[%swap3A_416, %swap3A_417] {strides = array<i32>} : memref<3x256xf32, #tpu.memory_space<vmem>>, vector<1x16xf32>,
          %swap3A_419 = vector.shape_cast %swap3A_418 : vector<1x16xf32> to vector<16xf32>
          %swap3A_420 = vector.shape_cast %sub3A : vector<16xf32> to vector<1x16xf32>
          tpu.vector_store %arg8[%swap3A_416, %swap3A_417], %swap3A_420 {strides = array<i32>} : memref<3x256xf32, #tpu.memory_space<vmem>>, vector<1x16xf32>,
          %convert_element_type3A_421 = arith.sitofp %convert_element_type3A_413 : vector<16xi32> to vector<16xf32>
          %sub3A_422 = arith.subf %mul3A_404, %convert_element_type3A_421 : vector<16xf32>
          %swap3A_423 = arith.constant 1 : i32
          %swap3A_424 = arith.index_cast %swap3A_423 : i32 to index
          %swap3A_425 = arith.index_cast %mul3A_393 : i32 to index
          %swap3A_426 = tpu.vector_load %arg8[%swap3A_424, %swap3A_425] {strides = array<i32>} : memref<3x256xf32, #tpu.memory_space<vmem>>, vector<1x16xf32>,
          %swap3A_427 = vector.shape_cast %swap3A_426 : vector<1x16xf32> to vector<16xf32>
          %swap3A_428 = vector.shape_cast %sub3A_422 : vector<16xf32> to vector<1x16xf32>
          tpu.vector_store %arg8[%swap3A_424, %swap3A_425], %swap3A_428 {strides = array<i32>} : memref<3x256xf32, #tpu.memory_space<vmem>>, vector<1x16xf32>,
          %convert_element_type3A_429 = arith.sitofp %convert_element_type3A_414 : vector<16xi32> to vector<16xf32>
          %sub3A_430 = arith.subf %mul3A_411, %convert_element_type3A_429 : vector<16xf32>
          %swap3A_431 = arith.constant 2 : i32
          %swap3A_432 = arith.index_cast %swap3A_431 : i32 to index
          %swap3A_433 = arith.index_cast %mul3A_393 : i32 to index
          %swap3A_434 = tpu.vector_load %arg8[%swap3A_432, %swap3A_433] {strides = array<i32>} : memref<3x256xf32, #tpu.memory_space<vmem>>, vector<1x16xf32>,
          %swap3A_435 = vector.shape_cast %swap3A_434 : vector<1x16xf32> to vector<16xf32>
          %swap3A_436 = vector.shape_cast %sub3A_430 : vector<16xf32> to vector<1x16xf32>
          tpu.vector_store %arg8[%swap3A_432, %swap3A_433], %swap3A_436 {strides = array<i32>} : memref<3x256xf32, #tpu.memory_space<vmem>>, vector<1x16xf32>,
          %bitcast3A_437 = vector.bitcast %convert_element_type3A_412 : vector<16xi32> to vector<16xi32>
          %add3A_438 = arith.constant 1 : i32
          %add3A_439 = vector.broadcast %add3A_438 : i32 to vector<16xi32>
          %add3A_440 = arith.addi %bitcast3A_437, %add3A_439 : vector<16xi32>
          %bitcast3A_441 = vector.bitcast %convert_element_type3A_413 : vector<16xi32> to vector<16xi32>
          %mul3A_442 = arith.constant -1640531535 : i32
          %mul3A_443 = vector.broadcast %mul3A_442 : i32 to vector<16xi32>
          %mul3A_444 = arith.muli %bitcast3A_441, %mul3A_443 : vector<16xi32>
          %add3A_445 = arith.constant -1640531535 : i32
          %add3A_446 = vector.broadcast %add3A_445 : i32 to vector<16xi32>
          %add3A_447 = arith.addi %mul3A_444, %add3A_446 : vector<16xi32>
          %bitcast3A_448 = vector.bitcast %convert_element_type3A_414 : vector<16xi32> to vector<16xi32>
          %mul3A_449 = arith.constant 805459861 : i32
          %mul3A_450 = vector.broadcast %mul3A_449 : i32 to vector<16xi32>
          %mul3A_451 = arith.muli %bitcast3A_448, %mul3A_450 : vector<16xi32>
          %add3A_452 = arith.constant 805459861 : i32
          %add3A_453 = vector.broadcast %add3A_452 : i32 to vector<16xi32>
          %add3A_454 = arith.addi %mul3A_451, %add3A_453 : vector<16xi32>
          %xor3A = arith.xori %bitcast3A_437, %mul3A_444 : vector<16xi32>
          %xor3A_455 = arith.xori %bitcast3A_437, %add3A_447 : vector<16xi32>
          %xor3A_456 = arith.xori %add3A_440, %mul3A_444 : vector<16xi32>
          %xor3A_457 = arith.xori %add3A_440, %add3A_447 : vector<16xi32>
          %xor3A_458 = arith.xori %xor3A, %mul3A_451 : vector<16xi32>
          %and3A_459 = arith.constant 524287 : i32
          %and3A_460 = vector.broadcast %and3A_459 : i32 to vector<16xi32>
          %and3A_461 = arith.andi %xor3A_458, %and3A_460 : vector<16xi32>
          %and3A_462 = arith.constant 524160 : i32
          %and3A_463 = vector.broadcast %and3A_462 : i32 to vector<16xi32>
          %and3A_464 = arith.andi %and3A_461, %and3A_463 : vector<16xi32>
          %shift_left3A_465 = arith.constant 1 : i32
          %shift_left3A_466 = vector.broadcast %shift_left3A_465 : i32 to vector<16xi32>
          %shift_left3A_467 = arith.shli %and3A_464, %shift_left3A_466 : vector<16xi32>
          %and3A_468 = arith.constant 127 : i32
          %and3A_469 = vector.broadcast %and3A_468 : i32 to vector<16xi32>
          %and3A_470 = arith.andi %and3A_461, %and3A_469 : vector<16xi32>
          %or3A = arith.ori %shift_left3A_467, %and3A_470 : vector<16xi32>
          %or3A_471 = arith.ori %or3A, %bitcast3A_372 : vector<16xi32>
          %bitcast3A_472 = vector.bitcast %or3A_471 : vector<16xi32> to vector<16xi32>
          %add3A_473 = arith.constant 0 : i32
          %add3A_474 = arith.addi %add3A_473, %mul3A_393 : i32
          %swap3A_475 = arith.index_cast %add3A_474 : i32 to index
          %swap3A_476 = tpu.vector_load %arg11[%swap3A_475] {strides = array<i32>} : memref<4096xi32, #tpu.memory_space<vmem>>, vector<16xi32>,
          %swap3A_477 = vector.shape_cast %swap3A_476 : vector<16xi32> to vector<16xi32>
          %swap3A_478 = vector.shape_cast %bitcast3A_472 : vector<16xi32> to vector<16xi32>
          tpu.vector_store %arg11[%swap3A_475], %swap3A_478 {strides = array<i32>} : memref<4096xi32, #tpu.memory_space<vmem>>, vector<16xi32>,
          %add3A_479 = arith.constant 128 : i32
          %add3A_480 = vector.broadcast %add3A_479 : i32 to vector<16xi32>
          %add3A_481 = arith.addi %bitcast3A_472, %add3A_480 : vector<16xi32>
          %add3A_482 = arith.constant 2048 : i32
          %add3A_483 = arith.addi %add3A_482, %mul3A_393 : i32
          %swap3A_484 = arith.index_cast %add3A_483 : i32 to index
          %swap3A_485 = tpu.vector_load %arg11[%swap3A_484] {strides = array<i32>} : memref<4096xi32, #tpu.memory_space<vmem>>, vector<16xi32>,
          %swap3A_486 = vector.shape_cast %swap3A_485 : vector<16xi32> to vector<16xi32>
          %swap3A_487 = vector.shape_cast %add3A_481 : vector<16xi32> to vector<16xi32>
          tpu.vector_store %arg11[%swap3A_484], %swap3A_487 {strides = array<i32>} : memref<4096xi32, #tpu.memory_space<vmem>>, vector<16xi32>,
          %xor3A_488 = arith.xori %xor3A, %add3A_454 : vector<16xi32>
          %and3A_489 = arith.constant 524287 : i32
          %and3A_490 = vector.broadcast %and3A_489 : i32 to vector<16xi32>
          %and3A_491 = arith.andi %xor3A_488, %and3A_490 : vector<16xi32>
          %and3A_492 = arith.constant 524160 : i32
          %and3A_493 = vector.broadcast %and3A_492 : i32 to vector<16xi32>
          %and3A_494 = arith.andi %and3A_491, %and3A_493 : vector<16xi32>
          %shift_left3A_495 = arith.constant 1 : i32
          %shift_left3A_496 = vector.broadcast %shift_left3A_495 : i32 to vector<16xi32>
          %shift_left3A_497 = arith.shli %and3A_494, %shift_left3A_496 : vector<16xi32>
          %and3A_498 = arith.constant 127 : i32
          %and3A_499 = vector.broadcast %and3A_498 : i32 to vector<16xi32>
          %and3A_500 = arith.andi %and3A_491, %and3A_499 : vector<16xi32>
          %or3A_501 = arith.ori %shift_left3A_497, %and3A_500 : vector<16xi32>
          %or3A_502 = arith.ori %or3A_501, %bitcast3A_372 : vector<16xi32>
          %bitcast3A_503 = vector.bitcast %or3A_502 : vector<16xi32> to vector<16xi32>
          %add3A_504 = arith.constant 256 : i32
          %add3A_505 = arith.addi %add3A_504, %mul3A_393 : i32
          %swap3A_506 = arith.index_cast %add3A_505 : i32 to index
          %swap3A_507 = tpu.vector_load %arg11[%swap3A_506] {strides = array<i32>} : memref<4096xi32, #tpu.memory_space<vmem>>, vector<16xi32>,
          %swap3A_508 = vector.shape_cast %swap3A_507 : vector<16xi32> to vector<16xi32>
          %swap3A_509 = vector.shape_cast %bitcast3A_503 : vector<16xi32> to vector<16xi32>
          tpu.vector_store %arg11[%swap3A_506], %swap3A_509 {strides = array<i32>} : memref<4096xi32, #tpu.memory_space<vmem>>, vector<16xi32>,
          %add3A_510 = arith.constant 128 : i32
          %add3A_511 = vector.broadcast %add3A_510 : i32 to vector<16xi32>
          %add3A_512 = arith.addi %bitcast3A_503, %add3A_511 : vector<16xi32>
          %add3A_513 = arith.constant 2304 : i32
          %add3A_514 = arith.addi %add3A_513, %mul3A_393 : i32
          %swap3A_515 = arith.index_cast %add3A_514 : i32 to index
          %swap3A_516 = tpu.vector_load %arg11[%swap3A_515] {strides = array<i32>} : memref<4096xi32, #tpu.memory_space<vmem>>, vector<16xi32>,
          %swap3A_517 = vector.shape_cast %swap3A_516 : vector<16xi32> to vector<16xi32>
          %swap3A_518 = vector.shape_cast %add3A_512 : vector<16xi32> to vector<16xi32>
          tpu.vector_store %arg11[%swap3A_515], %swap3A_518 {strides = array<i32>} : memref<4096xi32, #tpu.memory_space<vmem>>, vector<16xi32>,
          %xor3A_519 = arith.xori %xor3A_455, %mul3A_451 : vector<16xi32>
          %and3A_520 = arith.constant 524287 : i32
          %and3A_521 = vector.broadcast %and3A_520 : i32 to vector<16xi32>
          %and3A_522 = arith.andi %xor3A_519, %and3A_521 : vector<16xi32>
          %and3A_523 = arith.constant 524160 : i32
          %and3A_524 = vector.broadcast %and3A_523 : i32 to vector<16xi32>
          %and3A_525 = arith.andi %and3A_522, %and3A_524 : vector<16xi32>
          %shift_left3A_526 = arith.constant 1 : i32
          %shift_left3A_527 = vector.broadcast %shift_left3A_526 : i32 to vector<16xi32>
          %shift_left3A_528 = arith.shli %and3A_525, %shift_left3A_527 : vector<16xi32>
          %and3A_529 = arith.constant 127 : i32
          %and3A_530 = vector.broadcast %and3A_529 : i32 to vector<16xi32>
          %and3A_531 = arith.andi %and3A_522, %and3A_530 : vector<16xi32>
          %or3A_532 = arith.ori %shift_left3A_528, %and3A_531 : vector<16xi32>
          %or3A_533 = arith.ori %or3A_532, %bitcast3A_372 : vector<16xi32>
          %bitcast3A_534 = vector.bitcast %or3A_533 : vector<16xi32> to vector<16xi32>
          %add3A_535 = arith.constant 512 : i32
          %add3A_536 = arith.addi %add3A_535, %mul3A_393 : i32
          %swap3A_537 = arith.index_cast %add3A_536 : i32 to index
          %swap3A_538 = tpu.vector_load %arg11[%swap3A_537] {strides = array<i32>} : memref<4096xi32, #tpu.memory_space<vmem>>, vector<16xi32>,
          %swap3A_539 = vector.shape_cast %swap3A_538 : vector<16xi32> to vector<16xi32>
          %swap3A_540 = vector.shape_cast %bitcast3A_534 : vector<16xi32> to vector<16xi32>
          tpu.vector_store %arg11[%swap3A_537], %swap3A_540 {strides = array<i32>} : memref<4096xi32, #tpu.memory_space<vmem>>, vector<16xi32>,
          %add3A_541 = arith.constant 128 : i32
          %add3A_542 = vector.broadcast %add3A_541 : i32 to vector<16xi32>
          %add3A_543 = arith.addi %bitcast3A_534, %add3A_542 : vector<16xi32>
          %add3A_544 = arith.constant 2560 : i32
          %add3A_545 = arith.addi %add3A_544, %mul3A_393 : i32
          %swap3A_546 = arith.index_cast %add3A_545 : i32 to index
          %swap3A_547 = tpu.vector_load %arg11[%swap3A_546] {strides = array<i32>} : memref<4096xi32, #tpu.memory_space<vmem>>, vector<16xi32>,
          %swap3A_548 = vector.shape_cast %swap3A_547 : vector<16xi32> to vector<16xi32>
          %swap3A_549 = vector.shape_cast %add3A_543 : vector<16xi32> to vector<16xi32>
          tpu.vector_store %arg11[%swap3A_546], %swap3A_549 {strides = array<i32>} : memref<4096xi32, #tpu.memory_space<vmem>>, vector<16xi32>,
          %xor3A_550 = arith.xori %xor3A_455, %add3A_454 : vector<16xi32>
          %and3A_551 = arith.constant 524287 : i32
          %and3A_552 = vector.broadcast %and3A_551 : i32 to vector<16xi32>
          %and3A_553 = arith.andi %xor3A_550, %and3A_552 : vector<16xi32>
          %and3A_554 = arith.constant 524160 : i32
          %and3A_555 = vector.broadcast %and3A_554 : i32 to vector<16xi32>
          %and3A_556 = arith.andi %and3A_553, %and3A_555 : vector<16xi32>
          %shift_left3A_557 = arith.constant 1 : i32
          %shift_left3A_558 = vector.broadcast %shift_left3A_557 : i32 to vector<16xi32>
          %shift_left3A_559 = arith.shli %and3A_556, %shift_left3A_558 : vector<16xi32>
          %and3A_560 = arith.constant 127 : i32
          %and3A_561 = vector.broadcast %and3A_560 : i32 to vector<16xi32>
          %and3A_562 = arith.andi %and3A_553, %and3A_561 : vector<16xi32>
          %or3A_563 = arith.ori %shift_left3A_559, %and3A_562 : vector<16xi32>
          %or3A_564 = arith.ori %or3A_563, %bitcast3A_372 : vector<16xi32>
          %bitcast3A_565 = vector.bitcast %or3A_564 : vector<16xi32> to vector<16xi32>
          %add3A_566 = arith.constant 768 : i32
          %add3A_567 = arith.addi %add3A_566, %mul3A_393 : i32
          %swap3A_568 = arith.index_cast %add3A_567 : i32 to index
          %swap3A_569 = tpu.vector_load %arg11[%swap3A_568] {strides = array<i32>} : memref<4096xi32, #tpu.memory_space<vmem>>, vector<16xi32>,
          %swap3A_570 = vector.shape_cast %swap3A_569 : vector<16xi32> to vector<16xi32>
          %swap3A_571 = vector.shape_cast %bitcast3A_565 : vector<16xi32> to vector<16xi32>
          tpu.vector_store %arg11[%swap3A_568], %swap3A_571 {strides = array<i32>} : memref<4096xi32, #tpu.memory_space<vmem>>, vector<16xi32>,
          %add3A_572 = arith.constant 128 : i32
          %add3A_573 = vector.broadcast %add3A_572 : i32 to vector<16xi32>
          %add3A_574 = arith.addi %bitcast3A_565, %add3A_573 : vector<16xi32>
          %add3A_575 = arith.constant 2816 : i32
          %add3A_576 = arith.addi %add3A_575, %mul3A_393 : i32
          %swap3A_577 = arith.index_cast %add3A_576 : i32 to index
          %swap3A_578 = tpu.vector_load %arg11[%swap3A_577] {strides = array<i32>} : memref<4096xi32, #tpu.memory_space<vmem>>, vector<16xi32>,
          %swap3A_579 = vector.shape_cast %swap3A_578 : vector<16xi32> to vector<16xi32>
          %swap3A_580 = vector.shape_cast %add3A_574 : vector<16xi32> to vector<16xi32>
          tpu.vector_store %arg11[%swap3A_577], %swap3A_580 {strides = array<i32>} : memref<4096xi32, #tpu.memory_space<vmem>>, vector<16xi32>,
          %xor3A_581 = arith.xori %xor3A_456, %mul3A_451 : vector<16xi32>
          %and3A_582 = arith.constant 524287 : i32
          %and3A_583 = vector.broadcast %and3A_582 : i32 to vector<16xi32>
          %and3A_584 = arith.andi %xor3A_581, %and3A_583 : vector<16xi32>
          %and3A_585 = arith.constant 524160 : i32
          %and3A_586 = vector.broadcast %and3A_585 : i32 to vector<16xi32>
          %and3A_587 = arith.andi %and3A_584, %and3A_586 : vector<16xi32>
          %shift_left3A_588 = arith.constant 1 : i32
          %shift_left3A_589 = vector.broadcast %shift_left3A_588 : i32 to vector<16xi32>
          %shift_left3A_590 = arith.shli %and3A_587, %shift_left3A_589 : vector<16xi32>
          %and3A_591 = arith.constant 127 : i32
          %and3A_592 = vector.broadcast %and3A_591 : i32 to vector<16xi32>
          %and3A_593 = arith.andi %and3A_584, %and3A_592 : vector<16xi32>
          %or3A_594 = arith.ori %shift_left3A_590, %and3A_593 : vector<16xi32>
          %or3A_595 = arith.ori %or3A_594, %bitcast3A_372 : vector<16xi32>
          %bitcast3A_596 = vector.bitcast %or3A_595 : vector<16xi32> to vector<16xi32>
          %add3A_597 = arith.constant 1024 : i32
          %add3A_598 = arith.addi %add3A_597, %mul3A_393 : i32
          %swap3A_599 = arith.index_cast %add3A_598 : i32 to index
          %swap3A_600 = tpu.vector_load %arg11[%swap3A_599] {strides = array<i32>} : memref<4096xi32, #tpu.memory_space<vmem>>, vector<16xi32>,
          %swap3A_601 = vector.shape_cast %swap3A_600 : vector<16xi32> to vector<16xi32>
          %swap3A_602 = vector.shape_cast %bitcast3A_596 : vector<16xi32> to vector<16xi32>
          tpu.vector_store %arg11[%swap3A_599], %swap3A_602 {strides = array<i32>} : memref<4096xi32, #tpu.memory_space<vmem>>, vector<16xi32>,
          %add3A_603 = arith.constant 128 : i32
          %add3A_604 = vector.broadcast %add3A_603 : i32 to vector<16xi32>
          %add3A_605 = arith.addi %bitcast3A_596, %add3A_604 : vector<16xi32>
          %add3A_606 = arith.constant 3072 : i32
          %add3A_607 = arith.addi %add3A_606, %mul3A_393 : i32
          %swap3A_608 = arith.index_cast %add3A_607 : i32 to index
          %swap3A_609 = tpu.vector_load %arg11[%swap3A_608] {strides = array<i32>} : memref<4096xi32, #tpu.memory_space<vmem>>, vector<16xi32>,
          %swap3A_610 = vector.shape_cast %swap3A_609 : vector<16xi32> to vector<16xi32>
          %swap3A_611 = vector.shape_cast %add3A_605 : vector<16xi32> to vector<16xi32>
          tpu.vector_store %arg11[%swap3A_608], %swap3A_611 {strides = array<i32>} : memref<4096xi32, #tpu.memory_space<vmem>>, vector<16xi32>,
          %xor3A_612 = arith.xori %xor3A_456, %add3A_454 : vector<16xi32>
          %and3A_613 = arith.constant 524287 : i32
          %and3A_614 = vector.broadcast %and3A_613 : i32 to vector<16xi32>
          %and3A_615 = arith.andi %xor3A_612, %and3A_614 : vector<16xi32>
          %and3A_616 = arith.constant 524160 : i32
          %and3A_617 = vector.broadcast %and3A_616 : i32 to vector<16xi32>
          %and3A_618 = arith.andi %and3A_615, %and3A_617 : vector<16xi32>
          %shift_left3A_619 = arith.constant 1 : i32
          %shift_left3A_620 = vector.broadcast %shift_left3A_619 : i32 to vector<16xi32>
          %shift_left3A_621 = arith.shli %and3A_618, %shift_left3A_620 : vector<16xi32>
          %and3A_622 = arith.constant 127 : i32
          %and3A_623 = vector.broadcast %and3A_622 : i32 to vector<16xi32>
          %and3A_624 = arith.andi %and3A_615, %and3A_623 : vector<16xi32>
          %or3A_625 = arith.ori %shift_left3A_621, %and3A_624 : vector<16xi32>
          %or3A_626 = arith.ori %or3A_625, %bitcast3A_372 : vector<16xi32>
          %bitcast3A_627 = vector.bitcast %or3A_626 : vector<16xi32> to vector<16xi32>
          %add3A_628 = arith.constant 1280 : i32
          %add3A_629 = arith.addi %add3A_628, %mul3A_393 : i32
          %swap3A_630 = arith.index_cast %add3A_629 : i32 to index
          %swap3A_631 = tpu.vector_load %arg11[%swap3A_630] {strides = array<i32>} : memref<4096xi32, #tpu.memory_space<vmem>>, vector<16xi32>,
          %swap3A_632 = vector.shape_cast %swap3A_631 : vector<16xi32> to vector<16xi32>
          %swap3A_633 = vector.shape_cast %bitcast3A_627 : vector<16xi32> to vector<16xi32>
          tpu.vector_store %arg11[%swap3A_630], %swap3A_633 {strides = array<i32>} : memref<4096xi32, #tpu.memory_space<vmem>>, vector<16xi32>,
          %add3A_634 = arith.constant 128 : i32
          %add3A_635 = vector.broadcast %add3A_634 : i32 to vector<16xi32>
          %add3A_636 = arith.addi %bitcast3A_627, %add3A_635 : vector<16xi32>
          %add3A_637 = arith.constant 3328 : i32
          %add3A_638 = arith.addi %add3A_637, %mul3A_393 : i32
          %swap3A_639 = arith.index_cast %add3A_638 : i32 to index
          %swap3A_640 = tpu.vector_load %arg11[%swap3A_639] {strides = array<i32>} : memref<4096xi32, #tpu.memory_space<vmem>>, vector<16xi32>,
          %swap3A_641 = vector.shape_cast %swap3A_640 : vector<16xi32> to vector<16xi32>
          %swap3A_642 = vector.shape_cast %add3A_636 : vector<16xi32> to vector<16xi32>
          tpu.vector_store %arg11[%swap3A_639], %swap3A_642 {strides = array<i32>} : memref<4096xi32, #tpu.memory_space<vmem>>, vector<16xi32>,
          %xor3A_643 = arith.xori %xor3A_457, %mul3A_451 : vector<16xi32>
          %and3A_644 = arith.constant 524287 : i32
          %and3A_645 = vector.broadcast %and3A_644 : i32 to vector<16xi32>
          %and3A_646 = arith.andi %xor3A_643, %and3A_645 : vector<16xi32>
          %and3A_647 = arith.constant 524160 : i32
          %and3A_648 = vector.broadcast %and3A_647 : i32 to vector<16xi32>
          %and3A_649 = arith.andi %and3A_646, %and3A_648 : vector<16xi32>
          %shift_left3A_650 = arith.constant 1 : i32
          %shift_left3A_651 = vector.broadcast %shift_left3A_650 : i32 to vector<16xi32>
          %shift_left3A_652 = arith.shli %and3A_649, %shift_left3A_651 : vector<16xi32>
          %and3A_653 = arith.constant 127 : i32
          %and3A_654 = vector.broadcast %and3A_653 : i32 to vector<16xi32>
          %and3A_655 = arith.andi %and3A_646, %and3A_654 : vector<16xi32>
          %or3A_656 = arith.ori %shift_left3A_652, %and3A_655 : vector<16xi32>
          %or3A_657 = arith.ori %or3A_656, %bitcast3A_372 : vector<16xi32>
          %bitcast3A_658 = vector.bitcast %or3A_657 : vector<16xi32> to vector<16xi32>
          %add3A_659 = arith.constant 1536 : i32
          %add3A_660 = arith.addi %add3A_659, %mul3A_393 : i32
          %swap3A_661 = arith.index_cast %add3A_660 : i32 to index
          %swap3A_662 = tpu.vector_load %arg11[%swap3A_661] {strides = array<i32>} : memref<4096xi32, #tpu.memory_space<vmem>>, vector<16xi32>,
          %swap3A_663 = vector.shape_cast %swap3A_662 : vector<16xi32> to vector<16xi32>
          %swap3A_664 = vector.shape_cast %bitcast3A_658 : vector<16xi32> to vector<16xi32>
          tpu.vector_store %arg11[%swap3A_661], %swap3A_664 {strides = array<i32>} : memref<4096xi32, #tpu.memory_space<vmem>>, vector<16xi32>,
          %add3A_665 = arith.constant 128 : i32
          %add3A_666 = vector.broadcast %add3A_665 : i32 to vector<16xi32>
          %add3A_667 = arith.addi %bitcast3A_658, %add3A_666 : vector<16xi32>
          %add3A_668 = arith.constant 3584 : i32
          %add3A_669 = arith.addi %add3A_668, %mul3A_393 : i32
          %swap3A_670 = arith.index_cast %add3A_669 : i32 to index
          %swap3A_671 = tpu.vector_load %arg11[%swap3A_670] {strides = array<i32>} : memref<4096xi32, #tpu.memory_space<vmem>>, vector<16xi32>,
          %swap3A_672 = vector.shape_cast %swap3A_671 : vector<16xi32> to vector<16xi32>
          %swap3A_673 = vector.shape_cast %add3A_667 : vector<16xi32> to vector<16xi32>
          tpu.vector_store %arg11[%swap3A_670], %swap3A_673 {strides = array<i32>} : memref<4096xi32, #tpu.memory_space<vmem>>, vector<16xi32>,
          %xor3A_674 = arith.xori %xor3A_457, %add3A_454 : vector<16xi32>
          %and3A_675 = arith.constant 524287 : i32
          %and3A_676 = vector.broadcast %and3A_675 : i32 to vector<16xi32>
          %and3A_677 = arith.andi %xor3A_674, %and3A_676 : vector<16xi32>
          %and3A_678 = arith.constant 524160 : i32
          %and3A_679 = vector.broadcast %and3A_678 : i32 to vector<16xi32>
          %and3A_680 = arith.andi %and3A_677, %and3A_679 : vector<16xi32>
          %shift_left3A_681 = arith.constant 1 : i32
          %shift_left3A_682 = vector.broadcast %shift_left3A_681 : i32 to vector<16xi32>
          %shift_left3A_683 = arith.shli %and3A_680, %shift_left3A_682 : vector<16xi32>
          %and3A_684 = arith.constant 127 : i32
          %and3A_685 = vector.broadcast %and3A_684 : i32 to vector<16xi32>
          %and3A_686 = arith.andi %and3A_677, %and3A_685 : vector<16xi32>
          %or3A_687 = arith.ori %shift_left3A_683, %and3A_686 : vector<16xi32>
          %or3A_688 = arith.ori %or3A_687, %bitcast3A_372 : vector<16xi32>
          %bitcast3A_689 = vector.bitcast %or3A_688 : vector<16xi32> to vector<16xi32>
          %add3A_690 = arith.constant 1792 : i32
          %add3A_691 = arith.addi %add3A_690, %mul3A_393 : i32
          %swap3A_692 = arith.index_cast %add3A_691 : i32 to index
          %swap3A_693 = tpu.vector_load %arg11[%swap3A_692] {strides = array<i32>} : memref<4096xi32, #tpu.memory_space<vmem>>, vector<16xi32>,
          %swap3A_694 = vector.shape_cast %swap3A_693 : vector<16xi32> to vector<16xi32>
          %swap3A_695 = vector.shape_cast %bitcast3A_689 : vector<16xi32> to vector<16xi32>
          tpu.vector_store %arg11[%swap3A_692], %swap3A_695 {strides = array<i32>} : memref<4096xi32, #tpu.memory_space<vmem>>, vector<16xi32>,
          %add3A_696 = arith.constant 128 : i32
          %add3A_697 = vector.broadcast %add3A_696 : i32 to vector<16xi32>
          %add3A_698 = arith.addi %bitcast3A_689, %add3A_697 : vector<16xi32>
          %add3A_699 = arith.constant 3840 : i32
          %add3A_700 = arith.addi %add3A_699, %mul3A_393 : i32
          %swap3A_701 = arith.index_cast %add3A_700 : i32 to index
          %swap3A_702 = tpu.vector_load %arg11[%swap3A_701] {strides = array<i32>} : memref<4096xi32, #tpu.memory_space<vmem>>, vector<16xi32>,
          %swap3A_703 = vector.shape_cast %swap3A_702 : vector<16xi32> to vector<16xi32>
          %swap3A_704 = vector.shape_cast %add3A_698 : vector<16xi32> to vector<16xi32>
          tpu.vector_store %arg11[%swap3A_701], %swap3A_704 {strides = array<i32>} : memref<4096xi32, #tpu.memory_space<vmem>>, vector<16xi32>,
        }
        %scan3A_378 = arith.constant 16 : i32
        %dma_start3A_379 = arith.constant 0 : i32
        %dma_start3A_380 = tpu.memref_slice %arg14[%dma_start3A_379] : memref<4096xf32, #tpu.memory_space<vmem>> -> memref<2048xf32, #tpu.memory_space<vmem>>
        %dma_start3A_381 = arith.constant 0 : i32
        %dma_start3A_382 = tpu.memref_slice %arg11[%dma_start3A_381] : memref<4096xi32, #tpu.memory_space<vmem>> -> memref<2048xi32, #tpu.memory_space<vmem>>
        %dma_start3A_383 = arith.constant 0 : i32
        %dma_start3A_384 = tpu.memref_slice %arg3[%dma_start3A_383] : memref<8388608xf32, #tpu.memory_space<hbm>> -> memref<8388608xf32, #tpu.memory_space<hbm>>
        tpu.enqueue_indirect_dma source(%dma_start3A_384 : memref<8388608xf32, #tpu.memory_space<hbm>>) target(%dma_start3A_380 : memref<2048xf32, #tpu.memory_space<vmem>>) offsets(%dma_start3A_382 : memref<2048xi32, #tpu.memory_space<vmem>>) semaphore(%arg18 : memref<!tpu.dma_semaphore, #tpu.memory_space<semaphore_mem>>)
        %dma_start3A_385 = arith.constant 2048 : i32
        %dma_start3A_386 = tpu.memref_slice %arg14[%dma_start3A_385] : memref<4096xf32, #tpu.memory_space<vmem>> -> memref<2048xf32, #tpu.memory_space<vmem>>
        %dma_start3A_387 = arith.constant 2048 : i32
        %dma_start3A_388 = tpu.memref_slice %arg11[%dma_start3A_387] : memref<4096xi32, #tpu.memory_space<vmem>> -> memref<2048xi32, #tpu.memory_space<vmem>>
        %dma_start3A_389 = arith.constant 0 : i32
        %dma_start3A_390 = tpu.memref_slice %arg3[%dma_start3A_389] : memref<8388608xf32, #tpu.memory_space<hbm>> -> memref<8388608xf32, #tpu.memory_space<hbm>>
        tpu.enqueue_indirect_dma source(%dma_start3A_390 : memref<8388608xf32, #tpu.memory_space<hbm>>) target(%dma_start3A_386 : memref<2048xf32, #tpu.memory_space<vmem>>) offsets(%dma_start3A_388 : memref<2048xi32, #tpu.memory_space<vmem>>) semaphore(%arg18 : memref<!tpu.dma_semaphore, #tpu.memory_space<semaphore_mem>>)
      } else {
      }
      %dma_wait3A_315 = arith.constant 0 : i32
      %dma_wait3A_316 = tpu.memref_slice %arg15[%dma_wait3A_315] : memref<4096xf32, #tpu.memory_space<vmem>> -> memref<2048xf32, #tpu.memory_space<vmem>>
      %dma_wait3A_317 = arith.constant 0 : i32
      %dma_wait3A_318 = tpu.memref_slice %arg3[%dma_wait3A_317] : memref<8388608xf32, #tpu.memory_space<hbm>> -> memref<2048xf32, #tpu.memory_space<hbm>>
      %dma_wait3A_319 = arith.constant 0 : i32
      %dma_wait3A_320 = tpu.memref_slice %arg15[%dma_wait3A_319] : memref<4096xf32, #tpu.memory_space<vmem>> -> memref<2048xf32, #tpu.memory_space<vmem>>
      %dma_wait3A_321 = arith.constant 0 : i32
      %dma_wait3A_322 = tpu.memref_slice %arg3[%dma_wait3A_321] : memref<8388608xf32, #tpu.memory_space<hbm>> -> memref<2048xf32, #tpu.memory_space<hbm>>
      tpu.wait_dma2 semaphore(%arg19 : memref<!tpu.dma_semaphore, #tpu.memory_space<semaphore_mem>>) src(%dma_wait3A_322 : memref<2048xf32, #tpu.memory_space<hbm>>) dst(%dma_wait3A_320 : memref<2048xf32, #tpu.memory_space<vmem>>)
      %dma_wait3A_323 = arith.constant 2048 : i32
      %dma_wait3A_324 = tpu.memref_slice %arg15[%dma_wait3A_323] : memref<4096xf32, #tpu.memory_space<vmem>> -> memref<2048xf32, #tpu.memory_space<vmem>>
      %dma_wait3A_325 = arith.constant 0 : i32
      %dma_wait3A_326 = tpu.memref_slice %arg3[%dma_wait3A_325] : memref<8388608xf32, #tpu.memory_space<hbm>> -> memref<2048xf32, #tpu.memory_space<hbm>>
      %dma_wait3A_327 = arith.constant 2048 : i32
      %dma_wait3A_328 = tpu.memref_slice %arg15[%dma_wait3A_327] : memref<4096xf32, #tpu.memory_space<vmem>> -> memref<2048xf32, #tpu.memory_space<vmem>>
      %dma_wait3A_329 = arith.constant 0 : i32
      %dma_wait3A_330 = tpu.memref_slice %arg3[%dma_wait3A_329] : memref<8388608xf32, #tpu.memory_space<hbm>> -> memref<2048xf32, #tpu.memory_space<hbm>>
      tpu.wait_dma2 semaphore(%arg19 : memref<!tpu.dma_semaphore, #tpu.memory_space<semaphore_mem>>) src(%dma_wait3A_330 : memref<2048xf32, #tpu.memory_space<hbm>>) dst(%dma_wait3A_328 : memref<2048xf32, #tpu.memory_space<vmem>>)
      %add3A_331 = arith.constant 2 : i32
      %add3A_332 = arith.addi %mul3A_196, %add3A_331 : i32
      %and3A_333 = arith.constant 7 : i32
      %and3A_334 = arith.andi %add3A_332, %and3A_333 : i32
      %mul3A_335 = arith.constant 2 : i32
      %mul3A_336 = arith.muli %and3A_334, %mul3A_335 : i32
      %scan3A_337 = arith.constant 0 : i32
      %scan3A_338 = arith.constant 0 : i32
      %scan3A_339 = arith.constant 16 : i32
      %scan3A_340 = arith.addi %scan3A_338, %scan3A_339 : i32
      %scan3A_341 = arith.constant 1 : i32
      scf.for %scan3A_350 = %scan3A_338 to %scan3A_340 step %scan3A_341  : i32 {
        %mul3A_351 = arith.constant 16 : i32
        %mul3A_352 = arith.muli %mul3A_351, %scan3A_350 : i32
        %get3A = arith.constant 0 : i32
        %get3A_353 = arith.index_cast %get3A : i32 to index
        %get3A_354 = arith.index_cast %mul3A_352 : i32 to index
        %get3A_355 = tpu.vector_load %arg9[%get3A_353, %get3A_354] {strides = array<i32>} : memref<3x256xf32, #tpu.memory_space<vmem>>, vector<1x16xf32>,
        %get3A_356 = vector.shape_cast %get3A_355 : vector<1x16xf32> to vector<16xf32>
        %get3A_357 = arith.constant 1 : i32
        %get3A_358 = arith.index_cast %get3A_357 : i32 to index
        %get3A_359 = arith.index_cast %mul3A_352 : i32 to index
        %get3A_360 = tpu.vector_load %arg9[%get3A_358, %get3A_359] {strides = array<i32>} : memref<3x256xf32, #tpu.memory_space<vmem>>, vector<1x16xf32>,
        %get3A_361 = vector.shape_cast %get3A_360 : vector<1x16xf32> to vector<16xf32>
        %get3A_362 = arith.constant 2 : i32
        %get3A_363 = arith.index_cast %get3A_362 : i32 to index
        %get3A_364 = arith.index_cast %mul3A_352 : i32 to index
        %get3A_365 = tpu.vector_load %arg9[%get3A_363, %get3A_364] {strides = array<i32>} : memref<3x256xf32, #tpu.memory_space<vmem>>, vector<1x16xf32>,
        %get3A_366 = vector.shape_cast %get3A_365 : vector<1x16xf32> to vector<16xf32>
        %sub3A = arith.constant 1.000000e+00 : f32
        %sub3A_367 = vector.broadcast %sub3A : f32 to vector<16xf32>
        %sub3A_368 = arith.subf %sub3A_367, %get3A_356 : vector<16xf32>
        %sub3A_369 = arith.constant 1.000000e+00 : f32
        %sub3A_370 = vector.broadcast %sub3A_369 : f32 to vector<16xf32>
        %sub3A_371 = arith.subf %sub3A_370, %get3A_361 : vector<16xf32>
        %sub3A_372 = arith.constant 1.000000e+00 : f32
        %sub3A_373 = vector.broadcast %sub3A_372 : f32 to vector<16xf32>
        %sub3A_374 = arith.subf %sub3A_373, %get3A_366 : vector<16xf32>
        %mul3A_375 = arith.mulf %sub3A_368, %sub3A_371 : vector<16xf32>
        %mul3A_376 = arith.mulf %sub3A_368, %get3A_361 : vector<16xf32>
        %mul3A_377 = arith.mulf %get3A_356, %sub3A_371 : vector<16xf32>
        %mul3A_378 = arith.mulf %get3A_356, %get3A_361 : vector<16xf32>
        %broadcast_in_dim3A_379 = arith.constant 0.000000e+00 : f32
        %broadcast_in_dim3A_380 = vector.broadcast %broadcast_in_dim3A_379 : f32 to vector<16xf32>
        %broadcast_in_dim3A_381 = arith.constant 0.000000e+00 : f32
        %broadcast_in_dim3A_382 = vector.broadcast %broadcast_in_dim3A_381 : f32 to vector<16xf32>
        %mul3A_383 = arith.mulf %mul3A_375, %sub3A_374 : vector<16xf32>
        %add3A_384 = arith.constant 0 : i32
        %add3A_385 = arith.addi %add3A_384, %mul3A_352 : i32
        %get3A_386 = arith.index_cast %add3A_385 : i32 to index
        %get3A_387 = tpu.vector_load %arg15[%get3A_386] {strides = array<i32>} : memref<4096xf32, #tpu.memory_space<vmem>>, vector<16xf32>,
        %get3A_388 = vector.shape_cast %get3A_387 : vector<16xf32> to vector<16xf32>
        %add3A_389 = arith.constant 2048 : i32
        %add3A_390 = arith.addi %add3A_389, %mul3A_352 : i32
        %get3A_391 = arith.index_cast %add3A_390 : i32 to index
        %get3A_392 = tpu.vector_load %arg15[%get3A_391] {strides = array<i32>} : memref<4096xf32, #tpu.memory_space<vmem>>, vector<16xf32>,
        %get3A_393 = vector.shape_cast %get3A_392 : vector<16xf32> to vector<16xf32>
        %mul3A_394 = arith.mulf %get3A_388, %mul3A_383 : vector<16xf32>
        %add3A_395 = arith.addf %broadcast_in_dim3A_380, %mul3A_394 : vector<16xf32>
        %mul3A_396 = arith.mulf %get3A_393, %mul3A_383 : vector<16xf32>
        %add3A_397 = arith.addf %broadcast_in_dim3A_382, %mul3A_396 : vector<16xf32>
        %mul3A_398 = arith.mulf %mul3A_375, %get3A_366 : vector<16xf32>
        %add3A_399 = arith.constant 256 : i32
        %add3A_400 = arith.addi %add3A_399, %mul3A_352 : i32
        %get3A_401 = arith.index_cast %add3A_400 : i32 to index
        %get3A_402 = tpu.vector_load %arg15[%get3A_401] {strides = array<i32>} : memref<4096xf32, #tpu.memory_space<vmem>>, vector<16xf32>,
        %get3A_403 = vector.shape_cast %get3A_402 : vector<16xf32> to vector<16xf32>
        %add3A_404 = arith.constant 2304 : i32
        %add3A_405 = arith.addi %add3A_404, %mul3A_352 : i32
        %get3A_406 = arith.index_cast %add3A_405 : i32 to index
        %get3A_407 = tpu.vector_load %arg15[%get3A_406] {strides = array<i32>} : memref<4096xf32, #tpu.memory_space<vmem>>, vector<16xf32>,
        %get3A_408 = vector.shape_cast %get3A_407 : vector<16xf32> to vector<16xf32>
        %mul3A_409 = arith.mulf %get3A_403, %mul3A_398 : vector<16xf32>
        %add3A_410 = arith.addf %add3A_395, %mul3A_409 : vector<16xf32>
        %mul3A_411 = arith.mulf %get3A_408, %mul3A_398 : vector<16xf32>
        %add3A_412 = arith.addf %add3A_397, %mul3A_411 : vector<16xf32>
        %mul3A_413 = arith.mulf %mul3A_376, %sub3A_374 : vector<16xf32>
        %add3A_414 = arith.constant 512 : i32
        %add3A_415 = arith.addi %add3A_414, %mul3A_352 : i32
        %get3A_416 = arith.index_cast %add3A_415 : i32 to index
        %get3A_417 = tpu.vector_load %arg15[%get3A_416] {strides = array<i32>} : memref<4096xf32, #tpu.memory_space<vmem>>, vector<16xf32>,
        %get3A_418 = vector.shape_cast %get3A_417 : vector<16xf32> to vector<16xf32>
        %add3A_419 = arith.constant 2560 : i32
        %add3A_420 = arith.addi %add3A_419, %mul3A_352 : i32
        %get3A_421 = arith.index_cast %add3A_420 : i32 to index
        %get3A_422 = tpu.vector_load %arg15[%get3A_421] {strides = array<i32>} : memref<4096xf32, #tpu.memory_space<vmem>>, vector<16xf32>,
        %get3A_423 = vector.shape_cast %get3A_422 : vector<16xf32> to vector<16xf32>
        %mul3A_424 = arith.mulf %get3A_418, %mul3A_413 : vector<16xf32>
        %add3A_425 = arith.addf %add3A_410, %mul3A_424 : vector<16xf32>
        %mul3A_426 = arith.mulf %get3A_423, %mul3A_413 : vector<16xf32>
        %add3A_427 = arith.addf %add3A_412, %mul3A_426 : vector<16xf32>
        %mul3A_428 = arith.mulf %mul3A_376, %get3A_366 : vector<16xf32>
        %add3A_429 = arith.constant 768 : i32
        %add3A_430 = arith.addi %add3A_429, %mul3A_352 : i32
        %get3A_431 = arith.index_cast %add3A_430 : i32 to index
        %get3A_432 = tpu.vector_load %arg15[%get3A_431] {strides = array<i32>} : memref<4096xf32, #tpu.memory_space<vmem>>, vector<16xf32>,
        %get3A_433 = vector.shape_cast %get3A_432 : vector<16xf32> to vector<16xf32>
        %add3A_434 = arith.constant 2816 : i32
        %add3A_435 = arith.addi %add3A_434, %mul3A_352 : i32
        %get3A_436 = arith.index_cast %add3A_435 : i32 to index
        %get3A_437 = tpu.vector_load %arg15[%get3A_436] {strides = array<i32>} : memref<4096xf32, #tpu.memory_space<vmem>>, vector<16xf32>,
        %get3A_438 = vector.shape_cast %get3A_437 : vector<16xf32> to vector<16xf32>
        %mul3A_439 = arith.mulf %get3A_433, %mul3A_428 : vector<16xf32>
        %add3A_440 = arith.addf %add3A_425, %mul3A_439 : vector<16xf32>
        %mul3A_441 = arith.mulf %get3A_438, %mul3A_428 : vector<16xf32>
        %add3A_442 = arith.addf %add3A_427, %mul3A_441 : vector<16xf32>
        %mul3A_443 = arith.mulf %mul3A_377, %sub3A_374 : vector<16xf32>
        %add3A_444 = arith.constant 1024 : i32
        %add3A_445 = arith.addi %add3A_444, %mul3A_352 : i32
        %get3A_446 = arith.index_cast %add3A_445 : i32 to index
        %get3A_447 = tpu.vector_load %arg15[%get3A_446] {strides = array<i32>} : memref<4096xf32, #tpu.memory_space<vmem>>, vector<16xf32>,
        %get3A_448 = vector.shape_cast %get3A_447 : vector<16xf32> to vector<16xf32>
        %add3A_449 = arith.constant 3072 : i32
        %add3A_450 = arith.addi %add3A_449, %mul3A_352 : i32
        %get3A_451 = arith.index_cast %add3A_450 : i32 to index
        %get3A_452 = tpu.vector_load %arg15[%get3A_451] {strides = array<i32>} : memref<4096xf32, #tpu.memory_space<vmem>>, vector<16xf32>,
        %get3A_453 = vector.shape_cast %get3A_452 : vector<16xf32> to vector<16xf32>
        %mul3A_454 = arith.mulf %get3A_448, %mul3A_443 : vector<16xf32>
        %add3A_455 = arith.addf %add3A_440, %mul3A_454 : vector<16xf32>
        %mul3A_456 = arith.mulf %get3A_453, %mul3A_443 : vector<16xf32>
        %add3A_457 = arith.addf %add3A_442, %mul3A_456 : vector<16xf32>
        %mul3A_458 = arith.mulf %mul3A_377, %get3A_366 : vector<16xf32>
        %add3A_459 = arith.constant 1280 : i32
        %add3A_460 = arith.addi %add3A_459, %mul3A_352 : i32
        %get3A_461 = arith.index_cast %add3A_460 : i32 to index
        %get3A_462 = tpu.vector_load %arg15[%get3A_461] {strides = array<i32>} : memref<4096xf32, #tpu.memory_space<vmem>>, vector<16xf32>,
        %get3A_463 = vector.shape_cast %get3A_462 : vector<16xf32> to vector<16xf32>
        %add3A_464 = arith.constant 3328 : i32
        %add3A_465 = arith.addi %add3A_464, %mul3A_352 : i32
        %get3A_466 = arith.index_cast %add3A_465 : i32 to index
        %get3A_467 = tpu.vector_load %arg15[%get3A_466] {strides = array<i32>} : memref<4096xf32, #tpu.memory_space<vmem>>, vector<16xf32>,
        %get3A_468 = vector.shape_cast %get3A_467 : vector<16xf32> to vector<16xf32>
        %mul3A_469 = arith.mulf %get3A_463, %mul3A_458 : vector<16xf32>
        %add3A_470 = arith.addf %add3A_455, %mul3A_469 : vector<16xf32>
        %mul3A_471 = arith.mulf %get3A_468, %mul3A_458 : vector<16xf32>
        %add3A_472 = arith.addf %add3A_457, %mul3A_471 : vector<16xf32>
        %mul3A_473 = arith.mulf %mul3A_378, %sub3A_374 : vector<16xf32>
        %add3A_474 = arith.constant 1536 : i32
        %add3A_475 = arith.addi %add3A_474, %mul3A_352 : i32
        %get3A_476 = arith.index_cast %add3A_475 : i32 to index
        %get3A_477 = tpu.vector_load %arg15[%get3A_476] {strides = array<i32>} : memref<4096xf32, #tpu.memory_space<vmem>>, vector<16xf32>,
        %get3A_478 = vector.shape_cast %get3A_477 : vector<16xf32> to vector<16xf32>
        %add3A_479 = arith.constant 3584 : i32
        %add3A_480 = arith.addi %add3A_479, %mul3A_352 : i32
        %get3A_481 = arith.index_cast %add3A_480 : i32 to index
        %get3A_482 = tpu.vector_load %arg15[%get3A_481] {strides = array<i32>} : memref<4096xf32, #tpu.memory_space<vmem>>, vector<16xf32>,
        %get3A_483 = vector.shape_cast %get3A_482 : vector<16xf32> to vector<16xf32>
        %mul3A_484 = arith.mulf %get3A_478, %mul3A_473 : vector<16xf32>
        %add3A_485 = arith.addf %add3A_470, %mul3A_484 : vector<16xf32>
        %mul3A_486 = arith.mulf %get3A_483, %mul3A_473 : vector<16xf32>
        %add3A_487 = arith.addf %add3A_472, %mul3A_486 : vector<16xf32>
        %mul3A_488 = arith.mulf %mul3A_378, %get3A_366 : vector<16xf32>
        %add3A_489 = arith.constant 1792 : i32
        %add3A_490 = arith.addi %add3A_489, %mul3A_352 : i32
        %get3A_491 = arith.index_cast %add3A_490 : i32 to index
        %get3A_492 = tpu.vector_load %arg15[%get3A_491] {strides = array<i32>} : memref<4096xf32, #tpu.memory_space<vmem>>, vector<16xf32>,
        %get3A_493 = vector.shape_cast %get3A_492 : vector<16xf32> to vector<16xf32>
        %add3A_494 = arith.constant 3840 : i32
        %add3A_495 = arith.addi %add3A_494, %mul3A_352 : i32
        %get3A_496 = arith.index_cast %add3A_495 : i32 to index
        %get3A_497 = tpu.vector_load %arg15[%get3A_496] {strides = array<i32>} : memref<4096xf32, #tpu.memory_space<vmem>>, vector<16xf32>,
        %get3A_498 = vector.shape_cast %get3A_497 : vector<16xf32> to vector<16xf32>
        %mul3A_499 = arith.mulf %get3A_493, %mul3A_488 : vector<16xf32>
        %add3A_500 = arith.addf %add3A_485, %mul3A_499 : vector<16xf32>
        %mul3A_501 = arith.mulf %get3A_498, %mul3A_488 : vector<16xf32>
        %add3A_502 = arith.addf %add3A_487, %mul3A_501 : vector<16xf32>
        %swap3A = arith.index_cast %mul3A_336 : i32 to index
        %swap3A_503 = arith.index_cast %mul3A_352 : i32 to index
        %swap3A_504 = tpu.vector_load %arg16[%swap3A, %swap3A_503] {strides = array<i32>} : memref<16x256xf32, #tpu.memory_space<vmem>>, vector<1x16xf32>,
        %swap3A_505 = vector.shape_cast %swap3A_504 : vector<1x16xf32> to vector<16xf32>
        %swap3A_506 = vector.shape_cast %add3A_500 : vector<16xf32> to vector<1x16xf32>
        tpu.vector_store %arg16[%swap3A, %swap3A_503], %swap3A_506 {strides = array<i32>} : memref<16x256xf32, #tpu.memory_space<vmem>>, vector<1x16xf32>,
        %add3A_507 = arith.constant 1 : i32
        %add3A_508 = arith.addi %mul3A_336, %add3A_507 : i32
        %swap3A_509 = arith.index_cast %add3A_508 : i32 to index
        %swap3A_510 = arith.index_cast %mul3A_352 : i32 to index
        %swap3A_511 = tpu.vector_load %arg16[%swap3A_509, %swap3A_510] {strides = array<i32>} : memref<16x256xf32, #tpu.memory_space<vmem>>, vector<1x16xf32>,
        %swap3A_512 = vector.shape_cast %swap3A_511 : vector<1x16xf32> to vector<16xf32>
        %swap3A_513 = vector.shape_cast %add3A_502 : vector<16xf32> to vector<1x16xf32>
        tpu.vector_store %arg16[%swap3A_509, %swap3A_510], %swap3A_513 {strides = array<i32>} : memref<16x256xf32, #tpu.memory_space<vmem>>, vector<1x16xf32>,
      }
      %scan3A_342 = arith.constant 16 : i32
      %and3A_343 = arith.constant 7 : i32
      %and3A_344 = arith.andi %add3A_332, %and3A_343 : i32
      %eq3A_345 = arith.constant 7 : i32
      %eq3A_346 = arith.cmpi eq, %and3A_344, %eq3A_345 : i32
      %convert_element_type3A_347 = arith.extui %eq3A_346 : i1 to i32
      %cond3A_348 = arith.constant 0 : i32
      %cond3A_349 = arith.cmpi ne, %convert_element_type3A_347, %cond3A_348 : i32
      scf.if %cond3A_349 {
        %shift_right_arithmetic3A_350 = arith.constant 3 : i32
        %shift_right_arithmetic3A_351 = arith.shrsi %add3A_332, %shift_right_arithmetic3A_350 : i32
        %mul3A_352 = arith.constant 256 : i32
        %mul3A_353 = arith.muli %shift_right_arithmetic3A_351, %mul3A_352 : i32
        %add3A_354 = arith.addi %mul3A_2, %mul3A_353 : i32
        "tpu.region"() ({
          %run_scoped3A = tpu.sem_alloc : memref<!tpu.dma_semaphore, #tpu.memory_space<semaphore_mem>>
          %dma_start3A_355 = arith.constant 0 : i32
          %dma_start3A_356 = tpu.memref_slice %arg4[%dma_start3A_355, %add3A_354] : memref<16x131072xf32, #tpu.memory_space<hbm>> -> memref<16x256xf32, #tpu.memory_space<hbm>>
          %dma_start3A_357 = arith.constant 0 : i32
          %dma_start3A_358 = tpu.memref_slice %arg4[%dma_start3A_357, %add3A_354] : memref<16x131072xf32, #tpu.memory_space<hbm>> -> memref<16x256xf32, #tpu.memory_space<hbm>>
          tpu.enqueue_dma source(%arg16 : memref<16x256xf32, #tpu.memory_space<vmem>>) target(%dma_start3A_358 : memref<16x256xf32, #tpu.memory_space<hbm>>) target_semaphore(%run_scoped3A : memref<!tpu.dma_semaphore, #tpu.memory_space<semaphore_mem>>)
          %dma_wait3A_359 = arith.constant 0 : i32
          %dma_wait3A_360 = tpu.memref_slice %arg4[%dma_wait3A_359, %add3A_354] : memref<16x131072xf32, #tpu.memory_space<hbm>> -> memref<16x256xf32, #tpu.memory_space<hbm>>
          %dma_wait3A_361 = arith.constant 0 : i32
          %dma_wait3A_362 = tpu.memref_slice %arg4[%dma_wait3A_361, %add3A_354] : memref<16x131072xf32, #tpu.memory_space<hbm>> -> memref<16x256xf32, #tpu.memory_space<hbm>>
          tpu.wait_dma2 semaphore(%run_scoped3A : memref<!tpu.dma_semaphore, #tpu.memory_space<semaphore_mem>>) src(%arg16 : memref<16x256xf32, #tpu.memory_space<vmem>>) dst(%dma_wait3A_362 : memref<16x256xf32, #tpu.memory_space<hbm>>)
          tpu.yield
        }) : () -> ()
      } else {
      }
    }
    %scan3A_147 = arith.constant 42 : i32
    %dma_wait3A_148 = arith.constant 0 : i32
    %dma_wait3A_149 = tpu.memref_slice %arg13[%dma_wait3A_148] : memref<4096xf32, #tpu.memory_space<vmem>> -> memref<2048xf32, #tpu.memory_space<vmem>>
    %dma_wait3A_150 = arith.constant 0 : i32
    %dma_wait3A_151 = tpu.memref_slice %arg3[%dma_wait3A_150] : memref<8388608xf32, #tpu.memory_space<hbm>> -> memref<2048xf32, #tpu.memory_space<hbm>>
    %dma_wait3A_152 = arith.constant 0 : i32
    %dma_wait3A_153 = tpu.memref_slice %arg13[%dma_wait3A_152] : memref<4096xf32, #tpu.memory_space<vmem>> -> memref<2048xf32, #tpu.memory_space<vmem>>
    %dma_wait3A_154 = arith.constant 0 : i32
    %dma_wait3A_155 = tpu.memref_slice %arg3[%dma_wait3A_154] : memref<8388608xf32, #tpu.memory_space<hbm>> -> memref<2048xf32, #tpu.memory_space<hbm>>
    tpu.wait_dma2 semaphore(%arg17 : memref<!tpu.dma_semaphore, #tpu.memory_space<semaphore_mem>>) src(%dma_wait3A_155 : memref<2048xf32, #tpu.memory_space<hbm>>) dst(%dma_wait3A_153 : memref<2048xf32, #tpu.memory_space<vmem>>)
    %dma_wait3A_156 = arith.constant 2048 : i32
    %dma_wait3A_157 = tpu.memref_slice %arg13[%dma_wait3A_156] : memref<4096xf32, #tpu.memory_space<vmem>> -> memref<2048xf32, #tpu.memory_space<vmem>>
    %dma_wait3A_158 = arith.constant 0 : i32
    %dma_wait3A_159 = tpu.memref_slice %arg3[%dma_wait3A_158] : memref<8388608xf32, #tpu.memory_space<hbm>> -> memref<2048xf32, #tpu.memory_space<hbm>>
    %dma_wait3A_160 = arith.constant 2048 : i32
    %dma_wait3A_161 = tpu.memref_slice %arg13[%dma_wait3A_160] : memref<4096xf32, #tpu.memory_space<vmem>> -> memref<2048xf32, #tpu.memory_space<vmem>>
    %dma_wait3A_162 = arith.constant 0 : i32
    %dma_wait3A_163 = tpu.memref_slice %arg3[%dma_wait3A_162] : memref<8388608xf32, #tpu.memory_space<hbm>> -> memref<2048xf32, #tpu.memory_space<hbm>>
    tpu.wait_dma2 semaphore(%arg17 : memref<!tpu.dma_semaphore, #tpu.memory_space<semaphore_mem>>) src(%dma_wait3A_163 : memref<2048xf32, #tpu.memory_space<hbm>>) dst(%dma_wait3A_161 : memref<2048xf32, #tpu.memory_space<vmem>>)
    %scan3A_164 = arith.constant 0 : i32
    %scan3A_165 = arith.constant 0 : i32
    %scan3A_166 = arith.constant 16 : i32
    %scan3A_167 = arith.addi %scan3A_165, %scan3A_166 : i32
    %scan3A_168 = arith.constant 1 : i32
    scf.for %scan3A_194 = %scan3A_165 to %scan3A_167 step %scan3A_168  : i32 {
      %mul3A_195 = arith.constant 16 : i32
      %mul3A_196 = arith.muli %mul3A_195, %scan3A_194 : i32
      %get3A = arith.constant 0 : i32
      %get3A_197 = arith.index_cast %get3A : i32 to index
      %get3A_198 = arith.index_cast %mul3A_196 : i32 to index
      %get3A_199 = tpu.vector_load %arg7[%get3A_197, %get3A_198] {strides = array<i32>} : memref<3x256xf32, #tpu.memory_space<vmem>>, vector<1x16xf32>,
      %get3A_200 = vector.shape_cast %get3A_199 : vector<1x16xf32> to vector<16xf32>
      %get3A_201 = arith.constant 1 : i32
      %get3A_202 = arith.index_cast %get3A_201 : i32 to index
      %get3A_203 = arith.index_cast %mul3A_196 : i32 to index
      %get3A_204 = tpu.vector_load %arg7[%get3A_202, %get3A_203] {strides = array<i32>} : memref<3x256xf32, #tpu.memory_space<vmem>>, vector<1x16xf32>,
      %get3A_205 = vector.shape_cast %get3A_204 : vector<1x16xf32> to vector<16xf32>
      %get3A_206 = arith.constant 2 : i32
      %get3A_207 = arith.index_cast %get3A_206 : i32 to index
      %get3A_208 = arith.index_cast %mul3A_196 : i32 to index
      %get3A_209 = tpu.vector_load %arg7[%get3A_207, %get3A_208] {strides = array<i32>} : memref<3x256xf32, #tpu.memory_space<vmem>>, vector<1x16xf32>,
      %get3A_210 = vector.shape_cast %get3A_209 : vector<1x16xf32> to vector<16xf32>
      %sub3A = arith.constant 1.000000e+00 : f32
      %sub3A_211 = vector.broadcast %sub3A : f32 to vector<16xf32>
      %sub3A_212 = arith.subf %sub3A_211, %get3A_200 : vector<16xf32>
      %sub3A_213 = arith.constant 1.000000e+00 : f32
      %sub3A_214 = vector.broadcast %sub3A_213 : f32 to vector<16xf32>
      %sub3A_215 = arith.subf %sub3A_214, %get3A_205 : vector<16xf32>
      %sub3A_216 = arith.constant 1.000000e+00 : f32
      %sub3A_217 = vector.broadcast %sub3A_216 : f32 to vector<16xf32>
      %sub3A_218 = arith.subf %sub3A_217, %get3A_210 : vector<16xf32>
      %mul3A_219 = arith.mulf %sub3A_212, %sub3A_215 : vector<16xf32>
      %mul3A_220 = arith.mulf %sub3A_212, %get3A_205 : vector<16xf32>
      %mul3A_221 = arith.mulf %get3A_200, %sub3A_215 : vector<16xf32>
      %mul3A_222 = arith.mulf %get3A_200, %get3A_205 : vector<16xf32>
      %broadcast_in_dim3A_223 = arith.constant 0.000000e+00 : f32
      %broadcast_in_dim3A_224 = vector.broadcast %broadcast_in_dim3A_223 : f32 to vector<16xf32>
      %broadcast_in_dim3A_225 = arith.constant 0.000000e+00 : f32
      %broadcast_in_dim3A_226 = vector.broadcast %broadcast_in_dim3A_225 : f32 to vector<16xf32>
      %mul3A_227 = arith.mulf %mul3A_219, %sub3A_218 : vector<16xf32>
      %add3A_228 = arith.constant 0 : i32
      %add3A_229 = arith.addi %add3A_228, %mul3A_196 : i32
      %get3A_230 = arith.index_cast %add3A_229 : i32 to index
      %get3A_231 = tpu.vector_load %arg13[%get3A_230] {strides = array<i32>} : memref<4096xf32, #tpu.memory_space<vmem>>, vector<16xf32>,
      %get3A_232 = vector.shape_cast %get3A_231 : vector<16xf32> to vector<16xf32>
      %add3A_233 = arith.constant 2048 : i32
      %add3A_234 = arith.addi %add3A_233, %mul3A_196 : i32
      %get3A_235 = arith.index_cast %add3A_234 : i32 to index
      %get3A_236 = tpu.vector_load %arg13[%get3A_235] {strides = array<i32>} : memref<4096xf32, #tpu.memory_space<vmem>>, vector<16xf32>,
      %get3A_237 = vector.shape_cast %get3A_236 : vector<16xf32> to vector<16xf32>
      %mul3A_238 = arith.mulf %get3A_232, %mul3A_227 : vector<16xf32>
      %add3A_239 = arith.addf %broadcast_in_dim3A_224, %mul3A_238 : vector<16xf32>
      %mul3A_240 = arith.mulf %get3A_237, %mul3A_227 : vector<16xf32>
      %add3A_241 = arith.addf %broadcast_in_dim3A_226, %mul3A_240 : vector<16xf32>
      %mul3A_242 = arith.mulf %mul3A_219, %get3A_210 : vector<16xf32>
      %add3A_243 = arith.constant 256 : i32
      %add3A_244 = arith.addi %add3A_243, %mul3A_196 : i32
      %get3A_245 = arith.index_cast %add3A_244 : i32 to index
      %get3A_246 = tpu.vector_load %arg13[%get3A_245] {strides = array<i32>} : memref<4096xf32, #tpu.memory_space<vmem>>, vector<16xf32>,
      %get3A_247 = vector.shape_cast %get3A_246 : vector<16xf32> to vector<16xf32>
      %add3A_248 = arith.constant 2304 : i32
      %add3A_249 = arith.addi %add3A_248, %mul3A_196 : i32
      %get3A_250 = arith.index_cast %add3A_249 : i32 to index
      %get3A_251 = tpu.vector_load %arg13[%get3A_250] {strides = array<i32>} : memref<4096xf32, #tpu.memory_space<vmem>>, vector<16xf32>,
      %get3A_252 = vector.shape_cast %get3A_251 : vector<16xf32> to vector<16xf32>
      %mul3A_253 = arith.mulf %get3A_247, %mul3A_242 : vector<16xf32>
      %add3A_254 = arith.addf %add3A_239, %mul3A_253 : vector<16xf32>
      %mul3A_255 = arith.mulf %get3A_252, %mul3A_242 : vector<16xf32>
      %add3A_256 = arith.addf %add3A_241, %mul3A_255 : vector<16xf32>
      %mul3A_257 = arith.mulf %mul3A_220, %sub3A_218 : vector<16xf32>
      %add3A_258 = arith.constant 512 : i32
      %add3A_259 = arith.addi %add3A_258, %mul3A_196 : i32
      %get3A_260 = arith.index_cast %add3A_259 : i32 to index
      %get3A_261 = tpu.vector_load %arg13[%get3A_260] {strides = array<i32>} : memref<4096xf32, #tpu.memory_space<vmem>>, vector<16xf32>,
      %get3A_262 = vector.shape_cast %get3A_261 : vector<16xf32> to vector<16xf32>
      %add3A_263 = arith.constant 2560 : i32
      %add3A_264 = arith.addi %add3A_263, %mul3A_196 : i32
      %get3A_265 = arith.index_cast %add3A_264 : i32 to index
      %get3A_266 = tpu.vector_load %arg13[%get3A_265] {strides = array<i32>} : memref<4096xf32, #tpu.memory_space<vmem>>, vector<16xf32>,
      %get3A_267 = vector.shape_cast %get3A_266 : vector<16xf32> to vector<16xf32>
      %mul3A_268 = arith.mulf %get3A_262, %mul3A_257 : vector<16xf32>
      %add3A_269 = arith.addf %add3A_254, %mul3A_268 : vector<16xf32>
      %mul3A_270 = arith.mulf %get3A_267, %mul3A_257 : vector<16xf32>
      %add3A_271 = arith.addf %add3A_256, %mul3A_270 : vector<16xf32>
      %mul3A_272 = arith.mulf %mul3A_220, %get3A_210 : vector<16xf32>
      %add3A_273 = arith.constant 768 : i32
      %add3A_274 = arith.addi %add3A_273, %mul3A_196 : i32
      %get3A_275 = arith.index_cast %add3A_274 : i32 to index
      %get3A_276 = tpu.vector_load %arg13[%get3A_275] {strides = array<i32>} : memref<4096xf32, #tpu.memory_space<vmem>>, vector<16xf32>,
      %get3A_277 = vector.shape_cast %get3A_276 : vector<16xf32> to vector<16xf32>
      %add3A_278 = arith.constant 2816 : i32
      %add3A_279 = arith.addi %add3A_278, %mul3A_196 : i32
      %get3A_280 = arith.index_cast %add3A_279 : i32 to index
      %get3A_281 = tpu.vector_load %arg13[%get3A_280] {strides = array<i32>} : memref<4096xf32, #tpu.memory_space<vmem>>, vector<16xf32>,
      %get3A_282 = vector.shape_cast %get3A_281 : vector<16xf32> to vector<16xf32>
      %mul3A_283 = arith.mulf %get3A_277, %mul3A_272 : vector<16xf32>
      %add3A_284 = arith.addf %add3A_269, %mul3A_283 : vector<16xf32>
      %mul3A_285 = arith.mulf %get3A_282, %mul3A_272 : vector<16xf32>
      %add3A_286 = arith.addf %add3A_271, %mul3A_285 : vector<16xf32>
      %mul3A_287 = arith.mulf %mul3A_221, %sub3A_218 : vector<16xf32>
      %add3A_288 = arith.constant 1024 : i32
      %add3A_289 = arith.addi %add3A_288, %mul3A_196 : i32
      %get3A_290 = arith.index_cast %add3A_289 : i32 to index
      %get3A_291 = tpu.vector_load %arg13[%get3A_290] {strides = array<i32>} : memref<4096xf32, #tpu.memory_space<vmem>>, vector<16xf32>,
      %get3A_292 = vector.shape_cast %get3A_291 : vector<16xf32> to vector<16xf32>
      %add3A_293 = arith.constant 3072 : i32
      %add3A_294 = arith.addi %add3A_293, %mul3A_196 : i32
      %get3A_295 = arith.index_cast %add3A_294 : i32 to index
      %get3A_296 = tpu.vector_load %arg13[%get3A_295] {strides = array<i32>} : memref<4096xf32, #tpu.memory_space<vmem>>, vector<16xf32>,
      %get3A_297 = vector.shape_cast %get3A_296 : vector<16xf32> to vector<16xf32>
      %mul3A_298 = arith.mulf %get3A_292, %mul3A_287 : vector<16xf32>
      %add3A_299 = arith.addf %add3A_284, %mul3A_298 : vector<16xf32>
      %mul3A_300 = arith.mulf %get3A_297, %mul3A_287 : vector<16xf32>
      %add3A_301 = arith.addf %add3A_286, %mul3A_300 : vector<16xf32>
      %mul3A_302 = arith.mulf %mul3A_221, %get3A_210 : vector<16xf32>
      %add3A_303 = arith.constant 1280 : i32
      %add3A_304 = arith.addi %add3A_303, %mul3A_196 : i32
      %get3A_305 = arith.index_cast %add3A_304 : i32 to index
      %get3A_306 = tpu.vector_load %arg13[%get3A_305] {strides = array<i32>} : memref<4096xf32, #tpu.memory_space<vmem>>, vector<16xf32>,
      %get3A_307 = vector.shape_cast %get3A_306 : vector<16xf32> to vector<16xf32>
      %add3A_308 = arith.constant 3328 : i32
      %add3A_309 = arith.addi %add3A_308, %mul3A_196 : i32
      %get3A_310 = arith.index_cast %add3A_309 : i32 to index
      %get3A_311 = tpu.vector_load %arg13[%get3A_310] {strides = array<i32>} : memref<4096xf32, #tpu.memory_space<vmem>>, vector<16xf32>,
      %get3A_312 = vector.shape_cast %get3A_311 : vector<16xf32> to vector<16xf32>
      %mul3A_313 = arith.mulf %get3A_307, %mul3A_302 : vector<16xf32>
      %add3A_314 = arith.addf %add3A_299, %mul3A_313 : vector<16xf32>
      %mul3A_315 = arith.mulf %get3A_312, %mul3A_302 : vector<16xf32>
      %add3A_316 = arith.addf %add3A_301, %mul3A_315 : vector<16xf32>
      %mul3A_317 = arith.mulf %mul3A_222, %sub3A_218 : vector<16xf32>
      %add3A_318 = arith.constant 1536 : i32
      %add3A_319 = arith.addi %add3A_318, %mul3A_196 : i32
      %get3A_320 = arith.index_cast %add3A_319 : i32 to index
      %get3A_321 = tpu.vector_load %arg13[%get3A_320] {strides = array<i32>} : memref<4096xf32, #tpu.memory_space<vmem>>, vector<16xf32>,
      %get3A_322 = vector.shape_cast %get3A_321 : vector<16xf32> to vector<16xf32>
      %add3A_323 = arith.constant 3584 : i32
      %add3A_324 = arith.addi %add3A_323, %mul3A_196 : i32
      %get3A_325 = arith.index_cast %add3A_324 : i32 to index
      %get3A_326 = tpu.vector_load %arg13[%get3A_325] {strides = array<i32>} : memref<4096xf32, #tpu.memory_space<vmem>>, vector<16xf32>,
      %get3A_327 = vector.shape_cast %get3A_326 : vector<16xf32> to vector<16xf32>
      %mul3A_328 = arith.mulf %get3A_322, %mul3A_317 : vector<16xf32>
      %add3A_329 = arith.addf %add3A_314, %mul3A_328 : vector<16xf32>
      %mul3A_330 = arith.mulf %get3A_327, %mul3A_317 : vector<16xf32>
      %add3A_331 = arith.addf %add3A_316, %mul3A_330 : vector<16xf32>
      %mul3A_332 = arith.mulf %mul3A_222, %get3A_210 : vector<16xf32>
      %add3A_333 = arith.constant 1792 : i32
      %add3A_334 = arith.addi %add3A_333, %mul3A_196 : i32
      %get3A_335 = arith.index_cast %add3A_334 : i32 to index
      %get3A_336 = tpu.vector_load %arg13[%get3A_335] {strides = array<i32>} : memref<4096xf32, #tpu.memory_space<vmem>>, vector<16xf32>,
      %get3A_337 = vector.shape_cast %get3A_336 : vector<16xf32> to vector<16xf32>
      %add3A_338 = arith.constant 3840 : i32
      %add3A_339 = arith.addi %add3A_338, %mul3A_196 : i32
      %get3A_340 = arith.index_cast %add3A_339 : i32 to index
      %get3A_341 = tpu.vector_load %arg13[%get3A_340] {strides = array<i32>} : memref<4096xf32, #tpu.memory_space<vmem>>, vector<16xf32>,
      %get3A_342 = vector.shape_cast %get3A_341 : vector<16xf32> to vector<16xf32>
      %mul3A_343 = arith.mulf %get3A_337, %mul3A_332 : vector<16xf32>
      %add3A_344 = arith.addf %add3A_329, %mul3A_343 : vector<16xf32>
      %mul3A_345 = arith.mulf %get3A_342, %mul3A_332 : vector<16xf32>
      %add3A_346 = arith.addf %add3A_331, %mul3A_345 : vector<16xf32>
      %swap3A = arith.constant 12 : i32
      %swap3A_347 = arith.index_cast %swap3A : i32 to index
      %swap3A_348 = arith.index_cast %mul3A_196 : i32 to index
      %swap3A_349 = tpu.vector_load %arg16[%swap3A_347, %swap3A_348] {strides = array<i32>} : memref<16x256xf32, #tpu.memory_space<vmem>>, vector<1x16xf32>,
      %swap3A_350 = vector.shape_cast %swap3A_349 : vector<1x16xf32> to vector<16xf32>
      %swap3A_351 = vector.shape_cast %add3A_344 : vector<16xf32> to vector<1x16xf32>
      tpu.vector_store %arg16[%swap3A_347, %swap3A_348], %swap3A_351 {strides = array<i32>} : memref<16x256xf32, #tpu.memory_space<vmem>>, vector<1x16xf32>,
      %swap3A_352 = arith.constant 13 : i32
      %swap3A_353 = arith.index_cast %swap3A_352 : i32 to index
      %swap3A_354 = arith.index_cast %mul3A_196 : i32 to index
      %swap3A_355 = tpu.vector_load %arg16[%swap3A_353, %swap3A_354] {strides = array<i32>} : memref<16x256xf32, #tpu.memory_space<vmem>>, vector<1x16xf32>,
      %swap3A_356 = vector.shape_cast %swap3A_355 : vector<1x16xf32> to vector<16xf32>
      %swap3A_357 = vector.shape_cast %add3A_346 : vector<16xf32> to vector<1x16xf32>
      tpu.vector_store %arg16[%swap3A_353, %swap3A_354], %swap3A_357 {strides = array<i32>} : memref<16x256xf32, #tpu.memory_space<vmem>>, vector<1x16xf32>,
    }
    %scan3A_169 = arith.constant 16 : i32
    %dma_wait3A_170 = arith.constant 0 : i32
    %dma_wait3A_171 = tpu.memref_slice %arg14[%dma_wait3A_170] : memref<4096xf32, #tpu.memory_space<vmem>> -> memref<2048xf32, #tpu.memory_space<vmem>>
    %dma_wait3A_172 = arith.constant 0 : i32
    %dma_wait3A_173 = tpu.memref_slice %arg3[%dma_wait3A_172] : memref<8388608xf32, #tpu.memory_space<hbm>> -> memref<2048xf32, #tpu.memory_space<hbm>>
    %dma_wait3A_174 = arith.constant 0 : i32
    %dma_wait3A_175 = tpu.memref_slice %arg14[%dma_wait3A_174] : memref<4096xf32, #tpu.memory_space<vmem>> -> memref<2048xf32, #tpu.memory_space<vmem>>
    %dma_wait3A_176 = arith.constant 0 : i32
    %dma_wait3A_177 = tpu.memref_slice %arg3[%dma_wait3A_176] : memref<8388608xf32, #tpu.memory_space<hbm>> -> memref<2048xf32, #tpu.memory_space<hbm>>
    tpu.wait_dma2 semaphore(%arg18 : memref<!tpu.dma_semaphore, #tpu.memory_space<semaphore_mem>>) src(%dma_wait3A_177 : memref<2048xf32, #tpu.memory_space<hbm>>) dst(%dma_wait3A_175 : memref<2048xf32, #tpu.memory_space<vmem>>)
    %dma_wait3A_178 = arith.constant 2048 : i32
    %dma_wait3A_179 = tpu.memref_slice %arg14[%dma_wait3A_178] : memref<4096xf32, #tpu.memory_space<vmem>> -> memref<2048xf32, #tpu.memory_space<vmem>>
    %dma_wait3A_180 = arith.constant 0 : i32
    %dma_wait3A_181 = tpu.memref_slice %arg3[%dma_wait3A_180] : memref<8388608xf32, #tpu.memory_space<hbm>> -> memref<2048xf32, #tpu.memory_space<hbm>>
    %dma_wait3A_182 = arith.constant 2048 : i32
    %dma_wait3A_183 = tpu.memref_slice %arg14[%dma_wait3A_182] : memref<4096xf32, #tpu.memory_space<vmem>> -> memref<2048xf32, #tpu.memory_space<vmem>>
    %dma_wait3A_184 = arith.constant 0 : i32
    %dma_wait3A_185 = tpu.memref_slice %arg3[%dma_wait3A_184] : memref<8388608xf32, #tpu.memory_space<hbm>> -> memref<2048xf32, #tpu.memory_space<hbm>>
    tpu.wait_dma2 semaphore(%arg18 : memref<!tpu.dma_semaphore, #tpu.memory_space<semaphore_mem>>) src(%dma_wait3A_185 : memref<2048xf32, #tpu.memory_space<hbm>>) dst(%dma_wait3A_183 : memref<2048xf32, #tpu.memory_space<vmem>>)
    %scan3A_186 = arith.constant 0 : i32
    %scan3A_187 = arith.constant 0 : i32
    %scan3A_188 = arith.constant 16 : i32
    %scan3A_189 = arith.addi %scan3A_187, %scan3A_188 : i32
    %scan3A_190 = arith.constant 1 : i32
    scf.for %scan3A_194 = %scan3A_187 to %scan3A_189 step %scan3A_190  : i32 {
      %mul3A_195 = arith.constant 16 : i32
      %mul3A_196 = arith.muli %mul3A_195, %scan3A_194 : i32
      %get3A = arith.constant 0 : i32
      %get3A_197 = arith.index_cast %get3A : i32 to index
      %get3A_198 = arith.index_cast %mul3A_196 : i32 to index
      %get3A_199 = tpu.vector_load %arg8[%get3A_197, %get3A_198] {strides = array<i32>} : memref<3x256xf32, #tpu.memory_space<vmem>>, vector<1x16xf32>,
      %get3A_200 = vector.shape_cast %get3A_199 : vector<1x16xf32> to vector<16xf32>
      %get3A_201 = arith.constant 1 : i32
      %get3A_202 = arith.index_cast %get3A_201 : i32 to index
      %get3A_203 = arith.index_cast %mul3A_196 : i32 to index
      %get3A_204 = tpu.vector_load %arg8[%get3A_202, %get3A_203] {strides = array<i32>} : memref<3x256xf32, #tpu.memory_space<vmem>>, vector<1x16xf32>,
      %get3A_205 = vector.shape_cast %get3A_204 : vector<1x16xf32> to vector<16xf32>
      %get3A_206 = arith.constant 2 : i32
      %get3A_207 = arith.index_cast %get3A_206 : i32 to index
      %get3A_208 = arith.index_cast %mul3A_196 : i32 to index
      %get3A_209 = tpu.vector_load %arg8[%get3A_207, %get3A_208] {strides = array<i32>} : memref<3x256xf32, #tpu.memory_space<vmem>>, vector<1x16xf32>,
      %get3A_210 = vector.shape_cast %get3A_209 : vector<1x16xf32> to vector<16xf32>
      %sub3A = arith.constant 1.000000e+00 : f32
      %sub3A_211 = vector.broadcast %sub3A : f32 to vector<16xf32>
      %sub3A_212 = arith.subf %sub3A_211, %get3A_200 : vector<16xf32>
      %sub3A_213 = arith.constant 1.000000e+00 : f32
      %sub3A_214 = vector.broadcast %sub3A_213 : f32 to vector<16xf32>
      %sub3A_215 = arith.subf %sub3A_214, %get3A_205 : vector<16xf32>
      %sub3A_216 = arith.constant 1.000000e+00 : f32
      %sub3A_217 = vector.broadcast %sub3A_216 : f32 to vector<16xf32>
      %sub3A_218 = arith.subf %sub3A_217, %get3A_210 : vector<16xf32>
      %mul3A_219 = arith.mulf %sub3A_212, %sub3A_215 : vector<16xf32>
      %mul3A_220 = arith.mulf %sub3A_212, %get3A_205 : vector<16xf32>
      %mul3A_221 = arith.mulf %get3A_200, %sub3A_215 : vector<16xf32>
      %mul3A_222 = arith.mulf %get3A_200, %get3A_205 : vector<16xf32>
      %broadcast_in_dim3A_223 = arith.constant 0.000000e+00 : f32
      %broadcast_in_dim3A_224 = vector.broadcast %broadcast_in_dim3A_223 : f32 to vector<16xf32>
      %broadcast_in_dim3A_225 = arith.constant 0.000000e+00 : f32
      %broadcast_in_dim3A_226 = vector.broadcast %broadcast_in_dim3A_225 : f32 to vector<16xf32>
      %mul3A_227 = arith.mulf %mul3A_219, %sub3A_218 : vector<16xf32>
      %add3A_228 = arith.constant 0 : i32
      %add3A_229 = arith.addi %add3A_228, %mul3A_196 : i32
      %get3A_230 = arith.index_cast %add3A_229 : i32 to index
      %get3A_231 = tpu.vector_load %arg14[%get3A_230] {strides = array<i32>} : memref<4096xf32, #tpu.memory_space<vmem>>, vector<16xf32>,
      %get3A_232 = vector.shape_cast %get3A_231 : vector<16xf32> to vector<16xf32>
      %add3A_233 = arith.constant 2048 : i32
      %add3A_234 = arith.addi %add3A_233, %mul3A_196 : i32
      %get3A_235 = arith.index_cast %add3A_234 : i32 to index
      %get3A_236 = tpu.vector_load %arg14[%get3A_235] {strides = array<i32>} : memref<4096xf32, #tpu.memory_space<vmem>>, vector<16xf32>,
      %get3A_237 = vector.shape_cast %get3A_236 : vector<16xf32> to vector<16xf32>
      %mul3A_238 = arith.mulf %get3A_232, %mul3A_227 : vector<16xf32>
      %add3A_239 = arith.addf %broadcast_in_dim3A_224, %mul3A_238 : vector<16xf32>
      %mul3A_240 = arith.mulf %get3A_237, %mul3A_227 : vector<16xf32>
      %add3A_241 = arith.addf %broadcast_in_dim3A_226, %mul3A_240 : vector<16xf32>
      %mul3A_242 = arith.mulf %mul3A_219, %get3A_210 : vector<16xf32>
      %add3A_243 = arith.constant 256 : i32
      %add3A_244 = arith.addi %add3A_243, %mul3A_196 : i32
      %get3A_245 = arith.index_cast %add3A_244 : i32 to index
      %get3A_246 = tpu.vector_load %arg14[%get3A_245] {strides = array<i32>} : memref<4096xf32, #tpu.memory_space<vmem>>, vector<16xf32>,
      %get3A_247 = vector.shape_cast %get3A_246 : vector<16xf32> to vector<16xf32>
      %add3A_248 = arith.constant 2304 : i32
      %add3A_249 = arith.addi %add3A_248, %mul3A_196 : i32
      %get3A_250 = arith.index_cast %add3A_249 : i32 to index
      %get3A_251 = tpu.vector_load %arg14[%get3A_250] {strides = array<i32>} : memref<4096xf32, #tpu.memory_space<vmem>>, vector<16xf32>,
      %get3A_252 = vector.shape_cast %get3A_251 : vector<16xf32> to vector<16xf32>
      %mul3A_253 = arith.mulf %get3A_247, %mul3A_242 : vector<16xf32>
      %add3A_254 = arith.addf %add3A_239, %mul3A_253 : vector<16xf32>
      %mul3A_255 = arith.mulf %get3A_252, %mul3A_242 : vector<16xf32>
      %add3A_256 = arith.addf %add3A_241, %mul3A_255 : vector<16xf32>
      %mul3A_257 = arith.mulf %mul3A_220, %sub3A_218 : vector<16xf32>
      %add3A_258 = arith.constant 512 : i32
      %add3A_259 = arith.addi %add3A_258, %mul3A_196 : i32
      %get3A_260 = arith.index_cast %add3A_259 : i32 to index
      %get3A_261 = tpu.vector_load %arg14[%get3A_260] {strides = array<i32>} : memref<4096xf32, #tpu.memory_space<vmem>>, vector<16xf32>,
      %get3A_262 = vector.shape_cast %get3A_261 : vector<16xf32> to vector<16xf32>
      %add3A_263 = arith.constant 2560 : i32
      %add3A_264 = arith.addi %add3A_263, %mul3A_196 : i32
      %get3A_265 = arith.index_cast %add3A_264 : i32 to index
      %get3A_266 = tpu.vector_load %arg14[%get3A_265] {strides = array<i32>} : memref<4096xf32, #tpu.memory_space<vmem>>, vector<16xf32>,
      %get3A_267 = vector.shape_cast %get3A_266 : vector<16xf32> to vector<16xf32>
      %mul3A_268 = arith.mulf %get3A_262, %mul3A_257 : vector<16xf32>
      %add3A_269 = arith.addf %add3A_254, %mul3A_268 : vector<16xf32>
      %mul3A_270 = arith.mulf %get3A_267, %mul3A_257 : vector<16xf32>
      %add3A_271 = arith.addf %add3A_256, %mul3A_270 : vector<16xf32>
      %mul3A_272 = arith.mulf %mul3A_220, %get3A_210 : vector<16xf32>
      %add3A_273 = arith.constant 768 : i32
      %add3A_274 = arith.addi %add3A_273, %mul3A_196 : i32
      %get3A_275 = arith.index_cast %add3A_274 : i32 to index
      %get3A_276 = tpu.vector_load %arg14[%get3A_275] {strides = array<i32>} : memref<4096xf32, #tpu.memory_space<vmem>>, vector<16xf32>,
      %get3A_277 = vector.shape_cast %get3A_276 : vector<16xf32> to vector<16xf32>
      %add3A_278 = arith.constant 2816 : i32
      %add3A_279 = arith.addi %add3A_278, %mul3A_196 : i32
      %get3A_280 = arith.index_cast %add3A_279 : i32 to index
      %get3A_281 = tpu.vector_load %arg14[%get3A_280] {strides = array<i32>} : memref<4096xf32, #tpu.memory_space<vmem>>, vector<16xf32>,
      %get3A_282 = vector.shape_cast %get3A_281 : vector<16xf32> to vector<16xf32>
      %mul3A_283 = arith.mulf %get3A_277, %mul3A_272 : vector<16xf32>
      %add3A_284 = arith.addf %add3A_269, %mul3A_283 : vector<16xf32>
      %mul3A_285 = arith.mulf %get3A_282, %mul3A_272 : vector<16xf32>
      %add3A_286 = arith.addf %add3A_271, %mul3A_285 : vector<16xf32>
      %mul3A_287 = arith.mulf %mul3A_221, %sub3A_218 : vector<16xf32>
      %add3A_288 = arith.constant 1024 : i32
      %add3A_289 = arith.addi %add3A_288, %mul3A_196 : i32
      %get3A_290 = arith.index_cast %add3A_289 : i32 to index
      %get3A_291 = tpu.vector_load %arg14[%get3A_290] {strides = array<i32>} : memref<4096xf32, #tpu.memory_space<vmem>>, vector<16xf32>,
      %get3A_292 = vector.shape_cast %get3A_291 : vector<16xf32> to vector<16xf32>
      %add3A_293 = arith.constant 3072 : i32
      %add3A_294 = arith.addi %add3A_293, %mul3A_196 : i32
      %get3A_295 = arith.index_cast %add3A_294 : i32 to index
      %get3A_296 = tpu.vector_load %arg14[%get3A_295] {strides = array<i32>} : memref<4096xf32, #tpu.memory_space<vmem>>, vector<16xf32>,
      %get3A_297 = vector.shape_cast %get3A_296 : vector<16xf32> to vector<16xf32>
      %mul3A_298 = arith.mulf %get3A_292, %mul3A_287 : vector<16xf32>
      %add3A_299 = arith.addf %add3A_284, %mul3A_298 : vector<16xf32>
      %mul3A_300 = arith.mulf %get3A_297, %mul3A_287 : vector<16xf32>
      %add3A_301 = arith.addf %add3A_286, %mul3A_300 : vector<16xf32>
      %mul3A_302 = arith.mulf %mul3A_221, %get3A_210 : vector<16xf32>
      %add3A_303 = arith.constant 1280 : i32
      %add3A_304 = arith.addi %add3A_303, %mul3A_196 : i32
      %get3A_305 = arith.index_cast %add3A_304 : i32 to index
      %get3A_306 = tpu.vector_load %arg14[%get3A_305] {strides = array<i32>} : memref<4096xf32, #tpu.memory_space<vmem>>, vector<16xf32>,
      %get3A_307 = vector.shape_cast %get3A_306 : vector<16xf32> to vector<16xf32>
      %add3A_308 = arith.constant 3328 : i32
      %add3A_309 = arith.addi %add3A_308, %mul3A_196 : i32
      %get3A_310 = arith.index_cast %add3A_309 : i32 to index
      %get3A_311 = tpu.vector_load %arg14[%get3A_310] {strides = array<i32>} : memref<4096xf32, #tpu.memory_space<vmem>>, vector<16xf32>,
      %get3A_312 = vector.shape_cast %get3A_311 : vector<16xf32> to vector<16xf32>
      %mul3A_313 = arith.mulf %get3A_307, %mul3A_302 : vector<16xf32>
      %add3A_314 = arith.addf %add3A_299, %mul3A_313 : vector<16xf32>
      %mul3A_315 = arith.mulf %get3A_312, %mul3A_302 : vector<16xf32>
      %add3A_316 = arith.addf %add3A_301, %mul3A_315 : vector<16xf32>
      %mul3A_317 = arith.mulf %mul3A_222, %sub3A_218 : vector<16xf32>
      %add3A_318 = arith.constant 1536 : i32
      %add3A_319 = arith.addi %add3A_318, %mul3A_196 : i32
      %get3A_320 = arith.index_cast %add3A_319 : i32 to index
      %get3A_321 = tpu.vector_load %arg14[%get3A_320] {strides = array<i32>} : memref<4096xf32, #tpu.memory_space<vmem>>, vector<16xf32>,
      %get3A_322 = vector.shape_cast %get3A_321 : vector<16xf32> to vector<16xf32>
      %add3A_323 = arith.constant 3584 : i32
      %add3A_324 = arith.addi %add3A_323, %mul3A_196 : i32
      %get3A_325 = arith.index_cast %add3A_324 : i32 to index
      %get3A_326 = tpu.vector_load %arg14[%get3A_325] {strides = array<i32>} : memref<4096xf32, #tpu.memory_space<vmem>>, vector<16xf32>,
      %get3A_327 = vector.shape_cast %get3A_326 : vector<16xf32> to vector<16xf32>
      %mul3A_328 = arith.mulf %get3A_322, %mul3A_317 : vector<16xf32>
      %add3A_329 = arith.addf %add3A_314, %mul3A_328 : vector<16xf32>
      %mul3A_330 = arith.mulf %get3A_327, %mul3A_317 : vector<16xf32>
      %add3A_331 = arith.addf %add3A_316, %mul3A_330 : vector<16xf32>
      %mul3A_332 = arith.mulf %mul3A_222, %get3A_210 : vector<16xf32>
      %add3A_333 = arith.constant 1792 : i32
      %add3A_334 = arith.addi %add3A_333, %mul3A_196 : i32
      %get3A_335 = arith.index_cast %add3A_334 : i32 to index
      %get3A_336 = tpu.vector_load %arg14[%get3A_335] {strides = array<i32>} : memref<4096xf32, #tpu.memory_space<vmem>>, vector<16xf32>,
      %get3A_337 = vector.shape_cast %get3A_336 : vector<16xf32> to vector<16xf32>
      %add3A_338 = arith.constant 3840 : i32
      %add3A_339 = arith.addi %add3A_338, %mul3A_196 : i32
      %get3A_340 = arith.index_cast %add3A_339 : i32 to index
      %get3A_341 = tpu.vector_load %arg14[%get3A_340] {strides = array<i32>} : memref<4096xf32, #tpu.memory_space<vmem>>, vector<16xf32>,
      %get3A_342 = vector.shape_cast %get3A_341 : vector<16xf32> to vector<16xf32>
      %mul3A_343 = arith.mulf %get3A_337, %mul3A_332 : vector<16xf32>
      %add3A_344 = arith.addf %add3A_329, %mul3A_343 : vector<16xf32>
      %mul3A_345 = arith.mulf %get3A_342, %mul3A_332 : vector<16xf32>
      %add3A_346 = arith.addf %add3A_331, %mul3A_345 : vector<16xf32>
      %swap3A = arith.constant 14 : i32
      %swap3A_347 = arith.index_cast %swap3A : i32 to index
      %swap3A_348 = arith.index_cast %mul3A_196 : i32 to index
      %swap3A_349 = tpu.vector_load %arg16[%swap3A_347, %swap3A_348] {strides = array<i32>} : memref<16x256xf32, #tpu.memory_space<vmem>>, vector<1x16xf32>,
      %swap3A_350 = vector.shape_cast %swap3A_349 : vector<1x16xf32> to vector<16xf32>
      %swap3A_351 = vector.shape_cast %add3A_344 : vector<16xf32> to vector<1x16xf32>
      tpu.vector_store %arg16[%swap3A_347, %swap3A_348], %swap3A_351 {strides = array<i32>} : memref<16x256xf32, #tpu.memory_space<vmem>>, vector<1x16xf32>,
      %swap3A_352 = arith.constant 15 : i32
      %swap3A_353 = arith.index_cast %swap3A_352 : i32 to index
      %swap3A_354 = arith.index_cast %mul3A_196 : i32 to index
      %swap3A_355 = tpu.vector_load %arg16[%swap3A_353, %swap3A_354] {strides = array<i32>} : memref<16x256xf32, #tpu.memory_space<vmem>>, vector<1x16xf32>,
      %swap3A_356 = vector.shape_cast %swap3A_355 : vector<1x16xf32> to vector<16xf32>
      %swap3A_357 = vector.shape_cast %add3A_346 : vector<16xf32> to vector<1x16xf32>
      tpu.vector_store %arg16[%swap3A_353, %swap3A_354], %swap3A_357 {strides = array<i32>} : memref<16x256xf32, #tpu.memory_space<vmem>>, vector<1x16xf32>,
    }
    %scan3A_191 = arith.constant 16 : i32
    %add3A_192 = arith.constant 3840 : i32
    %add3A_193 = arith.addi %mul3A_2, %add3A_192 : i32
    "tpu.region"() ({
      %run_scoped3A = tpu.sem_alloc : memref<!tpu.dma_semaphore, #tpu.memory_space<semaphore_mem>>
      %dma_start3A_194 = arith.constant 0 : i32
      %dma_start3A_195 = tpu.memref_slice %arg4[%dma_start3A_194, %add3A_193] : memref<16x131072xf32, #tpu.memory_space<hbm>> -> memref<16x256xf32, #tpu.memory_space<hbm>>
      %dma_start3A_196 = arith.constant 0 : i32
      %dma_start3A_197 = tpu.memref_slice %arg4[%dma_start3A_196, %add3A_193] : memref<16x131072xf32, #tpu.memory_space<hbm>> -> memref<16x256xf32, #tpu.memory_space<hbm>>
      tpu.enqueue_dma source(%arg16 : memref<16x256xf32, #tpu.memory_space<vmem>>) target(%dma_start3A_197 : memref<16x256xf32, #tpu.memory_space<hbm>>) target_semaphore(%run_scoped3A : memref<!tpu.dma_semaphore, #tpu.memory_space<semaphore_mem>>)
      %dma_wait3A_198 = arith.constant 0 : i32
      %dma_wait3A_199 = tpu.memref_slice %arg4[%dma_wait3A_198, %add3A_193] : memref<16x131072xf32, #tpu.memory_space<hbm>> -> memref<16x256xf32, #tpu.memory_space<hbm>>
      %dma_wait3A_200 = arith.constant 0 : i32
      %dma_wait3A_201 = tpu.memref_slice %arg4[%dma_wait3A_200, %add3A_193] : memref<16x131072xf32, #tpu.memory_space<hbm>> -> memref<16x256xf32, #tpu.memory_space<hbm>>
      tpu.wait_dma2 semaphore(%run_scoped3A : memref<!tpu.dma_semaphore, #tpu.memory_space<semaphore_mem>>) src(%arg16 : memref<16x256xf32, #tpu.memory_space<vmem>>) dst(%dma_wait3A_201 : memref<16x256xf32, #tpu.memory_space<hbm>>)
      tpu.yield
    }) : () -> ()
    return
  }
}

</mosaic_0001>

<sc_bundles>
// kernel: kernel.3.cloned.1.call-start
scs
__scs_entry_jumppad:
0x0: {  	(pc) =	sbr.rel $0x88, $3  }
0x1: {  	(tag) =	ssettag $0x0;
	lr =	simm.s32 $0x1  }
0x2: {  	[smem:$0x3F9F] =	sst lr;
	_ =	strace $0xD0000000  }
0x3: {  	_ = 	snop  }
0x4: {  	_ = 	snop  }
0x5: {  	_ = 	snop  }
0x6: {  	_ = 	snop  }
0x7: {  	_ = 	snop  }
__scs_overlays_trampoline_lowered:
0x8: {  	[smem:$0x3FAE] =	sst s0  }
0x9: {  	[smem:$0x3FAF] =	sst s1  }
0xa: {  	[smem:$0x3FB0] =	sst s2  }
0xb: {  	[smem:$0x3FB1] =	sst s3  }
0xc: {  	[smem:$0x3FB2] =	sst s4  }
0xd: {  	[smem:$0x3FB3] =	sst s5  }
0xe: {  	[smem:$0x3FB4] =	sst s6  }
0xf: {  	[smem:$0x3FB5] =	sst s7  }
0x10: {  	[smem:$0x3FB6] =	sst s8  }
0x11: {  	[smem:$0x3FB7] =	sst s9;
	s0 =	simm.s32 @!p0 $0x0  }
0x12: {  	s1 =	sld [smem:$0x3F9D];
	s0 =	simm.s32 @p0 $0x1  }
0x13: {  	[smem:$0x3FB8] =	sst s0;
	s0 =	simm.s32 @!p1 $0x0  }
0x14: {  	s2 =	sld [smem:$0x3F9C];
	s0 =	simm.s32 @p1 $0x1  }
0x15: {  	[smem:$0x3FB9] =	sst s0;
	s0 =	simm.s32 @!p2 $0x0  }
0x16: {  	s3 =	sld [smem:$0x3FDB];
	s0 =	simm.s32 @p2 $0x1  }
0x17: {  	s4 =	simm.s32 $0x1BF5;
	[smem:$0x3FBB] =	sst s0  }
0x18: {  	s0 =	sld [smem:$0x3F9E];
	_ =	swait.ge [sflag:s4], $0x0  }
0x19: {  	s7 =	sld [smem:$0x3F9F]  }
0x1a: {  	s8 =	sadd.s32 $0xFFFFE003, lr  }
0x1b: {  	s9 =	sadd.s32 $0xFFFFFEF7, lr;
	s5 =	simm.s32 $0xFFFFFFFF;
	p2 =	slt.u32 s8, $0xFFFFF086  }
0x1c: {  	p1 =	slt.u32 s9, $0xF7A;
	s5 =	simm.s32 @!p2 $0x0  }
0x1d: {  	s5 =	simm.s32 @p1 $0x1;
	p0 =	seq.s32 s7, s2  }
0x1e: {  	s7 =	smul.u32 @!p0 $0xF7A, s2;
	p2 =	seq.s32 @!p0 s5, $0x0  }
0x1f: {  	s9 =	smul.u32 $0xF7A, s1;
	s8 =	simm.s32 @!p0 $0x1BF5;
	p2 =	por !p2, p0  }
0x20: {  	[sflag:s8] =	ssyncset.s32 @!p0 $0xFFFFF086;
	s6 =	sadd.s32 @!p0 s3, s7;
	s7 =	simm.s32 @!p0 $0x108  }
0x21: {  	s3 =	sadd.s32 s3, s9;
	s6 =	sadd.s32 @!p0 $0x88, s6;
	s7 =	simm.s32 @p2 $0x1082  }
0x22: {  	[simem:s7], [sflag:s8] =	dma.local @!p0 [hbm:s6], $0xF7A  }
0x23: {  	s9 =	sor.u32 $0xD0000000, s2;
	s6 =	simm.s32 $0x108;
	_ =	swait.ge @!p0 [sflag:s8], $0x0  }
0x24: {  	s3 =	sadd.s32 $0x88, s3;
	s6 =	simm.s32 @!p1 $0x1082;
	[sflag:s4] =	ssyncset.s32 $0xFFFFF086  }
0x25: {  	[simem:s6], [sflag:s4] =	dma.local [hbm:s3], $0xF7A  }
0x26: {  	[smem:$0x3F9F] =	sst s1;
	(tag) =	ssettag s2;
	_ =	strace s9  }
0x27: {  	s1 =	sld [smem:$0x3FAF]  }
0x28: {  	s2 =	sld [smem:$0x3FB0]  }
0x29: {  	s4 =	sld [smem:$0x3FB2]  }
0x2a: {  	p0 =	seq.s32 s5, $0x0;
	s5 =	sld [smem:$0x3FB3]  }
0x2b: {  	s6 =	sld [smem:$0x3FB4]  }
0x2c: {  	s7 =	sld [smem:$0x3FB5]  }
0x2d: {  	s3 =	simm.s32 $0x108;
	s8 =	sld [smem:$0x3FB6]  }
0x2e: {  	s3 =	simm.s32 @!p0 $0x1082;
	s9 =	sld [smem:$0x3FB7]  }
0x2f: {  	lr =	sadd.s32 s0, s3;
	s0 =	sld [smem:$0x3FAE]  }
0x30: {  	s3 =	sld [smem:$0x3FB1]  }
0x31: {  	[smem:$0x3FBA] =	sst s10  }
0x32: {  	s10 =	sld [smem:$0x3FB8];
	_ =	sdelay $0x3  }
0x33: {  	p0 =	seq.s32 s10, $0x1;
	s10 =	sld [smem:$0x3FBA];
	_ =	sdelay $0x3  }
0x34: {  	[smem:$0x3FBA] =	sst s10  }
0x35: {  	s10 =	sld [smem:$0x3FB9];
	_ =	sdelay $0x3  }
0x36: {  	p1 =	seq.s32 s10, $0x1;
	s10 =	sld [smem:$0x3FBA];
	_ =	sdelay $0x3  }
0x37: {  	[smem:$0x3FBA] =	sst s10  }
0x38: {  	s10 =	sld [smem:$0x3FBB]  }
0x39: {  	_ = 	snop;
	(pc) =	sbr.ind lr, $3  }
0x3a: {  	_ = 	snop  }
0x3b: {  	_ = 	snop  }
0x3c: {  	p2 =	seq.s32 s10, $0x1;
	s10 =	sld [smem:$0x3FBA]  }
0x3d: {  	_ =	shalt  }
0x3e: {  	_ =	shalt  }
0x3f: {  	_ =	shalt  }
0x40: {  	_ =	shalt  }
0x41: {  	_ =	shalt  }
0x42: {  	_ =	shalt  }
0x43: {  	_ =	shalt  }
0x44: {  	_ =	shalt  }
0x45: {  	_ =	shalt  }
0x46: {  	_ =	shalt  }
0x47: {  	_ =	shalt  }
0x48: {  	_ =	shalt  }
0x49: {  	_ =	shalt  }
0x4a: {  	_ =	shalt  }
0x4b: {  	_ =	shalt  }
0x4c: {  	_ =	shalt  }
0x4d: {  	_ =	shalt  }
0x4e: {  	_ =	shalt  }
0x4f: {  	_ =	shalt  }
0x50: {  	_ =	shalt  }
0x51: {  	_ =	shalt  }
0x52: {  	_ =	shalt  }
0x53: {  	_ =	shalt  }
0x54: {  	_ =	shalt  }
0x55: {  	_ =	shalt  }
0x56: {  	_ =	shalt  }
0x57: {  	_ =	shalt  }
0x58: {  	_ =	shalt  }
0x59: {  	_ =	shalt  }
0x5a: {  	_ =	shalt  }
0x5b: {  	_ =	shalt  }
0x5c: {  	_ =	shalt  }
0x5d: {  	_ =	shalt  }
0x5e: {  	_ =	shalt  }
0x5f: {  	_ =	shalt  }
0x60: {  	_ =	shalt  }
0x61: {  	_ =	shalt  }
0x62: {  	_ =	shalt  }
0x63: {  	_ =	shalt  }
0x64: {  	_ =	shalt  }
0x65: {  	_ =	shalt  }
0x66: {  	_ =	shalt  }
0x67: {  	_ =	shalt  }
0x68: {  	_ =	shalt  }
0x69: {  	_ =	shalt  }
0x6a: {  	_ =	shalt  }
0x6b: {  	_ =	shalt  }
0x6c: {  	_ =	shalt  }
0x6d: {  	_ =	shalt  }
0x6e: {  	_ =	shalt  }
0x6f: {  	_ =	shalt  }
0x70: {  	_ =	shalt  }
0x71: {  	_ =	shalt  }
0x72: {  	_ =	shalt  }
0x73: {  	_ =	shalt  }
0x74: {  	_ =	shalt  }
0x75: {  	_ =	shalt  }
0x76: {  	_ =	shalt  }
0x77: {  	_ =	shalt  }
0x78: {  	_ =	shalt  }
0x79: {  	_ =	shalt  }
0x7a: {  	_ =	shalt  }
0x7b: {  	_ =	shalt  }
0x7c: {  	_ =	shalt  }
0x7d: {  	_ =	shalt  }
0x7e: {  	_ =	shalt  }
0x7f: {  	_ =	shalt  }
0x80: {  	_ =	shalt  }
0x81: {  	_ =	shalt  }
0x82: {  	_ =	shalt  }
0x83: {  	_ =	shalt  }
0x84: {  	_ =	shalt  }
0x85: {  	_ =	shalt  }
0x86: {  	_ =	shalt  }
0x87: {  	_ =	shalt  }
.Lfunc_end0:
.L_simem_size_0:
called_computation_lowered:
.L_overlay_start_0:
0x88: {  	s2 =	sld [smem:$0x3FD9]  }
0x89: {  	s3 =	sld [smem:$0x3FFE];
	_ =	sdelay $0x1  }
0x8a: {  	s1 =	srdreg.scid  }
0x8b: {  	s0 =	sand.u32 $0x1, s1  }
0x8c: {  	s17 =	sshll.u32 s0, $0xA;
	s2 =	sadd.s32 s3, s2  }
0x8d: {  	s2 =	sadd.s32 s2, s17  }
0x8e: {  	[smem:$0x3FC6] =	sst s2  }
0x8f: {  	_ = 	snop  }
0x90: {  	s2 =	sld [smem:$0x3FC8]  }
0x91: {  	s18 =	sld [smem:$0x3FD0];
	(tm) =	ssettm $0x1  }
0x92: {  	s4 =	sld [smem:$0x3FFB];
	_ =	sdelay $0x3  }
0x93: {  	_ =	strace s4  }
0x94: {  	s4 =	sld [smem:$0x3FFC];
	_ =	sdelay $0x3  }
0x95: {  	_ =	strace s4  }
0x96: {  	s4 =	sld [smem:$0x3FFD];
	_ =	sdelay $0x3  }
0x97: {  	_ =	strace s4  }
0x98: {  	_ =	strace $0x8FFFFFFF  }
0x99: {  	s19 =	sld [smem:$0x3FDB];
	_ =	sdelay $0x1  }
0x9a: {  	s5 =	simm.s32 $_scs_section_size  }
0x9b: {  	s6 =	simm.s32 $_size__tile_overlayer_lowered;
	s7 =	simm.s32 $_tile_overlayer_lowered  }
0x9c: {  	s22 =	simm.s32 $0x1BFF;
	s21 =	sshll.u32 s7, $0x1;
	s4 =	sadd.s32 s5, s19  }
0x9d: {  	s8 =	simm.s32 $0x0;
	s20 =	sshll.u32 s6, $0x1;
	s6 =	sadd.s32 s21, s4  }
0x9e: {  	[timem:s8], [sflag:s22] =	dma.local [hbm:s6], s20  }
0x9f: {  	_ =	swait.ge [sflag:s22], s20  }
0xa0: {  	s5 =	ssub.s32 $0x0, s20;
	[sflag:s22] =	ssyncset.done $0x0  }
0xa1: {  	[sflag:s22] =	ssyncadd.s32 s5;
	_ =	sdelay $0x1  }
0xa2: {  	s23 =	simm.s32 $0x1B8B  }
0xa3: {  	_ =	swait.ge [sflag:s23], $0x1  }
0xa4: {  	[sflag:s23] =	ssyncset.done $0x0  }
0xa5: {  	s25 =	simm.s32 $0x1B8E;
	s24 =	sld [smem:$0x3FFE];
	[sflag:s23] =	ssyncadd.s32 $0xFFFFFFFF  }
0xa6: {  	s26 =	simm.s32 $execute0_lowered;
	[smem:$0x3FD2] =	sst s25  }
0xa7: {  	s6 =	sshll.u32 s26, $0x1;
	_ =	strace $0x80000046;
	[dreg:$0x1] =	wrdreg $0xFFFFFFFF  }
0xa8: {  	s28 =	simm.s32 $_size_execute0_lowered;
	s4 =	sadd.s32 s4, s6;
	[dreg:$0x0] =	wrdreg $0x0  }
0xa9: {  	s6 =	sshll.u32 s28, $0x1;
	[dreg:$0x2] =	wrdreg s4  }
0xaa: {  	[dreg:$0x3] =	wrdreg s6  }
0xab: {  	[dreg:$0x4] =	wrdreg $0xC0  }
0xac: {  	_ =	task [dreg:s8], $0x5FFFF  }
0xad: {  	[dreg:$0x1] =	wrdreg $0xFFFFFFFF  }
0xae: {  	[dreg:$0x0] =	wrdreg $0x60  }
0xaf: {  	[dreg:$0x2] =	wrdreg s24  }
0xb0: {  	[dreg:$0x3] =	wrdreg s2  }
0xb1: {  	[dreg:$0x4] =	wrdreg s18  }
0xb2: {  	[dreg:$0x5] =	wrdreg $0x9  }
0xb3: {  	_ =	task.clear_ibuf [dreg:s8], $0x6FFFF;
	_ =	strace $0x90000046  }
0xb4: {  	s29 =	simm.s32 $0x9;
	_ =	strace $0x80000048  }
0xb5: {  	_ =	swait.ge [sflag:s29], $0x1  }
0xb6: {  	[sflag:s29] =	ssyncadd.s32 $0xFFFFFFFF  }
0xb7: {  	_ =	strace $0x90000048  }
0xb8: {  	_ =	sfence  }
0xb9: {  	s30 =	sld [smem:$0x0];
	_ =	sdelay $0x2  }
0xba: {  	s31 =	sshll.u32 s1, $0xD;
	s1 =	sshrl.u32 s1, $0x2  }
0xbb: {  	s3 =	sand.u32 $0x4000, s31;
	s1 =	sadd.s32 s1, s30  }
0xbc: {  	s0 =	sor.u32 s3, s0;
	s1 =	sshll.u32 s1, $0x11  }
0xbd: {  	s0 =	sor.u32 s1, s0  }
0xbe: {  	s0 =	sadd.s32 $0x8F2B, s0  }
0xbf: {  	[sflag:s0] =	ssyncadd.remote.s32 $0x1  }
0xc0: {  	_ =	sfence.sel $0xFFFF  }
0xc1: {  	[dreg:$0x0] =	wrdreg $0xFFFFFFFF;
	(pc) =	sbr.abs _section_cstart, $3  }
0xc2: {  	[dreg:$0x1] =	wrdreg $0xFFFFFFFF  }
0xc3: {  	_ =	task.clear_ibuf [dreg:s8], $0x2FFFF;
	_ =	strace $0x9FFFFFFF  }
0xc4: {  	(tm) =	ssettm $0x7FFFFFFF  }
0xc5: {  	_ =	shalt  }
tec
execute0_lowered:
.L_overlay_start_1:
0x0: {  	(tag) =	ssettag $0x1  }
0x1: {  	s0 =	rddreg [dreg:$0x0]  }
0x2: {  	s1 =	rddreg [dreg:$0x1]  }
0x3: {  	s2 =	rddreg [dreg:$0x2];
	s3 =	srdreg.scid;
	s6 =	simm.s32 $0x0  }
0x4: {  	s4 =	stileid.u32;
	s9 =	simm.s32 $0x800;
	s8 =	simm.s32 $0x3000  }
0x5: {  	s20 =	simm.s32 $0x1;
	s23 =	simm.s32 $0x7400;
	s24 =	simm.s32 $0xA400  }
0x6: {  	s28 =	simm.s32 $0x8400;
	s29 =	simm.s32 $0xB400;
	s11 =	simm.s32 $0x2  }
0x7: {  	s12 =	simm.s32 $0x3;
	s17 =	simm.s32 $0x0;
	s3 =	sand.u32 $0x1, s3  }
0x8: {  	s4 =	sshll.u32 s4, $0xD;
	s5 =	ssub.s32 $0x2, s3;
	s3 =	sshll.u32 s3, $0xC  }
0x9: {  	[smem:$0x7FF] =	sst s6;
	s25 =	sshrl.u32 s5, $0x1;
	s4 =	sor.u32 s3, s4  }
0xa: {  	v0 =	vlaneseq.u32;
	s0 =	sadd.s32 $0x200400, s0;
	s26 =	ssub.s32 s5, s25;
	s5 =	sadd.s32 s2, s4  }
0xb: {  	v0 =	vmul.u32 $0x3, v0;
	_ =	strace $0x80000047;
	[dreg:$0x4] =	wrdreg s0;
	s30 =	sadd.s32 $0xF00, s5  }
0xc: {  	s3 =	simm.s32 $0x0;
	s31 =	smax.u32 s26, $0x1;
	[dreg:$0x5] =	wrdreg s30  }
0xd: {  	v3 =	vimm.s32 $0x10;
	v1 =	vadd.s32 $0x1, v0;
	v2 =	vadd.s32 $0x2, v0;
	s25 =	simm.s32 $0x7C00;
	s26 =	simm.s32 $0xAC00;
	[dreg:$0x6] =	wrdreg s31  }
.LBB2_1:
0xe: {  	s0 =	sadd.s32 $0x0, s4  }
0xf: {  	v4 =	vmov s0  }
0x10: {  	v4 =	vmul.u32 $0x3, v4;
	_ =	sdelay $0x1  }
0x11: {  	v4 =	vbroadcast v4, $0x0  }
0x12: {  	s22 =	sadd.s32 $0x10, s4  }
0x13: {  	s30 =	simm.s32 $0x0;
	v6 =	vmov s22;
	v5 =	vadd.s32 v0, v4  }
0x14: {  	s31 =	sand.u32 $0xFF0, s30;
	v6 =	vmul.u32 $0x3, v6;
	[tilespmem:s8+$0x0] =	vst v5;
	v5 =	vadd.s32 v1, v4  }
0x15: {  	[dreg:$0x7] =	wrdreg s3;
	v4 =	vadd.s32 v2, v4;
	[tilespmem:s31+$0x4000] =	vst v5  }
0x16: {  	s2 =	simm.s32 $0x20;
	s3 =	simm.s32 $0x3000;
	s0 =	simm.s32 $0x10;
	[tilespmem:s31+$0x5000] =	vst v4;
	v4 =	vbroadcast v6, $0x0  }
.LBB2_2:
0x17: {  	s6 =	sadd.s32 s2, s4;
	p0 =	sne.s32 s2, $0xFF0  }
.Ltmp0:
0x18: {  	s3 =	sadd.s32 $0x10, s3;
	s7 =	smov.u32 s2;
	v5 =	vadd.s32 v0, v4;
	(pc) =	sbr.rel @p0 .LBB2_2-.Ltmp0, $4  }
0x19: {  	s2 =	sadd.s32 $0x10, s2;
	v6 =	vmov s6;
	s6 =	sand.u32 $0xFF0, s0;
	[tilespmem:s3+$0x0] =	vst v5;
	v5 =	vadd.s32 v1, v4  }
0x1a: {  	s0 =	smov.u32 s7;
	v6 =	vmul.u32 $0x3, v6;
	v4 =	vadd.s32 v2, v4;
	[tilespmem:s6+$0x4000] =	vst v5  }
0x1b: {  	[tilespmem:s6+$0x5000] =	vst v4  }
0x1c: {  	v4 =	vbroadcast v6, $0x0  }
0x1d: {  	_ = 	snop  }
0x1e: {  	s2 =	sadd.s32 $0x10, s3;
	v5 =	vadd.s32 v0, v4  }
0x1f: {  	s0 =	sand.u32 $0xFF0, s0;
	[tilespmem:s2+$0x0] =	vst v5;
	v5 =	vadd.s32 v1, v4  }
0x20: {  	v4 =	vadd.s32 v2, v4;
	[tilespmem:s0+$0x4000] =	vst v5  }
0x21: {  	s6 =	simm.s32 $0x0;
	s7 =	rddreg [dreg:$0x4];
	[tilespmem:s0+$0x5000] =	vst v4  }
0x22: {  	[tilespmem:s6], [sflag:$0x1] =	stream.indirect.gather [hbm4b:s7+s9], $0x1, s8, s9, $0xb8;
	[tilespmem:$0xDC00] =	vst v63  }
0x23: {  	s10 =	simm.s32 $0x3800  }
0x24: {  	[tilespmem:s9], [sflag:$0x1] =	stream.indirect.gather [hbm4b:s7+s9], $0x1, s10, s9, $0xb8;
	[tilespmem:$0xDC00] =	vst v63  }
0x25: {  	s13 =	simm.s32 $0x4000;
	s14 =	simm.s32 $0x1000  }
0x26: {  	[tilespmem:s14], [sflag:$0x1] =	stream.indirect.gather [hbm4b:s7+s9], $0x1, s13, s9, $0xb8;
	[tilespmem:$0xDC00] =	vst v63  }
0x27: {  	s15 =	simm.s32 $0x4800;
	s16 =	simm.s32 $0x1800  }
0x28: {  	[tilespmem:s16], [sflag:$0x1] =	stream.indirect.gather [hbm4b:s7+s9], $0x1, s15, s9, $0xb8;
	[tilespmem:$0xDC00] =	vst v63  }
0x29: {  	s18 =	simm.s32 $0x5000;
	s19 =	simm.s32 $0x2000  }
0x2a: {  	[tilespmem:s19], [sflag:$0x1] =	stream.indirect.gather [hbm4b:s7+s9], $0x1, s18, s9, $0xb8;
	[tilespmem:$0xDC00] =	vst v63  }
0x2b: {  	s21 =	simm.s32 $0x5800;
	s22 =	simm.s32 $0x2800  }
0x2c: {  	[tilespmem:s22], [sflag:$0x1] =	stream.indirect.gather [hbm4b:s7+s9], $0x1, s21, s9, $0xb8;
	[tilespmem:$0xDC00] =	vst v63  }
0x2d: {  	_ =	swait.ge [sflag:s20], $0x800  }
0x2e: {  	[sflag:s20] =	ssyncset.done $0x0  }
0x2f: {  	[sflag:s20] =	ssyncadd.s32 $0xFFFFF800  }
0x30: {  	_ =	swait.ge [sflag:s20], $0x800  }
0x31: {  	[sflag:s20] =	ssyncset.done $0x0  }
0x32: {  	[sflag:s20] =	ssyncadd.s32 $0xFFFFF800  }
0x33: {  	_ =	swait.ge [sflag:s20], $0x800  }
0x34: {  	[sflag:s20] =	ssyncset.done $0x0  }
0x35: {  	[sflag:s20] =	ssyncadd.s32 $0xFFFFF800  }
0x36: {  	_ =	swait.ge [sflag:s20], $0x800  }
0x37: {  	[sflag:s20] =	ssyncset.done $0x0  }
0x38: {  	[sflag:s20] =	ssyncadd.s32 $0xFFFFF800  }
0x39: {  	_ =	swait.ge [sflag:s20], $0x800  }
0x3a: {  	[sflag:s20] =	ssyncset.done $0x0  }
0x3b: {  	[sflag:s20] =	ssyncadd.s32 $0xFFFFF800  }
0x3c: {  	_ =	swait.ge [sflag:s20], $0x800  }
0x3d: {  	[sflag:s20] =	ssyncset.done $0x0  }
0x3e: {  	s3 =	sand.u32 $0xF0, s6;
	[sflag:s20] =	ssyncadd.s32 $0xFFFFF800  }
0x3f: {  	v4 =	vld [tilespmem:s3+$0x1000];
	_ =	sdelay $0x1  }
0x40: {  	v5 =	vld [tilespmem:s3+$0x2000];
	_ =	sdelay $0x2  }
0x41: {  	v6 =	vmul.f32 $1.600000000e+01, v4;
	_ =	sdelay $0x1  }
0x42: {  	v9 =	vmul.f32 $1.600000000e+01, v5;
	v4 =	vtrunc.f32 v6  }
0x43: {  	v7 =	vcvt.f32.s32 v4  }
0x44: {  	v4 =	vtrunc.f32 v9  }
0x45: {  	v5 =	vcvt.f32.s32 v4;
	v8 =	vcvt.s32.f32 v7;
	_ =	sdelay $0x1  }
0x46: {  	s30 =	sand.u32 $0x70, s6;
	s31 =	sand.u32 $0x200, s6;
	v4 =	vmul.u32 $0x30025795, v5;
	v10 =	vcvt.s32.f32 v5;
	v11 =	vsub.f32 v6, v8  }
0x47: {  	s0 =	sor.u32 s30, s31;
	s10 =	simm.s32 $0x0  }
0x48: {  	s7 =	simm.s32 $0x10;
	v8 =	vld [tilespmem:s10+$0x0];
	v5 =	vadd.s32 $0x30025795, v4;
	v6 =	vsub.f32 v9, v10;
	[tilespmem:s0+$0x6080] =	vst v11  }
.LBB2_4:
0x49: {  	p0 =	sne.s32 s7, $0xF0  }
0x4a: {  	s6 =	sadd.s32 $0x40, s6;
	s8 =	smov.u32 s7;
	s7 =	sadd.s32 $0x10, s7  }
0x4b: {  	_ =	sdelay $0x1  }
0x4c: {  	v8 =	vmul.f32 $1.600000000e+01, v8;
	_ =	sdelay $0x1  }
0x4d: {  	v9 =	vtrunc.f32 v8  }
0x4e: {  	v7 =	vmul.u32 $0x9E3779B1, v7;
	v9 =	vcvt.f32.s32 v9;
	_ =	sdelay $0x1  }
0x4f: {  	v11 =	vadd.s32 $0x9E3779B1, v7;
	v10 =	vadd.s32 $0x1, v9;
	v12 =	vxor.u32 v9, v7  }
0x50: {  	v13 =	vcvt.s32.f32 v9;
	v14 =	vxor.u32 v4, v12;
	v12 =	vxor.u32 v12, v5  }
0x51: {  	v9 =	vxor.u32 v9, v11;
	v15 =	vshll.u32 v14, $0x1;
	v16 =	vand.u32 $0x7F, v12  }
0x52: {  	v7 =	vxor.u32 v10, v7;
	v17 =	vxor.u32 v5, v9;
	v15 =	vand.u32 $0xFFF00, v15  }
0x53: {  	v8 =	vsub.f32 v8, v13;
	v13 =	vshll.u32 v17, $0x1;
	v18 =	vxor.u32 v4, v7  }
0x54: {  	v7 =	vxor.u32 v7, v5;
	v13 =	vand.u32 $0xFFF00, v13;
	[tilespmem:s0+$0x6100] =	vst v6;
	v6 =	vand.u32 $0x7F, v14  }
0x55: {  	s13 =	sand.u32 $0xF0, s8;
	[tilespmem:s0+$0x6000] =	vst v8;
	v6 =	vor.u32 v6, v15;
	v8 =	vshll.u32 v12, $0x1;
	v12 =	vand.u32 $0x7F, v7  }
0x56: {  	v14 =	vand.u32 $0x7F, v18;
	[tilespmem:s10+$0x6C00] =	vst v6;
	v6 =	vor.u32 $0x80, v6;
	v8 =	vand.u32 $0xFFF00, v8  }
0x57: {  	[tilespmem:s3+$0x7400] =	vst v6;
	v6 =	vor.u32 v16, v8;
	v8 =	vxor.u32 v4, v9;
	v9 =	vshll.u32 v18, $0x1  }
0x58: {  	v15 =	vld [tilespmem:s13+$0x2000];
	[tilespmem:s3+$0x6D00] =	vst v6;
	v6 =	vor.u32 $0x80, v6;
	v16 =	vshll.u32 v8, $0x1;
	v9 =	vand.u32 $0xFFF00, v9  }
0x59: {  	v8 =	vand.u32 $0x7F, v8;
	v18 =	vld [tilespmem:s13+$0x1000];
	[tilespmem:s3+$0x7500] =	vst v6;
	v6 =	vand.u32 $0xFFF00, v16;
	v9 =	vor.u32 v14, v9  }
0x5a: {  	v10 =	vxor.u32 v10, v11;
	v6 =	vor.u32 v8, v6;
	v8 =	vand.u32 $0x7F, v17;
	[tilespmem:s3+$0x7000] =	vst v9  }
0x5b: {  	v4 =	vxor.u32 v4, v10;
	[tilespmem:s3+$0x6E00] =	vst v6;
	v6 =	vor.u32 $0x80, v6;
	v8 =	vor.u32 v8, v13  }
0x5c: {  	v11 =	vshll.u32 v4, $0x1;
	v4 =	vand.u32 $0x7F, v4;
	[tilespmem:s3+$0x6F00] =	vst v8;
	v8 =	vor.u32 $0x80, v8  }
0x5d: {  	v5 =	vxor.u32 v5, v10;
	v7 =	vshll.u32 v7, $0x1;
	v13 =	vmul.f32 $1.600000000e+01, v15;
	[tilespmem:s3+$0x7700] =	vst v8  }
0x5e: {  	v10 =	vand.u32 $0x7F, v5;
	v8 =	vmul.f32 $1.600000000e+01, v18;
	[tilespmem:s3+$0x7600] =	vst v6;
	v6 =	vand.u32 $0xFFF00, v7  }
0x5f: {  	v11 =	vand.u32 $0xFFF00, v11;
	v7 =	vtrunc.f32 v13;
	v6 =	vor.u32 v12, v6  }
0x60: {  	v12 =	vtrunc.f32 v8;
	v14 =	vcvt.f32.s32 v7;
	[tilespmem:s3+$0x7100] =	vst v6;
	v6 =	vor.u32 $0x80, v6  }
0x61: {  	v5 =	vshll.u32 v5, $0x1;
	v7 =	vcvt.f32.s32 v12;
	[tilespmem:s3+$0x7900] =	vst v6;
	v6 =	vor.u32 v4, v11  }
0x62: {  	v5 =	vand.u32 $0xFFF00, v5;
	v4 =	vmul.u32 $0x30025795, v14;
	[tilespmem:s3+$0x7200] =	vst v6;
	v6 =	vor.u32 $0x80, v6  }
0x63: {  	v12 =	vcvt.s32.f32 v14;
	v11 =	vcvt.s32.f32 v7;
	[tilespmem:s3+$0x7A00] =	vst v6;
	v6 =	vor.u32 v10, v5  }
.Ltmp1:
0x64: {  	v9 =	vor.u32 $0x80, v9;
	v5 =	vadd.s32 $0x30025795, v4;
	[tilespmem:s3+$0x7300] =	vst v6;
	v10 =	vor.u32 $0x80, v6;
	(pc) =	sbr.rel @p0 .LBB2_4-.Ltmp1, $4  }
0x65: {  	v6 =	vsub.f32 v13, v12;
	v11 =	vsub.f32 v8, v11;
	[tilespmem:s3+$0x7B00] =	vst v10  }
0x66: {  	s2 =	sand.u32 $0x200, s6;
	s0 =	sand.u32 $0x70, s8;
	s10 =	sshra.s32 s6, $0x2;
	[tilespmem:s3+$0x7800] =	vst v9  }
0x67: {  	s0 =	sor.u32 s0, s2;
	s3 =	smov.u32 s13;
	v8 =	vld [tilespmem:s10+$0x0]  }
0x68: {  	[tilespmem:s0+$0x6080] =	vst v11  }
0x69: {  	_ =	sdelay $0x2  }
0x6a: {  	v8 =	vmul.f32 $1.600000000e+01, v8;
	_ =	sdelay $0x1  }
0x6b: {  	v9 =	vtrunc.f32 v8  }
0x6c: {  	v7 =	vmul.u32 $0x9E3779B1, v7;
	v9 =	vcvt.f32.s32 v9;
	_ =	sdelay $0x1  }
0x6d: {  	v11 =	vadd.s32 $0x9E3779B1, v7;
	v10 =	vadd.s32 $0x1, v9;
	v12 =	vxor.u32 v9, v7  }
0x6e: {  	v13 =	vcvt.s32.f32 v9;
	v9 =	vxor.u32 v9, v11;
	v14 =	vxor.u32 v4, v12  }
0x6f: {  	v12 =	vxor.u32 v12, v5;
	v7 =	vxor.u32 v10, v7;
	v17 =	vxor.u32 v5, v9  }
0x70: {  	v15 =	vshll.u32 v14, $0x1;
	v16 =	vand.u32 $0x7F, v12;
	v8 =	vsub.f32 v8, v13  }
0x71: {  	[tilespmem:s0+$0x6100] =	vst v6;
	v40 =	vshll.u32 v17, $0x1;
	v6 =	vand.u32 $0x7F, v14;
	v15 =	vand.u32 $0xFFF00, v15  }
0x72: {  	v18 =	vxor.u32 v4, v7;
	[tilespmem:s0+$0x6000] =	vst v8;
	v6 =	vor.u32 v6, v15;
	v8 =	vshll.u32 v12, $0x1  }
0x73: {  	v41 =	vand.u32 $0x7F, v18;
	[tilespmem:s10+$0x6C00] =	vst v6;
	v6 =	vor.u32 $0x80, v6;
	v8 =	vand.u32 $0xFFF00, v8  }
0x74: {  	v42 =	vshll.u32 v18, $0x1;
	[tilespmem:s3+$0x7400] =	vst v6;
	v6 =	vor.u32 v16, v8;
	v8 =	vxor.u32 v4, v9  }
0x75: {  	v9 =	vand.u32 $0xFFF00, v42;
	[tilespmem:s3+$0x6D00] =	vst v6;
	v6 =	vor.u32 $0x80, v6;
	v43 =	vshll.u32 v8, $0x1  }
0x76: {  	v8 =	vand.u32 $0x7F, v8;
	v9 =	vor.u32 v41, v9;
	[tilespmem:s3+$0x7500] =	vst v6;
	v6 =	vand.u32 $0xFFF00, v43  }
0x77: {  	v13 =	vand.u32 $0xFFF00, v40;
	[tilespmem:s3+$0x7000] =	vst v9;
	v6 =	vor.u32 v8, v6;
	v8 =	vand.u32 $0x7F, v17  }
0x78: {  	v10 =	vxor.u32 v10, v11;
	v7 =	vxor.u32 v7, v5;
	[tilespmem:s3+$0x6E00] =	vst v6;
	v8 =	vor.u32 v8, v13  }
0x79: {  	v44 =	vand.u32 $0x7F, v7;
	v7 =	vshll.u32 v7, $0x1;
	v6 =	vor.u32 $0x80, v6;
	[tilespmem:s3+$0x6F00] =	vst v8  }
0x7a: {  	v7 =	vand.u32 $0xFFF00, v7;
	v4 =	vxor.u32 v4, v10;
	v8 =	vor.u32 $0x80, v8;
	[tilespmem:s3+$0x7600] =	vst v6  }
0x7b: {  	v5 =	vxor.u32 v5, v10;
	v6 =	vor.u32 v44, v7;
	[tilespmem:s3+$0x7700] =	vst v8;
	v8 =	vshll.u32 v4, $0x1  }
0x7c: {  	v4 =	vand.u32 $0x7F, v4;
	[tilespmem:s3+$0x7100] =	vst v6;
	v6 =	vor.u32 $0x80, v6;
	v7 =	vand.u32 $0xFFF00, v8  }
0x7d: {  	[tilespmem:s3+$0x7900] =	vst v6;
	v6 =	vshll.u32 v5, $0x1;
	v4 =	vor.u32 v4, v7  }
0x7e: {  	v5 =	vand.u32 $0x7F, v5;
	v6 =	vand.u32 $0xFFF00, v6;
	[tilespmem:s3+$0x7200] =	vst v4;
	v4 =	vor.u32 $0x80, v4  }
0x7f: {  	[tilespmem:s3+$0x7A00] =	vst v4;
	v4 =	vor.u32 v5, v6  }
0x80: {  	v5 =	vor.u32 $0x80, v9;
	[tilespmem:s3+$0x7300] =	vst v4  }
0x81: {  	v4 =	vor.u32 $0x80, v4;
	[tilespmem:s3+$0x7800] =	vst v5  }
0x82: {  	s22 =	simm.s32 $0x6C00;
	s2 =	simm.s32 $0x9C00;
	s30 =	simm.s32 $0x0;
	[tilespmem:s3+$0x7B00] =	vst v4  }
0x83: {  	[tilespmem:s2], [sflag:$0x1] =	stream.indirect.gather [hbm4b:s1+s9], $0x1, s22, s9, $0xb8;
	[tilespmem:$0xDC00] =	vst v63  }
0x84: {  	s3 =	sand.u32 $0xF0, s30  }
0x85: {  	[tilespmem:s24], [sflag:$0x1] =	stream.indirect.gather [hbm4b:s1+s9], $0x1, s23, s9, $0xb8;
	[tilespmem:$0xDC00] =	vst v63  }
0x86: {  	v4 =	vld [tilespmem:s3+$0x1000]  }
0x87: {  	s31 =	simm.s32 $0x0;
	v5 =	vld [tilespmem:s3+$0x2000]  }
0x88: {  	v6 =	vld [tilespmem:s31+$0x0];
	_ =	sdelay $0x3  }
0x89: {  	v4 =	vmul.f32 $3.200000000e+01, v4  }
0x8a: {  	v5 =	vmul.f32 $3.200000000e+01, v5;
	v6 =	vmul.f32 $3.200000000e+01, v6  }
0x8b: {  	v7 =	vtrunc.f32 v4  }
0x8c: {  	v8 =	vtrunc.f32 v5;
	v46 =	vtrunc.f32 v6  }
0x8d: {  	v7 =	vcvt.f32.s32 v7;
	v8 =	vcvt.f32.s32 v8  }
0x8e: {  	v10 =	vcvt.f32.s32 v46  }
0x8f: {  	v45 =	vcvt.s32.f32 v7;
	v7 =	vmul.u32 $0x9E3779B1, v7;
	v47 =	vcvt.s32.f32 v8  }
0x90: {  	v8 =	vmul.u32 $0x30025795, v8;
	v51 =	vadd.s32 $0x1, v10;
	v53 =	vcvt.s32.f32 v10  }
0x91: {  	v4 =	vsub.f32 v4, v45;
	v48 =	vadd.s32 $0x9E3779B1, v7;
	v5 =	vsub.f32 v5, v47  }
0x92: {  	v49 =	vxor.u32 v10, v7;
	v50 =	vadd.s32 $0x30025795, v8;
	v7 =	vxor.u32 v51, v7  }
0x93: {  	s6 =	sand.u32 $0x70, s30;
	s0 =	sand.u32 $0x200, s30;
	v6 =	vsub.f32 v6, v53;
	v52 =	vxor.u32 v8, v49;
	v11 =	vxor.u32 v49, v50  }
0x94: {  	s0 =	sor.u32 s6, s0;
	v10 =	vxor.u32 v10, v48;
	v56 =	vxor.u32 v8, v7;
	v54 =	vshll.u32 v52, $0x1  }
0x95: {  	v14 =	vand.u32 $0x7F, v52;
	v55 =	vshll.u32 v11, $0x1;
	[tilespmem:s0+$0x6500] =	vst v5;
	v5 =	vshll.u32 v56, $0x1  }
0x96: {  	v58 =	vxor.u32 v8, v10;
	v10 =	vxor.u32 v50, v10;
	[tilespmem:s0+$0x6400] =	vst v6;
	v6 =	vand.u32 $0x7F, v11  }
0x97: {  	[tilespmem:s0+$0x6480] =	vst v4;
	v16 =	vand.u32 $0xFFF00, v54;
	v17 =	vand.u32 $0xFFF00, v55;
	v4 =	vand.u32 $0xFFF00, v5  }
0x98: {  	v5 =	vshll.u32 v58, $0x1;
	v15 =	vand.u32 $0x7F, v58;
	v59 =	vshll.u32 v10, $0x1  }
0x99: {  	v10 =	vand.u32 $0x7F, v10;
	v14 =	vor.u32 v14, v16;
	v5 =	vand.u32 $0xFFF00, v5  }
0x9a: {  	v6 =	vor.u32 v6, v17;
	v11 =	vand.u32 $0xFFF00, v59;
	v57 =	vor.u32 $0x100000, v14  }
0x9b: {  	v60 =	vor.u32 $0x100000, v6;
	v5 =	vor.u32 v15, v5;
	v6 =	vor.u32 $0x100080, v6;
	[tilespmem:s31+$0x7C00] =	vst v57  }
0x9c: {  	v10 =	vor.u32 v10, v11;
	v61 =	vor.u32 $0x100000, v5;
	v5 =	vor.u32 $0x100080, v5;
	[tilespmem:s3+$0x8500] =	vst v6  }
0x9d: {  	v9 =	vxor.u32 v51, v48;
	v6 =	vor.u32 $0x100000, v10;
	[tilespmem:s3+$0x8600] =	vst v5  }
0x9e: {  	v62 =	vxor.u32 v50, v9;
	v14 =	vor.u32 $0x100080, v14;
	v10 =	vor.u32 $0x100080, v10;
	[tilespmem:s3+$0x7F00] =	vst v6  }
0x9f: {  	v5 =	vshll.u32 v62, $0x1;
	v6 =	vand.u32 $0x7F, v56;
	[tilespmem:s3+$0x8700] =	vst v10;
	v10 =	vand.u32 $0x7F, v62  }
0xa0: {  	[tilespmem:s3+$0x8400] =	vst v14;
	v5 =	vand.u32 $0xFFF00, v5;
	v4 =	vor.u32 v6, v4;
	v6 =	vxor.u32 v8, v9  }
0xa1: {  	[tilespmem:s3+$0x7D00] =	vst v60;
	v63 =	vor.u32 v10, v5;
	v8 =	vor.u32 $0x100000, v4;
	v9 =	vshll.u32 v6, $0x1  }
0xa2: {  	v4 =	vor.u32 $0x100080, v4;
	v6 =	vand.u32 $0x7F, v6;
	[tilespmem:s3+$0x8000] =	vst v8;
	v8 =	vand.u32 $0xFFF00, v9  }
0xa3: {  	v5 =	vor.u32 $0x100000, v63;
	[tilespmem:s3+$0x8800] =	vst v4;
	v4 =	vor.u32 v6, v8;
	v6 =	vxor.u32 v7, v50  }
0xa4: {  	[tilespmem:s3+$0x8300] =	vst v5;
	v5 =	vshll.u32 v6, $0x1  }
0xa5: {  	s8 =	simm.s32 $0x10;
	[tilespmem:s3+$0x7E00] =	vst v61;
	v7 =	vor.u32 $0x100000, v4;
	v6 =	vand.u32 $0x7F, v6;
	v5 =	vand.u32 $0xFFF00, v5  }
0xa6: {  	s10 =	sand.u32 $0xF0, s8;
	[tilespmem:s3+$0x8200] =	vst v7;
	v7 =	vor.u32 $0x100080, v4;
	v6 =	vor.u32 v6, v5  }
0xa7: {  	v4 =	vld [tilespmem:s10+$0x1000];
	[tilespmem:s3+$0x8A00] =	vst v7;
	v7 =	vor.u32 $0x100000, v6  }
0xa8: {  	s7 =	simm.s32 $0x10;
	v5 =	vld [tilespmem:s10+$0x2000];
	v8 =	vor.u32 $0x100080, v6;
	[tilespmem:s3+$0x8100] =	vst v7  }
0xa9: {  	s13 =	simm.s32 $0x20;
	s14 =	simm.s32 $0x80;
	s6 =	simm.s32 $0x40;
	v6 =	vor.u32 $0x100080, v63;
	[tilespmem:s3+$0x8900] =	vst v8  }
.LBB2_6:
0xaa: {  	s0 =	sshra.s32 s14, $0x2;
	p0 =	sne.s32 s13, $0xF0  }
0xab: {  	[tilespmem:s3+$0x8B00] =	vst v6;
	s2 =	smov.u32 s13;
	s13 =	sadd.s32 $0x10, s13;
	s3 =	smov.u32 s10  }
0xac: {  	v6 =	vld [tilespmem:s7+$0x0]  }
0xad: {  	v4 =	vmul.f32 $3.200000000e+01, v4  }
0xae: {  	v5 =	vmul.f32 $3.200000000e+01, v5  }
0xaf: {  	v7 =	vtrunc.f32 v4  }
0xb0: {  	v7 =	vcvt.f32.s32 v7;
	v8 =	vtrunc.f32 v5  }
0xb1: {  	v6 =	vmul.f32 $3.200000000e+01, v6;
	v8 =	vcvt.f32.s32 v8  }
0xb2: {  	v9 =	vcvt.s32.f32 v7;
	v7 =	vmul.u32 $0x9E3779B1, v7  }
0xb3: {  	v10 =	vtrunc.f32 v6;
	v11 =	vcvt.s32.f32 v8;
	v8 =	vmul.u32 $0x30025795, v8  }
0xb4: {  	v10 =	vcvt.f32.s32 v10;
	v4 =	vsub.f32 v4, v9  }
0xb5: {  	v9 =	vadd.s32 $0x9E3779B1, v7  }
0xb6: {  	s10 =	sand.u32 $0x70, s8;
	s6 =	sand.u32 $0x200, s6;
	s8 =	smov.u32 s2;
	v5 =	vsub.f32 v5, v11;
	v11 =	vadd.s32 $0x30025795, v8;
	v12 =	vxor.u32 v10, v7  }
0xb7: {  	s2 =	sor.u32 s10, s6;
	s6 =	smov.u32 s14;
	v13 =	vcvt.s32.f32 v10;
	v14 =	vadd.s32 $0x1, v10;
	v15 =	vxor.u32 v8, v12  }
0xb8: {  	v12 =	vxor.u32 v12, v11;
	[tilespmem:s2+$0x6500] =	vst v5;
	v5 =	vxor.u32 v14, v7;
	v7 =	vshll.u32 v15, $0x1  }
0xb9: {  	v15 =	vand.u32 $0x7F, v15;
	v16 =	vshll.u32 v12, $0x1;
	v7 =	vand.u32 $0xFFF00, v7  }
0xba: {  	[tilespmem:s2+$0x6480] =	vst v4;
	v4 =	vxor.u32 v10, v9;
	v7 =	vor.u32 v15, v7;
	v10 =	vxor.u32 v8, v5  }
0xbb: {  	s10 =	sand.u32 $0xF0, s8;
	v16 =	vand.u32 $0xFFF00, v16;
	v15 =	vor.u32 $0x100000, v7;
	v17 =	vshll.u32 v10, $0x1  }
0xbc: {  	v6 =	vsub.f32 v6, v13;
	v13 =	vxor.u32 v8, v4;
	v17 =	vand.u32 $0xFFF00, v17  }
0xbd: {  	v4 =	vxor.u32 v11, v4;
	v18 =	vshll.u32 v13, $0x1;
	v13 =	vand.u32 $0x7F, v13  }
0xbe: {  	[tilespmem:s2+$0x6400] =	vst v6;
	v6 =	vand.u32 $0x7F, v12;
	v12 =	vand.u32 $0xFFF00, v18;
	v18 =	vshll.u32 v4, $0x1  }
0xbf: {  	v7 =	vor.u32 $0x100080, v7;
	[tilespmem:s7+$0x7C00] =	vst v15;
	v6 =	vor.u32 v6, v16;
	v15 =	vand.u32 $0xFFF00, v18;
	s7 =	smov.u32 s0  }
0xc0: {  	v4 =	vand.u32 $0x7F, v4;
	v12 =	vor.u32 v13, v12;
	[tilespmem:s3+$0x8400] =	vst v7;
	v7 =	vor.u32 $0x100000, v6  }
0xc1: {  	v6 =	vor.u32 $0x100080, v6;
	v4 =	vor.u32 v4, v15;
	[tilespmem:s3+$0x7D00] =	vst v7;
	v7 =	vor.u32 $0x100000, v12  }
0xc2: {  	[tilespmem:s3+$0x8500] =	vst v6;
	v6 =	vor.u32 $0x100080, v12;
	v12 =	vor.u32 $0x100000, v4;
	v4 =	vor.u32 $0x100080, v4  }
0xc3: {  	v9 =	vxor.u32 v14, v9;
	v5 =	vxor.u32 v5, v11;
	[tilespmem:s3+$0x7F00] =	vst v12  }
0xc4: {  	v11 =	vxor.u32 v11, v9;
	[tilespmem:s3+$0x8700] =	vst v4;
	v4 =	vand.u32 $0x7F, v10;
	v10 =	vand.u32 $0x7F, v5  }
0xc5: {  	[tilespmem:s3+$0x8600] =	vst v6;
	v4 =	vor.u32 v4, v17;
	v6 =	vxor.u32 v8, v9;
	v8 =	vshll.u32 v11, $0x1  }
0xc6: {  	v11 =	vand.u32 $0x7F, v11;
	[tilespmem:s3+$0x7E00] =	vst v7;
	v7 =	vor.u32 $0x100000, v4;
	v9 =	vshll.u32 v6, $0x1  }
0xc7: {  	v4 =	vor.u32 $0x100080, v4;
	v6 =	vand.u32 $0x7F, v6;
	[tilespmem:s3+$0x8000] =	vst v7;
	v7 =	vand.u32 $0xFFF00, v8  }
0xc8: {  	[tilespmem:s3+$0x8800] =	vst v4;
	v4 =	vshll.u32 v5, $0x1;
	v5 =	vand.u32 $0xFFF00, v9;
	v7 =	vor.u32 v11, v7  }
0xc9: {  	v4 =	vand.u32 $0xFFF00, v4;
	v5 =	vor.u32 v6, v5;
	v6 =	vor.u32 $0x100000, v7  }
.Ltmp2:
0xca: {  	v8 =	vor.u32 v10, v4;
	v4 =	vor.u32 $0x100000, v5;
	[tilespmem:s3+$0x8300] =	vst v6;
	(pc) =	sbr.rel @p0 .LBB2_6-.Ltmp2, $4  }
0xcb: {  	v5 =	vor.u32 $0x100080, v5;
	v6 =	vor.u32 $0x100080, v7;
	v9 =	vor.u32 $0x100000, v8;
	[tilespmem:s3+$0x8200] =	vst v4  }
0xcc: {  	v7 =	vor.u32 $0x100080, v8;
	v4 =	vld [tilespmem:s10+$0x1000];
	[tilespmem:s3+$0x8A00] =	vst v5  }
0xcd: {  	v5 =	vld [tilespmem:s10+$0x2000];
	[tilespmem:s3+$0x8100] =	vst v9  }
0xce: {  	s14 =	sadd.s32 $0x40, s14;
	[tilespmem:s3+$0x8900] =	vst v7  }
0xcf: {  	[tilespmem:s3+$0x8B00] =	vst v6  }
0xd0: {  	v6 =	vld [tilespmem:s7+$0x0]  }
0xd1: {  	v4 =	vmul.f32 $3.200000000e+01, v4  }
0xd2: {  	v5 =	vmul.f32 $3.200000000e+01, v5  }
0xd3: {  	v7 =	vtrunc.f32 v4  }
0xd4: {  	v7 =	vcvt.f32.s32 v7;
	v8 =	vtrunc.f32 v5  }
0xd5: {  	v6 =	vmul.f32 $3.200000000e+01, v6;
	v8 =	vcvt.f32.s32 v8  }
0xd6: {  	v9 =	vcvt.s32.f32 v7  }
0xd7: {  	v7 =	vmul.u32 $0x9E3779B1, v7;
	v10 =	vtrunc.f32 v6;
	v11 =	vcvt.s32.f32 v8  }
0xd8: {  	v8 =	vmul.u32 $0x30025795, v8;
	v10 =	vcvt.f32.s32 v10  }
0xd9: {  	v4 =	vsub.f32 v4, v9;
	v45 =	vadd.s32 $0x9E3779B1, v7;
	v5 =	vsub.f32 v5, v11  }
0xda: {  	v46 =	vadd.s32 $0x30025795, v8;
	v12 =	vxor.u32 v10, v7;
	v13 =	vcvt.s32.f32 v10  }
0xdb: {  	v14 =	vadd.s32 $0x1, v10;
	v10 =	vxor.u32 v10, v45;
	v15 =	vxor.u32 v8, v12  }
0xdc: {  	s0 =	sand.u32 $0x70, s8;
	s2 =	sand.u32 $0x200, s6;
	v7 =	vxor.u32 v14, v7;
	v12 =	vxor.u32 v12, v46;
	v48 =	vxor.u32 v8, v10  }
0xdd: {  	s0 =	sor.u32 s0, s2;
	v10 =	vxor.u32 v46, v10;
	v9 =	vxor.u32 v14, v45;
	v16 =	vshll.u32 v15, $0x1  }
0xde: {  	[tilespmem:s0+$0x6480] =	vst v4;
	v15 =	vand.u32 $0x7F, v15;
	v17 =	vshll.u32 v12, $0x1;
	v47 =	vxor.u32 v8, v7  }
0xdf: {  	[tilespmem:s0+$0x6500] =	vst v5;
	v5 =	vsub.f32 v6, v13;
	v4 =	vshll.u32 v48, $0x1;
	v16 =	vand.u32 $0xFFF00, v16  }
0xe0: {  	v6 =	vand.u32 $0x7F, v48;
	v50 =	vshll.u32 v10, $0x1;
	v15 =	vor.u32 v15, v16  }
0xe1: {  	v17 =	vand.u32 $0xFFF00, v17;
	[tilespmem:s0+$0x6400] =	vst v5;
	v5 =	vand.u32 $0x7F, v12;
	v18 =	vor.u32 $0x100000, v15  }
0xe2: {  	v8 =	vxor.u32 v8, v9;
	v15 =	vor.u32 $0x100080, v15;
	v5 =	vor.u32 v5, v17;
	[tilespmem:s7+$0x7C00] =	vst v18  }
0xe3: {  	v4 =	vand.u32 $0xFFF00, v4;
	v57 =	vshll.u32 v8, $0x1;
	v51 =	vor.u32 $0x100000, v5;
	[tilespmem:s10+$0x8400] =	vst v15  }
0xe4: {  	v8 =	vand.u32 $0x7F, v8;
	v4 =	vor.u32 v6, v4;
	v5 =	vor.u32 $0x100080, v5;
	[tilespmem:s10+$0x7D00] =	vst v51  }
0xe5: {  	v58 =	vand.u32 $0xFFF00, v57;
	v53 =	vor.u32 $0x100000, v4;
	v4 =	vor.u32 $0x100080, v4;
	[tilespmem:s10+$0x8500] =	vst v5  }
0xe6: {  	v52 =	vand.u32 $0x7F, v10;
	v55 =	vxor.u32 v46, v9;
	v60 =	vor.u32 v8, v58;
	[tilespmem:s10+$0x8600] =	vst v4  }
0xe7: {  	v19 =	vshll.u32 v47, $0x1;
	v12 =	vand.u32 $0xFFF00, v50;
	v9 =	vor.u32 $0x100000, v60;
	[tilespmem:s10+$0x7E00] =	vst v53  }
0xe8: {  	v54 =	vand.u32 $0x7F, v47;
	v6 =	vor.u32 v52, v12;
	v62 =	vor.u32 $0x100080, v60;
	[tilespmem:s10+$0x8200] =	vst v9  }
0xe9: {  	v49 =	vand.u32 $0xFFF00, v19;
	v5 =	vor.u32 $0x100000, v6;
	v6 =	vor.u32 $0x100080, v6;
	[tilespmem:s10+$0x8A00] =	vst v62  }
0xea: {  	v4 =	vshll.u32 v55, $0x1;
	[tilespmem:s10+$0x7F00] =	vst v5;
	v5 =	vxor.u32 v7, v46;
	v7 =	vor.u32 v54, v49  }
0xeb: {  	[tilespmem:s10+$0x8700] =	vst v6;
	v6 =	vand.u32 $0x7F, v55;
	v4 =	vand.u32 $0xFFF00, v4;
	v56 =	vor.u32 $0x100000, v7  }
0xec: {  	v7 =	vor.u32 $0x100080, v7;
	v4 =	vor.u32 v6, v4;
	v59 =	vshll.u32 v5, $0x1;
	[tilespmem:s10+$0x8000] =	vst v56  }
0xed: {  	v5 =	vand.u32 $0x7F, v5;
	[tilespmem:s10+$0x8800] =	vst v7;
	v61 =	vor.u32 $0x100000, v4;
	v6 =	vand.u32 $0xFFF00, v59  }
0xee: {  	v4 =	vor.u32 $0x100080, v4;
	[tilespmem:s10+$0x8300] =	vst v61;
	v5 =	vor.u32 v5, v6  }
0xef: {  	[tilespmem:s10+$0x8B00] =	vst v4;
	v63 =	vor.u32 $0x100000, v5  }
0xf0: {  	v5 =	vor.u32 $0x100080, v5;
	[tilespmem:s10+$0x8100] =	vst v63  }
0xf1: {  	[tilespmem:s10+$0x8900] =	vst v5  }
0xf2: {  	[tilespmem:s26], [sflag:$0x2] =	stream.indirect.gather [hbm4b:s1+s9], $0x1, s25, s9, $0xb8;
	[tilespmem:$0xDC00] =	vst v63  }
0xf3: {  	s18 =	simm.s32 $0x0  }
0xf4: {  	[tilespmem:s29], [sflag:$0x2] =	stream.indirect.gather [hbm4b:s1+s9], $0x1, s28, s9, $0xb8;
	[tilespmem:$0xDC00] =	vst v63  }
.LBB2_8:
0xf5: {  	s3 =	smul.u32 $0x3, s18;
	_ =	sdelay $0x1  }
0xf6: {  	s14 =	sadd.s32 $0x2, s3  }
0xf7: {  	s0 =	sshll.u32 s14, $0x5  }
0xf8: {  	s19 =	sand.u32 $0x3F00, s0  }
0xf9: {  	s6 =	sand.u32 $0x80, s17;
	s7 =	sadd.s32 $0x2000, s19  }
0xfa: {  	s10 =	sand.u32 $0x70, s17;
	s8 =	sadd.s32 $0x1000, s19;
	s22 =	sadd.s32 s6, s7  }
0xfb: {  	s2 =	sadd.s32 s6, s8;
	s0 =	sadd.s32 s10, s22  }
0xfc: {  	s15 =	sadd.s32 s6, s19;
	s2 =	sadd.s32 s10, s2;
	v4 =	vld [tilespmem:s0+$0x0]  }
0xfd: {  	s13 =	sand.u32 $0x7, s14;
	s31 =	sadd.s32 s10, s15;
	v5 =	vld [tilespmem:s2+$0x0]  }
0xfe: {  	v6 =	vshll.u32 v3, s13;
	v7 =	vld [tilespmem:s31+$0x0]  }
0xff: {  	v6 =	vcvt.s32.f32 v6;
	_ =	sdelay $0x1  }
0x100: {  	v9 =	vmul.f32 v6, v4  }
0x101: {  	v10 =	vmul.f32 v6, v5  }
0x102: {  	v11 =	vmul.f32 v6, v7;
	v4 =	vtrunc.f32 v9  }
0x103: {  	v5 =	vmov s13;
	v7 =	vtrunc.f32 v10;
	v8 =	vcvt.f32.s32 v4  }
0x104: {  	v4 =	vshll.u32 v5, $0x14;
	v5 =	vtrunc.f32 v11;
	v7 =	vcvt.f32.s32 v7  }
0x105: {  	v14 =	vcvt.f32.s32 v5;
	v5 =	vor.u32 $0x80, v4;
	v13 =	vcvt.s32.f32 v8  }
0x106: {  	v8 =	vmul.u32 $0x30025795, v8;
	v15 =	vcvt.s32.f32 v7;
	v16 =	vmul.u32 $0x9E3779B1, v7  }
0x107: {  	v12 =	vcvt.s32.f32 v14;
	v17 =	vadd.s32 $0x1, v14;
	v13 =	vsub.f32 v9, v13  }
0x108: {  	v15 =	vsub.f32 v10, v15;
	v18 =	vadd.s32 $0x9E3779B1, v16;
	v10 =	vxor.u32 v14, v16  }
0x109: {  	s16 =	simm.s32 $0x10;
	s30 =	simm.s32 $0x0;
	s15 =	simm.s32 $0x0;
	v7 =	vadd.s32 $0x30025795, v8;
	v9 =	vxor.u32 v14, v18;
	v14 =	vxor.u32 v8, v10  }
.LBB2_9:
0x10a: {  	p0 =	sne.s32 s16, $0xF0;
	s0 =	sand.u32 $0x200, s15;
	v18 =	vxor.u32 v17, v18;
	v19 =	vshll.u32 v14, $0x1;
	v20 =	vxor.u32 v8, v9;
	s30 =	sadd.s32 $0x40, s30  }
0x10b: {  	v16 =	vxor.u32 v17, v16;
	s31 =	smov.u32 s16;
	s16 =	sadd.s32 $0x10, s16;
	s0 =	sor.u32 s10, s0;
	v17 =	vand.u32 $0xFFF00, v19;
	v19 =	vshll.u32 v20, $0x1  }
0x10c: {  	[tilespmem:s0+$0x6880] =	vst v15;
	v15 =	vand.u32 $0xFFF00, v19;
	v19 =	vand.u32 $0x7F, v20;
	v20 =	vxor.u32 v8, v16  }
0x10d: {  	[tilespmem:s0+$0x6900] =	vst v13;
	v13 =	vor.u32 v15, v19;
	v15 =	vshll.u32 v20, $0x1;
	v19 =	vand.u32 $0x7F, v20  }
0x10e: {  	v11 =	vsub.f32 v11, v12;
	v12 =	vor.u32 v4, v13;
	v15 =	vand.u32 $0xFFF00, v15  }
0x10f: {  	v16 =	vxor.u32 v16, v7;
	v15 =	vor.u32 v15, v19;
	v19 =	vxor.u32 v7, v18  }
0x110: {  	v14 =	vand.u32 $0x7F, v14;
	v20 =	vshll.u32 v16, $0x1;
	v16 =	vand.u32 $0x7F, v16  }
0x111: {  	v14 =	vor.u32 v17, v14;
	v17 =	vand.u32 $0xFFF00, v20;
	v20 =	vshll.u32 v19, $0x1  }
0x112: {  	v13 =	vor.u32 v5, v13;
	v20 =	vand.u32 $0xFFF00, v20;
	[tilespmem:s0+$0x6800] =	vst v11;
	v11 =	vor.u32 v4, v14;
	s0 =	sshra.s32 s15, $0x2;
	s15 =	smov.u32 s30  }
0x113: {  	[tilespmem:s0+$0x8C00] =	vst v11;
	v11 =	vor.u32 v5, v14;
	s0 =	sor.u32 s10, s6;
	v14 =	vor.u32 v17, v16;
	v16 =	vand.u32 $0x7F, v19  }
0x114: {  	[tilespmem:s0+$0x9400] =	vst v11;
	v11 =	vor.u32 v4, v14;
	v14 =	vor.u32 v5, v14;
	v16 =	vor.u32 v20, v16  }
0x115: {  	v10 =	vxor.u32 v10, v7;
	v8 =	vxor.u32 v8, v18;
	[tilespmem:s0+$0x9100] =	vst v11  }
0x116: {  	v11 =	vshll.u32 v8, $0x1;
	[tilespmem:s0+$0x9900] =	vst v14  }
0x117: {  	v8 =	vand.u32 $0x7F, v8;
	v14 =	vshll.u32 v10, $0x1;
	v11 =	vand.u32 $0xFFF00, v11;
	[tilespmem:s0+$0x8E00] =	vst v12  }
0x118: {  	v10 =	vand.u32 $0x7F, v10;
	v12 =	vand.u32 $0xFFF00, v14;
	[tilespmem:s0+$0x9600] =	vst v13;
	v13 =	vor.u32 v4, v15  }
0x119: {  	v8 =	vor.u32 v11, v8;
	v10 =	vor.u32 v12, v10;
	v12 =	vor.u32 v5, v15;
	[tilespmem:s0+$0x9000] =	vst v13  }
0x11a: {  	v7 =	vxor.u32 v7, v9;
	v11 =	vor.u32 v4, v10;
	[tilespmem:s0+$0x9800] =	vst v12  }
0x11b: {  	v9 =	vor.u32 v5, v10;
	v10 =	vshll.u32 v7, $0x1;
	[tilespmem:s0+$0x8D00] =	vst v11  }
0x11c: {  	v7 =	vand.u32 $0x7F, v7;
	[tilespmem:s0+$0x9500] =	vst v9;
	v9 =	vand.u32 $0xFFF00, v10;
	v10 =	vor.u32 v4, v16  }
0x11d: {  	s6 =	sand.u32 $0x80, s31;
	s10 =	sand.u32 $0x70, s31;
	v7 =	vor.u32 v9, v7;
	[tilespmem:s0+$0x9300] =	vst v10;
	v9 =	vor.u32 v5, v16  }
0x11e: {  	s2 =	sadd.s32 s6, s19;
	s31 =	sadd.s32 s6, s8;
	s21 =	sadd.s32 s6, s7;
	v10 =	vor.u32 v4, v7;
	v7 =	vor.u32 v5, v7;
	[tilespmem:s0+$0x9B00] =	vst v9  }
0x11f: {  	s2 =	sadd.s32 s10, s2;
	s31 =	sadd.s32 s10, s31;
	s21 =	sadd.s32 s10, s21;
	[tilespmem:s0+$0x8F00] =	vst v10  }
0x120: {  	[tilespmem:s0+$0x9700] =	vst v7;
	v7 =	vor.u32 v4, v8  }
0x121: {  	[tilespmem:s0+$0x9200] =	vst v7;
	v7 =	vor.u32 v5, v8  }
0x122: {  	[tilespmem:s0+$0x9A00] =	vst v7;
	_ =	sdelay $0x1  }
0x123: {  	v7 =	vld [tilespmem:s21+$0x0]  }
0x124: {  	v8 =	vld [tilespmem:s31+$0x0]  }
0x125: {  	v9 =	vld [tilespmem:s2+$0x0];
	_ =	sdelay $0x2  }
0x126: {  	v7 =	vmul.f32 v6, v7  }
0x127: {  	v10 =	vmul.f32 v6, v8  }
0x128: {  	v11 =	vmul.f32 v6, v9;
	v8 =	vtrunc.f32 v7  }
0x129: {  	v9 =	vtrunc.f32 v10;
	v8 =	vcvt.f32.s32 v8  }
0x12a: {  	v12 =	vtrunc.f32 v11;
	v9 =	vcvt.f32.s32 v9  }
.Ltmp3:
0x12b: {  	v14 =	vcvt.f32.s32 v12;
	v13 =	vcvt.s32.f32 v8;
	v8 =	vmul.u32 $0x30025795, v8;
	(pc) =	sbr.rel @p0 .LBB2_9-.Ltmp3, $4  }
0x12c: {  	v15 =	vcvt.s32.f32 v9;
	v16 =	vmul.u32 $0x9E3779B1, v9  }
0x12d: {  	v12 =	vcvt.s32.f32 v14;
	v13 =	vsub.f32 v7, v13;
	v7 =	vadd.s32 $0x30025795, v8  }
0x12e: {  	v15 =	vsub.f32 v10, v15;
	v18 =	vadd.s32 $0x9E3779B1, v16;
	v10 =	vxor.u32 v14, v16  }
0x12f: {  	v17 =	vadd.s32 $0x1, v14;
	v9 =	vxor.u32 v14, v18;
	v14 =	vxor.u32 v8, v10  }
0x130: {  	v6 =	vxor.u32 v17, v18;
	v50 =	vshll.u32 v14, $0x1;
	v19 =	vxor.u32 v8, v9  }
0x131: {  	s0 =	sand.u32 $0x200, s15;
	v16 =	vxor.u32 v17, v16;
	v11 =	vsub.f32 v11, v12;
	v54 =	vand.u32 $0x7F, v14  }
0x132: {  	v10 =	vxor.u32 v10, v7;
	v51 =	vand.u32 $0xFFF00, v50;
	v52 =	vshll.u32 v19, $0x1;
	s0 =	sor.u32 s10, s0  }
0x133: {  	v19 =	vand.u32 $0x7F, v19;
	v20 =	vxor.u32 v8, v16;
	v53 =	vxor.u32 v16, v7;
	[tilespmem:s0+$0x6880] =	vst v15  }
0x134: {  	v63 =	vxor.u32 v7, v6;
	v22 =	vshll.u32 v10, $0x1;
	[tilespmem:s0+$0x6900] =	vst v13;
	v14 =	vor.u32 v51, v54  }
0x135: {  	s22 =	sshra.s32 s15, $0x2;
	v18 =	vand.u32 $0xFFF00, v52;
	v56 =	vshll.u32 v53, $0x1;
	[tilespmem:s0+$0x6800] =	vst v11;
	v57 =	vor.u32 v4, v14  }
0x136: {  	s30 =	sor.u32 s10, s6;
	v12 =	vand.u32 $0x7F, v53;
	v55 =	vor.u32 v18, v19;
	v59 =	vor.u32 v5, v14;
	[tilespmem:s22+$0x8C00] =	vst v57  }
0x137: {  	v58 =	vshll.u32 v20, $0x1;
	v15 =	vand.u32 $0xFFF00, v56;
	v61 =	vor.u32 v4, v55;
	[tilespmem:s30+$0x9400] =	vst v59  }
0x138: {  	v60 =	vand.u32 $0x7F, v20;
	v12 =	vor.u32 v15, v12;
	v20 =	vor.u32 v5, v55;
	[tilespmem:s30+$0x8E00] =	vst v61  }
0x139: {  	v10 =	vand.u32 $0x7F, v10;
	v16 =	vand.u32 $0xFFF00, v58;
	v62 =	vor.u32 v4, v12;
	[tilespmem:s30+$0x9600] =	vst v20  }
0x13a: {  	v7 =	vxor.u32 v7, v9;
	v18 =	vor.u32 v16, v60;
	v12 =	vor.u32 v5, v12;
	[tilespmem:s30+$0x9100] =	vst v62  }
0x13b: {  	v6 =	vxor.u32 v8, v6;
	v14 =	vand.u32 $0xFFF00, v22;
	v23 =	vor.u32 v4, v18;
	[tilespmem:s30+$0x9900] =	vst v12  }
0x13c: {  	v9 =	vshll.u32 v7, $0x1;
	v10 =	vor.u32 v14, v10;
	v11 =	vor.u32 v5, v18;
	[tilespmem:s30+$0x9000] =	vst v23  }
0x13d: {  	v7 =	vand.u32 $0x7F, v7;
	v28 =	vand.u32 $0xFFF00, v9;
	v26 =	vor.u32 v4, v10;
	[tilespmem:s30+$0x9800] =	vst v11  }
0x13e: {  	v19 =	vshll.u32 v63, $0x1;
	v7 =	vor.u32 v28, v7;
	v27 =	vor.u32 v5, v10;
	[tilespmem:s30+$0x8D00] =	vst v26  }
0x13f: {  	v24 =	vand.u32 $0x7F, v63;
	v21 =	vand.u32 $0xFFF00, v19;
	v33 =	vor.u32 v4, v7;
	[tilespmem:s30+$0x9500] =	vst v27  }
0x140: {  	v30 =	vshll.u32 v6, $0x1;
	v25 =	vor.u32 v21, v24;
	v7 =	vor.u32 v5, v7;
	[tilespmem:s30+$0x8F00] =	vst v33  }
0x141: {  	v6 =	vand.u32 $0x7F, v6;
	v32 =	vand.u32 $0xFFF00, v30;
	v29 =	vor.u32 v4, v25;
	[tilespmem:s30+$0x9700] =	vst v7  }
0x142: {  	v6 =	vor.u32 v32, v6;
	v31 =	vor.u32 v5, v25;
	[tilespmem:s30+$0x9300] =	vst v29  }
0x143: {  	v4 =	vor.u32 v4, v6;
	[tilespmem:s30+$0x9B00] =	vst v31  }
0x144: {  	[tilespmem:s30+$0x9200] =	vst v4;
	v4 =	vor.u32 v5, v6  }
0x145: {  	s31 =	simm.s32 $0x8C00;
	s2 =	simm.s32 $0xBC00;
	[tilespmem:s30+$0x9A00] =	vst v4  }
0x146: {  	[tilespmem:s2], [sflag:$0x3] =	stream.indirect.gather [hbm4b:s1+s9], $0x1, s31, s9, $0xb8;
	[tilespmem:$0xDC00] =	vst v63  }
0x147: {  	s6 =	simm.s32 $0x9400;
	s7 =	simm.s32 $0xC400  }
0x148: {  	[tilespmem:s7], [sflag:$0x3] =	stream.indirect.gather [hbm4b:s1+s9], $0x1, s6, s9, $0xb8;
	[tilespmem:$0xDC00] =	vst v63  }
0x149: {  	_ =	swait.ge [sflag:s20], $0x800  }
0x14a: {  	[sflag:s20] =	ssyncset.done $0x0  }
0x14b: {  	[sflag:s20] =	ssyncadd.s32 $0xFFFFF800  }
0x14c: {  	s8 =	simm.s32 $0x0;
	s10 =	simm.s32 $0x0;
	_ =	swait.ge [sflag:s20], $0x800  }
0x14d: {  	s15 =	sand.u32 $0x70, s8;
	s6 =	sand.u32 $0x3FFFFE00, s10;
	[sflag:s20] =	ssyncset.done $0x0  }
0x14e: {  	s6 =	sor.u32 s15, s6;
	[sflag:s20] =	ssyncadd.s32 $0xFFFFF800  }
0x14f: {  	v4 =	vld [tilespmem:s6+$0x6080]  }
0x150: {  	v5 =	vld [tilespmem:s6+$0x6000];
	_ =	sdelay $0x1  }
0x151: {  	v6 =	vld [tilespmem:s6+$0x6100];
	_ =	sdelay $0x2  }
0x152: {  	s2 =	sand.u32 $0xF0, s8;
	v7 =	vsub.f32 $1.000000000e+00, v5;
	v34 =	vsub.f32 $1.000000000e+00, v4  }
0x153: {  	s8 =	simm.s32 $0x9C00;
	v35 =	vld [tilespmem:s2+$0xA400]  }
0x154: {  	v36 =	vld [tilespmem:s8+$0x0];
	v37 =	vsub.f32 $1.000000000e+00, v6;
	v38 =	vmul.f32 v34, v7  }
0x155: {  	v39 =	vld [tilespmem:s2+$0xA500]  }
0x156: {  	v40 =	vld [tilespmem:s2+$0x9D00];
	v41 =	vmul.f32 v37, v38  }
0x157: {  	v42 =	vld [tilespmem:s2+$0xA600];
	v7 =	vmul.f32 v4, v7  }
0x158: {  	v43 =	vld [tilespmem:s2+$0x9E00];
	v12 =	vmul.f32 v38, v6;
	v9 =	vmul.f32 v41, v35  }
0x159: {  	v44 =	vld [tilespmem:s2+$0xA700];
	v10 =	vmul.f32 v41, v36  }
0x15a: {  	v45 =	vld [tilespmem:s2+$0x9F00];
	v46 =	vmul.f32 v37, v7;
	v13 =	vmul.f32 v39, v12;
	v9 =	vadd.f32 $0.0e+00, v9  }
0x15b: {  	v47 =	vld [tilespmem:s2+$0xA800];
	v8 =	vmul.f32 v34, v5;
	v12 =	vmul.f32 v40, v12;
	v10 =	vadd.f32 $0.0e+00, v10  }
0x15c: {  	v48 =	vld [tilespmem:s2+$0xA000];
	v7 =	vmul.f32 v6, v7;
	v49 =	vmul.f32 v42, v46;
	v9 =	vadd.f32 v13, v9  }
0x15d: {  	v50 =	vld [tilespmem:s2+$0xA900];
	v51 =	vmul.f32 v43, v46;
	v10 =	vadd.f32 v12, v10  }
0x15e: {  	v52 =	vld [tilespmem:s2+$0xA100];
	v54 =	vmul.f32 v37, v8;
	v53 =	vmul.f32 v44, v7;
	v9 =	vadd.f32 v49, v9  }
0x15f: {  	v55 =	vld [tilespmem:s2+$0xAA00];
	v4 =	vmul.f32 v4, v5;
	v7 =	vmul.f32 v45, v7;
	v5 =	vadd.f32 v51, v10  }
0x160: {  	v58 =	vld [tilespmem:s2+$0xA200];
	v8 =	vmul.f32 v8, v6;
	v57 =	vmul.f32 v47, v54;
	v9 =	vadd.f32 v53, v9  }
0x161: {  	v56 =	vld [tilespmem:s2+$0xAB00];
	v5 =	vadd.f32 v7, v5;
	v7 =	vmul.f32 v48, v54  }
0x162: {  	s21 =	smul.u32 $0x300, s18;
	v60 =	vld [tilespmem:s2+$0xA300];
	v11 =	vmul.f32 v37, v4;
	v59 =	vmul.f32 v50, v8;
	v9 =	vadd.f32 v57, v9  }
0x163: {  	s7 =	smul.u32 $0x600, s18;
	v5 =	vadd.f32 v7, v5;
	v7 =	vmul.f32 v52, v8  }
0x164: {  	v4 =	vmul.f32 v6, v4;
	v62 =	vmul.f32 v55, v11;
	v61 =	vadd.f32 v59, v9  }
0x165: {  	s22 =	sand.u32 $0x800, s7;
	s6 =	sand.u32 $0x300, s21;
	v6 =	vmul.f32 v58, v11;
	v5 =	vadd.f32 v7, v5  }
0x166: {  	s30 =	simm.s32 $0x0;
	s2 =	sor.u32 s6, s22;
	v63 =	vmul.f32 v56, v4;
	v7 =	vadd.f32 v62, v61  }
0x167: {  	s31 =	sand.u32 $0x3FFFFC00, s30;
	s7 =	sadd.s32 $0xCC00, s2;
	v4 =	vmul.f32 v60, v4;
	v5 =	vadd.f32 v6, v5  }
0x168: {  	s16 =	simm.s32 $0x40;
	s2 =	sadd.s32 s31, s7;
	v6 =	vadd.f32 v63, v7  }
0x169: {  	s10 =	simm.s32 $0x1;
	s6 =	simm.s32 $0x10;
	s0 =	sadd.s32 s15, s2;
	v4 =	vadd.f32 v4, v5  }
0x16a: {  	s15 =	sand.u32 $0x70, s6;
	s2 =	sand.u32 $0x3FFFFE00, s16;
	s16 =	simm.s32 $0x2;
	[tilespmem:s0+$0x80] =	vst v6  }
.LBB2_11:
0x16b: {  	p0 =	sne.s32 s16, $0xF;
	s2 =	sor.u32 s15, s2;
	[tilespmem:s0+$0x0] =	vst v4  }
0x16c: {  	v4 =	vld [tilespmem:s2+$0x6080]  }
0x16d: {  	s0 =	sand.u32 $0xF0, s6;
	v5 =	vld [tilespmem:s2+$0x6000]  }
0x16e: {  	v6 =	vld [tilespmem:s0+$0x9D00]  }
0x16f: {  	v7 =	vld [tilespmem:s2+$0x6100]  }
0x170: {  	v8 =	vld [tilespmem:s0+$0x9E00]  }
0x171: {  	s8 =	sadd.s32 $0x10, s8;
	v9 =	vld [tilespmem:s0+$0x9F00]  }
0x172: {  	v11 =	vsub.f32 $1.000000000e+00, v4;
	v10 =	vsub.f32 $1.000000000e+00, v5;
	v12 =	vld [tilespmem:s8+$0x0]  }
0x173: {  	v13 =	vld [tilespmem:s0+$0xA400]  }
0x174: {  	v14 =	vsub.f32 $1.000000000e+00, v7;
	v15 =	vmul.f32 v11, v10;
	v16 =	vld [tilespmem:s0+$0xA500]  }
0x175: {  	v17 =	vld [tilespmem:s0+$0xA600]  }
0x176: {  	v18 =	vmul.f32 v14, v15;
	v19 =	vld [tilespmem:s0+$0xA700]  }
0x177: {  	v10 =	vmul.f32 v4, v10;
	v20 =	vld [tilespmem:s0+$0xA800]  }
0x178: {  	v15 =	vmul.f32 v15, v7;
	v13 =	vmul.f32 v18, v13;
	v21 =	vld [tilespmem:s0+$0xA900]  }
0x179: {  	v12 =	vmul.f32 v18, v12;
	v18 =	vld [tilespmem:s0+$0xAA00]  }
0x17a: {  	v22 =	vmul.f32 v14, v10;
	v16 =	vmul.f32 v16, v15;
	v13 =	vadd.f32 $0.0e+00, v13;
	v23 =	vld [tilespmem:s0+$0xAB00]  }
0x17b: {  	v11 =	vmul.f32 v11, v5;
	v6 =	vmul.f32 v6, v15;
	v12 =	vadd.f32 $0.0e+00, v12;
	v15 =	vld [tilespmem:s0+$0xA000]  }
0x17c: {  	v10 =	vmul.f32 v7, v10;
	v13 =	vadd.f32 v16, v13;
	v16 =	vmul.f32 v17, v22;
	v17 =	vld [tilespmem:s0+$0xA100]  }
0x17d: {  	v8 =	vmul.f32 v8, v22;
	v6 =	vadd.f32 v6, v12;
	v12 =	vld [tilespmem:s0+$0xA200]  }
0x17e: {  	v13 =	vadd.f32 v16, v13;
	v16 =	vmul.f32 v19, v10;
	v19 =	vmul.f32 v14, v11;
	v22 =	vld [tilespmem:s0+$0xA300]  }
0x17f: {  	v4 =	vmul.f32 v4, v5;
	v5 =	vadd.f32 v8, v6;
	v6 =	vmul.f32 v9, v10  }
0x180: {  	v10 =	vmul.f32 v11, v7;
	v8 =	vadd.f32 v16, v13;
	v9 =	vmul.f32 v20, v19  }
0x181: {  	v5 =	vadd.f32 v6, v5;
	v6 =	vmul.f32 v15, v19  }
0x182: {  	v11 =	vmul.f32 v14, v4;
	v8 =	vadd.f32 v9, v8;
	v9 =	vmul.f32 v21, v10  }
0x183: {  	v5 =	vadd.f32 v6, v5;
	v6 =	vmul.f32 v17, v10  }
0x184: {  	v4 =	vmul.f32 v7, v4;
	v8 =	vadd.f32 v9, v8;
	v9 =	vmul.f32 v18, v11  }
0x185: {  	v5 =	vadd.f32 v6, v5;
	v6 =	vmul.f32 v12, v11  }
.Ltmp4:
0x186: {  	s0 =	sshll.u32 s10, $0x7;
	s10 =	smov.u32 s16;
	v7 =	vadd.f32 v9, v8;
	v8 =	vmul.f32 v22, v4;
	v4 =	vmul.f32 v23, v4;
	(pc) =	sbr.rel @p0 .LBB2_11-.Ltmp4, $4  }
0x187: {  	s0 =	sand.u32 $0x3FFFFC00, s0;
	v5 =	vadd.f32 v6, v5  }
0x188: {  	s0 =	sadd.s32 s0, s7;
	v6 =	vadd.f32 v4, v7  }
0x189: {  	s6 =	sadd.s32 $0x10, s6;
	s2 =	sshll.u32 s16, $0x6;
	s0 =	sadd.s32 s15, s0;
	v4 =	vadd.f32 v8, v5  }
0x18a: {  	s2 =	sand.u32 $0x3FFFFE00, s2;
	s16 =	sadd.s32 $0x1, s16;
	s15 =	sand.u32 $0x70, s6;
	[tilespmem:s0+$0x80] =	vst v6  }
0x18b: {  	s2 =	sor.u32 s15, s2;
	[tilespmem:s0+$0x0] =	vst v4  }
0x18c: {  	v4 =	vld [tilespmem:s2+$0x6080]  }
0x18d: {  	v5 =	vld [tilespmem:s2+$0x6000];
	_ =	sdelay $0x1  }
0x18e: {  	v6 =	vld [tilespmem:s2+$0x6100];
	_ =	sdelay $0x2  }
0x18f: {  	s22 =	sand.u32 $0xF0, s6;
	v7 =	vsub.f32 $1.000000000e+00, v5;
	v8 =	vsub.f32 $1.000000000e+00, v4  }
0x190: {  	s6 =	sadd.s32 $0x10, s8;
	v9 =	vld [tilespmem:s22+$0xA400]  }
0x191: {  	v10 =	vld [tilespmem:s6+$0x0];
	v11 =	vsub.f32 $1.000000000e+00, v6;
	v12 =	vmul.f32 v8, v7  }
0x192: {  	v13 =	vld [tilespmem:s22+$0xA500]  }
0x193: {  	v14 =	vld [tilespmem:s22+$0x9D00];
	v15 =	vmul.f32 v11, v12  }
0x194: {  	v16 =	vld [tilespmem:s22+$0xA600];
	v7 =	vmul.f32 v4, v7  }
0x195: {  	v17 =	vld [tilespmem:s22+$0x9E00];
	v12 =	vmul.f32 v12, v6;
	v9 =	vmul.f32 v15, v9  }
0x196: {  	v18 =	vld [tilespmem:s22+$0xA700];
	v10 =	vmul.f32 v15, v10  }
0x197: {  	v19 =	vmul.f32 v11, v7;
	v15 =	vld [tilespmem:s22+$0x9F00];
	v13 =	vmul.f32 v13, v12;
	v9 =	vadd.f32 $0.0e+00, v9  }
0x198: {  	v20 =	vld [tilespmem:s22+$0xA800];
	v8 =	vmul.f32 v8, v5;
	v12 =	vmul.f32 v14, v12;
	v10 =	vadd.f32 $0.0e+00, v10  }
0x199: {  	v7 =	vmul.f32 v6, v7;
	v14 =	vld [tilespmem:s22+$0xA000];
	v9 =	vadd.f32 v13, v9;
	v13 =	vmul.f32 v16, v19  }
0x19a: {  	v16 =	vld [tilespmem:s22+$0xA900];
	v10 =	vadd.f32 v12, v10;
	v12 =	vmul.f32 v17, v19  }
0x19b: {  	v17 =	vld [tilespmem:s22+$0xA100];
	v9 =	vadd.f32 v13, v9;
	v13 =	vmul.f32 v18, v7;
	v18 =	vmul.f32 v11, v8  }
0x19c: {  	v4 =	vmul.f32 v4, v5;
	v19 =	vld [tilespmem:s22+$0xAA00];
	v5 =	vadd.f32 v12, v10;
	v7 =	vmul.f32 v15, v7  }
0x19d: {  	v10 =	vld [tilespmem:s22+$0xA200];
	v8 =	vmul.f32 v8, v6;
	v9 =	vadd.f32 v13, v9;
	v12 =	vmul.f32 v20, v18  }
0x19e: {  	v13 =	vld [tilespmem:s22+$0xAB00];
	v5 =	vadd.f32 v7, v5;
	v7 =	vmul.f32 v14, v18  }
0x19f: {  	v11 =	vmul.f32 v11, v4;
	v14 =	vld [tilespmem:s22+$0xA300];
	v9 =	vadd.f32 v12, v9;
	v12 =	vmul.f32 v16, v8  }
0x1a0: {  	v5 =	vadd.f32 v7, v5;
	v7 =	vmul.f32 v17, v8  }
0x1a1: {  	v4 =	vmul.f32 v6, v4;
	v8 =	vadd.f32 v12, v9;
	v9 =	vmul.f32 v19, v11  }
0x1a2: {  	v6 =	vmul.f32 v10, v11;
	v5 =	vadd.f32 v7, v5  }
0x1a3: {  	s8 =	sand.u32 $0x7, s3;
	s10 =	sshll.u32 s10, $0x7;
	v7 =	vadd.f32 v9, v8;
	v8 =	vmul.f32 v13, v4  }
0x1a4: {  	p0 =	sne.s32 s8, $0x7;
	s16 =	sand.u32 $0x3FFFFC00, s10;
	v4 =	vmul.f32 v14, v4;
	v5 =	vadd.f32 v6, v5  }
0x1a5: {  	s2 =	smul.u32 @!p0 $0x60, s18;
	s0 =	sadd.s32 s16, s7;
	v6 =	vadd.f32 v8, v7  }
0x1a6: {  	s0 =	sadd.s32 s15, s0;
	v4 =	vadd.f32 v4, v5  }
0x1a7: {  	s6 =	simm.s32 @!p0 $0x100000;
	s2 =	sand.u32 @!p0 $0x1F00, s2;
	[tilespmem:s0+$0x80] =	vst v6  }
0x1a8: {  	s7 =	simm.s32 @!p0 $0xCC00;
	s2 =	sadd.s32 @!p0 s2, s5;
	[tilespmem:s0+$0x0] =	vst v4;
	s0 =	simm.s32 @!p0 $0x800  }
0x1a9: {  	[hbm4b:s2+s0] =	stream.strided.scatter @!p0 [tilespmem:s7], [sflag:$0x5], $0x1000, s6, s0, $0x38;
	[tilespmem:$0xDC00] =	vst v63  }
0x1aa: {  	s0 =	sadd.s32 $0x3, s3  }
0x1ab: {  	s10 =	simm.s32 $0x0;
	s21 =	sshll.u32 s0, $0x5  }
0x1ac: {  	s16 =	sand.u32 $0x70, s10;
	s2 =	simm.s32 @!p0 $0x5;
	s7 =	sand.u32 $0x3F00, s21  }
0x1ad: {  	s6 =	sand.u32 $0x80, s10;
	_ =	swait.ge @!p0 [sflag:s2], $0x1000;
	s8 =	sadd.s32 $0x2000, s7  }
0x1ae: {  	[sflag:s2] =	ssyncset.done @!p0 $0x0;
	s15 =	sadd.s32 $0x1000, s7;
	s21 =	sadd.s32 s6, s8  }
0x1af: {  	[sflag:s2] =	ssyncadd.s32 @!p0 $0xFFFFF000;
	s22 =	sadd.s32 s6, s15;
	s21 =	sadd.s32 s16, s21  }
0x1b0: {  	s30 =	sadd.s32 s6, s7;
	s2 =	sadd.s32 s16, s22;
	v4 =	vld [tilespmem:s21+$0x0]  }
0x1b1: {  	s0 =	sand.u32 $0x7, s0;
	s22 =	sadd.s32 s16, s30;
	v5 =	vld [tilespmem:s2+$0x0]  }
0x1b2: {  	v6 =	vshll.u32 v3, s0;
	v7 =	vld [tilespmem:s22+$0x0]  }
0x1b3: {  	v6 =	vcvt.s32.f32 v6;
	_ =	sdelay $0x1  }
0x1b4: {  	v9 =	vmul.f32 v6, v4  }
0x1b5: {  	v10 =	vmul.f32 v6, v5  }
0x1b6: {  	v11 =	vmul.f32 v6, v7;
	v4 =	vtrunc.f32 v9  }
0x1b7: {  	v5 =	vmov s0;
	v7 =	vtrunc.f32 v10;
	v8 =	vcvt.f32.s32 v4  }
0x1b8: {  	v4 =	vshll.u32 v5, $0x14;
	v5 =	vtrunc.f32 v11;
	v7 =	vcvt.f32.s32 v7  }
0x1b9: {  	v14 =	vcvt.f32.s32 v5;
	v5 =	vor.u32 $0x80, v4;
	v13 =	vcvt.s32.f32 v8  }
0x1ba: {  	v8 =	vmul.u32 $0x30025795, v8;
	v15 =	vcvt.s32.f32 v7;
	v16 =	vmul.u32 $0x9E3779B1, v7  }
0x1bb: {  	v12 =	vcvt.s32.f32 v14;
	v17 =	vadd.s32 $0x1, v14;
	v13 =	vsub.f32 v9, v13  }
0x1bc: {  	v15 =	vsub.f32 v10, v15;
	v18 =	vadd.s32 $0x9E3779B1, v16;
	v10 =	vxor.u32 v14, v16  }
0x1bd: {  	s31 =	simm.s32 $0x0;
	s30 =	simm.s32 $0x10;
	v7 =	vadd.s32 $0x30025795, v8;
	v9 =	vxor.u32 v14, v18;
	v14 =	vxor.u32 v8, v10  }
.LBB2_13:
0x1be: {  	p0 =	sne.s32 s30, $0xF0;
	s0 =	sand.u32 $0x200, s10;
	v18 =	vxor.u32 v17, v18;
	v19 =	vshll.u32 v14, $0x1;
	v20 =	vxor.u32 v8, v9;
	s31 =	sadd.s32 $0x40, s31  }
0x1bf: {  	v16 =	vxor.u32 v17, v16;
	s2 =	sor.u32 s16, s0;
	v17 =	vand.u32 $0xFFF00, v19;
	v19 =	vshll.u32 v20, $0x1;
	s0 =	smov.u32 s30;
	s30 =	sadd.s32 $0x10, s30  }
0x1c0: {  	[tilespmem:s2+$0x6080] =	vst v15;
	v15 =	vand.u32 $0xFFF00, v19;
	v19 =	vand.u32 $0x7F, v20;
	v20 =	vxor.u32 v8, v16  }
0x1c1: {  	[tilespmem:s2+$0x6100] =	vst v13;
	v13 =	vor.u32 v15, v19;
	v15 =	vshll.u32 v20, $0x1;
	v19 =	vand.u32 $0x7F, v20  }
0x1c2: {  	v11 =	vsub.f32 v11, v12;
	v12 =	vor.u32 v4, v13;
	v15 =	vand.u32 $0xFFF00, v15  }
0x1c3: {  	v16 =	vxor.u32 v16, v7;
	v15 =	vor.u32 v15, v19;
	v19 =	vxor.u32 v7, v18  }
0x1c4: {  	v14 =	vand.u32 $0x7F, v14;
	v20 =	vshll.u32 v16, $0x1;
	v16 =	vand.u32 $0x7F, v16  }
0x1c5: {  	v14 =	vor.u32 v17, v14;
	v17 =	vand.u32 $0xFFF00, v20;
	v20 =	vshll.u32 v19, $0x1  }
0x1c6: {  	v13 =	vor.u32 v5, v13;
	v20 =	vand.u32 $0xFFF00, v20;
	[tilespmem:s2+$0x6000] =	vst v11;
	v11 =	vor.u32 v4, v14;
	s2 =	sshra.s32 s10, $0x2;
	s10 =	smov.u32 s31  }
0x1c7: {  	[tilespmem:s2+$0x6C00] =	vst v11;
	v11 =	vor.u32 v5, v14;
	s2 =	sor.u32 s16, s6;
	v14 =	vor.u32 v17, v16;
	v16 =	vand.u32 $0x7F, v19  }
0x1c8: {  	[tilespmem:s2+$0x7400] =	vst v11;
	v11 =	vor.u32 v4, v14;
	v14 =	vor.u32 v5, v14;
	v16 =	vor.u32 v20, v16  }
0x1c9: {  	v10 =	vxor.u32 v10, v7;
	v8 =	vxor.u32 v8, v18;
	[tilespmem:s2+$0x7100] =	vst v11  }
0x1ca: {  	v11 =	vshll.u32 v8, $0x1;
	[tilespmem:s2+$0x7900] =	vst v14  }
0x1cb: {  	v8 =	vand.u32 $0x7F, v8;
	v14 =	vshll.u32 v10, $0x1;
	v11 =	vand.u32 $0xFFF00, v11;
	[tilespmem:s2+$0x6E00] =	vst v12  }
0x1cc: {  	v10 =	vand.u32 $0x7F, v10;
	v12 =	vand.u32 $0xFFF00, v14;
	[tilespmem:s2+$0x7600] =	vst v13;
	v13 =	vor.u32 v4, v15  }
0x1cd: {  	v8 =	vor.u32 v11, v8;
	v10 =	vor.u32 v12, v10;
	v12 =	vor.u32 v5, v15;
	[tilespmem:s2+$0x7000] =	vst v13  }
0x1ce: {  	v7 =	vxor.u32 v7, v9;
	v11 =	vor.u32 v4, v10;
	[tilespmem:s2+$0x7800] =	vst v12  }
0x1cf: {  	v9 =	vor.u32 v5, v10;
	v10 =	vshll.u32 v7, $0x1;
	[tilespmem:s2+$0x6D00] =	vst v11  }
0x1d0: {  	v7 =	vand.u32 $0x7F, v7;
	[tilespmem:s2+$0x7500] =	vst v9;
	v9 =	vand.u32 $0xFFF00, v10;
	v10 =	vor.u32 v4, v16  }
0x1d1: {  	s6 =	sand.u32 $0x80, s0;
	s16 =	sand.u32 $0x70, s0;
	v7 =	vor.u32 v9, v7;
	[tilespmem:s2+$0x7300] =	vst v10;
	v9 =	vor.u32 v5, v16  }
0x1d2: {  	s0 =	sadd.s32 s6, s7;
	s21 =	sadd.s32 s6, s15;
	s22 =	sadd.s32 s6, s8;
	v10 =	vor.u32 v4, v7;
	v7 =	vor.u32 v5, v7;
	[tilespmem:s2+$0x7B00] =	vst v9  }
0x1d3: {  	s0 =	sadd.s32 s16, s0;
	s21 =	sadd.s32 s16, s21;
	s22 =	sadd.s32 s16, s22;
	[tilespmem:s2+$0x6F00] =	vst v10  }
0x1d4: {  	[tilespmem:s2+$0x7700] =	vst v7;
	v7 =	vor.u32 v4, v8  }
0x1d5: {  	[tilespmem:s2+$0x7200] =	vst v7;
	v7 =	vor.u32 v5, v8  }
0x1d6: {  	[tilespmem:s2+$0x7A00] =	vst v7;
	_ =	sdelay $0x1  }
0x1d7: {  	v7 =	vld [tilespmem:s22+$0x0]  }
0x1d8: {  	v8 =	vld [tilespmem:s21+$0x0]  }
0x1d9: {  	v9 =	vld [tilespmem:s0+$0x0];
	_ =	sdelay $0x2  }
0x1da: {  	v7 =	vmul.f32 v6, v7  }
0x1db: {  	v10 =	vmul.f32 v6, v8  }
0x1dc: {  	v11 =	vmul.f32 v6, v9;
	v8 =	vtrunc.f32 v7  }
0x1dd: {  	v9 =	vtrunc.f32 v10;
	v8 =	vcvt.f32.s32 v8  }
0x1de: {  	v12 =	vtrunc.f32 v11;
	v9 =	vcvt.f32.s32 v9  }
.Ltmp5:
0x1df: {  	v14 =	vcvt.f32.s32 v12;
	v13 =	vcvt.s32.f32 v8;
	v8 =	vmul.u32 $0x30025795, v8;
	(pc) =	sbr.rel @p0 .LBB2_13-.Ltmp5, $4  }
0x1e0: {  	v15 =	vcvt.s32.f32 v9;
	v16 =	vmul.u32 $0x9E3779B1, v9  }
0x1e1: {  	v12 =	vcvt.s32.f32 v14;
	v13 =	vsub.f32 v7, v13;
	v7 =	vadd.s32 $0x30025795, v8  }
0x1e2: {  	v15 =	vsub.f32 v10, v15;
	v18 =	vadd.s32 $0x9E3779B1, v16;
	v10 =	vxor.u32 v14, v16  }
0x1e3: {  	v17 =	vadd.s32 $0x1, v14;
	v9 =	vxor.u32 v14, v18;
	v14 =	vxor.u32 v8, v10  }
0x1e4: {  	v6 =	vxor.u32 v17, v18;
	v50 =	vshll.u32 v14, $0x1;
	v19 =	vxor.u32 v8, v9  }
0x1e5: {  	s0 =	sand.u32 $0x200, s10;
	v16 =	vxor.u32 v17, v16;
	v11 =	vsub.f32 v11, v12;
	v54 =	vand.u32 $0x7F, v14  }
0x1e6: {  	v10 =	vxor.u32 v10, v7;
	v51 =	vand.u32 $0xFFF00, v50;
	v52 =	vshll.u32 v19, $0x1;
	s0 =	sor.u32 s16, s0  }
0x1e7: {  	v19 =	vand.u32 $0x7F, v19;
	v20 =	vxor.u32 v8, v16;
	v53 =	vxor.u32 v16, v7;
	[tilespmem:s0+$0x6080] =	vst v15  }
0x1e8: {  	v63 =	vxor.u32 v7, v6;
	v22 =	vshll.u32 v10, $0x1;
	[tilespmem:s0+$0x6100] =	vst v13;
	v14 =	vor.u32 v51, v54  }
0x1e9: {  	s2 =	sshra.s32 s10, $0x2;
	v18 =	vand.u32 $0xFFF00, v52;
	v56 =	vshll.u32 v53, $0x1;
	[tilespmem:s0+$0x6000] =	vst v11;
	v57 =	vor.u32 v4, v14  }
0x1ea: {  	s7 =	sor.u32 s16, s6;
	v12 =	vand.u32 $0x7F, v53;
	v55 =	vor.u32 v18, v19;
	v59 =	vor.u32 v5, v14;
	[tilespmem:s2+$0x6C00] =	vst v57  }
0x1eb: {  	v58 =	vshll.u32 v20, $0x1;
	v15 =	vand.u32 $0xFFF00, v56;
	v61 =	vor.u32 v4, v55;
	[tilespmem:s7+$0x7400] =	vst v59  }
0x1ec: {  	v60 =	vand.u32 $0x7F, v20;
	v12 =	vor.u32 v15, v12;
	v20 =	vor.u32 v5, v55;
	[tilespmem:s7+$0x6E00] =	vst v61  }
0x1ed: {  	v10 =	vand.u32 $0x7F, v10;
	v16 =	vand.u32 $0xFFF00, v58;
	v62 =	vor.u32 v4, v12;
	[tilespmem:s7+$0x7600] =	vst v20  }
0x1ee: {  	v7 =	vxor.u32 v7, v9;
	v18 =	vor.u32 v16, v60;
	v12 =	vor.u32 v5, v12;
	[tilespmem:s7+$0x7100] =	vst v62  }
0x1ef: {  	v6 =	vxor.u32 v8, v6;
	v14 =	vand.u32 $0xFFF00, v22;
	v23 =	vor.u32 v4, v18;
	[tilespmem:s7+$0x7900] =	vst v12  }
0x1f0: {  	v9 =	vshll.u32 v7, $0x1;
	v10 =	vor.u32 v14, v10;
	v11 =	vor.u32 v5, v18;
	[tilespmem:s7+$0x7000] =	vst v23  }
0x1f1: {  	v7 =	vand.u32 $0x7F, v7;
	v28 =	vand.u32 $0xFFF00, v9;
	v26 =	vor.u32 v4, v10;
	[tilespmem:s7+$0x7800] =	vst v11  }
0x1f2: {  	v19 =	vshll.u32 v63, $0x1;
	v7 =	vor.u32 v28, v7;
	v27 =	vor.u32 v5, v10;
	[tilespmem:s7+$0x6D00] =	vst v26  }
0x1f3: {  	v24 =	vand.u32 $0x7F, v63;
	v21 =	vand.u32 $0xFFF00, v19;
	v33 =	vor.u32 v4, v7;
	[tilespmem:s7+$0x7500] =	vst v27  }
0x1f4: {  	v30 =	vshll.u32 v6, $0x1;
	v25 =	vor.u32 v21, v24;
	v7 =	vor.u32 v5, v7;
	[tilespmem:s7+$0x6F00] =	vst v33  }
0x1f5: {  	v6 =	vand.u32 $0x7F, v6;
	v32 =	vand.u32 $0xFFF00, v30;
	v29 =	vor.u32 v4, v25;
	[tilespmem:s7+$0x7700] =	vst v7  }
0x1f6: {  	v6 =	vor.u32 v32, v6;
	v31 =	vor.u32 v5, v25;
	[tilespmem:s7+$0x7300] =	vst v29  }
0x1f7: {  	v4 =	vor.u32 v4, v6;
	[tilespmem:s7+$0x7B00] =	vst v31  }
0x1f8: {  	[tilespmem:s7+$0x7200] =	vst v4;
	v4 =	vor.u32 v5, v6  }
0x1f9: {  	s8 =	simm.s32 $0x6C00;
	s2 =	simm.s32 $0x9C00;
	[tilespmem:s7+$0x7A00] =	vst v4  }
0x1fa: {  	[tilespmem:s2], [sflag:$0x1] =	stream.indirect.gather [hbm4b:s1+s9], $0x1, s8, s9, $0xb8;
	[tilespmem:$0xDC00] =	vst v63  }
0x1fb: {  	_ = 	snop  }
0x1fc: {  	[tilespmem:s24], [sflag:$0x1] =	stream.indirect.gather [hbm4b:s1+s9], $0x1, s23, s9, $0xb8;
	[tilespmem:$0xDC00] =	vst v63  }
0x1fd: {  	_ =	swait.ge [sflag:s11], $0x800  }
0x1fe: {  	[sflag:s11] =	ssyncset.done $0x0  }
0x1ff: {  	[sflag:s11] =	ssyncadd.s32 $0xFFFFF800  }
0x200: {  	s10 =	simm.s32 $0x0;
	s15 =	simm.s32 $0x0;
	_ =	swait.ge [sflag:s11], $0x800  }
0x201: {  	s6 =	sand.u32 $0x3FFFFE00, s15;
	s0 =	sand.u32 $0x70, s10;
	[sflag:s11] =	ssyncset.done $0x0  }
0x202: {  	s6 =	sor.u32 s0, s6;
	[sflag:s11] =	ssyncadd.s32 $0xFFFFF800  }
0x203: {  	v4 =	vld [tilespmem:s6+$0x6480]  }
0x204: {  	v5 =	vld [tilespmem:s6+$0x6400];
	_ =	sdelay $0x1  }
0x205: {  	v6 =	vld [tilespmem:s6+$0x6500];
	_ =	sdelay $0x2  }
0x206: {  	s2 =	sand.u32 $0xF0, s10;
	v7 =	vsub.f32 $1.000000000e+00, v5;
	v34 =	vsub.f32 $1.000000000e+00, v4  }
0x207: {  	s8 =	simm.s32 $0xAC00;
	v35 =	vld [tilespmem:s2+$0xB400]  }
0x208: {  	v36 =	vld [tilespmem:s8+$0x0];
	v37 =	vsub.f32 $1.000000000e+00, v6;
	v38 =	vmul.f32 v34, v7  }
0x209: {  	v39 =	vld [tilespmem:s2+$0xB500]  }
0x20a: {  	v40 =	vld [tilespmem:s2+$0xAD00];
	v41 =	vmul.f32 v37, v38  }
0x20b: {  	v42 =	vld [tilespmem:s2+$0xB600];
	v7 =	vmul.f32 v4, v7  }
0x20c: {  	v43 =	vld [tilespmem:s2+$0xAE00];
	v12 =	vmul.f32 v38, v6;
	v9 =	vmul.f32 v41, v35  }
0x20d: {  	v44 =	vld [tilespmem:s2+$0xB700];
	v10 =	vmul.f32 v41, v36  }
0x20e: {  	v45 =	vld [tilespmem:s2+$0xAF00];
	v46 =	vmul.f32 v37, v7;
	v13 =	vmul.f32 v39, v12;
	v9 =	vadd.f32 $0.0e+00, v9  }
0x20f: {  	v47 =	vld [tilespmem:s2+$0xB800];
	v8 =	vmul.f32 v34, v5;
	v12 =	vmul.f32 v40, v12;
	v10 =	vadd.f32 $0.0e+00, v10  }
0x210: {  	v48 =	vld [tilespmem:s2+$0xB000];
	v7 =	vmul.f32 v6, v7;
	v49 =	vmul.f32 v42, v46;
	v9 =	vadd.f32 v13, v9  }
0x211: {  	v50 =	vld [tilespmem:s2+$0xB900];
	v51 =	vmul.f32 v43, v46;
	v10 =	vadd.f32 v12, v10  }
0x212: {  	v52 =	vld [tilespmem:s2+$0xB100];
	v54 =	vmul.f32 v37, v8;
	v53 =	vmul.f32 v44, v7;
	v9 =	vadd.f32 v49, v9  }
0x213: {  	v55 =	vld [tilespmem:s2+$0xBA00];
	v4 =	vmul.f32 v4, v5;
	v7 =	vmul.f32 v45, v7;
	v5 =	vadd.f32 v51, v10  }
0x214: {  	v58 =	vld [tilespmem:s2+$0xB200];
	v8 =	vmul.f32 v8, v6;
	v57 =	vmul.f32 v47, v54;
	v9 =	vadd.f32 v53, v9  }
0x215: {  	v56 =	vld [tilespmem:s2+$0xBB00];
	v5 =	vadd.f32 v7, v5;
	v7 =	vmul.f32 v48, v54  }
0x216: {  	v60 =	vld [tilespmem:s2+$0xB300];
	v11 =	vmul.f32 v37, v4;
	v59 =	vmul.f32 v50, v8;
	v9 =	vadd.f32 v57, v9  }
0x217: {  	s10 =	sadd.s32 $0x1, s3;
	v5 =	vadd.f32 v7, v5;
	v7 =	vmul.f32 v52, v8  }
0x218: {  	s16 =	sshll.u32 s10, $0x8;
	s21 =	sshll.u32 s10, $0x9;
	v4 =	vmul.f32 v6, v4;
	v62 =	vmul.f32 v55, v11;
	v61 =	vadd.f32 v59, v9  }
0x219: {  	s6 =	sand.u32 $0x800, s21;
	s2 =	sand.u32 $0x300, s16;
	v6 =	vmul.f32 v58, v11;
	v5 =	vadd.f32 v7, v5  }
0x21a: {  	s22 =	simm.s32 $0x0;
	s2 =	sor.u32 s2, s6;
	v63 =	vmul.f32 v56, v4;
	v7 =	vadd.f32 v62, v61  }
0x21b: {  	s31 =	sand.u32 $0x3FFFFC00, s22;
	s7 =	sadd.s32 $0xCC00, s2;
	v4 =	vmul.f32 v60, v4;
	v5 =	vadd.f32 v6, v5  }
0x21c: {  	s30 =	simm.s32 $0x2;
	s2 =	sadd.s32 s31, s7;
	v6 =	vadd.f32 v63, v7  }
0x21d: {  	s21 =	simm.s32 $0x40;
	s16 =	simm.s32 $0x10;
	s0 =	sadd.s32 s0, s2;
	v4 =	vadd.f32 v4, v5  }
0x21e: {  	s15 =	simm.s32 $0x1;
	s6 =	sand.u32 $0x70, s16;
	s2 =	sand.u32 $0x3FFFFE00, s21;
	[tilespmem:s0+$0x80] =	vst v6  }
.LBB2_15:
0x21f: {  	p0 =	sne.s32 s30, $0xF;
	s2 =	sor.u32 s6, s2;
	[tilespmem:s0+$0x0] =	vst v4  }
0x220: {  	v4 =	vld [tilespmem:s2+$0x6480]  }
0x221: {  	s0 =	sand.u32 $0xF0, s16;
	v5 =	vld [tilespmem:s2+$0x6400]  }
0x222: {  	v6 =	vld [tilespmem:s0+$0xAD00]  }
0x223: {  	v7 =	vld [tilespmem:s2+$0x6500]  }
0x224: {  	v8 =	vld [tilespmem:s0+$0xAE00]  }
0x225: {  	s8 =	sadd.s32 $0x10, s8;
	v9 =	vld [tilespmem:s0+$0xAF00]  }
0x226: {  	v11 =	vsub.f32 $1.000000000e+00, v4;
	v10 =	vsub.f32 $1.000000000e+00, v5;
	v12 =	vld [tilespmem:s8+$0x0]  }
0x227: {  	v13 =	vld [tilespmem:s0+$0xB400]  }
0x228: {  	v14 =	vsub.f32 $1.000000000e+00, v7;
	v15 =	vmul.f32 v11, v10;
	v16 =	vld [tilespmem:s0+$0xB500]  }
0x229: {  	v17 =	vld [tilespmem:s0+$0xB600]  }
0x22a: {  	v18 =	vmul.f32 v14, v15;
	v19 =	vld [tilespmem:s0+$0xB700]  }
0x22b: {  	v10 =	vmul.f32 v4, v10;
	v20 =	vld [tilespmem:s0+$0xB800]  }
0x22c: {  	v15 =	vmul.f32 v15, v7;
	v13 =	vmul.f32 v18, v13;
	v21 =	vld [tilespmem:s0+$0xB900]  }
0x22d: {  	v12 =	vmul.f32 v18, v12;
	v18 =	vld [tilespmem:s0+$0xBA00]  }
0x22e: {  	v22 =	vmul.f32 v14, v10;
	v16 =	vmul.f32 v16, v15;
	v13 =	vadd.f32 $0.0e+00, v13;
	v23 =	vld [tilespmem:s0+$0xBB00]  }
0x22f: {  	v11 =	vmul.f32 v11, v5;
	v6 =	vmul.f32 v6, v15;
	v12 =	vadd.f32 $0.0e+00, v12;
	v15 =	vld [tilespmem:s0+$0xB000]  }
0x230: {  	v10 =	vmul.f32 v7, v10;
	v13 =	vadd.f32 v16, v13;
	v16 =	vmul.f32 v17, v22;
	v17 =	vld [tilespmem:s0+$0xB100]  }
0x231: {  	v8 =	vmul.f32 v8, v22;
	v6 =	vadd.f32 v6, v12;
	v12 =	vld [tilespmem:s0+$0xB200]  }
0x232: {  	v13 =	vadd.f32 v16, v13;
	v16 =	vmul.f32 v19, v10;
	v19 =	vmul.f32 v14, v11;
	v22 =	vld [tilespmem:s0+$0xB300]  }
0x233: {  	v4 =	vmul.f32 v4, v5;
	v5 =	vadd.f32 v8, v6;
	v6 =	vmul.f32 v9, v10  }
0x234: {  	v10 =	vmul.f32 v11, v7;
	v8 =	vadd.f32 v16, v13;
	v9 =	vmul.f32 v20, v19  }
0x235: {  	v5 =	vadd.f32 v6, v5;
	v6 =	vmul.f32 v15, v19  }
0x236: {  	v11 =	vmul.f32 v14, v4;
	v8 =	vadd.f32 v9, v8;
	v9 =	vmul.f32 v21, v10  }
0x237: {  	v5 =	vadd.f32 v6, v5;
	v6 =	vmul.f32 v17, v10  }
0x238: {  	v4 =	vmul.f32 v7, v4;
	v8 =	vadd.f32 v9, v8;
	v9 =	vmul.f32 v18, v11  }
0x239: {  	v5 =	vadd.f32 v6, v5;
	v6 =	vmul.f32 v12, v11  }
.Ltmp6:
0x23a: {  	s0 =	sshll.u32 s15, $0x7;
	s15 =	smov.u32 s30;
	v7 =	vadd.f32 v9, v8;
	v8 =	vmul.f32 v22, v4;
	v4 =	vmul.f32 v23, v4;
	(pc) =	sbr.rel @p0 .LBB2_15-.Ltmp6, $4  }
0x23b: {  	s0 =	sand.u32 $0x3FFFFC00, s0;
	v5 =	vadd.f32 v6, v5  }
0x23c: {  	s0 =	sadd.s32 s0, s7;
	v6 =	vadd.f32 v4, v7  }
0x23d: {  	s16 =	sadd.s32 $0x10, s16;
	s2 =	sshll.u32 s30, $0x6;
	s0 =	sadd.s32 s6, s0;
	v4 =	vadd.f32 v8, v5  }
0x23e: {  	s2 =	sand.u32 $0x3FFFFE00, s2;
	s30 =	sadd.s32 $0x1, s30;
	s6 =	sand.u32 $0x70, s16;
	[tilespmem:s0+$0x80] =	vst v6  }
0x23f: {  	s2 =	sor.u32 s6, s2;
	[tilespmem:s0+$0x0] =	vst v4  }
0x240: {  	v4 =	vld [tilespmem:s2+$0x6480]  }
0x241: {  	v5 =	vld [tilespmem:s2+$0x6400];
	_ =	sdelay $0x1  }
0x242: {  	v6 =	vld [tilespmem:s2+$0x6500];
	_ =	sdelay $0x2  }
0x243: {  	s31 =	sand.u32 $0xF0, s16;
	v7 =	vsub.f32 $1.000000000e+00, v5;
	v8 =	vsub.f32 $1.000000000e+00, v4  }
0x244: {  	s16 =	sadd.s32 $0x10, s8;
	v9 =	vld [tilespmem:s31+$0xB400]  }
0x245: {  	v10 =	vld [tilespmem:s16+$0x0];
	v11 =	vsub.f32 $1.000000000e+00, v6;
	v12 =	vmul.f32 v8, v7  }
0x246: {  	v13 =	vld [tilespmem:s31+$0xB500]  }
0x247: {  	v14 =	vld [tilespmem:s31+$0xAD00];
	v15 =	vmul.f32 v11, v12  }
0x248: {  	v16 =	vld [tilespmem:s31+$0xB600];
	v7 =	vmul.f32 v4, v7  }
0x249: {  	v17 =	vld [tilespmem:s31+$0xAE00];
	v12 =	vmul.f32 v12, v6;
	v9 =	vmul.f32 v15, v9  }
0x24a: {  	v18 =	vld [tilespmem:s31+$0xB700];
	v10 =	vmul.f32 v15, v10  }
0x24b: {  	v19 =	vmul.f32 v11, v7;
	v15 =	vld [tilespmem:s31+$0xAF00];
	v13 =	vmul.f32 v13, v12;
	v9 =	vadd.f32 $0.0e+00, v9  }
0x24c: {  	v20 =	vld [tilespmem:s31+$0xB800];
	v8 =	vmul.f32 v8, v5;
	v12 =	vmul.f32 v14, v12;
	v10 =	vadd.f32 $0.0e+00, v10  }
0x24d: {  	v7 =	vmul.f32 v6, v7;
	v14 =	vld [tilespmem:s31+$0xB000];
	v9 =	vadd.f32 v13, v9;
	v13 =	vmul.f32 v16, v19  }
0x24e: {  	v16 =	vld [tilespmem:s31+$0xB900];
	v10 =	vadd.f32 v12, v10;
	v12 =	vmul.f32 v17, v19  }
0x24f: {  	v17 =	vld [tilespmem:s31+$0xB100];
	v9 =	vadd.f32 v13, v9;
	v13 =	vmul.f32 v18, v7;
	v18 =	vmul.f32 v11, v8  }
0x250: {  	v4 =	vmul.f32 v4, v5;
	v19 =	vld [tilespmem:s31+$0xBA00];
	v5 =	vadd.f32 v12, v10;
	v7 =	vmul.f32 v15, v7  }
0x251: {  	v10 =	vld [tilespmem:s31+$0xB200];
	v8 =	vmul.f32 v8, v6;
	v9 =	vadd.f32 v13, v9;
	v12 =	vmul.f32 v20, v18  }
0x252: {  	v13 =	vld [tilespmem:s31+$0xBB00];
	v5 =	vadd.f32 v7, v5;
	v7 =	vmul.f32 v14, v18  }
0x253: {  	v11 =	vmul.f32 v11, v4;
	v14 =	vld [tilespmem:s31+$0xB300];
	v9 =	vadd.f32 v12, v9;
	v12 =	vmul.f32 v16, v8  }
0x254: {  	v5 =	vadd.f32 v7, v5;
	v7 =	vmul.f32 v17, v8  }
0x255: {  	v4 =	vmul.f32 v6, v4;
	v8 =	vadd.f32 v12, v9;
	v9 =	vmul.f32 v19, v11  }
0x256: {  	v6 =	vmul.f32 v10, v11;
	v5 =	vadd.f32 v7, v5  }
0x257: {  	s21 =	sshll.u32 s15, $0x7;
	v7 =	vadd.f32 v9, v8;
	v8 =	vmul.f32 v13, v4  }
0x258: {  	s22 =	sand.u32 $0x7, s10;
	s0 =	sand.u32 $0x3FFFFC00, s21;
	v4 =	vmul.f32 v14, v4;
	v5 =	vadd.f32 v6, v5  }
0x259: {  	p0 =	sne.s32 s22, $0x7;
	s0 =	sadd.s32 s0, s7;
	v6 =	vadd.f32 v8, v7  }
0x25a: {  	s2 =	sshll.u32 @!p0 s10, $0x5;
	s0 =	sadd.s32 s6, s0;
	v4 =	vadd.f32 v4, v5  }
0x25b: {  	s7 =	simm.s32 @!p0 $0xCC00;
	s2 =	sand.u32 @!p0 $0x3F00, s2;
	s6 =	simm.s32 @!p0 $0x100000;
	[tilespmem:s0+$0x80] =	vst v6  }
0x25c: {  	s2 =	sadd.s32 @!p0 s2, s5;
	s31 =	sadd.s32 $0x4, s3;
	[tilespmem:s0+$0x0] =	vst v4;
	s0 =	simm.s32 @!p0 $0x800  }
0x25d: {  	[hbm4b:s2+s0] =	stream.strided.scatter @!p0 [tilespmem:s7], [sflag:$0x5], $0x1000, s6, s0, $0x38;
	[tilespmem:$0xDC00] =	vst v63  }
0x25e: {  	s3 =	sshll.u32 s31, $0x5;
	s2 =	simm.s32 @!p0 $0x5  }
0x25f: {  	s7 =	sand.u32 $0x3F00, s3;
	s3 =	simm.s32 $0x0;
	_ =	swait.ge @!p0 [sflag:s2], $0x1000  }
0x260: {  	s8 =	sadd.s32 $0x2000, s7;
	s6 =	sand.u32 $0x80, s3;
	s10 =	sadd.s32 $0x1000, s7  }
0x261: {  	s15 =	sand.u32 $0x70, s3;
	[sflag:s2] =	ssyncset.done @!p0 $0x0;
	s21 =	sadd.s32 s6, s8  }
0x262: {  	s22 =	sadd.s32 s6, s10;
	[sflag:s2] =	ssyncadd.s32 @!p0 $0xFFFFF000;
	s16 =	sadd.s32 s15, s21  }
0x263: {  	s21 =	sadd.s32 s6, s7;
	s2 =	sadd.s32 s15, s22;
	v4 =	vld [tilespmem:s16+$0x0]  }
0x264: {  	s0 =	sand.u32 $0x7, s31;
	s31 =	sadd.s32 s15, s21;
	v5 =	vld [tilespmem:s2+$0x0]  }
0x265: {  	v6 =	vshll.u32 v3, s0;
	v7 =	vld [tilespmem:s31+$0x0]  }
0x266: {  	v6 =	vcvt.s32.f32 v6;
	_ =	sdelay $0x1  }
0x267: {  	v9 =	vmul.f32 v6, v4  }
0x268: {  	v10 =	vmul.f32 v6, v5  }
0x269: {  	v11 =	vmul.f32 v6, v7;
	v4 =	vtrunc.f32 v9  }
0x26a: {  	v5 =	vmov s0;
	v7 =	vtrunc.f32 v10;
	v8 =	vcvt.f32.s32 v4  }
0x26b: {  	v4 =	vshll.u32 v5, $0x14;
	v5 =	vtrunc.f32 v11;
	v7 =	vcvt.f32.s32 v7  }
0x26c: {  	v14 =	vcvt.f32.s32 v5;
	v5 =	vor.u32 $0x80, v4;
	v13 =	vcvt.s32.f32 v8  }
0x26d: {  	v8 =	vmul.u32 $0x30025795, v8;
	v15 =	vcvt.s32.f32 v7;
	v16 =	vmul.u32 $0x9E3779B1, v7  }
0x26e: {  	v12 =	vcvt.s32.f32 v14;
	v17 =	vadd.s32 $0x1, v14;
	v13 =	vsub.f32 v9, v13  }
0x26f: {  	v15 =	vsub.f32 v10, v15;
	v18 =	vadd.s32 $0x9E3779B1, v16;
	v10 =	vxor.u32 v14, v16  }
0x270: {  	s30 =	simm.s32 $0x0;
	s16 =	simm.s32 $0x10;
	v7 =	vadd.s32 $0x30025795, v8;
	v9 =	vxor.u32 v14, v18;
	v14 =	vxor.u32 v8, v10  }
.LBB2_17:
0x271: {  	p0 =	sne.s32 s16, $0xF0;
	s0 =	sand.u32 $0x200, s3;
	v18 =	vxor.u32 v17, v18;
	v19 =	vshll.u32 v14, $0x1;
	v20 =	vxor.u32 v8, v9;
	s30 =	sadd.s32 $0x40, s30  }
0x272: {  	v16 =	vxor.u32 v17, v16;
	s2 =	sor.u32 s15, s0;
	v17 =	vand.u32 $0xFFF00, v19;
	v19 =	vshll.u32 v20, $0x1;
	s0 =	smov.u32 s16;
	s16 =	sadd.s32 $0x10, s16  }
0x273: {  	[tilespmem:s2+$0x6480] =	vst v15;
	v15 =	vand.u32 $0xFFF00, v19;
	v19 =	vand.u32 $0x7F, v20;
	v20 =	vxor.u32 v8, v16  }
0x274: {  	[tilespmem:s2+$0x6500] =	vst v13;
	v13 =	vor.u32 v15, v19;
	v15 =	vshll.u32 v20, $0x1;
	v19 =	vand.u32 $0x7F, v20  }
0x275: {  	v11 =	vsub.f32 v11, v12;
	v12 =	vor.u32 v4, v13;
	v15 =	vand.u32 $0xFFF00, v15  }
0x276: {  	v16 =	vxor.u32 v16, v7;
	v15 =	vor.u32 v15, v19;
	v19 =	vxor.u32 v7, v18  }
0x277: {  	v14 =	vand.u32 $0x7F, v14;
	v20 =	vshll.u32 v16, $0x1;
	v16 =	vand.u32 $0x7F, v16  }
0x278: {  	v14 =	vor.u32 v17, v14;
	v17 =	vand.u32 $0xFFF00, v20;
	v20 =	vshll.u32 v19, $0x1  }
0x279: {  	v13 =	vor.u32 v5, v13;
	v20 =	vand.u32 $0xFFF00, v20;
	[tilespmem:s2+$0x6400] =	vst v11;
	v11 =	vor.u32 v4, v14;
	s2 =	sshra.s32 s3, $0x2;
	s3 =	smov.u32 s30  }
0x27a: {  	[tilespmem:s2+$0x7C00] =	vst v11;
	v11 =	vor.u32 v5, v14;
	s2 =	sor.u32 s15, s6;
	v14 =	vor.u32 v17, v16;
	v16 =	vand.u32 $0x7F, v19  }
0x27b: {  	[tilespmem:s2+$0x8400] =	vst v11;
	v11 =	vor.u32 v4, v14;
	v14 =	vor.u32 v5, v14;
	v16 =	vor.u32 v20, v16  }
0x27c: {  	v10 =	vxor.u32 v10, v7;
	v8 =	vxor.u32 v8, v18;
	[tilespmem:s2+$0x8100] =	vst v11  }
0x27d: {  	v11 =	vshll.u32 v8, $0x1;
	[tilespmem:s2+$0x8900] =	vst v14  }
0x27e: {  	v8 =	vand.u32 $0x7F, v8;
	v14 =	vshll.u32 v10, $0x1;
	v11 =	vand.u32 $0xFFF00, v11;
	[tilespmem:s2+$0x7E00] =	vst v12  }
0x27f: {  	v10 =	vand.u32 $0x7F, v10;
	v12 =	vand.u32 $0xFFF00, v14;
	[tilespmem:s2+$0x8600] =	vst v13;
	v13 =	vor.u32 v4, v15  }
0x280: {  	v8 =	vor.u32 v11, v8;
	v10 =	vor.u32 v12, v10;
	v12 =	vor.u32 v5, v15;
	[tilespmem:s2+$0x8000] =	vst v13  }
0x281: {  	v7 =	vxor.u32 v7, v9;
	v11 =	vor.u32 v4, v10;
	[tilespmem:s2+$0x8800] =	vst v12  }
0x282: {  	v9 =	vor.u32 v5, v10;
	v10 =	vshll.u32 v7, $0x1;
	[tilespmem:s2+$0x7D00] =	vst v11  }
0x283: {  	v7 =	vand.u32 $0x7F, v7;
	[tilespmem:s2+$0x8500] =	vst v9;
	v9 =	vand.u32 $0xFFF00, v10;
	v10 =	vor.u32 v4, v16  }
0x284: {  	s6 =	sand.u32 $0x80, s0;
	s15 =	sand.u32 $0x70, s0;
	v7 =	vor.u32 v9, v7;
	[tilespmem:s2+$0x8300] =	vst v10;
	v9 =	vor.u32 v5, v16  }
0x285: {  	s0 =	sadd.s32 s6, s7;
	s21 =	sadd.s32 s6, s10;
	s22 =	sadd.s32 s6, s8;
	v10 =	vor.u32 v4, v7;
	v7 =	vor.u32 v5, v7;
	[tilespmem:s2+$0x8B00] =	vst v9  }
0x286: {  	s0 =	sadd.s32 s15, s0;
	s21 =	sadd.s32 s15, s21;
	s22 =	sadd.s32 s15, s22;
	[tilespmem:s2+$0x7F00] =	vst v10  }
0x287: {  	[tilespmem:s2+$0x8700] =	vst v7;
	v7 =	vor.u32 v4, v8  }
0x288: {  	[tilespmem:s2+$0x8200] =	vst v7;
	v7 =	vor.u32 v5, v8  }
0x289: {  	[tilespmem:s2+$0x8A00] =	vst v7;
	_ =	sdelay $0x1  }
0x28a: {  	v7 =	vld [tilespmem:s22+$0x0]  }
0x28b: {  	v8 =	vld [tilespmem:s21+$0x0]  }
0x28c: {  	v9 =	vld [tilespmem:s0+$0x0];
	_ =	sdelay $0x2  }
0x28d: {  	v7 =	vmul.f32 v6, v7  }
0x28e: {  	v10 =	vmul.f32 v6, v8  }
0x28f: {  	v11 =	vmul.f32 v6, v9;
	v8 =	vtrunc.f32 v7  }
0x290: {  	v9 =	vtrunc.f32 v10;
	v8 =	vcvt.f32.s32 v8  }
0x291: {  	v12 =	vtrunc.f32 v11;
	v9 =	vcvt.f32.s32 v9  }
.Ltmp7:
0x292: {  	v14 =	vcvt.f32.s32 v12;
	v13 =	vcvt.s32.f32 v8;
	v8 =	vmul.u32 $0x30025795, v8;
	(pc) =	sbr.rel @p0 .LBB2_17-.Ltmp7, $4  }
0x293: {  	v15 =	vcvt.s32.f32 v9;
	v16 =	vmul.u32 $0x9E3779B1, v9  }
0x294: {  	v12 =	vcvt.s32.f32 v14;
	v13 =	vsub.f32 v7, v13;
	v7 =	vadd.s32 $0x30025795, v8  }
0x295: {  	v15 =	vsub.f32 v10, v15;
	v18 =	vadd.s32 $0x9E3779B1, v16;
	v10 =	vxor.u32 v14, v16  }
0x296: {  	v17 =	vadd.s32 $0x1, v14;
	v9 =	vxor.u32 v14, v18;
	v14 =	vxor.u32 v8, v10  }
0x297: {  	v6 =	vxor.u32 v17, v18;
	v50 =	vshll.u32 v14, $0x1;
	v19 =	vxor.u32 v8, v9  }
0x298: {  	s0 =	sand.u32 $0x200, s3;
	v16 =	vxor.u32 v17, v16;
	v11 =	vsub.f32 v11, v12;
	v54 =	vand.u32 $0x7F, v14  }
0x299: {  	v10 =	vxor.u32 v10, v7;
	v51 =	vand.u32 $0xFFF00, v50;
	v52 =	vshll.u32 v19, $0x1;
	s0 =	sor.u32 s15, s0  }
0x29a: {  	v19 =	vand.u32 $0x7F, v19;
	v20 =	vxor.u32 v8, v16;
	v53 =	vxor.u32 v16, v7;
	[tilespmem:s0+$0x6480] =	vst v15  }
0x29b: {  	v63 =	vxor.u32 v7, v6;
	v22 =	vshll.u32 v10, $0x1;
	[tilespmem:s0+$0x6500] =	vst v13;
	v14 =	vor.u32 v51, v54  }
0x29c: {  	s7 =	sshra.s32 s3, $0x2;
	v18 =	vand.u32 $0xFFF00, v52;
	v56 =	vshll.u32 v53, $0x1;
	[tilespmem:s0+$0x6400] =	vst v11;
	v57 =	vor.u32 v4, v14  }
0x29d: {  	s8 =	sor.u32 s15, s6;
	v12 =	vand.u32 $0x7F, v53;
	v55 =	vor.u32 v18, v19;
	v59 =	vor.u32 v5, v14;
	[tilespmem:s7+$0x7C00] =	vst v57  }
0x29e: {  	v58 =	vshll.u32 v20, $0x1;
	v15 =	vand.u32 $0xFFF00, v56;
	v61 =	vor.u32 v4, v55;
	[tilespmem:s8+$0x8400] =	vst v59  }
0x29f: {  	v60 =	vand.u32 $0x7F, v20;
	v12 =	vor.u32 v15, v12;
	v20 =	vor.u32 v5, v55;
	[tilespmem:s8+$0x7E00] =	vst v61  }
0x2a0: {  	v10 =	vand.u32 $0x7F, v10;
	v16 =	vand.u32 $0xFFF00, v58;
	v62 =	vor.u32 v4, v12;
	[tilespmem:s8+$0x8600] =	vst v20  }
0x2a1: {  	v7 =	vxor.u32 v7, v9;
	v18 =	vor.u32 v16, v60;
	v12 =	vor.u32 v5, v12;
	[tilespmem:s8+$0x8100] =	vst v62  }
0x2a2: {  	v6 =	vxor.u32 v8, v6;
	v14 =	vand.u32 $0xFFF00, v22;
	v23 =	vor.u32 v4, v18;
	[tilespmem:s8+$0x8900] =	vst v12  }
0x2a3: {  	v9 =	vshll.u32 v7, $0x1;
	v10 =	vor.u32 v14, v10;
	v11 =	vor.u32 v5, v18;
	[tilespmem:s8+$0x8000] =	vst v23  }
0x2a4: {  	v7 =	vand.u32 $0x7F, v7;
	v28 =	vand.u32 $0xFFF00, v9;
	v26 =	vor.u32 v4, v10;
	[tilespmem:s8+$0x8800] =	vst v11  }
0x2a5: {  	v19 =	vshll.u32 v63, $0x1;
	v7 =	vor.u32 v28, v7;
	v27 =	vor.u32 v5, v10;
	[tilespmem:s8+$0x7D00] =	vst v26  }
0x2a6: {  	v24 =	vand.u32 $0x7F, v63;
	v21 =	vand.u32 $0xFFF00, v19;
	v33 =	vor.u32 v4, v7;
	[tilespmem:s8+$0x8500] =	vst v27  }
0x2a7: {  	v30 =	vshll.u32 v6, $0x1;
	v25 =	vor.u32 v21, v24;
	v7 =	vor.u32 v5, v7;
	[tilespmem:s8+$0x7F00] =	vst v33  }
0x2a8: {  	v6 =	vand.u32 $0x7F, v6;
	v32 =	vand.u32 $0xFFF00, v30;
	v29 =	vor.u32 v4, v25;
	[tilespmem:s8+$0x8700] =	vst v7  }
0x2a9: {  	v6 =	vor.u32 v32, v6;
	v31 =	vor.u32 v5, v25;
	[tilespmem:s8+$0x8300] =	vst v29  }
0x2aa: {  	v4 =	vor.u32 v4, v6;
	[tilespmem:s8+$0x8B00] =	vst v31  }
0x2ab: {  	[tilespmem:s8+$0x8200] =	vst v4;
	v4 =	vor.u32 v5, v6  }
0x2ac: {  	[tilespmem:s8+$0x8A00] =	vst v4  }
0x2ad: {  	[tilespmem:s26], [sflag:$0x2] =	stream.indirect.gather [hbm4b:s1+s9], $0x1, s25, s9, $0xb8;
	[tilespmem:$0xDC00] =	vst v63  }
0x2ae: {  	_ = 	snop  }
0x2af: {  	[tilespmem:s29], [sflag:$0x2] =	stream.indirect.gather [hbm4b:s1+s9], $0x1, s28, s9, $0xb8;
	[tilespmem:$0xDC00] =	vst v63  }
0x2b0: {  	_ =	swait.ge [sflag:s12], $0x800  }
0x2b1: {  	[sflag:s12] =	ssyncset.done $0x0  }
0x2b2: {  	[sflag:s12] =	ssyncadd.s32 $0xFFFFF800  }
0x2b3: {  	s2 =	simm.s32 $0x0;
	s10 =	simm.s32 $0x0;
	_ =	swait.ge [sflag:s12], $0x800  }
0x2b4: {  	s15 =	sand.u32 $0x70, s2;
	s3 =	sand.u32 $0x3FFFFE00, s10;
	[sflag:s12] =	ssyncset.done $0x0  }
0x2b5: {  	s3 =	sor.u32 s15, s3;
	[sflag:s12] =	ssyncadd.s32 $0xFFFFF800  }
0x2b6: {  	v4 =	vld [tilespmem:s3+$0x6880]  }
0x2b7: {  	v5 =	vld [tilespmem:s3+$0x6800];
	_ =	sdelay $0x1  }
0x2b8: {  	v6 =	vld [tilespmem:s3+$0x6900];
	_ =	sdelay $0x2  }
0x2b9: {  	s2 =	sand.u32 $0xF0, s2;
	v7 =	vsub.f32 $1.000000000e+00, v5;
	v34 =	vsub.f32 $1.000000000e+00, v4  }
0x2ba: {  	s3 =	simm.s32 $0xBC00;
	v35 =	vld [tilespmem:s2+$0xC400]  }
0x2bb: {  	v36 =	vld [tilespmem:s3+$0x0];
	v37 =	vsub.f32 $1.000000000e+00, v6;
	v38 =	vmul.f32 v34, v7  }
0x2bc: {  	v39 =	vld [tilespmem:s2+$0xC500]  }
0x2bd: {  	v40 =	vld [tilespmem:s2+$0xBD00];
	v41 =	vmul.f32 v37, v38  }
0x2be: {  	v42 =	vld [tilespmem:s2+$0xC600];
	v7 =	vmul.f32 v4, v7  }
0x2bf: {  	v43 =	vld [tilespmem:s2+$0xBE00];
	v12 =	vmul.f32 v38, v6;
	v9 =	vmul.f32 v41, v35  }
0x2c0: {  	v44 =	vld [tilespmem:s2+$0xC700];
	v10 =	vmul.f32 v41, v36  }
0x2c1: {  	v45 =	vld [tilespmem:s2+$0xBF00];
	v46 =	vmul.f32 v37, v7;
	v13 =	vmul.f32 v39, v12;
	v9 =	vadd.f32 $0.0e+00, v9  }
0x2c2: {  	v47 =	vld [tilespmem:s2+$0xC800];
	v8 =	vmul.f32 v34, v5;
	v12 =	vmul.f32 v40, v12;
	v10 =	vadd.f32 $0.0e+00, v10  }
0x2c3: {  	v48 =	vld [tilespmem:s2+$0xC000];
	v7 =	vmul.f32 v6, v7;
	v49 =	vmul.f32 v42, v46;
	v9 =	vadd.f32 v13, v9  }
0x2c4: {  	v50 =	vld [tilespmem:s2+$0xC900];
	v51 =	vmul.f32 v43, v46;
	v10 =	vadd.f32 v12, v10  }
0x2c5: {  	v52 =	vld [tilespmem:s2+$0xC100];
	v54 =	vmul.f32 v37, v8;
	v53 =	vmul.f32 v44, v7;
	v9 =	vadd.f32 v49, v9  }
0x2c6: {  	v55 =	vld [tilespmem:s2+$0xCA00];
	v4 =	vmul.f32 v4, v5;
	v7 =	vmul.f32 v45, v7;
	v5 =	vadd.f32 v51, v10  }
0x2c7: {  	v58 =	vld [tilespmem:s2+$0xC200];
	v8 =	vmul.f32 v8, v6;
	v57 =	vmul.f32 v47, v54;
	v9 =	vadd.f32 v53, v9  }
0x2c8: {  	v56 =	vld [tilespmem:s2+$0xCB00];
	v5 =	vadd.f32 v7, v5;
	v7 =	vmul.f32 v48, v54  }
0x2c9: {  	v60 =	vld [tilespmem:s2+$0xC300];
	v11 =	vmul.f32 v37, v4;
	v59 =	vmul.f32 v50, v8;
	v9 =	vadd.f32 v57, v9  }
0x2ca: {  	v5 =	vadd.f32 v7, v5;
	v7 =	vmul.f32 v52, v8  }
0x2cb: {  	s16 =	sshll.u32 s14, $0x8;
	s21 =	sshll.u32 s14, $0x9;
	v4 =	vmul.f32 v6, v4;
	v62 =	vmul.f32 v55, v11;
	v61 =	vadd.f32 v59, v9  }
0x2cc: {  	s6 =	sand.u32 $0x800, s21;
	s2 =	sand.u32 $0x300, s16;
	v6 =	vmul.f32 v58, v11;
	v5 =	vadd.f32 v7, v5  }
0x2cd: {  	s22 =	simm.s32 $0x0;
	s2 =	sor.u32 s2, s6;
	v63 =	vmul.f32 v56, v4;
	v7 =	vadd.f32 v62, v61  }
0x2ce: {  	s30 =	sand.u32 $0x3FFFFC00, s22;
	s7 =	sadd.s32 $0xCC00, s2;
	v4 =	vmul.f32 v60, v4;
	v5 =	vadd.f32 v6, v5  }
0x2cf: {  	s31 =	simm.s32 $0x40;
	s2 =	sadd.s32 s30, s7;
	v6 =	vadd.f32 v63, v7  }
0x2d0: {  	s14 =	simm.s32 $0x2;
	s10 =	simm.s32 $0x10;
	s0 =	sadd.s32 s15, s2;
	v4 =	vadd.f32 v4, v5  }
0x2d1: {  	s8 =	simm.s32 $0x1;
	s6 =	sand.u32 $0x70, s10;
	s2 =	sand.u32 $0x3FFFFE00, s31;
	[tilespmem:s0+$0x80] =	vst v6  }
.LBB2_19:
0x2d2: {  	p0 =	sne.s32 s14, $0xF;
	s2 =	sor.u32 s6, s2;
	[tilespmem:s0+$0x0] =	vst v4  }
0x2d3: {  	v4 =	vld [tilespmem:s2+$0x6880]  }
0x2d4: {  	s0 =	sand.u32 $0xF0, s10;
	v5 =	vld [tilespmem:s2+$0x6800]  }
0x2d5: {  	v6 =	vld [tilespmem:s0+$0xBD00]  }
0x2d6: {  	v7 =	vld [tilespmem:s2+$0x6900]  }
0x2d7: {  	v8 =	vld [tilespmem:s0+$0xBE00]  }
0x2d8: {  	s3 =	sadd.s32 $0x10, s3;
	v9 =	vld [tilespmem:s0+$0xBF00]  }
0x2d9: {  	v11 =	vsub.f32 $1.000000000e+00, v4;
	v10 =	vsub.f32 $1.000000000e+00, v5;
	v12 =	vld [tilespmem:s3+$0x0]  }
0x2da: {  	v13 =	vld [tilespmem:s0+$0xC400]  }
0x2db: {  	v14 =	vsub.f32 $1.000000000e+00, v7;
	v15 =	vmul.f32 v11, v10;
	v16 =	vld [tilespmem:s0+$0xC500]  }
0x2dc: {  	v17 =	vld [tilespmem:s0+$0xC600]  }
0x2dd: {  	v18 =	vmul.f32 v14, v15;
	v19 =	vld [tilespmem:s0+$0xC700]  }
0x2de: {  	v10 =	vmul.f32 v4, v10;
	v20 =	vld [tilespmem:s0+$0xC800]  }
0x2df: {  	v15 =	vmul.f32 v15, v7;
	v13 =	vmul.f32 v18, v13;
	v21 =	vld [tilespmem:s0+$0xC900]  }
0x2e0: {  	v12 =	vmul.f32 v18, v12;
	v18 =	vld [tilespmem:s0+$0xCA00]  }
0x2e1: {  	v22 =	vmul.f32 v14, v10;
	v16 =	vmul.f32 v16, v15;
	v13 =	vadd.f32 $0.0e+00, v13;
	v23 =	vld [tilespmem:s0+$0xCB00]  }
0x2e2: {  	v11 =	vmul.f32 v11, v5;
	v6 =	vmul.f32 v6, v15;
	v12 =	vadd.f32 $0.0e+00, v12;
	v15 =	vld [tilespmem:s0+$0xC000]  }
0x2e3: {  	v10 =	vmul.f32 v7, v10;
	v13 =	vadd.f32 v16, v13;
	v16 =	vmul.f32 v17, v22;
	v17 =	vld [tilespmem:s0+$0xC100]  }
0x2e4: {  	v8 =	vmul.f32 v8, v22;
	v6 =	vadd.f32 v6, v12;
	v12 =	vld [tilespmem:s0+$0xC200]  }
0x2e5: {  	v13 =	vadd.f32 v16, v13;
	v16 =	vmul.f32 v19, v10;
	v19 =	vmul.f32 v14, v11;
	v22 =	vld [tilespmem:s0+$0xC300]  }
0x2e6: {  	v4 =	vmul.f32 v4, v5;
	v5 =	vadd.f32 v8, v6;
	v6 =	vmul.f32 v9, v10  }
0x2e7: {  	v10 =	vmul.f32 v11, v7;
	v8 =	vadd.f32 v16, v13;
	v9 =	vmul.f32 v20, v19  }
0x2e8: {  	v5 =	vadd.f32 v6, v5;
	v6 =	vmul.f32 v15, v19  }
0x2e9: {  	v11 =	vmul.f32 v14, v4;
	v8 =	vadd.f32 v9, v8;
	v9 =	vmul.f32 v21, v10  }
0x2ea: {  	v5 =	vadd.f32 v6, v5;
	v6 =	vmul.f32 v17, v10  }
0x2eb: {  	v4 =	vmul.f32 v7, v4;
	v8 =	vadd.f32 v9, v8;
	v9 =	vmul.f32 v18, v11  }
0x2ec: {  	v5 =	vadd.f32 v6, v5;
	v6 =	vmul.f32 v12, v11  }
.Ltmp8:
0x2ed: {  	s0 =	sshll.u32 s8, $0x7;
	s8 =	smov.u32 s14;
	v7 =	vadd.f32 v9, v8;
	v8 =	vmul.f32 v22, v4;
	v4 =	vmul.f32 v23, v4;
	(pc) =	sbr.rel @p0 .LBB2_19-.Ltmp8, $4  }
0x2ee: {  	s0 =	sand.u32 $0x3FFFFC00, s0;
	v5 =	vadd.f32 v6, v5  }
0x2ef: {  	s0 =	sadd.s32 s0, s7;
	v6 =	vadd.f32 v4, v7  }
0x2f0: {  	s10 =	sadd.s32 $0x10, s10;
	s2 =	sshll.u32 s14, $0x6;
	s0 =	sadd.s32 s6, s0;
	v4 =	vadd.f32 v8, v5  }
0x2f1: {  	s2 =	sand.u32 $0x3FFFFE00, s2;
	s14 =	sadd.s32 $0x1, s14;
	s6 =	sand.u32 $0x70, s10;
	[tilespmem:s0+$0x80] =	vst v6  }
0x2f2: {  	s2 =	sor.u32 s6, s2;
	[tilespmem:s0+$0x0] =	vst v4  }
0x2f3: {  	v4 =	vld [tilespmem:s2+$0x6880]  }
0x2f4: {  	v5 =	vld [tilespmem:s2+$0x6800];
	_ =	sdelay $0x1  }
0x2f5: {  	v6 =	vld [tilespmem:s2+$0x6900];
	_ =	sdelay $0x2  }
0x2f6: {  	s22 =	sand.u32 $0xF0, s10;
	v7 =	vsub.f32 $1.000000000e+00, v5;
	v8 =	vsub.f32 $1.000000000e+00, v4  }
0x2f7: {  	s30 =	sadd.s32 $0x10, s3;
	v9 =	vld [tilespmem:s22+$0xC400]  }
0x2f8: {  	v10 =	vld [tilespmem:s30+$0x0];
	v11 =	vsub.f32 $1.000000000e+00, v6;
	v12 =	vmul.f32 v8, v7  }
0x2f9: {  	v13 =	vld [tilespmem:s22+$0xC500]  }
0x2fa: {  	v14 =	vld [tilespmem:s22+$0xBD00];
	v15 =	vmul.f32 v11, v12  }
0x2fb: {  	v16 =	vld [tilespmem:s22+$0xC600];
	v7 =	vmul.f32 v4, v7  }
0x2fc: {  	v17 =	vld [tilespmem:s22+$0xBE00];
	v12 =	vmul.f32 v12, v6;
	v9 =	vmul.f32 v15, v9  }
0x2fd: {  	v18 =	vld [tilespmem:s22+$0xC700];
	v10 =	vmul.f32 v15, v10  }
0x2fe: {  	v42 =	vld [tilespmem:s22+$0xBF00];
	v19 =	vmul.f32 v11, v7;
	v13 =	vmul.f32 v13, v12;
	v9 =	vadd.f32 $0.0e+00, v9  }
0x2ff: {  	v20 =	vld [tilespmem:s22+$0xC800];
	v8 =	vmul.f32 v8, v5;
	v12 =	vmul.f32 v14, v12;
	v10 =	vadd.f32 $0.0e+00, v10  }
0x300: {  	v43 =	vld [tilespmem:s22+$0xC000];
	v7 =	vmul.f32 v6, v7;
	v44 =	vmul.f32 v16, v19;
	v9 =	vadd.f32 v13, v9  }
0x301: {  	v45 =	vld [tilespmem:s22+$0xC900];
	v46 =	vmul.f32 v17, v19;
	v10 =	vadd.f32 v12, v10  }
0x302: {  	v47 =	vld [tilespmem:s22+$0xC100];
	v49 =	vmul.f32 v11, v8;
	v48 =	vmul.f32 v18, v7;
	v9 =	vadd.f32 v44, v9  }
0x303: {  	v50 =	vld [tilespmem:s22+$0xCA00];
	v4 =	vmul.f32 v4, v5;
	v7 =	vmul.f32 v42, v7;
	v5 =	vadd.f32 v46, v10  }
0x304: {  	v51 =	vld [tilespmem:s22+$0xC200];
	v8 =	vmul.f32 v8, v6;
	v52 =	vmul.f32 v20, v49;
	v9 =	vadd.f32 v48, v9  }
0x305: {  	v53 =	vld [tilespmem:s22+$0xCB00];
	v54 =	vmul.f32 v43, v49;
	v5 =	vadd.f32 v7, v5  }
0x306: {  	v55 =	vld [tilespmem:s22+$0xC300];
	v11 =	vmul.f32 v11, v4;
	v56 =	vmul.f32 v45, v8;
	v9 =	vadd.f32 v52, v9  }
0x307: {  	v57 =	vmul.f32 v47, v8;
	v5 =	vadd.f32 v54, v5  }
0x308: {  	v4 =	vmul.f32 v6, v4;
	v59 =	vmul.f32 v50, v11;
	v58 =	vadd.f32 v56, v9  }
0x309: {  	v60 =	vmul.f32 v51, v11;
	v5 =	vadd.f32 v57, v5  }
0x30a: {  	s31 =	sshll.u32 s8, $0x7;
	v62 =	vmul.f32 v53, v4;
	v61 =	vadd.f32 v59, v58  }
0x30b: {  	s0 =	sand.u32 $0x3FFFFC00, s31;
	v4 =	vmul.f32 v55, v4;
	v5 =	vadd.f32 v60, v5  }
0x30c: {  	s0 =	sadd.s32 s0, s7;
	v63 =	vadd.f32 v62, v61  }
0x30d: {  	p0 =	sne.s32 s13, $0x7;
	s0 =	sadd.s32 s6, s0;
	v4 =	vadd.f32 v4, v5  }
0x30e: {  	s18 =	sadd.s32 $0x1, s18;
	s2 =	sadd.s32 @!p0 s19, s5;
	s3 =	simm.s32 @!p0 $0x100000;
	[tilespmem:s0+$0x80] =	vst v63  }
0x30f: {  	p1 =	sne.s32 s18, $0x2A;
	s6 =	simm.s32 @!p0 $0xCC00;
	[tilespmem:s0+$0x0] =	vst v4;
	s0 =	simm.s32 @!p0 $0x800  }
0x310: {  	[hbm4b:s2+s0] =	stream.strided.scatter @!p0 [tilespmem:s6], [sflag:$0x4], $0x1000, s3, s0, $0x38;
	[tilespmem:$0xDC00] =	vst v63  }
.Ltmp9:
0x311: {  	_ = 	snop;
	(pc) =	sbr.rel @p1 .LBB2_8-.Ltmp9, $4  }
0x312: {  	s0 =	simm.s32 @!p0 $0x4  }
0x313: {  	_ =	swait.ge @!p0 [sflag:s0], $0x1000  }
0x314: {  	[sflag:s0] =	ssyncset.done @!p0 $0x0  }
0x315: {  	[sflag:s0] =	ssyncadd.s32 @!p0 $0xFFFFF000  }
0x316: {  	_ =	swait.ge [sflag:s20], $0x800  }
0x317: {  	[sflag:s20] =	ssyncset.done $0x0  }
0x318: {  	[sflag:s20] =	ssyncadd.s32 $0xFFFFF800  }
0x319: {  	s2 =	simm.s32 $0x0;
	s3 =	simm.s32 $0x0;
	_ =	swait.ge [sflag:s20], $0x800  }
0x31a: {  	s0 =	sand.u32 $0x70, s2;
	s3 =	sand.u32 $0x3FFFFE00, s3;
	[sflag:s20] =	ssyncset.done $0x0  }
0x31b: {  	s3 =	sor.u32 s0, s3;
	[sflag:s20] =	ssyncadd.s32 $0xFFFFF800  }
0x31c: {  	v4 =	vld [tilespmem:s3+$0x6080]  }
0x31d: {  	v5 =	vld [tilespmem:s3+$0x6000];
	_ =	sdelay $0x1  }
0x31e: {  	v6 =	vld [tilespmem:s3+$0x6100];
	_ =	sdelay $0x2  }
0x31f: {  	s2 =	sand.u32 $0xF0, s2;
	v7 =	vsub.f32 $1.000000000e+00, v5;
	v8 =	vsub.f32 $1.000000000e+00, v4  }
0x320: {  	s7 =	simm.s32 $0x9C00;
	v9 =	vld [tilespmem:s2+$0xA400]  }
0x321: {  	v10 =	vld [tilespmem:s7+$0x0];
	v11 =	vsub.f32 $1.000000000e+00, v6;
	v12 =	vmul.f32 v8, v7  }
0x322: {  	v13 =	vld [tilespmem:s2+$0xA500]  }
0x323: {  	v14 =	vld [tilespmem:s2+$0x9D00];
	v15 =	vmul.f32 v11, v12  }
0x324: {  	v16 =	vld [tilespmem:s2+$0xA600];
	v7 =	vmul.f32 v4, v7  }
0x325: {  	v17 =	vld [tilespmem:s2+$0x9E00];
	v12 =	vmul.f32 v12, v6;
	v9 =	vmul.f32 v15, v9  }
0x326: {  	v18 =	vld [tilespmem:s2+$0xA700];
	v10 =	vmul.f32 v15, v10  }
0x327: {  	v47 =	vld [tilespmem:s2+$0x9F00];
	v19 =	vmul.f32 v11, v7;
	v13 =	vmul.f32 v13, v12;
	v9 =	vadd.f32 $0.0e+00, v9  }
0x328: {  	v20 =	vld [tilespmem:s2+$0xA800];
	v8 =	vmul.f32 v8, v5;
	v12 =	vmul.f32 v14, v12;
	v10 =	vadd.f32 $0.0e+00, v10  }
0x329: {  	v48 =	vld [tilespmem:s2+$0xA000];
	v7 =	vmul.f32 v6, v7;
	v49 =	vmul.f32 v16, v19;
	v9 =	vadd.f32 v13, v9  }
0x32a: {  	v50 =	vld [tilespmem:s2+$0xA900];
	v51 =	vmul.f32 v17, v19;
	v10 =	vadd.f32 v12, v10  }
0x32b: {  	v52 =	vld [tilespmem:s2+$0xA100];
	v54 =	vmul.f32 v11, v8;
	v53 =	vmul.f32 v18, v7;
	v9 =	vadd.f32 v49, v9  }
0x32c: {  	v55 =	vld [tilespmem:s2+$0xAA00];
	v4 =	vmul.f32 v4, v5;
	v7 =	vmul.f32 v47, v7;
	v5 =	vadd.f32 v51, v10  }
0x32d: {  	v58 =	vld [tilespmem:s2+$0xA200];
	v8 =	vmul.f32 v8, v6;
	v57 =	vmul.f32 v20, v54;
	v9 =	vadd.f32 v53, v9  }
0x32e: {  	v56 =	vld [tilespmem:s2+$0xAB00];
	v5 =	vadd.f32 v7, v5;
	v7 =	vmul.f32 v48, v54  }
0x32f: {  	v60 =	vld [tilespmem:s2+$0xA300];
	v11 =	vmul.f32 v11, v4;
	v59 =	vmul.f32 v50, v8;
	v9 =	vadd.f32 v57, v9  }
0x330: {  	v5 =	vadd.f32 v7, v5;
	v7 =	vmul.f32 v52, v8  }
0x331: {  	v4 =	vmul.f32 v6, v4;
	v62 =	vmul.f32 v55, v11;
	v61 =	vadd.f32 v59, v9  }
0x332: {  	v6 =	vmul.f32 v58, v11;
	v5 =	vadd.f32 v7, v5  }
0x333: {  	v63 =	vmul.f32 v56, v4;
	v7 =	vadd.f32 v62, v61  }
0x334: {  	s31 =	simm.s32 $0x0;
	v4 =	vmul.f32 v60, v4;
	v5 =	vadd.f32 v6, v5  }
0x335: {  	s8 =	simm.s32 $0x10;
	s2 =	sand.u32 $0x3FFFFC00, s31;
	v6 =	vadd.f32 v63, v7  }
0x336: {  	s10 =	simm.s32 $0x40;
	s6 =	sand.u32 $0x70, s8;
	s0 =	sor.u32 s0, s2;
	v4 =	vadd.f32 v4, v5  }
0x337: {  	s3 =	simm.s32 $0x1;
	s2 =	sand.u32 $0x3FFFFE00, s10;
	s10 =	simm.s32 $0x2;
	[tilespmem:s0+$0xD680] =	vst v6  }
.LBB2_22:
0x338: {  	p0 =	sne.s32 s10, $0xF;
	s2 =	sor.u32 s6, s2;
	[tilespmem:s0+$0xD600] =	vst v4  }
0x339: {  	v4 =	vld [tilespmem:s2+$0x6080]  }
0x33a: {  	s0 =	sand.u32 $0xF0, s8;
	v5 =	vld [tilespmem:s2+$0x6000]  }
0x33b: {  	v6 =	vld [tilespmem:s0+$0x9D00]  }
0x33c: {  	v7 =	vld [tilespmem:s2+$0x6100]  }
0x33d: {  	v8 =	vld [tilespmem:s0+$0x9E00]  }
0x33e: {  	s7 =	sadd.s32 $0x10, s7;
	v9 =	vld [tilespmem:s0+$0x9F00]  }
0x33f: {  	v11 =	vsub.f32 $1.000000000e+00, v4;
	v10 =	vsub.f32 $1.000000000e+00, v5;
	v12 =	vld [tilespmem:s7+$0x0]  }
0x340: {  	v13 =	vld [tilespmem:s0+$0xA400]  }
0x341: {  	v14 =	vsub.f32 $1.000000000e+00, v7;
	v15 =	vmul.f32 v11, v10;
	v16 =	vld [tilespmem:s0+$0xA500]  }
0x342: {  	v17 =	vld [tilespmem:s0+$0xA600]  }
0x343: {  	v18 =	vmul.f32 v14, v15;
	v19 =	vld [tilespmem:s0+$0xA700]  }
0x344: {  	v10 =	vmul.f32 v4, v10;
	v20 =	vld [tilespmem:s0+$0xA800]  }
0x345: {  	v15 =	vmul.f32 v15, v7;
	v13 =	vmul.f32 v18, v13;
	v21 =	vld [tilespmem:s0+$0xA900]  }
0x346: {  	v12 =	vmul.f32 v18, v12;
	v18 =	vld [tilespmem:s0+$0xAA00]  }
0x347: {  	v22 =	vmul.f32 v14, v10;
	v16 =	vmul.f32 v16, v15;
	v13 =	vadd.f32 $0.0e+00, v13;
	v23 =	vld [tilespmem:s0+$0xAB00]  }
0x348: {  	v11 =	vmul.f32 v11, v5;
	v6 =	vmul.f32 v6, v15;
	v12 =	vadd.f32 $0.0e+00, v12;
	v15 =	vld [tilespmem:s0+$0xA000]  }
0x349: {  	v10 =	vmul.f32 v7, v10;
	v13 =	vadd.f32 v16, v13;
	v16 =	vmul.f32 v17, v22;
	v17 =	vld [tilespmem:s0+$0xA100]  }
0x34a: {  	v8 =	vmul.f32 v8, v22;
	v6 =	vadd.f32 v6, v12;
	v12 =	vld [tilespmem:s0+$0xA200]  }
0x34b: {  	v13 =	vadd.f32 v16, v13;
	v16 =	vmul.f32 v19, v10;
	v19 =	vmul.f32 v14, v11;
	v22 =	vld [tilespmem:s0+$0xA300]  }
0x34c: {  	v4 =	vmul.f32 v4, v5;
	v5 =	vadd.f32 v8, v6;
	v6 =	vmul.f32 v9, v10  }
0x34d: {  	v10 =	vmul.f32 v11, v7;
	v8 =	vadd.f32 v16, v13;
	v9 =	vmul.f32 v20, v19  }
0x34e: {  	v5 =	vadd.f32 v6, v5;
	v6 =	vmul.f32 v15, v19  }
0x34f: {  	v11 =	vmul.f32 v14, v4;
	v8 =	vadd.f32 v9, v8;
	v9 =	vmul.f32 v21, v10  }
0x350: {  	v5 =	vadd.f32 v6, v5;
	v6 =	vmul.f32 v17, v10  }
0x351: {  	v4 =	vmul.f32 v7, v4;
	v8 =	vadd.f32 v9, v8;
	v9 =	vmul.f32 v18, v11  }
0x352: {  	v5 =	vadd.f32 v6, v5;
	v6 =	vmul.f32 v12, v11  }
.Ltmp10:
0x353: {  	v7 =	vadd.f32 v9, v8;
	v8 =	vmul.f32 v22, v4;
	v4 =	vmul.f32 v23, v4;
	(pc) =	sbr.rel @p0 .LBB2_22-.Ltmp10, $4  }
0x354: {  	s0 =	sshll.u32 s3, $0x7;
	s3 =	smov.u32 s10;
	v5 =	vadd.f32 v6, v5  }
0x355: {  	s0 =	sand.u32 $0x3FFFFC00, s0;
	v6 =	vadd.f32 v4, v7  }
0x356: {  	s8 =	sadd.s32 $0x10, s8;
	s2 =	sshll.u32 s10, $0x6;
	s0 =	sor.u32 s6, s0;
	v4 =	vadd.f32 v8, v5  }
0x357: {  	s2 =	sand.u32 $0x3FFFFE00, s2;
	s10 =	sadd.s32 $0x1, s10;
	s6 =	sand.u32 $0x70, s8;
	[tilespmem:s0+$0xD680] =	vst v6  }
0x358: {  	s2 =	sor.u32 s6, s2;
	[tilespmem:s0+$0xD600] =	vst v4  }
0x359: {  	v4 =	vld [tilespmem:s2+$0x6080]  }
0x35a: {  	v5 =	vld [tilespmem:s2+$0x6000];
	_ =	sdelay $0x1  }
0x35b: {  	v6 =	vld [tilespmem:s2+$0x6100];
	_ =	sdelay $0x2  }
0x35c: {  	s16 =	sand.u32 $0xF0, s8;
	v7 =	vsub.f32 $1.000000000e+00, v5;
	v8 =	vsub.f32 $1.000000000e+00, v4  }
0x35d: {  	s18 =	sadd.s32 $0x10, s7;
	v9 =	vld [tilespmem:s16+$0xA400]  }
0x35e: {  	v10 =	vld [tilespmem:s18+$0x0];
	v11 =	vsub.f32 $1.000000000e+00, v6;
	v12 =	vmul.f32 v8, v7  }
0x35f: {  	v13 =	vld [tilespmem:s16+$0xA500]  }
0x360: {  	v14 =	vld [tilespmem:s16+$0x9D00];
	v15 =	vmul.f32 v11, v12  }
0x361: {  	v16 =	vld [tilespmem:s16+$0xA600];
	v7 =	vmul.f32 v4, v7  }
0x362: {  	v17 =	vld [tilespmem:s16+$0x9E00];
	v12 =	vmul.f32 v12, v6;
	v9 =	vmul.f32 v15, v9  }
0x363: {  	v18 =	vld [tilespmem:s16+$0xA700];
	v10 =	vmul.f32 v15, v10  }
0x364: {  	v60 =	vld [tilespmem:s16+$0x9F00];
	v19 =	vmul.f32 v11, v7;
	v13 =	vmul.f32 v13, v12;
	v9 =	vadd.f32 $0.0e+00, v9  }
0x365: {  	v20 =	vld [tilespmem:s16+$0xA800];
	v8 =	vmul.f32 v8, v5;
	v12 =	vmul.f32 v14, v12;
	v10 =	vadd.f32 $0.0e+00, v10  }
0x366: {  	v61 =	vld [tilespmem:s16+$0xA000];
	v7 =	vmul.f32 v6, v7;
	v62 =	vmul.f32 v16, v19;
	v9 =	vadd.f32 v13, v9  }
0x367: {  	v63 =	vld [tilespmem:s16+$0xA900];
	v21 =	vmul.f32 v17, v19;
	v10 =	vadd.f32 v12, v10  }
0x368: {  	v22 =	vld [tilespmem:s16+$0xA100];
	v24 =	vmul.f32 v11, v8;
	v23 =	vmul.f32 v18, v7;
	v9 =	vadd.f32 v62, v9  }
0x369: {  	v25 =	vld [tilespmem:s16+$0xAA00];
	v4 =	vmul.f32 v4, v5;
	v7 =	vmul.f32 v60, v7;
	v5 =	vadd.f32 v21, v10  }
0x36a: {  	v26 =	vld [tilespmem:s16+$0xA200];
	v8 =	vmul.f32 v8, v6;
	v27 =	vmul.f32 v20, v24;
	v9 =	vadd.f32 v23, v9  }
0x36b: {  	v28 =	vld [tilespmem:s16+$0xAB00];
	v5 =	vadd.f32 v7, v5;
	v7 =	vmul.f32 v61, v24  }
0x36c: {  	v29 =	vld [tilespmem:s16+$0xA300];
	v11 =	vmul.f32 v11, v4;
	v30 =	vmul.f32 v63, v8;
	v9 =	vadd.f32 v27, v9  }
0x36d: {  	v5 =	vadd.f32 v7, v5;
	v7 =	vmul.f32 v22, v8  }
0x36e: {  	v4 =	vmul.f32 v6, v4;
	v32 =	vmul.f32 v25, v11;
	v31 =	vadd.f32 v30, v9  }
0x36f: {  	v6 =	vmul.f32 v26, v11;
	v5 =	vadd.f32 v7, v5  }
0x370: {  	v33 =	vmul.f32 v28, v4;
	v7 =	vadd.f32 v32, v31  }
0x371: {  	s19 =	sshll.u32 s3, $0x7;
	v4 =	vmul.f32 v29, v4;
	v5 =	vadd.f32 v6, v5  }
0x372: {  	s0 =	sand.u32 $0x3FFFFC00, s19;
	v6 =	vadd.f32 v33, v7  }
0x373: {  	s0 =	sor.u32 s6, s0;
	v4 =	vadd.f32 v4, v5  }
0x374: {  	[tilespmem:s0+$0xD680] =	vst v6  }
0x375: {  	[tilespmem:s0+$0xD600] =	vst v4  }
0x376: {  	_ =	swait.ge [sflag:s11], $0x800  }
0x377: {  	[sflag:s11] =	ssyncset.done $0x0  }
0x378: {  	[sflag:s11] =	ssyncadd.s32 $0xFFFFF800  }
0x379: {  	s21 =	simm.s32 $0x0;
	s22 =	simm.s32 $0x0;
	_ =	swait.ge [sflag:s11], $0x800  }
0x37a: {  	s30 =	sand.u32 $0x70, s21;
	s3 =	sand.u32 $0x3FFFFE00, s22;
	[sflag:s11] =	ssyncset.done $0x0  }
0x37b: {  	s3 =	sor.u32 s30, s3;
	[sflag:s11] =	ssyncadd.s32 $0xFFFFF800  }
0x37c: {  	v4 =	vld [tilespmem:s3+$0x6480]  }
0x37d: {  	v5 =	vld [tilespmem:s3+$0x6400];
	_ =	sdelay $0x1  }
0x37e: {  	v6 =	vld [tilespmem:s3+$0x6500];
	_ =	sdelay $0x2  }
0x37f: {  	s2 =	sand.u32 $0xF0, s21;
	v7 =	vsub.f32 $1.000000000e+00, v5;
	v34 =	vsub.f32 $1.000000000e+00, v4  }
0x380: {  	s7 =	simm.s32 $0xAC00;
	v35 =	vld [tilespmem:s2+$0xB400]  }
0x381: {  	v36 =	vld [tilespmem:s7+$0x0];
	v37 =	vsub.f32 $1.000000000e+00, v6;
	v38 =	vmul.f32 v34, v7  }
0x382: {  	v39 =	vld [tilespmem:s2+$0xB500]  }
0x383: {  	v40 =	vld [tilespmem:s2+$0xAD00];
	v41 =	vmul.f32 v37, v38  }
0x384: {  	v42 =	vld [tilespmem:s2+$0xB600];
	v7 =	vmul.f32 v4, v7  }
0x385: {  	v43 =	vld [tilespmem:s2+$0xAE00];
	v12 =	vmul.f32 v38, v6;
	v9 =	vmul.f32 v41, v35  }
0x386: {  	v44 =	vld [tilespmem:s2+$0xB700];
	v10 =	vmul.f32 v41, v36  }
0x387: {  	v45 =	vld [tilespmem:s2+$0xAF00];
	v46 =	vmul.f32 v37, v7;
	v13 =	vmul.f32 v39, v12;
	v9 =	vadd.f32 $0.0e+00, v9  }
0x388: {  	v47 =	vld [tilespmem:s2+$0xB800];
	v8 =	vmul.f32 v34, v5;
	v12 =	vmul.f32 v40, v12;
	v10 =	vadd.f32 $0.0e+00, v10  }
0x389: {  	v48 =	vld [tilespmem:s2+$0xB000];
	v7 =	vmul.f32 v6, v7;
	v49 =	vmul.f32 v42, v46;
	v9 =	vadd.f32 v13, v9  }
0x38a: {  	v50 =	vld [tilespmem:s2+$0xB900];
	v51 =	vmul.f32 v43, v46;
	v10 =	vadd.f32 v12, v10  }
0x38b: {  	v52 =	vld [tilespmem:s2+$0xB100];
	v54 =	vmul.f32 v37, v8;
	v53 =	vmul.f32 v44, v7;
	v9 =	vadd.f32 v49, v9  }
0x38c: {  	v55 =	vld [tilespmem:s2+$0xBA00];
	v4 =	vmul.f32 v4, v5;
	v7 =	vmul.f32 v45, v7;
	v5 =	vadd.f32 v51, v10  }
0x38d: {  	v58 =	vld [tilespmem:s2+$0xB200];
	v8 =	vmul.f32 v8, v6;
	v57 =	vmul.f32 v47, v54;
	v9 =	vadd.f32 v53, v9  }
0x38e: {  	v56 =	vld [tilespmem:s2+$0xBB00];
	v5 =	vadd.f32 v7, v5;
	v7 =	vmul.f32 v48, v54  }
0x38f: {  	v60 =	vld [tilespmem:s2+$0xB300];
	v11 =	vmul.f32 v37, v4;
	v59 =	vmul.f32 v50, v8;
	v9 =	vadd.f32 v57, v9  }
0x390: {  	v5 =	vadd.f32 v7, v5;
	v7 =	vmul.f32 v52, v8  }
0x391: {  	v4 =	vmul.f32 v6, v4;
	v62 =	vmul.f32 v55, v11;
	v61 =	vadd.f32 v59, v9  }
0x392: {  	v6 =	vmul.f32 v58, v11;
	v5 =	vadd.f32 v7, v5  }
0x393: {  	v63 =	vmul.f32 v56, v4;
	v7 =	vadd.f32 v62, v61  }
0x394: {  	s31 =	simm.s32 $0x0;
	v4 =	vmul.f32 v60, v4;
	v5 =	vadd.f32 v6, v5  }
0x395: {  	s8 =	simm.s32 $0x10;
	s2 =	sand.u32 $0x3FFFFC00, s31;
	v6 =	vadd.f32 v63, v7  }
0x396: {  	s10 =	simm.s32 $0x40;
	s6 =	sand.u32 $0x70, s8;
	s0 =	sor.u32 s30, s2;
	v4 =	vadd.f32 v4, v5  }
0x397: {  	s3 =	simm.s32 $0x1;
	s2 =	sand.u32 $0x3FFFFE00, s10;
	s10 =	simm.s32 $0x2;
	[tilespmem:s0+$0xD780] =	vst v6  }
.LBB2_24:
0x398: {  	p0 =	sne.s32 s10, $0xF;
	s2 =	sor.u32 s6, s2;
	[tilespmem:s0+$0xD700] =	vst v4  }
0x399: {  	v4 =	vld [tilespmem:s2+$0x6480]  }
0x39a: {  	s0 =	sand.u32 $0xF0, s8;
	v5 =	vld [tilespmem:s2+$0x6400]  }
0x39b: {  	v6 =	vld [tilespmem:s0+$0xAD00]  }
0x39c: {  	v7 =	vld [tilespmem:s2+$0x6500]  }
0x39d: {  	v8 =	vld [tilespmem:s0+$0xAE00]  }
0x39e: {  	s7 =	sadd.s32 $0x10, s7;
	v9 =	vld [tilespmem:s0+$0xAF00]  }
0x39f: {  	v11 =	vsub.f32 $1.000000000e+00, v4;
	v10 =	vsub.f32 $1.000000000e+00, v5;
	v12 =	vld [tilespmem:s7+$0x0]  }
0x3a0: {  	v13 =	vld [tilespmem:s0+$0xB400]  }
0x3a1: {  	v14 =	vsub.f32 $1.000000000e+00, v7;
	v15 =	vmul.f32 v11, v10;
	v16 =	vld [tilespmem:s0+$0xB500]  }
0x3a2: {  	v17 =	vld [tilespmem:s0+$0xB600]  }
0x3a3: {  	v18 =	vmul.f32 v14, v15;
	v19 =	vld [tilespmem:s0+$0xB700]  }
0x3a4: {  	v10 =	vmul.f32 v4, v10;
	v20 =	vld [tilespmem:s0+$0xB800]  }
0x3a5: {  	v15 =	vmul.f32 v15, v7;
	v13 =	vmul.f32 v18, v13;
	v21 =	vld [tilespmem:s0+$0xB900]  }
0x3a6: {  	v12 =	vmul.f32 v18, v12;
	v18 =	vld [tilespmem:s0+$0xBA00]  }
0x3a7: {  	v22 =	vmul.f32 v14, v10;
	v16 =	vmul.f32 v16, v15;
	v13 =	vadd.f32 $0.0e+00, v13;
	v23 =	vld [tilespmem:s0+$0xBB00]  }
0x3a8: {  	v11 =	vmul.f32 v11, v5;
	v6 =	vmul.f32 v6, v15;
	v12 =	vadd.f32 $0.0e+00, v12;
	v15 =	vld [tilespmem:s0+$0xB000]  }
0x3a9: {  	v10 =	vmul.f32 v7, v10;
	v13 =	vadd.f32 v16, v13;
	v16 =	vmul.f32 v17, v22;
	v17 =	vld [tilespmem:s0+$0xB100]  }
0x3aa: {  	v8 =	vmul.f32 v8, v22;
	v6 =	vadd.f32 v6, v12;
	v12 =	vld [tilespmem:s0+$0xB200]  }
0x3ab: {  	v13 =	vadd.f32 v16, v13;
	v16 =	vmul.f32 v19, v10;
	v19 =	vmul.f32 v14, v11;
	v22 =	vld [tilespmem:s0+$0xB300]  }
0x3ac: {  	v4 =	vmul.f32 v4, v5;
	v5 =	vadd.f32 v8, v6;
	v6 =	vmul.f32 v9, v10  }
0x3ad: {  	v10 =	vmul.f32 v11, v7;
	v8 =	vadd.f32 v16, v13;
	v9 =	vmul.f32 v20, v19  }
0x3ae: {  	v5 =	vadd.f32 v6, v5;
	v6 =	vmul.f32 v15, v19  }
0x3af: {  	v11 =	vmul.f32 v14, v4;
	v8 =	vadd.f32 v9, v8;
	v9 =	vmul.f32 v21, v10  }
0x3b0: {  	v5 =	vadd.f32 v6, v5;
	v6 =	vmul.f32 v17, v10  }
0x3b1: {  	v4 =	vmul.f32 v7, v4;
	v8 =	vadd.f32 v9, v8;
	v9 =	vmul.f32 v18, v11  }
0x3b2: {  	v5 =	vadd.f32 v6, v5;
	v6 =	vmul.f32 v12, v11  }
.Ltmp11:
0x3b3: {  	v7 =	vadd.f32 v9, v8;
	v8 =	vmul.f32 v22, v4;
	v4 =	vmul.f32 v23, v4;
	(pc) =	sbr.rel @p0 .LBB2_24-.Ltmp11, $4  }
0x3b4: {  	s0 =	sshll.u32 s3, $0x7;
	s3 =	smov.u32 s10;
	v5 =	vadd.f32 v6, v5  }
0x3b5: {  	s0 =	sand.u32 $0x3FFFFC00, s0;
	v6 =	vadd.f32 v4, v7  }
0x3b6: {  	s8 =	sadd.s32 $0x10, s8;
	s2 =	sshll.u32 s10, $0x6;
	s0 =	sor.u32 s6, s0;
	v4 =	vadd.f32 v8, v5  }
0x3b7: {  	s2 =	sand.u32 $0x3FFFFE00, s2;
	s10 =	sadd.s32 $0x1, s10;
	s6 =	sand.u32 $0x70, s8;
	[tilespmem:s0+$0xD780] =	vst v6  }
0x3b8: {  	s2 =	sor.u32 s6, s2;
	[tilespmem:s0+$0xD700] =	vst v4  }
0x3b9: {  	v4 =	vld [tilespmem:s2+$0x6480]  }
0x3ba: {  	v5 =	vld [tilespmem:s2+$0x6400];
	_ =	sdelay $0x1  }
0x3bb: {  	v6 =	vld [tilespmem:s2+$0x6500];
	_ =	sdelay $0x2  }
0x3bc: {  	s14 =	sand.u32 $0xF0, s8;
	v7 =	vsub.f32 $1.000000000e+00, v5;
	v8 =	vsub.f32 $1.000000000e+00, v4  }
0x3bd: {  	s15 =	sadd.s32 $0x10, s7;
	v9 =	vld [tilespmem:s14+$0xB400]  }
0x3be: {  	v10 =	vld [tilespmem:s15+$0x0];
	v11 =	vsub.f32 $1.000000000e+00, v6;
	v12 =	vmul.f32 v8, v7  }
0x3bf: {  	v13 =	vld [tilespmem:s14+$0xB500]  }
0x3c0: {  	v14 =	vld [tilespmem:s14+$0xAD00];
	v15 =	vmul.f32 v11, v12  }
0x3c1: {  	v16 =	vld [tilespmem:s14+$0xB600];
	v7 =	vmul.f32 v4, v7  }
0x3c2: {  	v17 =	vld [tilespmem:s14+$0xAE00];
	v12 =	vmul.f32 v12, v6;
	v9 =	vmul.f32 v15, v9  }
0x3c3: {  	v18 =	vld [tilespmem:s14+$0xB700];
	v10 =	vmul.f32 v15, v10  }
0x3c4: {  	v42 =	vld [tilespmem:s14+$0xAF00];
	v19 =	vmul.f32 v11, v7;
	v13 =	vmul.f32 v13, v12;
	v9 =	vadd.f32 $0.0e+00, v9  }
0x3c5: {  	v20 =	vld [tilespmem:s14+$0xB800];
	v8 =	vmul.f32 v8, v5;
	v12 =	vmul.f32 v14, v12;
	v10 =	vadd.f32 $0.0e+00, v10  }
0x3c6: {  	v43 =	vld [tilespmem:s14+$0xB000];
	v7 =	vmul.f32 v6, v7;
	v44 =	vmul.f32 v16, v19;
	v9 =	vadd.f32 v13, v9  }
0x3c7: {  	v45 =	vld [tilespmem:s14+$0xB900];
	v46 =	vmul.f32 v17, v19;
	v10 =	vadd.f32 v12, v10  }
0x3c8: {  	v47 =	vld [tilespmem:s14+$0xB100];
	v49 =	vmul.f32 v11, v8;
	v48 =	vmul.f32 v18, v7;
	v9 =	vadd.f32 v44, v9  }
0x3c9: {  	v50 =	vld [tilespmem:s14+$0xBA00];
	v4 =	vmul.f32 v4, v5;
	v7 =	vmul.f32 v42, v7;
	v5 =	vadd.f32 v46, v10  }
0x3ca: {  	v51 =	vld [tilespmem:s14+$0xB200];
	v8 =	vmul.f32 v8, v6;
	v52 =	vmul.f32 v20, v49;
	v9 =	vadd.f32 v48, v9  }
0x3cb: {  	v53 =	vld [tilespmem:s14+$0xBB00];
	v54 =	vmul.f32 v43, v49;
	v5 =	vadd.f32 v7, v5  }
0x3cc: {  	v55 =	vld [tilespmem:s14+$0xB300];
	v11 =	vmul.f32 v11, v4;
	v56 =	vmul.f32 v45, v8;
	v9 =	vadd.f32 v52, v9  }
0x3cd: {  	v57 =	vmul.f32 v47, v8;
	v5 =	vadd.f32 v54, v5  }
0x3ce: {  	v4 =	vmul.f32 v6, v4;
	v59 =	vmul.f32 v50, v11;
	v58 =	vadd.f32 v56, v9  }
0x3cf: {  	v60 =	vmul.f32 v51, v11;
	v5 =	vadd.f32 v57, v5  }
0x3d0: {  	v62 =	vmul.f32 v53, v4;
	v61 =	vadd.f32 v59, v58  }
0x3d1: {  	s16 =	sshll.u32 s3, $0x7;
	v4 =	vmul.f32 v55, v4;
	v5 =	vadd.f32 v60, v5  }
0x3d2: {  	s0 =	sand.u32 $0x3FFFFC00, s16;
	v63 =	vadd.f32 v62, v61  }
0x3d3: {  	s0 =	sor.u32 s6, s0;
	v4 =	vadd.f32 v4, v5  }
0x3d4: {  	s18 =	rddreg [dreg:$0x5];
	[tilespmem:s0+$0xD780] =	vst v63  }
0x3d5: {  	s19 =	simm.s32 $0x100000;
	s21 =	simm.s32 $0xCC00;
	s22 =	simm.s32 $0x4;
	[tilespmem:s0+$0xD700] =	vst v4  }
0x3d6: {  	[hbm4b:s18+s9] =	stream.strided.scatter [tilespmem:s21], [sflag:$0x4], $0x1000, s19, s9, $0x38;
	[tilespmem:$0xDC00] =	vst v63  }
0x3d7: {  	_ =	swait.ge [sflag:s22], $0x1000  }
0x3d8: {  	s30 =	rddreg [dreg:$0x7]  }
0x3d9: {  	s31 =	rddreg [dreg:$0x6];
	s3 =	sadd.s32 $0x1, s30  }
0x3da: {  	p0 =	sne.s32 s3, s31  }
.Ltmp12:
0x3db: {  	_ = 	snop;
	(pc) =	sbr.rel @p0 .LBB2_1-.Ltmp12, $3  }
0x3dc: {  	_ =	sdelay $0x1  }
0x3dd: {  	[sflag:s22] =	ssyncset.done $0x0  }
0x3de: {  	s8 =	simm.s32 $0x3000;
	[sflag:s22] =	ssyncadd.s32 $0xFFFFF000  }
0x3df: {  	_ =	sfence.sel $0x180000  }
0x3e0: {  	[bflag:$0x0] =	sbarrier.arrive $0xFFFF  }
0x3e1: {  	_ =	strace $0x90000047  }
0x3e2: {  	s0 =	stileid.u32;
	[bflag:$0x2] =	sbarrier.arrive $0xFFFF  }
0x3e3: {  	p0 =	sne.s32 s0, $0x0;
	s0 =	rddreg [dreg:$0x3]  }
0x3e4: {  	s0 =	sadd.s32 @!p0 $0x100000, s0  }
0x3e5: {  	[sflag:s0] =	ssyncadd.tile.s32 @!p0 $0x1;
	_ =	shalt  }
.Lfunc_end2:
_tile_overlayer_lowered:
.L_overlay_start_2:
0x3e6: {  	(tag) =	ssettag $0x2  }
0x3e7: {  	s0 =	rddreg [dreg:$0x0];
	s2 =	stileid.u32  }
0x3e8: {  	s1 =	rddreg [dreg:$0x1];
	p0 =	sne.s32 s2, $0x0  }
0x3e9: {  	s3 =	rddreg [dreg:$0x2];
	[bflag:$0x3] =	sbarrier.arrive $0xFFFF;
	s2 =	simm.s32 @!p0 $0x1C04  }
0x3ea: {  	[timem:s3], [sflag:s2] =	dma.local @!p0 [hbm:s0], s1  }
0x3eb: {  	s0 =	simm.s32 @!p0 $0x4  }
0x3ec: {  	_ =	swait.ge @!p0 [sflag:s0], s1  }
0x3ed: {  	s1 =	ssub.s32 @!p0 $0x0, s1;
	[sflag:s0] =	ssyncset.done @!p0 $0x0  }
0x3ee: {  	[sflag:s0] =	ssyncadd.s32 @!p0 s1  }
0x3ef: {  	[bflag:$0x3] =	sbarrier.arrive $0xFFFF  }
0x3f0: {  	_ =	shalt  }

</sc_bundles>
